<compile_context>
chip_gen: v7x
topology: tpu7x:2x2x1
jax: 0.10.2.dev20260603
libtpu: 0.0.44.dev20260713+nightly
codegen_flags: <defaults>
</compile_context>

<pallas_src>
import functools

import jax
import jax.numpy as jnp
from jax import lax
from jax.experimental import pallas as pl
from jax.experimental.pallas import tpu as pltpu
from jax.experimental.pallas import tpu_sc as plsc

_N = 10000
_E = 320000
_D = 128
_DE = 16
_H = 128

_NC = 2
_NS = 16
_NW = _NC * _NS

_EH = _E // 2
_PER_W = _EH // _NW
_BATCH = 80
_CHUNK = 200
_NCHUNK = _PER_W // _CHUNK
_CBATCH = (80, 80, 40)
_TAILB = 40
_ACC_PAD = 10240
_ZTILE = _ACC_PAD // _NS
_NB80 = _PER_W // _BATCH

_BN = 2000
_BNE = 1280


def _silu(x):
    return x / (1.0 + jnp.exp(-x))


def _premix_body(h_ref, wa_ref, wb_ref, t_ref):
    hb = h_ref[...]
    t_ref[0] = jnp.dot(hb, wa_ref[...], preferred_element_type=jnp.float32)
    t_ref[1] = jnp.dot(hb, wb_ref[...], preferred_element_type=jnp.float32)


def _premix(h, wa, wb):
    return pl.pallas_call(
        _premix_body,
        grid=(_N // _BN,),
        in_specs=[
            pl.BlockSpec((_BN, _D), lambda n: (n, 0)),
            pl.BlockSpec((_D, _H), lambda n: (0, 0)),
            pl.BlockSpec((_D, _H), lambda n: (0, 0)),
        ],
        out_specs=pl.BlockSpec((2, _BN, _H), lambda n: (0, n, 0)),
        out_shape=jax.ShapeDtypeStruct((2, _N, _H), jnp.float32),
    )(h, wa, wb)


_sc_mesh = plsc.VectorSubcoreMesh(
    core_axis_name="c", subcore_axis_name="s", num_cores=_NC, num_subcores=_NS
)


def _make_gather(half):
    @functools.partial(
        pl.kernel,
        out_type=jax.ShapeDtypeStruct((_EH, _H), jnp.float32),
        mesh=_sc_mesh,
        scratch_types=[
            pltpu.VMEM((_PER_W,), jnp.int32),
            pltpu.VMEM((_PER_W,), jnp.int32),
            pltpu.VMEM((_CHUNK, _H), jnp.float32),
            pltpu.VMEM((_CHUNK, _H), jnp.float32),
            pltpu.VMEM((_CHUNK, _H), jnp.float32),
            pltpu.VMEM((_CHUNK, _H), jnp.float32),
            pltpu.SemaphoreType.DMA,
            pltpu.SemaphoreType.DMA,
            pltpu.SemaphoreType.DMA,
            pltpu.SemaphoreType.DMA,
        ],
    )
    def gather_k(t0_hbm, t1_hbm, ei_hbm, g_hbm,
                 idx_a, idx_b, ra0, rb0, ra1, rb1, sg0, sg1, ss0, ss1):
        c = lax.axis_index("c")
        s = lax.axis_index("s")
        wid = c * _NS + s
        base = wid * _PER_W
        pltpu.sync_copy(ei_hbm.at[pl.ds(half * _EH + base, _PER_W)], idx_a)
        pltpu.sync_copy(ei_hbm.at[pl.ds(_E + half * _EH + base, _PER_W)], idx_b)

        def store(ra, sem, ci):
            return pltpu.make_async_copy(
                ra, g_hbm.at[pl.ds(base + ci * _CHUNK, _CHUNK)], sem
            )

        def fire(ra, rb, sem, ci):
            cps = []
            for idx_v, rows_v, tab in ((idx_a, ra, t0_hbm), (idx_b, rb, t1_hbm)):
                off = 0
                for bsz in _CBATCH:
                    cps.append(
                        pltpu.async_copy(
                            tab.at[idx_v.at[pl.ds(ci * _CHUNK + off, bsz)]],
                            rows_v.at[pl.ds(off, bsz)],
                            sem,
                        )
                    )
                    off += bsz
            return cps

        def add(ra, rb):
            def add_row(r, carry2):
                for j in range(_H // 16):
                    sl = pl.ds(j * 16, 16)
                    ra[r, sl] = ra[r, sl] + rb[r, sl]
                return carry2

            lax.fori_loop(0, _CHUNK, add_row, 0)

        def drain(cps):
            for cp in cps:
                cp.wait()

        drain(fire(ra0, rb0, sg0, 0))
        add(ra0, rb0)

        def body(i, carry):
            c0 = 2 * i

            @pl.when(i > 0)
            def _():
                store(ra1, ss1, c0 - 1).wait()

            cps1 = fire(ra1, rb1, sg1, c0 + 1)
            store(ra0, ss0, c0).start()
            drain(cps1)
            add(ra1, rb1)

            store(ra0, ss0, c0).wait()
            cps0 = fire(ra0, rb0, sg0, c0 + 2)
            store(ra1, ss1, c0 + 1).start()
            drain(cps0)
            add(ra0, rb0)
            return carry

        lax.fori_loop(0, (_NCHUNK - 1) // 2, body, 0)
        store(ra1, ss1, _NCHUNK - 2).wait()
        pltpu.sync_copy(
            ra0, g_hbm.at[pl.ds(base + (_NCHUNK - 1) * _CHUNK, _CHUNK)]
        )

    return gather_k


_GATHER = tuple(_make_gather(h) for h in (0, 1))


def _edge_body(g_ref, attrt_ref, w1c_ref, b1_ref, w2_ref, b2_ref, f_ref):
    ea = lax.dot_general(
        attrt_ref[...],
        w1c_ref[...],
        (((0,), (0,)), ((), ())),
        preferred_element_type=jnp.float32,
    )
    z = _silu(g_ref[...] + ea + b1_ref[...])
    f = jnp.dot(z, w2_ref[...], preferred_element_type=jnp.float32) + b2_ref[...]
    f_ref[...] = _silu(f)


def _make_edge(half):
    hoff = half * (_EH // _BNE)
    return lambda g, attrt, w1c, b1, w2, b2: pl.pallas_call(
        _edge_body,
        grid=(_EH // _BNE,),
        in_specs=[
            pl.BlockSpec((_BNE, _H), lambda n: (n, 0)),
            pl.BlockSpec((_DE, _BNE), lambda n: (0, n + hoff)),
            pl.BlockSpec((_DE, _H), lambda n: (0, 0)),
            pl.BlockSpec((1, _H), lambda n: (0, 0)),
            pl.BlockSpec((_H, _H), lambda n: (0, 0)),
            pl.BlockSpec((1, _H), lambda n: (0, 0)),
        ],
        out_specs=pl.BlockSpec((_BNE, _H), lambda n: (n, 0)),
        out_shape=jax.ShapeDtypeStruct((_EH, _H), jnp.float32),
    )(g, attrt, w1c, b1, w2, b2)


_EDGE = tuple(_make_edge(h) for h in (0, 1))


def _make_scatter(half):
    @functools.partial(
        pl.kernel,
        out_type=jax.ShapeDtypeStruct((_NC, _N, _H), jnp.float32),
        mesh=_sc_mesh,
        scratch_types=[
            pltpu.VMEM((_BATCH,), jnp.int32),
            pltpu.VMEM((_BATCH,), jnp.int32),
            pltpu.VMEM((_TAILB,), jnp.int32),
            pltpu.VMEM((_BATCH, _H), jnp.float32),
            pltpu.VMEM((_BATCH, _H), jnp.float32),
            pltpu.VMEM((_TAILB, _H), jnp.float32),
            pltpu.VMEM_SHARED((_ACC_PAD, _H), jnp.float32),
            pltpu.SemaphoreType.DMA,
            pltpu.SemaphoreType.DMA,
            pltpu.SemaphoreType.DMA,
            pltpu.SemaphoreType.DMA,
            pltpu.SemaphoreType.DMA,
            pltpu.SemaphoreType.DMA,
        ],
    )
    def scatter_k(f_hbm, ei_hbm, out_hbm, i0, i1, it, f0, f1, ft, acc,
                  si0, si1, sf0, sf1, sit, sft):
        c = lax.axis_index("c")
        s = lax.axis_index("s")
        wid = c * _NS + s
        base = wid * _PER_W
        ibase = half * _EH + base

        def zero_row(i, carry):
            for j in range(_H // 16):
                f0[i, pl.ds(j * 16, 16)] = jnp.zeros((16,), jnp.float32)
            return carry

        lax.fori_loop(0, _BATCH, zero_row, 0)
        for t in range(_ZTILE // _BATCH):
            pltpu.sync_copy(f0, acc.at[pl.ds(s * _ZTILE + t * _BATCH, _BATCH)])
        plsc.subcore_barrier()

        def start(e, iv, fvv, sem_i, sem_f):
            eb = e * _BATCH
            pltpu.async_copy(ei_hbm.at[pl.ds(ibase + eb, _BATCH)], iv, sem_i)
            pltpu.async_copy(f_hbm.at[pl.ds(base + eb, _BATCH)], fvv, sem_f)

        def drain(e, iv, fvv, sem_i, sem_f):
            eb = e * _BATCH
            pltpu.make_async_copy(
                ei_hbm.at[pl.ds(ibase + eb, _BATCH)], iv, sem_i
            ).wait()
            pltpu.make_async_copy(
                f_hbm.at[pl.ds(base + eb, _BATCH)], fvv, sem_f
            ).wait()

        tb = _NB80 * _BATCH
        pltpu.async_copy(ei_hbm.at[pl.ds(ibase + tb, _TAILB)], it, sit)
        pltpu.async_copy(f_hbm.at[pl.ds(base + tb, _TAILB)], ft, sft)
        start(0, i0, f0, si0, sf0)
        start(1, i1, f1, si1, sf1)

        def body(i, carry):
            e = 2 * i
            drain(e, i0, f0, si0, sf0)
            pltpu.sync_copy(f0, acc.at[i0], add=True)

            @pl.when(i < _NB80 // 2 - 1)
            def _():
                start(e + 2, i0, f0, si0, sf0)

            drain(e + 1, i1, f1, si1, sf1)
            pltpu.sync_copy(f1, acc.at[i1], add=True)

            @pl.when(i < _NB80 // 2 - 1)
            def _():
                start(e + 3, i1, f1, si1, sf1)

            return carry

        lax.fori_loop(0, _NB80 // 2, body, 0)
        pltpu.make_async_copy(ei_hbm.at[pl.ds(ibase + tb, _TAILB)], it, sit).wait()
        pltpu.make_async_copy(f_hbm.at[pl.ds(base + tb, _TAILB)], ft, sft).wait()
        pltpu.sync_copy(ft, acc.at[it], add=True)
        plsc.subcore_barrier()
        @pl.when(s < _NS - 1)
        def _():
            pltpu.sync_copy(
                acc.at[pl.ds(s * _ZTILE, _ZTILE)],
                out_hbm.at[c, pl.ds(s * _ZTILE, _ZTILE)],
            )

        @pl.when(s == _NS - 1)
        def _():
            pltpu.sync_copy(
                acc.at[pl.ds((_NS - 1) * _ZTILE, _N - (_NS - 1) * _ZTILE)],
                out_hbm.at[c, pl.ds((_NS - 1) * _ZTILE, _N - (_NS - 1) * _ZTILE)],
            )

    return scatter_k


_SCATTER = tuple(_make_scatter(h) for h in (0, 1))


def _node_body(h_ref, pa_ref, pb_ref, w1a_ref, w1b_ref, b1_ref, w2_ref, b2_ref, o_ref):
    hb = h_ref[...]
    agg = (pa_ref[0] + pa_ref[1]) + (pb_ref[0] + pb_ref[1])
    z = _silu(
        jnp.dot(hb, w1a_ref[...], preferred_element_type=jnp.float32)
        + jnp.dot(agg, w1b_ref[...], preferred_element_type=jnp.float32)
        + b1_ref[...]
    )
    o_ref[...] = (
        jnp.dot(z, w2_ref[...], preferred_element_type=jnp.float32) + b2_ref[...] + hb
    )


def _node_mlp(h, parts_a, parts_b, w1a, w1b, b1, w2, b2):
    return pl.pallas_call(
        _node_body,
        grid=(_N // _BN,),
        in_specs=[
            pl.BlockSpec((_BN, _D), lambda n: (n, 0)),
            pl.BlockSpec((2, _BN, _H), lambda n: (0, n, 0)),
            pl.BlockSpec((2, _BN, _H), lambda n: (0, n, 0)),
            pl.BlockSpec((_D, _H), lambda n: (0, 0)),
            pl.BlockSpec((_H, _H), lambda n: (0, 0)),
            pl.BlockSpec((1, _H), lambda n: (0, 0)),
            pl.BlockSpec((_H, _D), lambda n: (0, 0)),
            pl.BlockSpec((1, _D), lambda n: (0, 0)),
        ],
        out_specs=pl.BlockSpec((_BN, _D), lambda n: (n, 0)),
        out_shape=jax.ShapeDtypeStruct((_N, _D), jnp.float32),
    )(h, parts_a, parts_b, w1a, w1b, b1, w2, b2)


def kernel(h, edge_index, edge_attr, eW1, eb1, eW2, eb2, nW1, nb1, nW2, nb2):
    ei = edge_index.reshape(2 * _E)
    attrt = edge_attr.T
    w1a = eW1[:_D]
    w1b = eW1[_D : 2 * _D]
    w1c = eW1[2 * _D :]

    t = _premix(h, w1a, w1b)
    b1 = eb1.reshape(1, _H)
    b2 = eb2.reshape(1, _H)
    parts = []
    for half in range(2):
        g = _GATHER[half](t[0], t[1], ei)
        f = _EDGE[half](g, attrt, w1c, b1, eW2, b2)
        parts.append(_SCATTER[half](f, ei))
    out = _node_mlp(
        h,
        parts[0],
        parts[1],
        nW1[:_D],
        nW1[_D:],
        nb1.reshape(1, _H),
        nW2,
        nb2.reshape(1, _D),
    )
    return (out, edge_attr)

# --- scband reference (transcript-rebuilt; emitter-appended) ---
"""Pipeline reference for scband-gcl-67018669687401 (READ-ONLY COPY).

The authoritative reference and input builder live on the scoring server;
editing this copy changes nothing except your own understanding.
"""

import jax, jax.numpy as jnp
import numpy as np

N = 10000
E = 320000
D = 128
DE = 16
H = 128


def setup_inputs(seed: int = 0) -> dict:
    key = jax.random.key(seed)
    ks = jax.random.split(key, 12)
    h = jax.random.normal(ks[0], (N, D), dtype=jnp.float32)
    edge_index = jax.random.randint(ks[1], (2, E), 0, N)
    edge_attr = jax.random.normal(ks[2], (E, DE), dtype=jnp.float32)
    # edge_mlp params: Linear(2*D+DE -> H), Linear(H -> H)
    in_e = 2 * D + DE
    eW1 = jax.random.normal(ks[3], (in_e, H), dtype=jnp.float32) / np.sqrt(in_e)
    eb1 = jnp.zeros((H,), dtype=jnp.float32)
    eW2 = jax.random.normal(ks[4], (H, H), dtype=jnp.float32) / np.sqrt(H)
    eb2 = jnp.zeros((H,), dtype=jnp.float32)
    # node_mlp params: Linear(H+D -> H), Linear(H -> D)
    in_n = H + D
    nW1 = jax.random.normal(ks[5], (in_n, H), dtype=jnp.float32) / np.sqrt(in_n)
    nb1 = jnp.zeros((H,), dtype=jnp.float32)
    nW2 = jax.random.normal(ks[6], (H, D), dtype=jnp.float32) / np.sqrt(H)
    nb2 = jnp.zeros((D,), dtype=jnp.float32)
    return {"h": h, "edge_index": edge_index, "edge_attr": edge_attr,
            "eW1": eW1, "eb1": eb1, "eW2": eW2, "eb2": eb2,
            "nW1": nW1, "nb1": nb1, "nW2": nW2, "nb2": nb2}


def reference(h, edge_index, edge_attr, eW1, eb1, eW2, eb2, nW1, nb1, nW2, nb2):
    row = edge_index[0]
    col = edge_index[1]
    # edge_model
    source = jnp.take(h, row, axis=0)
    target = jnp.take(h, col, axis=0)
    e_in = jnp.concatenate([source, target, edge_attr], axis=1)
    e_hid = jax.nn.silu(e_in @ eW1 + eb1)
    edge_feat = jax.nn.silu(e_hid @ eW2 + eb2)
    # node_model: unsorted_segment_sum over destination (row)
    agg = jnp.zeros((h.shape[0], edge_feat.shape[1]), dtype=edge_feat.dtype).at[row].add(edge_feat)
    agg = jnp.concatenate([h, agg], axis=1)
    n_hid = jax.nn.silu(agg @ nW1 + nb1)
    out = n_hid @ nW2 + nb2
    out = h + out  # residual
    return (out, edge_attr)

if __name__ == "__main__":
    import jax
    _d = setup_inputs()
    print(jax.jit(kernel)(*tuple(_d.values())))

</pallas_src>

<mosaic_0001>
#map = affine_map<(d0, d1) -> (0, 0)>
#map1 = affine_map<(d0, d1) -> (0)>
#map2 = affine_map<(d0, d1) -> (0, 0, 0)>
module attributes {stable_mosaic.version = 14 : i64} {
  func.func @scatter_k(%arg0: i32, %arg1: i32, %arg2: memref<160000x128xf32, #tpu.memory_space<hbm>>, %arg3: memref<640000xi32, #tpu.memory_space<hbm>>, %arg4: memref<2x10000x128xf32, #tpu.memory_space<hbm>>, %arg5: memref<80xi32, #tpu.memory_space<vmem>>, %arg6: memref<80xi32, #tpu.memory_space<vmem>>, %arg7: memref<40xi32, #tpu.memory_space<vmem>>, %arg8: memref<80x128xf32, #tpu.memory_space<vmem>>, %arg9: memref<80x128xf32, #tpu.memory_space<vmem>>, %arg10: memref<40x128xf32, #tpu.memory_space<vmem>>, %arg11: memref<10240x128xf32, #tpu.memory_space<vmem_shared>>, %arg12: memref<!tpu.dma_semaphore, #tpu.memory_space<semaphore_mem>>, %arg13: memref<!tpu.dma_semaphore, #tpu.memory_space<semaphore_mem>>, %arg14: memref<!tpu.dma_semaphore, #tpu.memory_space<semaphore_mem>>, %arg15: memref<!tpu.dma_semaphore, #tpu.memory_space<semaphore_mem>>, %arg16: memref<!tpu.dma_semaphore, #tpu.memory_space<semaphore_mem>>, %arg17: memref<!tpu.dma_semaphore, #tpu.memory_space<semaphore_mem>>) attributes {dimension_semantics = [#tpu.dimension_semantics<core_parallel>, #tpu.dimension_semantics<subcore_parallel>], iteration_bounds = array<i64: 2, 16>, scalar_prefetch = 0 : i64, scratch_operands = 13 : i64, tpu.core_type = #tpu.core_type<sc_vector_subcore>, window_params = [{transform_indices = #map}, {transform_indices = #map1}, {transform_indices = #map2}]} {
    %mul3A = arith.constant 16 : i32
    %mul3A_0 = arith.muli %arg0, %mul3A : i32
    %add3A = arith.addi %mul3A_0, %arg1 : i32
    %mul3A_1 = arith.constant 5000 : i32
    %mul3A_2 = arith.muli %add3A, %mul3A_1 : i32
    %add3A_3 = arith.constant 160000 : i32
    %add3A_4 = arith.addi %add3A_3, %mul3A_2 : i32
    %scan3A = arith.constant 0 : i32
    %scan3A_5 = arith.constant 0 : i32
    %scan3A_6 = arith.constant 80 : i32
    %scan3A_7 = arith.addi %scan3A_5, %scan3A_6 : i32
    %scan3A_8 = arith.constant 1 : i32
    scf.for %scan3A_93 = %scan3A_5 to %scan3A_7 step %scan3A_8  : i32 {
      %broadcast_in_dim3A = arith.constant 0.000000e+00 : f32
      %broadcast_in_dim3A_94 = vector.broadcast %broadcast_in_dim3A : f32 to vector<16xf32>
      %swap3A = arith.index_cast %scan3A_93 : i32 to index
      %swap3A_95 = arith.constant 0 : index
      %swap3A_96 = tpu.vector_load %arg8[%swap3A, %swap3A_95] {strides = array<i32>} : memref<80x128xf32, #tpu.memory_space<vmem>>, vector<1x16xf32>,
      %swap3A_97 = vector.shape_cast %swap3A_96 : vector<1x16xf32> to vector<16xf32>
      %swap3A_98 = vector.shape_cast %broadcast_in_dim3A_94 : vector<16xf32> to vector<1x16xf32>
      tpu.vector_store %arg8[%swap3A, %swap3A_95], %swap3A_98 {strides = array<i32>} : memref<80x128xf32, #tpu.memory_space<vmem>>, vector<1x16xf32>,
      %broadcast_in_dim3A_99 = arith.constant 0.000000e+00 : f32
      %broadcast_in_dim3A_100 = vector.broadcast %broadcast_in_dim3A_99 : f32 to vector<16xf32>
      %swap3A_101 = arith.index_cast %scan3A_93 : i32 to index
      %swap3A_102 = arith.constant 16 : index
      %swap3A_103 = tpu.vector_load %arg8[%swap3A_101, %swap3A_102] {strides = array<i32>} : memref<80x128xf32, #tpu.memory_space<vmem>>, vector<1x16xf32>,
      %swap3A_104 = vector.shape_cast %swap3A_103 : vector<1x16xf32> to vector<16xf32>
      %swap3A_105 = vector.shape_cast %broadcast_in_dim3A_100 : vector<16xf32> to vector<1x16xf32>
      tpu.vector_store %arg8[%swap3A_101, %swap3A_102], %swap3A_105 {strides = array<i32>} : memref<80x128xf32, #tpu.memory_space<vmem>>, vector<1x16xf32>,
      %broadcast_in_dim3A_106 = arith.constant 0.000000e+00 : f32
      %broadcast_in_dim3A_107 = vector.broadcast %broadcast_in_dim3A_106 : f32 to vector<16xf32>
      %swap3A_108 = arith.index_cast %scan3A_93 : i32 to index
      %swap3A_109 = arith.constant 32 : index
      %swap3A_110 = tpu.vector_load %arg8[%swap3A_108, %swap3A_109] {strides = array<i32>} : memref<80x128xf32, #tpu.memory_space<vmem>>, vector<1x16xf32>,
      %swap3A_111 = vector.shape_cast %swap3A_110 : vector<1x16xf32> to vector<16xf32>
      %swap3A_112 = vector.shape_cast %broadcast_in_dim3A_107 : vector<16xf32> to vector<1x16xf32>
      tpu.vector_store %arg8[%swap3A_108, %swap3A_109], %swap3A_112 {strides = array<i32>} : memref<80x128xf32, #tpu.memory_space<vmem>>, vector<1x16xf32>,
      %broadcast_in_dim3A_113 = arith.constant 0.000000e+00 : f32
      %broadcast_in_dim3A_114 = vector.broadcast %broadcast_in_dim3A_113 : f32 to vector<16xf32>
      %swap3A_115 = arith.index_cast %scan3A_93 : i32 to index
      %swap3A_116 = arith.constant 48 : index
      %swap3A_117 = tpu.vector_load %arg8[%swap3A_115, %swap3A_116] {strides = array<i32>} : memref<80x128xf32, #tpu.memory_space<vmem>>, vector<1x16xf32>,
      %swap3A_118 = vector.shape_cast %swap3A_117 : vector<1x16xf32> to vector<16xf32>
      %swap3A_119 = vector.shape_cast %broadcast_in_dim3A_114 : vector<16xf32> to vector<1x16xf32>
      tpu.vector_store %arg8[%swap3A_115, %swap3A_116], %swap3A_119 {strides = array<i32>} : memref<80x128xf32, #tpu.memory_space<vmem>>, vector<1x16xf32>,
      %broadcast_in_dim3A_120 = arith.constant 0.000000e+00 : f32
      %broadcast_in_dim3A_121 = vector.broadcast %broadcast_in_dim3A_120 : f32 to vector<16xf32>
      %swap3A_122 = arith.index_cast %scan3A_93 : i32 to index
      %swap3A_123 = arith.constant 64 : index
      %swap3A_124 = tpu.vector_load %arg8[%swap3A_122, %swap3A_123] {strides = array<i32>} : memref<80x128xf32, #tpu.memory_space<vmem>>, vector<1x16xf32>,
      %swap3A_125 = vector.shape_cast %swap3A_124 : vector<1x16xf32> to vector<16xf32>
      %swap3A_126 = vector.shape_cast %broadcast_in_dim3A_121 : vector<16xf32> to vector<1x16xf32>
      tpu.vector_store %arg8[%swap3A_122, %swap3A_123], %swap3A_126 {strides = array<i32>} : memref<80x128xf32, #tpu.memory_space<vmem>>, vector<1x16xf32>,
      %broadcast_in_dim3A_127 = arith.constant 0.000000e+00 : f32
      %broadcast_in_dim3A_128 = vector.broadcast %broadcast_in_dim3A_127 : f32 to vector<16xf32>
      %swap3A_129 = arith.index_cast %scan3A_93 : i32 to index
      %swap3A_130 = arith.constant 80 : index
      %swap3A_131 = tpu.vector_load %arg8[%swap3A_129, %swap3A_130] {strides = array<i32>} : memref<80x128xf32, #tpu.memory_space<vmem>>, vector<1x16xf32>,
      %swap3A_132 = vector.shape_cast %swap3A_131 : vector<1x16xf32> to vector<16xf32>
      %swap3A_133 = vector.shape_cast %broadcast_in_dim3A_128 : vector<16xf32> to vector<1x16xf32>
      tpu.vector_store %arg8[%swap3A_129, %swap3A_130], %swap3A_133 {strides = array<i32>} : memref<80x128xf32, #tpu.memory_space<vmem>>, vector<1x16xf32>,
      %broadcast_in_dim3A_134 = arith.constant 0.000000e+00 : f32
      %broadcast_in_dim3A_135 = vector.broadcast %broadcast_in_dim3A_134 : f32 to vector<16xf32>
      %swap3A_136 = arith.index_cast %scan3A_93 : i32 to index
      %swap3A_137 = arith.constant 96 : index
      %swap3A_138 = tpu.vector_load %arg8[%swap3A_136, %swap3A_137] {strides = array<i32>} : memref<80x128xf32, #tpu.memory_space<vmem>>, vector<1x16xf32>,
      %swap3A_139 = vector.shape_cast %swap3A_138 : vector<1x16xf32> to vector<16xf32>
      %swap3A_140 = vector.shape_cast %broadcast_in_dim3A_135 : vector<16xf32> to vector<1x16xf32>
      tpu.vector_store %arg8[%swap3A_136, %swap3A_137], %swap3A_140 {strides = array<i32>} : memref<80x128xf32, #tpu.memory_space<vmem>>, vector<1x16xf32>,
      %broadcast_in_dim3A_141 = arith.constant 0.000000e+00 : f32
      %broadcast_in_dim3A_142 = vector.broadcast %broadcast_in_dim3A_141 : f32 to vector<16xf32>
      %swap3A_143 = arith.index_cast %scan3A_93 : i32 to index
      %swap3A_144 = arith.constant 112 : index
      %swap3A_145 = tpu.vector_load %arg8[%swap3A_143, %swap3A_144] {strides = array<i32>} : memref<80x128xf32, #tpu.memory_space<vmem>>, vector<1x16xf32>,
      %swap3A_146 = vector.shape_cast %swap3A_145 : vector<1x16xf32> to vector<16xf32>
      %swap3A_147 = vector.shape_cast %broadcast_in_dim3A_142 : vector<16xf32> to vector<1x16xf32>
      tpu.vector_store %arg8[%swap3A_143, %swap3A_144], %swap3A_147 {strides = array<i32>} : memref<80x128xf32, #tpu.memory_space<vmem>>, vector<1x16xf32>,
    }
    %scan3A_9 = arith.constant 80 : i32
    %mul3A_10 = arith.constant 640 : i32
    %mul3A_11 = arith.muli %arg1, %mul3A_10 : i32
    %add3A_12 = arith.constant 0 : i32
    %add3A_13 = arith.addi %mul3A_11, %add3A_12 : i32
    "tpu.region"() ({
      %run_scoped3A = tpu.sem_alloc : memref<!tpu.dma_semaphore, #tpu.memory_space<semaphore_mem>>
      %dma_start3A_93 = arith.constant 0 : i32
      %dma_start3A_94 = tpu.memref_slice %arg11[%add3A_13, %dma_start3A_93] : memref<10240x128xf32, #tpu.memory_space<vmem_shared>> -> memref<80x128xf32, #tpu.memory_space<vmem_shared>>
      %dma_start3A_95 = arith.constant 0 : i32
      %dma_start3A_96 = tpu.memref_slice %arg11[%add3A_13, %dma_start3A_95] : memref<10240x128xf32, #tpu.memory_space<vmem_shared>> -> memref<80x128xf32, #tpu.memory_space<vmem_shared>>
      tpu.enqueue_dma source(%arg8 : memref<80x128xf32, #tpu.memory_space<vmem>>) target(%dma_start3A_96 : memref<80x128xf32, #tpu.memory_space<vmem_shared>>) target_semaphore(%run_scoped3A : memref<!tpu.dma_semaphore, #tpu.memory_space<semaphore_mem>>)
      %dma_wait3A_97 = arith.constant 0 : i32
      %dma_wait3A_98 = tpu.memref_slice %arg11[%add3A_13, %dma_wait3A_97] : memref<10240x128xf32, #tpu.memory_space<vmem_shared>> -> memref<80x128xf32, #tpu.memory_space<vmem_shared>>
      %dma_wait3A_99 = arith.constant 0 : i32
      %dma_wait3A_100 = tpu.memref_slice %arg11[%add3A_13, %dma_wait3A_99] : memref<10240x128xf32, #tpu.memory_space<vmem_shared>> -> memref<80x128xf32, #tpu.memory_space<vmem_shared>>
      tpu.wait_dma2 semaphore(%run_scoped3A : memref<!tpu.dma_semaphore, #tpu.memory_space<semaphore_mem>>) src(%arg8 : memref<80x128xf32, #tpu.memory_space<vmem>>) dst(%dma_wait3A_100 : memref<80x128xf32, #tpu.memory_space<vmem_shared>>)
      tpu.yield
    }) : () -> ()
    %mul3A_14 = arith.constant 640 : i32
    %mul3A_15 = arith.muli %arg1, %mul3A_14 : i32
    %add3A_16 = arith.constant 80 : i32
    %add3A_17 = arith.addi %mul3A_15, %add3A_16 : i32
    "tpu.region"() ({
      %run_scoped3A = tpu.sem_alloc : memref<!tpu.dma_semaphore, #tpu.memory_space<semaphore_mem>>
      %dma_start3A_93 = arith.constant 0 : i32
      %dma_start3A_94 = tpu.memref_slice %arg11[%add3A_17, %dma_start3A_93] : memref<10240x128xf32, #tpu.memory_space<vmem_shared>> -> memref<80x128xf32, #tpu.memory_space<vmem_shared>>
      %dma_start3A_95 = arith.constant 0 : i32
      %dma_start3A_96 = tpu.memref_slice %arg11[%add3A_17, %dma_start3A_95] : memref<10240x128xf32, #tpu.memory_space<vmem_shared>> -> memref<80x128xf32, #tpu.memory_space<vmem_shared>>
      tpu.enqueue_dma source(%arg8 : memref<80x128xf32, #tpu.memory_space<vmem>>) target(%dma_start3A_96 : memref<80x128xf32, #tpu.memory_space<vmem_shared>>) target_semaphore(%run_scoped3A : memref<!tpu.dma_semaphore, #tpu.memory_space<semaphore_mem>>)
      %dma_wait3A_97 = arith.constant 0 : i32
      %dma_wait3A_98 = tpu.memref_slice %arg11[%add3A_17, %dma_wait3A_97] : memref<10240x128xf32, #tpu.memory_space<vmem_shared>> -> memref<80x128xf32, #tpu.memory_space<vmem_shared>>
      %dma_wait3A_99 = arith.constant 0 : i32
      %dma_wait3A_100 = tpu.memref_slice %arg11[%add3A_17, %dma_wait3A_99] : memref<10240x128xf32, #tpu.memory_space<vmem_shared>> -> memref<80x128xf32, #tpu.memory_space<vmem_shared>>
      tpu.wait_dma2 semaphore(%run_scoped3A : memref<!tpu.dma_semaphore, #tpu.memory_space<semaphore_mem>>) src(%arg8 : memref<80x128xf32, #tpu.memory_space<vmem>>) dst(%dma_wait3A_100 : memref<80x128xf32, #tpu.memory_space<vmem_shared>>)
      tpu.yield
    }) : () -> ()
    %mul3A_18 = arith.constant 640 : i32
    %mul3A_19 = arith.muli %arg1, %mul3A_18 : i32
    %add3A_20 = arith.constant 160 : i32
    %add3A_21 = arith.addi %mul3A_19, %add3A_20 : i32
    "tpu.region"() ({
      %run_scoped3A = tpu.sem_alloc : memref<!tpu.dma_semaphore, #tpu.memory_space<semaphore_mem>>
      %dma_start3A_93 = arith.constant 0 : i32
      %dma_start3A_94 = tpu.memref_slice %arg11[%add3A_21, %dma_start3A_93] : memref<10240x128xf32, #tpu.memory_space<vmem_shared>> -> memref<80x128xf32, #tpu.memory_space<vmem_shared>>
      %dma_start3A_95 = arith.constant 0 : i32
      %dma_start3A_96 = tpu.memref_slice %arg11[%add3A_21, %dma_start3A_95] : memref<10240x128xf32, #tpu.memory_space<vmem_shared>> -> memref<80x128xf32, #tpu.memory_space<vmem_shared>>
      tpu.enqueue_dma source(%arg8 : memref<80x128xf32, #tpu.memory_space<vmem>>) target(%dma_start3A_96 : memref<80x128xf32, #tpu.memory_space<vmem_shared>>) target_semaphore(%run_scoped3A : memref<!tpu.dma_semaphore, #tpu.memory_space<semaphore_mem>>)
      %dma_wait3A_97 = arith.constant 0 : i32
      %dma_wait3A_98 = tpu.memref_slice %arg11[%add3A_21, %dma_wait3A_97] : memref<10240x128xf32, #tpu.memory_space<vmem_shared>> -> memref<80x128xf32, #tpu.memory_space<vmem_shared>>
      %dma_wait3A_99 = arith.constant 0 : i32
      %dma_wait3A_100 = tpu.memref_slice %arg11[%add3A_21, %dma_wait3A_99] : memref<10240x128xf32, #tpu.memory_space<vmem_shared>> -> memref<80x128xf32, #tpu.memory_space<vmem_shared>>
      tpu.wait_dma2 semaphore(%run_scoped3A : memref<!tpu.dma_semaphore, #tpu.memory_space<semaphore_mem>>) src(%arg8 : memref<80x128xf32, #tpu.memory_space<vmem>>) dst(%dma_wait3A_100 : memref<80x128xf32, #tpu.memory_space<vmem_shared>>)
      tpu.yield
    }) : () -> ()
    %mul3A_22 = arith.constant 640 : i32
    %mul3A_23 = arith.muli %arg1, %mul3A_22 : i32
    %add3A_24 = arith.constant 240 : i32
    %add3A_25 = arith.addi %mul3A_23, %add3A_24 : i32
    "tpu.region"() ({
      %run_scoped3A = tpu.sem_alloc : memref<!tpu.dma_semaphore, #tpu.memory_space<semaphore_mem>>
      %dma_start3A_93 = arith.constant 0 : i32
      %dma_start3A_94 = tpu.memref_slice %arg11[%add3A_25, %dma_start3A_93] : memref<10240x128xf32, #tpu.memory_space<vmem_shared>> -> memref<80x128xf32, #tpu.memory_space<vmem_shared>>
      %dma_start3A_95 = arith.constant 0 : i32
      %dma_start3A_96 = tpu.memref_slice %arg11[%add3A_25, %dma_start3A_95] : memref<10240x128xf32, #tpu.memory_space<vmem_shared>> -> memref<80x128xf32, #tpu.memory_space<vmem_shared>>
      tpu.enqueue_dma source(%arg8 : memref<80x128xf32, #tpu.memory_space<vmem>>) target(%dma_start3A_96 : memref<80x128xf32, #tpu.memory_space<vmem_shared>>) target_semaphore(%run_scoped3A : memref<!tpu.dma_semaphore, #tpu.memory_space<semaphore_mem>>)
      %dma_wait3A_97 = arith.constant 0 : i32
      %dma_wait3A_98 = tpu.memref_slice %arg11[%add3A_25, %dma_wait3A_97] : memref<10240x128xf32, #tpu.memory_space<vmem_shared>> -> memref<80x128xf32, #tpu.memory_space<vmem_shared>>
      %dma_wait3A_99 = arith.constant 0 : i32
      %dma_wait3A_100 = tpu.memref_slice %arg11[%add3A_25, %dma_wait3A_99] : memref<10240x128xf32, #tpu.memory_space<vmem_shared>> -> memref<80x128xf32, #tpu.memory_space<vmem_shared>>
      tpu.wait_dma2 semaphore(%run_scoped3A : memref<!tpu.dma_semaphore, #tpu.memory_space<semaphore_mem>>) src(%arg8 : memref<80x128xf32, #tpu.memory_space<vmem>>) dst(%dma_wait3A_100 : memref<80x128xf32, #tpu.memory_space<vmem_shared>>)
      tpu.yield
    }) : () -> ()
    %mul3A_26 = arith.constant 640 : i32
    %mul3A_27 = arith.muli %arg1, %mul3A_26 : i32
    %add3A_28 = arith.constant 320 : i32
    %add3A_29 = arith.addi %mul3A_27, %add3A_28 : i32
    "tpu.region"() ({
      %run_scoped3A = tpu.sem_alloc : memref<!tpu.dma_semaphore, #tpu.memory_space<semaphore_mem>>
      %dma_start3A_93 = arith.constant 0 : i32
      %dma_start3A_94 = tpu.memref_slice %arg11[%add3A_29, %dma_start3A_93] : memref<10240x128xf32, #tpu.memory_space<vmem_shared>> -> memref<80x128xf32, #tpu.memory_space<vmem_shared>>
      %dma_start3A_95 = arith.constant 0 : i32
      %dma_start3A_96 = tpu.memref_slice %arg11[%add3A_29, %dma_start3A_95] : memref<10240x128xf32, #tpu.memory_space<vmem_shared>> -> memref<80x128xf32, #tpu.memory_space<vmem_shared>>
      tpu.enqueue_dma source(%arg8 : memref<80x128xf32, #tpu.memory_space<vmem>>) target(%dma_start3A_96 : memref<80x128xf32, #tpu.memory_space<vmem_shared>>) target_semaphore(%run_scoped3A : memref<!tpu.dma_semaphore, #tpu.memory_space<semaphore_mem>>)
      %dma_wait3A_97 = arith.constant 0 : i32
      %dma_wait3A_98 = tpu.memref_slice %arg11[%add3A_29, %dma_wait3A_97] : memref<10240x128xf32, #tpu.memory_space<vmem_shared>> -> memref<80x128xf32, #tpu.memory_space<vmem_shared>>
      %dma_wait3A_99 = arith.constant 0 : i32
      %dma_wait3A_100 = tpu.memref_slice %arg11[%add3A_29, %dma_wait3A_99] : memref<10240x128xf32, #tpu.memory_space<vmem_shared>> -> memref<80x128xf32, #tpu.memory_space<vmem_shared>>
      tpu.wait_dma2 semaphore(%run_scoped3A : memref<!tpu.dma_semaphore, #tpu.memory_space<semaphore_mem>>) src(%arg8 : memref<80x128xf32, #tpu.memory_space<vmem>>) dst(%dma_wait3A_100 : memref<80x128xf32, #tpu.memory_space<vmem_shared>>)
      tpu.yield
    }) : () -> ()
    %mul3A_30 = arith.constant 640 : i32
    %mul3A_31 = arith.muli %arg1, %mul3A_30 : i32
    %add3A_32 = arith.constant 400 : i32
    %add3A_33 = arith.addi %mul3A_31, %add3A_32 : i32
    "tpu.region"() ({
      %run_scoped3A = tpu.sem_alloc : memref<!tpu.dma_semaphore, #tpu.memory_space<semaphore_mem>>
      %dma_start3A_93 = arith.constant 0 : i32
      %dma_start3A_94 = tpu.memref_slice %arg11[%add3A_33, %dma_start3A_93] : memref<10240x128xf32, #tpu.memory_space<vmem_shared>> -> memref<80x128xf32, #tpu.memory_space<vmem_shared>>
      %dma_start3A_95 = arith.constant 0 : i32
      %dma_start3A_96 = tpu.memref_slice %arg11[%add3A_33, %dma_start3A_95] : memref<10240x128xf32, #tpu.memory_space<vmem_shared>> -> memref<80x128xf32, #tpu.memory_space<vmem_shared>>
      tpu.enqueue_dma source(%arg8 : memref<80x128xf32, #tpu.memory_space<vmem>>) target(%dma_start3A_96 : memref<80x128xf32, #tpu.memory_space<vmem_shared>>) target_semaphore(%run_scoped3A : memref<!tpu.dma_semaphore, #tpu.memory_space<semaphore_mem>>)
      %dma_wait3A_97 = arith.constant 0 : i32
      %dma_wait3A_98 = tpu.memref_slice %arg11[%add3A_33, %dma_wait3A_97] : memref<10240x128xf32, #tpu.memory_space<vmem_shared>> -> memref<80x128xf32, #tpu.memory_space<vmem_shared>>
      %dma_wait3A_99 = arith.constant 0 : i32
      %dma_wait3A_100 = tpu.memref_slice %arg11[%add3A_33, %dma_wait3A_99] : memref<10240x128xf32, #tpu.memory_space<vmem_shared>> -> memref<80x128xf32, #tpu.memory_space<vmem_shared>>
      tpu.wait_dma2 semaphore(%run_scoped3A : memref<!tpu.dma_semaphore, #tpu.memory_space<semaphore_mem>>) src(%arg8 : memref<80x128xf32, #tpu.memory_space<vmem>>) dst(%dma_wait3A_100 : memref<80x128xf32, #tpu.memory_space<vmem_shared>>)
      tpu.yield
    }) : () -> ()
    %mul3A_34 = arith.constant 640 : i32
    %mul3A_35 = arith.muli %arg1, %mul3A_34 : i32
    %add3A_36 = arith.constant 480 : i32
    %add3A_37 = arith.addi %mul3A_35, %add3A_36 : i32
    "tpu.region"() ({
      %run_scoped3A = tpu.sem_alloc : memref<!tpu.dma_semaphore, #tpu.memory_space<semaphore_mem>>
      %dma_start3A_93 = arith.constant 0 : i32
      %dma_start3A_94 = tpu.memref_slice %arg11[%add3A_37, %dma_start3A_93] : memref<10240x128xf32, #tpu.memory_space<vmem_shared>> -> memref<80x128xf32, #tpu.memory_space<vmem_shared>>
      %dma_start3A_95 = arith.constant 0 : i32
      %dma_start3A_96 = tpu.memref_slice %arg11[%add3A_37, %dma_start3A_95] : memref<10240x128xf32, #tpu.memory_space<vmem_shared>> -> memref<80x128xf32, #tpu.memory_space<vmem_shared>>
      tpu.enqueue_dma source(%arg8 : memref<80x128xf32, #tpu.memory_space<vmem>>) target(%dma_start3A_96 : memref<80x128xf32, #tpu.memory_space<vmem_shared>>) target_semaphore(%run_scoped3A : memref<!tpu.dma_semaphore, #tpu.memory_space<semaphore_mem>>)
      %dma_wait3A_97 = arith.constant 0 : i32
      %dma_wait3A_98 = tpu.memref_slice %arg11[%add3A_37, %dma_wait3A_97] : memref<10240x128xf32, #tpu.memory_space<vmem_shared>> -> memref<80x128xf32, #tpu.memory_space<vmem_shared>>
      %dma_wait3A_99 = arith.constant 0 : i32
      %dma_wait3A_100 = tpu.memref_slice %arg11[%add3A_37, %dma_wait3A_99] : memref<10240x128xf32, #tpu.memory_space<vmem_shared>> -> memref<80x128xf32, #tpu.memory_space<vmem_shared>>
      tpu.wait_dma2 semaphore(%run_scoped3A : memref<!tpu.dma_semaphore, #tpu.memory_space<semaphore_mem>>) src(%arg8 : memref<80x128xf32, #tpu.memory_space<vmem>>) dst(%dma_wait3A_100 : memref<80x128xf32, #tpu.memory_space<vmem_shared>>)
      tpu.yield
    }) : () -> ()
    %mul3A_38 = arith.constant 640 : i32
    %mul3A_39 = arith.muli %arg1, %mul3A_38 : i32
    %add3A_40 = arith.constant 560 : i32
    %add3A_41 = arith.addi %mul3A_39, %add3A_40 : i32
    "tpu.region"() ({
      %run_scoped3A = tpu.sem_alloc : memref<!tpu.dma_semaphore, #tpu.memory_space<semaphore_mem>>
      %dma_start3A_93 = arith.constant 0 : i32
      %dma_start3A_94 = tpu.memref_slice %arg11[%add3A_41, %dma_start3A_93] : memref<10240x128xf32, #tpu.memory_space<vmem_shared>> -> memref<80x128xf32, #tpu.memory_space<vmem_shared>>
      %dma_start3A_95 = arith.constant 0 : i32
      %dma_start3A_96 = tpu.memref_slice %arg11[%add3A_41, %dma_start3A_95] : memref<10240x128xf32, #tpu.memory_space<vmem_shared>> -> memref<80x128xf32, #tpu.memory_space<vmem_shared>>
      tpu.enqueue_dma source(%arg8 : memref<80x128xf32, #tpu.memory_space<vmem>>) target(%dma_start3A_96 : memref<80x128xf32, #tpu.memory_space<vmem_shared>>) target_semaphore(%run_scoped3A : memref<!tpu.dma_semaphore, #tpu.memory_space<semaphore_mem>>)
      %dma_wait3A_97 = arith.constant 0 : i32
      %dma_wait3A_98 = tpu.memref_slice %arg11[%add3A_41, %dma_wait3A_97] : memref<10240x128xf32, #tpu.memory_space<vmem_shared>> -> memref<80x128xf32, #tpu.memory_space<vmem_shared>>
      %dma_wait3A_99 = arith.constant 0 : i32
      %dma_wait3A_100 = tpu.memref_slice %arg11[%add3A_41, %dma_wait3A_99] : memref<10240x128xf32, #tpu.memory_space<vmem_shared>> -> memref<80x128xf32, #tpu.memory_space<vmem_shared>>
      tpu.wait_dma2 semaphore(%run_scoped3A : memref<!tpu.dma_semaphore, #tpu.memory_space<semaphore_mem>>) src(%arg8 : memref<80x128xf32, #tpu.memory_space<vmem>>) dst(%dma_wait3A_100 : memref<80x128xf32, #tpu.memory_space<vmem_shared>>)
      tpu.yield
    }) : () -> ()
    %barrier3A = arith.constant 0 : index
    tpu.barrier barrier_id(%barrier3A)
    %add3A_42 = arith.constant 4960 : i32
    %add3A_43 = arith.addi %add3A_4, %add3A_42 : i32
    %dma_start3A = tpu.memref_slice %arg3[%add3A_43] : memref<640000xi32, #tpu.memory_space<hbm>> -> memref<40xi32, #tpu.memory_space<hbm>>
    %dma_start3A_44 = tpu.memref_slice %arg3[%add3A_43] : memref<640000xi32, #tpu.memory_space<hbm>> -> memref<40xi32, #tpu.memory_space<hbm>>
    tpu.enqueue_dma source(%dma_start3A_44 : memref<40xi32, #tpu.memory_space<hbm>>) target(%arg7 : memref<40xi32, #tpu.memory_space<vmem>>) target_semaphore(%arg16 : memref<!tpu.dma_semaphore, #tpu.memory_space<semaphore_mem>>)
    %add3A_45 = arith.constant 4960 : i32
    %add3A_46 = arith.addi %mul3A_2, %add3A_45 : i32
    %dma_start3A_47 = arith.constant 0 : i32
    %dma_start3A_48 = tpu.memref_slice %arg2[%add3A_46, %dma_start3A_47] : memref<160000x128xf32, #tpu.memory_space<hbm>> -> memref<40x128xf32, #tpu.memory_space<hbm>>
    %dma_start3A_49 = arith.constant 0 : i32
    %dma_start3A_50 = tpu.memref_slice %arg2[%add3A_46, %dma_start3A_49] : memref<160000x128xf32, #tpu.memory_space<hbm>> -> memref<40x128xf32, #tpu.memory_space<hbm>>
    tpu.enqueue_dma source(%dma_start3A_50 : memref<40x128xf32, #tpu.memory_space<hbm>>) target(%arg10 : memref<40x128xf32, #tpu.memory_space<vmem>>) target_semaphore(%arg17 : memref<!tpu.dma_semaphore, #tpu.memory_space<semaphore_mem>>)
    %add3A_51 = arith.constant 0 : i32
    %add3A_52 = arith.addi %add3A_4, %add3A_51 : i32
    %dma_start3A_53 = tpu.memref_slice %arg3[%add3A_52] : memref<640000xi32, #tpu.memory_space<hbm>> -> memref<80xi32, #tpu.memory_space<hbm>>
    %dma_start3A_54 = tpu.memref_slice %arg3[%add3A_52] : memref<640000xi32, #tpu.memory_space<hbm>> -> memref<80xi32, #tpu.memory_space<hbm>>
    tpu.enqueue_dma source(%dma_start3A_54 : memref<80xi32, #tpu.memory_space<hbm>>) target(%arg5 : memref<80xi32, #tpu.memory_space<vmem>>) target_semaphore(%arg12 : memref<!tpu.dma_semaphore, #tpu.memory_space<semaphore_mem>>)
    %add3A_55 = arith.constant 0 : i32
    %add3A_56 = arith.addi %mul3A_2, %add3A_55 : i32
    %dma_start3A_57 = arith.constant 0 : i32
    %dma_start3A_58 = tpu.memref_slice %arg2[%add3A_56, %dma_start3A_57] : memref<160000x128xf32, #tpu.memory_space<hbm>> -> memref<80x128xf32, #tpu.memory_space<hbm>>
    %dma_start3A_59 = arith.constant 0 : i32
    %dma_start3A_60 = tpu.memref_slice %arg2[%add3A_56, %dma_start3A_59] : memref<160000x128xf32, #tpu.memory_space<hbm>> -> memref<80x128xf32, #tpu.memory_space<hbm>>
    tpu.enqueue_dma source(%dma_start3A_60 : memref<80x128xf32, #tpu.memory_space<hbm>>) target(%arg8 : memref<80x128xf32, #tpu.memory_space<vmem>>) target_semaphore(%arg14 : memref<!tpu.dma_semaphore, #tpu.memory_space<semaphore_mem>>)
    %add3A_61 = arith.constant 80 : i32
    %add3A_62 = arith.addi %add3A_4, %add3A_61 : i32
    %dma_start3A_63 = tpu.memref_slice %arg3[%add3A_62] : memref<640000xi32, #tpu.memory_space<hbm>> -> memref<80xi32, #tpu.memory_space<hbm>>
    %dma_start3A_64 = tpu.memref_slice %arg3[%add3A_62] : memref<640000xi32, #tpu.memory_space<hbm>> -> memref<80xi32, #tpu.memory_space<hbm>>
    tpu.enqueue_dma source(%dma_start3A_64 : memref<80xi32, #tpu.memory_space<hbm>>) target(%arg6 : memref<80xi32, #tpu.memory_space<vmem>>) target_semaphore(%arg13 : memref<!tpu.dma_semaphore, #tpu.memory_space<semaphore_mem>>)
    %add3A_65 = arith.constant 80 : i32
    %add3A_66 = arith.addi %mul3A_2, %add3A_65 : i32
    %dma_start3A_67 = arith.constant 0 : i32
    %dma_start3A_68 = tpu.memref_slice %arg2[%add3A_66, %dma_start3A_67] : memref<160000x128xf32, #tpu.memory_space<hbm>> -> memref<80x128xf32, #tpu.memory_space<hbm>>
    %dma_start3A_69 = arith.constant 0 : i32
    %dma_start3A_70 = tpu.memref_slice %arg2[%add3A_66, %dma_start3A_69] : memref<160000x128xf32, #tpu.memory_space<hbm>> -> memref<80x128xf32, #tpu.memory_space<hbm>>
    tpu.enqueue_dma source(%dma_start3A_70 : memref<80x128xf32, #tpu.memory_space<hbm>>) target(%arg9 : memref<80x128xf32, #tpu.memory_space<vmem>>) target_semaphore(%arg15 : memref<!tpu.dma_semaphore, #tpu.memory_space<semaphore_mem>>)
    %scan3A_71 = arith.constant 0 : i32
    %scan3A_72 = arith.constant 0 : i32
    %scan3A_73 = arith.constant 31 : i32
    %scan3A_74 = arith.addi %scan3A_72, %scan3A_73 : i32
    %scan3A_75 = arith.constant 1 : i32
    scf.for %scan3A_93 = %scan3A_72 to %scan3A_74 step %scan3A_75  : i32 {
      %mul3A_94 = arith.constant 2 : i32
      %mul3A_95 = arith.muli %mul3A_94, %scan3A_93 : i32
      %mul3A_96 = arith.constant 80 : i32
      %mul3A_97 = arith.muli %mul3A_95, %mul3A_96 : i32
      %add3A_98 = arith.addi %add3A_4, %mul3A_97 : i32
      %dma_wait3A_99 = tpu.memref_slice %arg3[%add3A_98] : memref<640000xi32, #tpu.memory_space<hbm>> -> memref<80xi32, #tpu.memory_space<hbm>>
      %dma_wait3A_100 = tpu.memref_slice %arg3[%add3A_98] : memref<640000xi32, #tpu.memory_space<hbm>> -> memref<80xi32, #tpu.memory_space<hbm>>
      tpu.wait_dma2 semaphore(%arg12 : memref<!tpu.dma_semaphore, #tpu.memory_space<semaphore_mem>>) src(%dma_wait3A_100 : memref<80xi32, #tpu.memory_space<hbm>>) dst(%arg5 : memref<80xi32, #tpu.memory_space<vmem>>)
      %add3A_101 = arith.addi %mul3A_2, %mul3A_97 : i32
      %dma_wait3A_102 = arith.constant 0 : i32
      %dma_wait3A_103 = tpu.memref_slice %arg2[%add3A_101, %dma_wait3A_102] : memref<160000x128xf32, #tpu.memory_space<hbm>> -> memref<80x128xf32, #tpu.memory_space<hbm>>
      %dma_wait3A_104 = arith.constant 0 : i32
      %dma_wait3A_105 = tpu.memref_slice %arg2[%add3A_101, %dma_wait3A_104] : memref<160000x128xf32, #tpu.memory_space<hbm>> -> memref<80x128xf32, #tpu.memory_space<hbm>>
      tpu.wait_dma2 semaphore(%arg14 : memref<!tpu.dma_semaphore, #tpu.memory_space<semaphore_mem>>) src(%dma_wait3A_105 : memref<80x128xf32, #tpu.memory_space<hbm>>) dst(%arg8 : memref<80x128xf32, #tpu.memory_space<vmem>>)
      "tpu.region"() ({
        %run_scoped3A = tpu.sem_alloc : memref<!tpu.dma_semaphore, #tpu.memory_space<semaphore_mem>>
        %dma_start3A_128 = arith.constant 0 : i32
        %dma_start3A_129 = arith.constant 0 : i32
        %dma_start3A_130 = tpu.memref_slice %arg11[%dma_start3A_128, %dma_start3A_129] : memref<10240x128xf32, #tpu.memory_space<vmem_shared>> -> memref<10240x128xf32, #tpu.memory_space<vmem_shared>>
        tpu.enqueue_indirect_dma source(%arg8 : memref<80x128xf32, #tpu.memory_space<vmem>>) target(%dma_start3A_130 : memref<10240x128xf32, #tpu.memory_space<vmem_shared>>) offsets(%arg5 : memref<80xi32, #tpu.memory_space<vmem>>) semaphore(%run_scoped3A : memref<!tpu.dma_semaphore, #tpu.memory_space<semaphore_mem>>) {add = true}
        %dma_wait3A_131 = arith.constant 0 : i32
        %dma_wait3A_132 = arith.constant 0 : i32
        %dma_wait3A_133 = tpu.memref_slice %arg11[%dma_wait3A_131, %dma_wait3A_132] : memref<10240x128xf32, #tpu.memory_space<vmem_shared>> -> memref<10240x128xf32, #tpu.memory_space<vmem_shared>>
        tpu.wait_indirect_dma semaphore(%run_scoped3A : memref<!tpu.dma_semaphore, #tpu.memory_space<semaphore_mem>>) src(%arg8 : memref<80x128xf32, #tpu.memory_space<vmem>>) dst(%dma_wait3A_133 : memref<10240x128xf32, #tpu.memory_space<vmem_shared>>)
        tpu.yield
      }) : () -> ()
      %lt3A_106 = arith.constant 30 : i32
      %lt3A_107 = arith.cmpi slt, %scan3A_93, %lt3A_106 : i32
      %convert_element_type3A_108 = arith.extui %lt3A_107 : i1 to i32
      %cond3A_109 = arith.constant 0 : i32
      %cond3A_110 = arith.cmpi ne, %convert_element_type3A_108, %cond3A_109 : i32
      scf.if %cond3A_110 {
        %add3A_128 = arith.constant 2 : i32
        %add3A_129 = arith.addi %mul3A_95, %add3A_128 : i32
        %mul3A_130 = arith.constant 80 : i32
        %mul3A_131 = arith.muli %add3A_129, %mul3A_130 : i32
        %add3A_132 = arith.addi %add3A_4, %mul3A_131 : i32
        %dma_start3A_133 = tpu.memref_slice %arg3[%add3A_132] : memref<640000xi32, #tpu.memory_space<hbm>> -> memref<80xi32, #tpu.memory_space<hbm>>
        %dma_start3A_134 = tpu.memref_slice %arg3[%add3A_132] : memref<640000xi32, #tpu.memory_space<hbm>> -> memref<80xi32, #tpu.memory_space<hbm>>
        tpu.enqueue_dma source(%dma_start3A_134 : memref<80xi32, #tpu.memory_space<hbm>>) target(%arg5 : memref<80xi32, #tpu.memory_space<vmem>>) target_semaphore(%arg12 : memref<!tpu.dma_semaphore, #tpu.memory_space<semaphore_mem>>)
        %add3A_135 = arith.addi %mul3A_2, %mul3A_131 : i32
        %dma_start3A_136 = arith.constant 0 : i32
        %dma_start3A_137 = tpu.memref_slice %arg2[%add3A_135, %dma_start3A_136] : memref<160000x128xf32, #tpu.memory_space<hbm>> -> memref<80x128xf32, #tpu.memory_space<hbm>>
        %dma_start3A_138 = arith.constant 0 : i32
        %dma_start3A_139 = tpu.memref_slice %arg2[%add3A_135, %dma_start3A_138] : memref<160000x128xf32, #tpu.memory_space<hbm>> -> memref<80x128xf32, #tpu.memory_space<hbm>>
        tpu.enqueue_dma source(%dma_start3A_139 : memref<80x128xf32, #tpu.memory_space<hbm>>) target(%arg8 : memref<80x128xf32, #tpu.memory_space<vmem>>) target_semaphore(%arg14 : memref<!tpu.dma_semaphore, #tpu.memory_space<semaphore_mem>>)
      } else {
      }
      %add3A_111 = arith.constant 1 : i32
      %add3A_112 = arith.addi %mul3A_95, %add3A_111 : i32
      %mul3A_113 = arith.constant 80 : i32
      %mul3A_114 = arith.muli %add3A_112, %mul3A_113 : i32
      %add3A_115 = arith.addi %add3A_4, %mul3A_114 : i32
      %dma_wait3A_116 = tpu.memref_slice %arg3[%add3A_115] : memref<640000xi32, #tpu.memory_space<hbm>> -> memref<80xi32, #tpu.memory_space<hbm>>
      %dma_wait3A_117 = tpu.memref_slice %arg3[%add3A_115] : memref<640000xi32, #tpu.memory_space<hbm>> -> memref<80xi32, #tpu.memory_space<hbm>>
      tpu.wait_dma2 semaphore(%arg13 : memref<!tpu.dma_semaphore, #tpu.memory_space<semaphore_mem>>) src(%dma_wait3A_117 : memref<80xi32, #tpu.memory_space<hbm>>) dst(%arg6 : memref<80xi32, #tpu.memory_space<vmem>>)
      %add3A_118 = arith.addi %mul3A_2, %mul3A_114 : i32
      %dma_wait3A_119 = arith.constant 0 : i32
      %dma_wait3A_120 = tpu.memref_slice %arg2[%add3A_118, %dma_wait3A_119] : memref<160000x128xf32, #tpu.memory_space<hbm>> -> memref<80x128xf32, #tpu.memory_space<hbm>>
      %dma_wait3A_121 = arith.constant 0 : i32
      %dma_wait3A_122 = tpu.memref_slice %arg2[%add3A_118, %dma_wait3A_121] : memref<160000x128xf32, #tpu.memory_space<hbm>> -> memref<80x128xf32, #tpu.memory_space<hbm>>
      tpu.wait_dma2 semaphore(%arg15 : memref<!tpu.dma_semaphore, #tpu.memory_space<semaphore_mem>>) src(%dma_wait3A_122 : memref<80x128xf32, #tpu.memory_space<hbm>>) dst(%arg9 : memref<80x128xf32, #tpu.memory_space<vmem>>)
      "tpu.region"() ({
        %run_scoped3A = tpu.sem_alloc : memref<!tpu.dma_semaphore, #tpu.memory_space<semaphore_mem>>
        %dma_start3A_128 = arith.constant 0 : i32
        %dma_start3A_129 = arith.constant 0 : i32
        %dma_start3A_130 = tpu.memref_slice %arg11[%dma_start3A_128, %dma_start3A_129] : memref<10240x128xf32, #tpu.memory_space<vmem_shared>> -> memref<10240x128xf32, #tpu.memory_space<vmem_shared>>
        tpu.enqueue_indirect_dma source(%arg9 : memref<80x128xf32, #tpu.memory_space<vmem>>) target(%dma_start3A_130 : memref<10240x128xf32, #tpu.memory_space<vmem_shared>>) offsets(%arg6 : memref<80xi32, #tpu.memory_space<vmem>>) semaphore(%run_scoped3A : memref<!tpu.dma_semaphore, #tpu.memory_space<semaphore_mem>>) {add = true}
        %dma_wait3A_131 = arith.constant 0 : i32
        %dma_wait3A_132 = arith.constant 0 : i32
        %dma_wait3A_133 = tpu.memref_slice %arg11[%dma_wait3A_131, %dma_wait3A_132] : memref<10240x128xf32, #tpu.memory_space<vmem_shared>> -> memref<10240x128xf32, #tpu.memory_space<vmem_shared>>
        tpu.wait_indirect_dma semaphore(%run_scoped3A : memref<!tpu.dma_semaphore, #tpu.memory_space<semaphore_mem>>) src(%arg9 : memref<80x128xf32, #tpu.memory_space<vmem>>) dst(%dma_wait3A_133 : memref<10240x128xf32, #tpu.memory_space<vmem_shared>>)
        tpu.yield
      }) : () -> ()
      %lt3A_123 = arith.constant 30 : i32
      %lt3A_124 = arith.cmpi slt, %scan3A_93, %lt3A_123 : i32
      %convert_element_type3A_125 = arith.extui %lt3A_124 : i1 to i32
      %cond3A_126 = arith.constant 0 : i32
      %cond3A_127 = arith.cmpi ne, %convert_element_type3A_125, %cond3A_126 : i32
      scf.if %cond3A_127 {
        %add3A_128 = arith.constant 3 : i32
        %add3A_129 = arith.addi %mul3A_95, %add3A_128 : i32
        %mul3A_130 = arith.constant 80 : i32
        %mul3A_131 = arith.muli %add3A_129, %mul3A_130 : i32
        %add3A_132 = arith.addi %add3A_4, %mul3A_131 : i32
        %dma_start3A_133 = tpu.memref_slice %arg3[%add3A_132] : memref<640000xi32, #tpu.memory_space<hbm>> -> memref<80xi32, #tpu.memory_space<hbm>>
        %dma_start3A_134 = tpu.memref_slice %arg3[%add3A_132] : memref<640000xi32, #tpu.memory_space<hbm>> -> memref<80xi32, #tpu.memory_space<hbm>>
        tpu.enqueue_dma source(%dma_start3A_134 : memref<80xi32, #tpu.memory_space<hbm>>) target(%arg6 : memref<80xi32, #tpu.memory_space<vmem>>) target_semaphore(%arg13 : memref<!tpu.dma_semaphore, #tpu.memory_space<semaphore_mem>>)
        %add3A_135 = arith.addi %mul3A_2, %mul3A_131 : i32
        %dma_start3A_136 = arith.constant 0 : i32
        %dma_start3A_137 = tpu.memref_slice %arg2[%add3A_135, %dma_start3A_136] : memref<160000x128xf32, #tpu.memory_space<hbm>> -> memref<80x128xf32, #tpu.memory_space<hbm>>
        %dma_start3A_138 = arith.constant 0 : i32
        %dma_start3A_139 = tpu.memref_slice %arg2[%add3A_135, %dma_start3A_138] : memref<160000x128xf32, #tpu.memory_space<hbm>> -> memref<80x128xf32, #tpu.memory_space<hbm>>
        tpu.enqueue_dma source(%dma_start3A_139 : memref<80x128xf32, #tpu.memory_space<hbm>>) target(%arg9 : memref<80x128xf32, #tpu.memory_space<vmem>>) target_semaphore(%arg15 : memref<!tpu.dma_semaphore, #tpu.memory_space<semaphore_mem>>)
      } else {
      }
    }
    %scan3A_76 = arith.constant 31 : i32
    %add3A_77 = arith.constant 4960 : i32
    %add3A_78 = arith.addi %add3A_4, %add3A_77 : i32
    %dma_wait3A = tpu.memref_slice %arg3[%add3A_78] : memref<640000xi32, #tpu.memory_space<hbm>> -> memref<40xi32, #tpu.memory_space<hbm>>
    %dma_wait3A_79 = tpu.memref_slice %arg3[%add3A_78] : memref<640000xi32, #tpu.memory_space<hbm>> -> memref<40xi32, #tpu.memory_space<hbm>>
    tpu.wait_dma2 semaphore(%arg16 : memref<!tpu.dma_semaphore, #tpu.memory_space<semaphore_mem>>) src(%dma_wait3A_79 : memref<40xi32, #tpu.memory_space<hbm>>) dst(%arg7 : memref<40xi32, #tpu.memory_space<vmem>>)
    %add3A_80 = arith.constant 4960 : i32
    %add3A_81 = arith.addi %mul3A_2, %add3A_80 : i32
    %dma_wait3A_82 = arith.constant 0 : i32
    %dma_wait3A_83 = tpu.memref_slice %arg2[%add3A_81, %dma_wait3A_82] : memref<160000x128xf32, #tpu.memory_space<hbm>> -> memref<40x128xf32, #tpu.memory_space<hbm>>
    %dma_wait3A_84 = arith.constant 0 : i32
    %dma_wait3A_85 = tpu.memref_slice %arg2[%add3A_81, %dma_wait3A_84] : memref<160000x128xf32, #tpu.memory_space<hbm>> -> memref<40x128xf32, #tpu.memory_space<hbm>>
    tpu.wait_dma2 semaphore(%arg17 : memref<!tpu.dma_semaphore, #tpu.memory_space<semaphore_mem>>) src(%dma_wait3A_85 : memref<40x128xf32, #tpu.memory_space<hbm>>) dst(%arg10 : memref<40x128xf32, #tpu.memory_space<vmem>>)
    "tpu.region"() ({
      %run_scoped3A = tpu.sem_alloc : memref<!tpu.dma_semaphore, #tpu.memory_space<semaphore_mem>>
      %dma_start3A_93 = arith.constant 0 : i32
      %dma_start3A_94 = arith.constant 0 : i32
      %dma_start3A_95 = tpu.memref_slice %arg11[%dma_start3A_93, %dma_start3A_94] : memref<10240x128xf32, #tpu.memory_space<vmem_shared>> -> memref<10240x128xf32, #tpu.memory_space<vmem_shared>>
      tpu.enqueue_indirect_dma source(%arg10 : memref<40x128xf32, #tpu.memory_space<vmem>>) target(%dma_start3A_95 : memref<10240x128xf32, #tpu.memory_space<vmem_shared>>) offsets(%arg7 : memref<40xi32, #tpu.memory_space<vmem>>) semaphore(%run_scoped3A : memref<!tpu.dma_semaphore, #tpu.memory_space<semaphore_mem>>) {add = true}
      %dma_wait3A_96 = arith.constant 0 : i32
      %dma_wait3A_97 = arith.constant 0 : i32
      %dma_wait3A_98 = tpu.memref_slice %arg11[%dma_wait3A_96, %dma_wait3A_97] : memref<10240x128xf32, #tpu.memory_space<vmem_shared>> -> memref<10240x128xf32, #tpu.memory_space<vmem_shared>>
      tpu.wait_indirect_dma semaphore(%run_scoped3A : memref<!tpu.dma_semaphore, #tpu.memory_space<semaphore_mem>>) src(%arg10 : memref<40x128xf32, #tpu.memory_space<vmem>>) dst(%dma_wait3A_98 : memref<10240x128xf32, #tpu.memory_space<vmem_shared>>)
      tpu.yield
    }) : () -> ()
    %barrier3A_86 = arith.constant 0 : index
    tpu.barrier barrier_id(%barrier3A_86)
    %lt3A = arith.constant 15 : i32
    %lt3A_87 = arith.cmpi slt, %arg1, %lt3A : i32
    %convert_element_type3A = arith.extui %lt3A_87 : i1 to i32
    %cond3A = arith.constant 0 : i32
    %cond3A_88 = arith.cmpi ne, %convert_element_type3A, %cond3A : i32
    scf.if %cond3A_88 {
      %mul3A_93 = arith.constant 640 : i32
      %mul3A_94 = arith.muli %arg1, %mul3A_93 : i32
      %mul3A_95 = arith.constant 640 : i32
      %mul3A_96 = arith.muli %arg1, %mul3A_95 : i32
      "tpu.region"() ({
        %run_scoped3A = tpu.sem_alloc : memref<!tpu.dma_semaphore, #tpu.memory_space<semaphore_mem>>
        %dma_start3A_97 = arith.constant 0 : i32
        %dma_start3A_98 = tpu.memref_slice %arg4[%arg0, %mul3A_96, %dma_start3A_97] : memref<2x10000x128xf32, #tpu.memory_space<hbm>> -> memref<1x640x128xf32, #tpu.memory_space<hbm>>
        %dma_start3A_99 = tpu.memref_squeeze %dma_start3A_98 : memref<1x640x128xf32, #tpu.memory_space<hbm>> -> memref<640x128xf32, #tpu.memory_space<hbm>>
        %dma_start3A_100 = arith.constant 0 : i32
        %dma_start3A_101 = tpu.memref_slice %arg11[%mul3A_94, %dma_start3A_100] : memref<10240x128xf32, #tpu.memory_space<vmem_shared>> -> memref<640x128xf32, #tpu.memory_space<vmem_shared>>
        tpu.enqueue_dma source(%dma_start3A_101 : memref<640x128xf32, #tpu.memory_space<vmem_shared>>) target(%dma_start3A_99 : memref<640x128xf32, #tpu.memory_space<hbm>>) target_semaphore(%run_scoped3A : memref<!tpu.dma_semaphore, #tpu.memory_space<semaphore_mem>>)
        %dma_wait3A_102 = arith.constant 0 : i32
        %dma_wait3A_103 = tpu.memref_slice %arg4[%arg0, %mul3A_96, %dma_wait3A_102] : memref<2x10000x128xf32, #tpu.memory_space<hbm>> -> memref<1x640x128xf32, #tpu.memory_space<hbm>>
        %dma_wait3A_104 = tpu.memref_squeeze %dma_wait3A_103 : memref<1x640x128xf32, #tpu.memory_space<hbm>> -> memref<640x128xf32, #tpu.memory_space<hbm>>
        %dma_wait3A_105 = arith.constant 0 : i32
        %dma_wait3A_106 = tpu.memref_slice %arg11[%mul3A_94, %dma_wait3A_105] : memref<10240x128xf32, #tpu.memory_space<vmem_shared>> -> memref<640x128xf32, #tpu.memory_space<vmem_shared>>
        tpu.wait_dma2 semaphore(%run_scoped3A : memref<!tpu.dma_semaphore, #tpu.memory_space<semaphore_mem>>) src(%dma_wait3A_106 : memref<640x128xf32, #tpu.memory_space<vmem_shared>>) dst(%dma_wait3A_104 : memref<640x128xf32, #tpu.memory_space<hbm>>)
        tpu.yield
      }) : () -> ()
    } else {
    }
    %eq3A = arith.constant 15 : i32
    %eq3A_89 = arith.cmpi eq, %arg1, %eq3A : i32
    %convert_element_type3A_90 = arith.extui %eq3A_89 : i1 to i32
    %cond3A_91 = arith.constant 0 : i32
    %cond3A_92 = arith.cmpi ne, %convert_element_type3A_90, %cond3A_91 : i32
    scf.if %cond3A_92 {
      "tpu.region"() ({
        %run_scoped3A = tpu.sem_alloc : memref<!tpu.dma_semaphore, #tpu.memory_space<semaphore_mem>>
        %dma_start3A_93 = arith.constant 9600 : i32
        %dma_start3A_94 = arith.constant 0 : i32
        %dma_start3A_95 = tpu.memref_slice %arg4[%arg0, %dma_start3A_93, %dma_start3A_94] : memref<2x10000x128xf32, #tpu.memory_space<hbm>> -> memref<1x400x128xf32, #tpu.memory_space<hbm>>
        %dma_start3A_96 = tpu.memref_squeeze %dma_start3A_95 : memref<1x400x128xf32, #tpu.memory_space<hbm>> -> memref<400x128xf32, #tpu.memory_space<hbm>>
        %dma_start3A_97 = arith.constant 9600 : i32
        %dma_start3A_98 = arith.constant 0 : i32
        %dma_start3A_99 = tpu.memref_slice %arg11[%dma_start3A_97, %dma_start3A_98] : memref<10240x128xf32, #tpu.memory_space<vmem_shared>> -> memref<400x128xf32, #tpu.memory_space<vmem_shared>>
        tpu.enqueue_dma source(%dma_start3A_99 : memref<400x128xf32, #tpu.memory_space<vmem_shared>>) target(%dma_start3A_96 : memref<400x128xf32, #tpu.memory_space<hbm>>) target_semaphore(%run_scoped3A : memref<!tpu.dma_semaphore, #tpu.memory_space<semaphore_mem>>)
        %dma_wait3A_100 = arith.constant 9600 : i32
        %dma_wait3A_101 = arith.constant 0 : i32
        %dma_wait3A_102 = tpu.memref_slice %arg4[%arg0, %dma_wait3A_100, %dma_wait3A_101] : memref<2x10000x128xf32, #tpu.memory_space<hbm>> -> memref<1x400x128xf32, #tpu.memory_space<hbm>>
        %dma_wait3A_103 = tpu.memref_squeeze %dma_wait3A_102 : memref<1x400x128xf32, #tpu.memory_space<hbm>> -> memref<400x128xf32, #tpu.memory_space<hbm>>
        %dma_wait3A_104 = arith.constant 9600 : i32
        %dma_wait3A_105 = arith.constant 0 : i32
        %dma_wait3A_106 = tpu.memref_slice %arg11[%dma_wait3A_104, %dma_wait3A_105] : memref<10240x128xf32, #tpu.memory_space<vmem_shared>> -> memref<400x128xf32, #tpu.memory_space<vmem_shared>>
        tpu.wait_dma2 semaphore(%run_scoped3A : memref<!tpu.dma_semaphore, #tpu.memory_space<semaphore_mem>>) src(%dma_wait3A_106 : memref<400x128xf32, #tpu.memory_space<vmem_shared>>) dst(%dma_wait3A_103 : memref<400x128xf32, #tpu.memory_space<hbm>>)
        tpu.yield
      }) : () -> ()
    } else {
    }
    return
  }
}

#map = affine_map<(d0, d1) -> (0, 0)>
#map1 = affine_map<(d0, d1) -> (0)>
module attributes {stable_mosaic.version = 14 : i64} {
  func.func @gather_k(%arg0: i32, %arg1: i32, %arg2: memref<10000x128xf32, #tpu.memory_space<hbm>>, %arg3: memref<10000x128xf32, #tpu.memory_space<hbm>>, %arg4: memref<640000xi32, #tpu.memory_space<hbm>>, %arg5: memref<160000x128xf32, #tpu.memory_space<hbm>>, %arg6: memref<5000xi32, #tpu.memory_space<vmem>>, %arg7: memref<5000xi32, #tpu.memory_space<vmem>>, %arg8: memref<200x128xf32, #tpu.memory_space<vmem>>, %arg9: memref<200x128xf32, #tpu.memory_space<vmem>>, %arg10: memref<200x128xf32, #tpu.memory_space<vmem>>, %arg11: memref<200x128xf32, #tpu.memory_space<vmem>>, %arg12: memref<!tpu.dma_semaphore, #tpu.memory_space<semaphore_mem>>, %arg13: memref<!tpu.dma_semaphore, #tpu.memory_space<semaphore_mem>>, %arg14: memref<!tpu.dma_semaphore, #tpu.memory_space<semaphore_mem>>, %arg15: memref<!tpu.dma_semaphore, #tpu.memory_space<semaphore_mem>>) attributes {dimension_semantics = [#tpu.dimension_semantics<core_parallel>, #tpu.dimension_semantics<subcore_parallel>], iteration_bounds = array<i64: 2, 16>, scalar_prefetch = 0 : i64, scratch_operands = 10 : i64, tpu.core_type = #tpu.core_type<sc_vector_subcore>, window_params = [{transform_indices = #map}, {transform_indices = #map}, {transform_indices = #map1}, {transform_indices = #map}]} {
    %mul3A = arith.constant 16 : i32
    %mul3A_0 = arith.muli %arg0, %mul3A : i32
    %add3A = arith.addi %mul3A_0, %arg1 : i32
    %mul3A_1 = arith.constant 5000 : i32
    %mul3A_2 = arith.muli %add3A, %mul3A_1 : i32
    %add3A_3 = arith.constant 160000 : i32
    %add3A_4 = arith.addi %add3A_3, %mul3A_2 : i32
    "tpu.region"() ({
      %run_scoped3A = tpu.sem_alloc : memref<!tpu.dma_semaphore, #tpu.memory_space<semaphore_mem>>
      %dma_start3A_120 = tpu.memref_slice %arg4[%add3A_4] : memref<640000xi32, #tpu.memory_space<hbm>> -> memref<5000xi32, #tpu.memory_space<hbm>>
      %dma_start3A_121 = tpu.memref_slice %arg4[%add3A_4] : memref<640000xi32, #tpu.memory_space<hbm>> -> memref<5000xi32, #tpu.memory_space<hbm>>
      tpu.enqueue_dma source(%dma_start3A_121 : memref<5000xi32, #tpu.memory_space<hbm>>) target(%arg6 : memref<5000xi32, #tpu.memory_space<vmem>>) target_semaphore(%run_scoped3A : memref<!tpu.dma_semaphore, #tpu.memory_space<semaphore_mem>>)
      %dma_wait3A_122 = tpu.memref_slice %arg4[%add3A_4] : memref<640000xi32, #tpu.memory_space<hbm>> -> memref<5000xi32, #tpu.memory_space<hbm>>
      %dma_wait3A_123 = tpu.memref_slice %arg4[%add3A_4] : memref<640000xi32, #tpu.memory_space<hbm>> -> memref<5000xi32, #tpu.memory_space<hbm>>
      tpu.wait_dma2 semaphore(%run_scoped3A : memref<!tpu.dma_semaphore, #tpu.memory_space<semaphore_mem>>) src(%dma_wait3A_123 : memref<5000xi32, #tpu.memory_space<hbm>>) dst(%arg6 : memref<5000xi32, #tpu.memory_space<vmem>>)
      tpu.yield
    }) : () -> ()
    %add3A_5 = arith.constant 480000 : i32
    %add3A_6 = arith.addi %add3A_5, %mul3A_2 : i32
    "tpu.region"() ({
      %run_scoped3A = tpu.sem_alloc : memref<!tpu.dma_semaphore, #tpu.memory_space<semaphore_mem>>
      %dma_start3A_120 = tpu.memref_slice %arg4[%add3A_6] : memref<640000xi32, #tpu.memory_space<hbm>> -> memref<5000xi32, #tpu.memory_space<hbm>>
      %dma_start3A_121 = tpu.memref_slice %arg4[%add3A_6] : memref<640000xi32, #tpu.memory_space<hbm>> -> memref<5000xi32, #tpu.memory_space<hbm>>
      tpu.enqueue_dma source(%dma_start3A_121 : memref<5000xi32, #tpu.memory_space<hbm>>) target(%arg7 : memref<5000xi32, #tpu.memory_space<vmem>>) target_semaphore(%run_scoped3A : memref<!tpu.dma_semaphore, #tpu.memory_space<semaphore_mem>>)
      %dma_wait3A_122 = tpu.memref_slice %arg4[%add3A_6] : memref<640000xi32, #tpu.memory_space<hbm>> -> memref<5000xi32, #tpu.memory_space<hbm>>
      %dma_wait3A_123 = tpu.memref_slice %arg4[%add3A_6] : memref<640000xi32, #tpu.memory_space<hbm>> -> memref<5000xi32, #tpu.memory_space<hbm>>
      tpu.wait_dma2 semaphore(%run_scoped3A : memref<!tpu.dma_semaphore, #tpu.memory_space<semaphore_mem>>) src(%dma_wait3A_123 : memref<5000xi32, #tpu.memory_space<hbm>>) dst(%arg7 : memref<5000xi32, #tpu.memory_space<vmem>>)
      tpu.yield
    }) : () -> ()
    %dma_start3A = arith.constant 0 : i32
    %dma_start3A_7 = arith.constant 0 : i32
    %dma_start3A_8 = tpu.memref_slice %arg8[%dma_start3A, %dma_start3A_7] : memref<200x128xf32, #tpu.memory_space<vmem>> -> memref<80x128xf32, #tpu.memory_space<vmem>>
    %dma_start3A_9 = arith.constant 0 : i32
    %dma_start3A_10 = tpu.memref_slice %arg6[%dma_start3A_9] : memref<5000xi32, #tpu.memory_space<vmem>> -> memref<80xi32, #tpu.memory_space<vmem>>
    %dma_start3A_11 = arith.constant 0 : i32
    %dma_start3A_12 = arith.constant 0 : i32
    %dma_start3A_13 = tpu.memref_slice %arg2[%dma_start3A_11, %dma_start3A_12] : memref<10000x128xf32, #tpu.memory_space<hbm>> -> memref<10000x128xf32, #tpu.memory_space<hbm>>
    tpu.enqueue_indirect_dma source(%dma_start3A_13 : memref<10000x128xf32, #tpu.memory_space<hbm>>) target(%dma_start3A_8 : memref<80x128xf32, #tpu.memory_space<vmem>>) offsets(%dma_start3A_10 : memref<80xi32, #tpu.memory_space<vmem>>) semaphore(%arg12 : memref<!tpu.dma_semaphore, #tpu.memory_space<semaphore_mem>>)
    %dma_start3A_14 = arith.constant 80 : i32
    %dma_start3A_15 = arith.constant 0 : i32
    %dma_start3A_16 = tpu.memref_slice %arg8[%dma_start3A_14, %dma_start3A_15] : memref<200x128xf32, #tpu.memory_space<vmem>> -> memref<80x128xf32, #tpu.memory_space<vmem>>
    %dma_start3A_17 = arith.constant 80 : i32
    %dma_start3A_18 = tpu.memref_slice %arg6[%dma_start3A_17] : memref<5000xi32, #tpu.memory_space<vmem>> -> memref<80xi32, #tpu.memory_space<vmem>>
    %dma_start3A_19 = arith.constant 0 : i32
    %dma_start3A_20 = arith.constant 0 : i32
    %dma_start3A_21 = tpu.memref_slice %arg2[%dma_start3A_19, %dma_start3A_20] : memref<10000x128xf32, #tpu.memory_space<hbm>> -> memref<10000x128xf32, #tpu.memory_space<hbm>>
    tpu.enqueue_indirect_dma source(%dma_start3A_21 : memref<10000x128xf32, #tpu.memory_space<hbm>>) target(%dma_start3A_16 : memref<80x128xf32, #tpu.memory_space<vmem>>) offsets(%dma_start3A_18 : memref<80xi32, #tpu.memory_space<vmem>>) semaphore(%arg12 : memref<!tpu.dma_semaphore, #tpu.memory_space<semaphore_mem>>)
    %dma_start3A_22 = arith.constant 160 : i32
    %dma_start3A_23 = arith.constant 0 : i32
    %dma_start3A_24 = tpu.memref_slice %arg8[%dma_start3A_22, %dma_start3A_23] : memref<200x128xf32, #tpu.memory_space<vmem>> -> memref<40x128xf32, #tpu.memory_space<vmem>>
    %dma_start3A_25 = arith.constant 160 : i32
    %dma_start3A_26 = tpu.memref_slice %arg6[%dma_start3A_25] : memref<5000xi32, #tpu.memory_space<vmem>> -> memref<40xi32, #tpu.memory_space<vmem>>
    %dma_start3A_27 = arith.constant 0 : i32
    %dma_start3A_28 = arith.constant 0 : i32
    %dma_start3A_29 = tpu.memref_slice %arg2[%dma_start3A_27, %dma_start3A_28] : memref<10000x128xf32, #tpu.memory_space<hbm>> -> memref<10000x128xf32, #tpu.memory_space<hbm>>
    tpu.enqueue_indirect_dma source(%dma_start3A_29 : memref<10000x128xf32, #tpu.memory_space<hbm>>) target(%dma_start3A_24 : memref<40x128xf32, #tpu.memory_space<vmem>>) offsets(%dma_start3A_26 : memref<40xi32, #tpu.memory_space<vmem>>) semaphore(%arg12 : memref<!tpu.dma_semaphore, #tpu.memory_space<semaphore_mem>>)
    %dma_start3A_30 = arith.constant 0 : i32
    %dma_start3A_31 = arith.constant 0 : i32
    %dma_start3A_32 = tpu.memref_slice %arg9[%dma_start3A_30, %dma_start3A_31] : memref<200x128xf32, #tpu.memory_space<vmem>> -> memref<80x128xf32, #tpu.memory_space<vmem>>
    %dma_start3A_33 = arith.constant 0 : i32
    %dma_start3A_34 = tpu.memref_slice %arg7[%dma_start3A_33] : memref<5000xi32, #tpu.memory_space<vmem>> -> memref<80xi32, #tpu.memory_space<vmem>>
    %dma_start3A_35 = arith.constant 0 : i32
    %dma_start3A_36 = arith.constant 0 : i32
    %dma_start3A_37 = tpu.memref_slice %arg3[%dma_start3A_35, %dma_start3A_36] : memref<10000x128xf32, #tpu.memory_space<hbm>> -> memref<10000x128xf32, #tpu.memory_space<hbm>>
    tpu.enqueue_indirect_dma source(%dma_start3A_37 : memref<10000x128xf32, #tpu.memory_space<hbm>>) target(%dma_start3A_32 : memref<80x128xf32, #tpu.memory_space<vmem>>) offsets(%dma_start3A_34 : memref<80xi32, #tpu.memory_space<vmem>>) semaphore(%arg12 : memref<!tpu.dma_semaphore, #tpu.memory_space<semaphore_mem>>)
    %dma_start3A_38 = arith.constant 80 : i32
    %dma_start3A_39 = arith.constant 0 : i32
    %dma_start3A_40 = tpu.memref_slice %arg9[%dma_start3A_38, %dma_start3A_39] : memref<200x128xf32, #tpu.memory_space<vmem>> -> memref<80x128xf32, #tpu.memory_space<vmem>>
    %dma_start3A_41 = arith.constant 80 : i32
    %dma_start3A_42 = tpu.memref_slice %arg7[%dma_start3A_41] : memref<5000xi32, #tpu.memory_space<vmem>> -> memref<80xi32, #tpu.memory_space<vmem>>
    %dma_start3A_43 = arith.constant 0 : i32
    %dma_start3A_44 = arith.constant 0 : i32
    %dma_start3A_45 = tpu.memref_slice %arg3[%dma_start3A_43, %dma_start3A_44] : memref<10000x128xf32, #tpu.memory_space<hbm>> -> memref<10000x128xf32, #tpu.memory_space<hbm>>
    tpu.enqueue_indirect_dma source(%dma_start3A_45 : memref<10000x128xf32, #tpu.memory_space<hbm>>) target(%dma_start3A_40 : memref<80x128xf32, #tpu.memory_space<vmem>>) offsets(%dma_start3A_42 : memref<80xi32, #tpu.memory_space<vmem>>) semaphore(%arg12 : memref<!tpu.dma_semaphore, #tpu.memory_space<semaphore_mem>>)
    %dma_start3A_46 = arith.constant 160 : i32
    %dma_start3A_47 = arith.constant 0 : i32
    %dma_start3A_48 = tpu.memref_slice %arg9[%dma_start3A_46, %dma_start3A_47] : memref<200x128xf32, #tpu.memory_space<vmem>> -> memref<40x128xf32, #tpu.memory_space<vmem>>
    %dma_start3A_49 = arith.constant 160 : i32
    %dma_start3A_50 = tpu.memref_slice %arg7[%dma_start3A_49] : memref<5000xi32, #tpu.memory_space<vmem>> -> memref<40xi32, #tpu.memory_space<vmem>>
    %dma_start3A_51 = arith.constant 0 : i32
    %dma_start3A_52 = arith.constant 0 : i32
    %dma_start3A_53 = tpu.memref_slice %arg3[%dma_start3A_51, %dma_start3A_52] : memref<10000x128xf32, #tpu.memory_space<hbm>> -> memref<10000x128xf32, #tpu.memory_space<hbm>>
    tpu.enqueue_indirect_dma source(%dma_start3A_53 : memref<10000x128xf32, #tpu.memory_space<hbm>>) target(%dma_start3A_48 : memref<40x128xf32, #tpu.memory_space<vmem>>) offsets(%dma_start3A_50 : memref<40xi32, #tpu.memory_space<vmem>>) semaphore(%arg12 : memref<!tpu.dma_semaphore, #tpu.memory_space<semaphore_mem>>)
    %dma_wait3A = arith.constant 0 : i32
    %dma_wait3A_54 = arith.constant 0 : i32
    %dma_wait3A_55 = tpu.memref_slice %arg8[%dma_wait3A, %dma_wait3A_54] : memref<200x128xf32, #tpu.memory_space<vmem>> -> memref<80x128xf32, #tpu.memory_space<vmem>>
    %dma_wait3A_56 = arith.constant 0 : i32
    %dma_wait3A_57 = tpu.memref_slice %arg6[%dma_wait3A_56] : memref<5000xi32, #tpu.memory_space<vmem>> -> memref<80xi32, #tpu.memory_space<vmem>>
    %dma_wait3A_58 = arith.constant 0 : i32
    %dma_wait3A_59 = arith.constant 0 : i32
    %dma_wait3A_60 = tpu.memref_slice %arg2[%dma_wait3A_58, %dma_wait3A_59] : memref<10000x128xf32, #tpu.memory_space<hbm>> -> memref<10000x128xf32, #tpu.memory_space<hbm>>
    tpu.wait_indirect_dma semaphore(%arg12 : memref<!tpu.dma_semaphore, #tpu.memory_space<semaphore_mem>>) src(%dma_wait3A_60 : memref<10000x128xf32, #tpu.memory_space<hbm>>) dst(%dma_wait3A_55 : memref<80x128xf32, #tpu.memory_space<vmem>>)
    %dma_wait3A_61 = arith.constant 80 : i32
    %dma_wait3A_62 = arith.constant 0 : i32
    %dma_wait3A_63 = tpu.memref_slice %arg8[%dma_wait3A_61, %dma_wait3A_62] : memref<200x128xf32, #tpu.memory_space<vmem>> -> memref<80x128xf32, #tpu.memory_space<vmem>>
    %dma_wait3A_64 = arith.constant 80 : i32
    %dma_wait3A_65 = tpu.memref_slice %arg6[%dma_wait3A_64] : memref<5000xi32, #tpu.memory_space<vmem>> -> memref<80xi32, #tpu.memory_space<vmem>>
    %dma_wait3A_66 = arith.constant 0 : i32
    %dma_wait3A_67 = arith.constant 0 : i32
    %dma_wait3A_68 = tpu.memref_slice %arg2[%dma_wait3A_66, %dma_wait3A_67] : memref<10000x128xf32, #tpu.memory_space<hbm>> -> memref<10000x128xf32, #tpu.memory_space<hbm>>
    tpu.wait_indirect_dma semaphore(%arg12 : memref<!tpu.dma_semaphore, #tpu.memory_space<semaphore_mem>>) src(%dma_wait3A_68 : memref<10000x128xf32, #tpu.memory_space<hbm>>) dst(%dma_wait3A_63 : memref<80x128xf32, #tpu.memory_space<vmem>>)
    %dma_wait3A_69 = arith.constant 160 : i32
    %dma_wait3A_70 = arith.constant 0 : i32
    %dma_wait3A_71 = tpu.memref_slice %arg8[%dma_wait3A_69, %dma_wait3A_70] : memref<200x128xf32, #tpu.memory_space<vmem>> -> memref<40x128xf32, #tpu.memory_space<vmem>>
    %dma_wait3A_72 = arith.constant 160 : i32
    %dma_wait3A_73 = tpu.memref_slice %arg6[%dma_wait3A_72] : memref<5000xi32, #tpu.memory_space<vmem>> -> memref<40xi32, #tpu.memory_space<vmem>>
    %dma_wait3A_74 = arith.constant 0 : i32
    %dma_wait3A_75 = arith.constant 0 : i32
    %dma_wait3A_76 = tpu.memref_slice %arg2[%dma_wait3A_74, %dma_wait3A_75] : memref<10000x128xf32, #tpu.memory_space<hbm>> -> memref<10000x128xf32, #tpu.memory_space<hbm>>
    tpu.wait_indirect_dma semaphore(%arg12 : memref<!tpu.dma_semaphore, #tpu.memory_space<semaphore_mem>>) src(%dma_wait3A_76 : memref<10000x128xf32, #tpu.memory_space<hbm>>) dst(%dma_wait3A_71 : memref<40x128xf32, #tpu.memory_space<vmem>>)
    %dma_wait3A_77 = arith.constant 0 : i32
    %dma_wait3A_78 = arith.constant 0 : i32
    %dma_wait3A_79 = tpu.memref_slice %arg9[%dma_wait3A_77, %dma_wait3A_78] : memref<200x128xf32, #tpu.memory_space<vmem>> -> memref<80x128xf32, #tpu.memory_space<vmem>>
    %dma_wait3A_80 = arith.constant 0 : i32
    %dma_wait3A_81 = tpu.memref_slice %arg7[%dma_wait3A_80] : memref<5000xi32, #tpu.memory_space<vmem>> -> memref<80xi32, #tpu.memory_space<vmem>>
    %dma_wait3A_82 = arith.constant 0 : i32
    %dma_wait3A_83 = arith.constant 0 : i32
    %dma_wait3A_84 = tpu.memref_slice %arg3[%dma_wait3A_82, %dma_wait3A_83] : memref<10000x128xf32, #tpu.memory_space<hbm>> -> memref<10000x128xf32, #tpu.memory_space<hbm>>
    tpu.wait_indirect_dma semaphore(%arg12 : memref<!tpu.dma_semaphore, #tpu.memory_space<semaphore_mem>>) src(%dma_wait3A_84 : memref<10000x128xf32, #tpu.memory_space<hbm>>) dst(%dma_wait3A_79 : memref<80x128xf32, #tpu.memory_space<vmem>>)
    %dma_wait3A_85 = arith.constant 80 : i32
    %dma_wait3A_86 = arith.constant 0 : i32
    %dma_wait3A_87 = tpu.memref_slice %arg9[%dma_wait3A_85, %dma_wait3A_86] : memref<200x128xf32, #tpu.memory_space<vmem>> -> memref<80x128xf32, #tpu.memory_space<vmem>>
    %dma_wait3A_88 = arith.constant 80 : i32
    %dma_wait3A_89 = tpu.memref_slice %arg7[%dma_wait3A_88] : memref<5000xi32, #tpu.memory_space<vmem>> -> memref<80xi32, #tpu.memory_space<vmem>>
    %dma_wait3A_90 = arith.constant 0 : i32
    %dma_wait3A_91 = arith.constant 0 : i32
    %dma_wait3A_92 = tpu.memref_slice %arg3[%dma_wait3A_90, %dma_wait3A_91] : memref<10000x128xf32, #tpu.memory_space<hbm>> -> memref<10000x128xf32, #tpu.memory_space<hbm>>
    tpu.wait_indirect_dma semaphore(%arg12 : memref<!tpu.dma_semaphore, #tpu.memory_space<semaphore_mem>>) src(%dma_wait3A_92 : memref<10000x128xf32, #tpu.memory_space<hbm>>) dst(%dma_wait3A_87 : memref<80x128xf32, #tpu.memory_space<vmem>>)
    %dma_wait3A_93 = arith.constant 160 : i32
    %dma_wait3A_94 = arith.constant 0 : i32
    %dma_wait3A_95 = tpu.memref_slice %arg9[%dma_wait3A_93, %dma_wait3A_94] : memref<200x128xf32, #tpu.memory_space<vmem>> -> memref<40x128xf32, #tpu.memory_space<vmem>>
    %dma_wait3A_96 = arith.constant 160 : i32
    %dma_wait3A_97 = tpu.memref_slice %arg7[%dma_wait3A_96] : memref<5000xi32, #tpu.memory_space<vmem>> -> memref<40xi32, #tpu.memory_space<vmem>>
    %dma_wait3A_98 = arith.constant 0 : i32
    %dma_wait3A_99 = arith.constant 0 : i32
    %dma_wait3A_100 = tpu.memref_slice %arg3[%dma_wait3A_98, %dma_wait3A_99] : memref<10000x128xf32, #tpu.memory_space<hbm>> -> memref<10000x128xf32, #tpu.memory_space<hbm>>
    tpu.wait_indirect_dma semaphore(%arg12 : memref<!tpu.dma_semaphore, #tpu.memory_space<semaphore_mem>>) src(%dma_wait3A_100 : memref<10000x128xf32, #tpu.memory_space<hbm>>) dst(%dma_wait3A_95 : memref<40x128xf32, #tpu.memory_space<vmem>>)
    %scan3A = arith.constant 0 : i32
    %scan3A_101 = arith.constant 0 : i32
    %scan3A_102 = arith.constant 200 : i32
    %scan3A_103 = arith.addi %scan3A_101, %scan3A_102 : i32
    %scan3A_104 = arith.constant 1 : i32
    scf.for %scan3A_120 = %scan3A_101 to %scan3A_103 step %scan3A_104  : i32 {
      %get3A = arith.index_cast %scan3A_120 : i32 to index
      %get3A_121 = arith.constant 0 : index
      %get3A_122 = tpu.vector_load %arg8[%get3A, %get3A_121] {strides = array<i32>} : memref<200x128xf32, #tpu.memory_space<vmem>>, vector<1x16xf32>,
      %get3A_123 = vector.shape_cast %get3A_122 : vector<1x16xf32> to vector<16xf32>
      %get3A_124 = arith.index_cast %scan3A_120 : i32 to index
      %get3A_125 = arith.constant 0 : index
      %get3A_126 = tpu.vector_load %arg9[%get3A_124, %get3A_125] {strides = array<i32>} : memref<200x128xf32, #tpu.memory_space<vmem>>, vector<1x16xf32>,
      %get3A_127 = vector.shape_cast %get3A_126 : vector<1x16xf32> to vector<16xf32>
      %add3A_128 = arith.addf %get3A_123, %get3A_127 : vector<16xf32>
      %swap3A = arith.index_cast %scan3A_120 : i32 to index
      %swap3A_129 = arith.constant 0 : index
      %swap3A_130 = tpu.vector_load %arg8[%swap3A, %swap3A_129] {strides = array<i32>} : memref<200x128xf32, #tpu.memory_space<vmem>>, vector<1x16xf32>,
      %swap3A_131 = vector.shape_cast %swap3A_130 : vector<1x16xf32> to vector<16xf32>
      %swap3A_132 = vector.shape_cast %add3A_128 : vector<16xf32> to vector<1x16xf32>
      tpu.vector_store %arg8[%swap3A, %swap3A_129], %swap3A_132 {strides = array<i32>} : memref<200x128xf32, #tpu.memory_space<vmem>>, vector<1x16xf32>,
      %get3A_133 = arith.index_cast %scan3A_120 : i32 to index
      %get3A_134 = arith.constant 16 : index
      %get3A_135 = tpu.vector_load %arg8[%get3A_133, %get3A_134] {strides = array<i32>} : memref<200x128xf32, #tpu.memory_space<vmem>>, vector<1x16xf32>,
      %get3A_136 = vector.shape_cast %get3A_135 : vector<1x16xf32> to vector<16xf32>
      %get3A_137 = arith.index_cast %scan3A_120 : i32 to index
      %get3A_138 = arith.constant 16 : index
      %get3A_139 = tpu.vector_load %arg9[%get3A_137, %get3A_138] {strides = array<i32>} : memref<200x128xf32, #tpu.memory_space<vmem>>, vector<1x16xf32>,
      %get3A_140 = vector.shape_cast %get3A_139 : vector<1x16xf32> to vector<16xf32>
      %add3A_141 = arith.addf %get3A_136, %get3A_140 : vector<16xf32>
      %swap3A_142 = arith.index_cast %scan3A_120 : i32 to index
      %swap3A_143 = arith.constant 16 : index
      %swap3A_144 = tpu.vector_load %arg8[%swap3A_142, %swap3A_143] {strides = array<i32>} : memref<200x128xf32, #tpu.memory_space<vmem>>, vector<1x16xf32>,
      %swap3A_145 = vector.shape_cast %swap3A_144 : vector<1x16xf32> to vector<16xf32>
      %swap3A_146 = vector.shape_cast %add3A_141 : vector<16xf32> to vector<1x16xf32>
      tpu.vector_store %arg8[%swap3A_142, %swap3A_143], %swap3A_146 {strides = array<i32>} : memref<200x128xf32, #tpu.memory_space<vmem>>, vector<1x16xf32>,
      %get3A_147 = arith.index_cast %scan3A_120 : i32 to index
      %get3A_148 = arith.constant 32 : index
      %get3A_149 = tpu.vector_load %arg8[%get3A_147, %get3A_148] {strides = array<i32>} : memref<200x128xf32, #tpu.memory_space<vmem>>, vector<1x16xf32>,
      %get3A_150 = vector.shape_cast %get3A_149 : vector<1x16xf32> to vector<16xf32>
      %get3A_151 = arith.index_cast %scan3A_120 : i32 to index
      %get3A_152 = arith.constant 32 : index
      %get3A_153 = tpu.vector_load %arg9[%get3A_151, %get3A_152] {strides = array<i32>} : memref<200x128xf32, #tpu.memory_space<vmem>>, vector<1x16xf32>,
      %get3A_154 = vector.shape_cast %get3A_153 : vector<1x16xf32> to vector<16xf32>
      %add3A_155 = arith.addf %get3A_150, %get3A_154 : vector<16xf32>
      %swap3A_156 = arith.index_cast %scan3A_120 : i32 to index
      %swap3A_157 = arith.constant 32 : index
      %swap3A_158 = tpu.vector_load %arg8[%swap3A_156, %swap3A_157] {strides = array<i32>} : memref<200x128xf32, #tpu.memory_space<vmem>>, vector<1x16xf32>,
      %swap3A_159 = vector.shape_cast %swap3A_158 : vector<1x16xf32> to vector<16xf32>
      %swap3A_160 = vector.shape_cast %add3A_155 : vector<16xf32> to vector<1x16xf32>
      tpu.vector_store %arg8[%swap3A_156, %swap3A_157], %swap3A_160 {strides = array<i32>} : memref<200x128xf32, #tpu.memory_space<vmem>>, vector<1x16xf32>,
      %get3A_161 = arith.index_cast %scan3A_120 : i32 to index
      %get3A_162 = arith.constant 48 : index
      %get3A_163 = tpu.vector_load %arg8[%get3A_161, %get3A_162] {strides = array<i32>} : memref<200x128xf32, #tpu.memory_space<vmem>>, vector<1x16xf32>,
      %get3A_164 = vector.shape_cast %get3A_163 : vector<1x16xf32> to vector<16xf32>
      %get3A_165 = arith.index_cast %scan3A_120 : i32 to index
      %get3A_166 = arith.constant 48 : index
      %get3A_167 = tpu.vector_load %arg9[%get3A_165, %get3A_166] {strides = array<i32>} : memref<200x128xf32, #tpu.memory_space<vmem>>, vector<1x16xf32>,
      %get3A_168 = vector.shape_cast %get3A_167 : vector<1x16xf32> to vector<16xf32>
      %add3A_169 = arith.addf %get3A_164, %get3A_168 : vector<16xf32>
      %swap3A_170 = arith.index_cast %scan3A_120 : i32 to index
      %swap3A_171 = arith.constant 48 : index
      %swap3A_172 = tpu.vector_load %arg8[%swap3A_170, %swap3A_171] {strides = array<i32>} : memref<200x128xf32, #tpu.memory_space<vmem>>, vector<1x16xf32>,
      %swap3A_173 = vector.shape_cast %swap3A_172 : vector<1x16xf32> to vector<16xf32>
      %swap3A_174 = vector.shape_cast %add3A_169 : vector<16xf32> to vector<1x16xf32>
      tpu.vector_store %arg8[%swap3A_170, %swap3A_171], %swap3A_174 {strides = array<i32>} : memref<200x128xf32, #tpu.memory_space<vmem>>, vector<1x16xf32>,
      %get3A_175 = arith.index_cast %scan3A_120 : i32 to index
      %get3A_176 = arith.constant 64 : index
      %get3A_177 = tpu.vector_load %arg8[%get3A_175, %get3A_176] {strides = array<i32>} : memref<200x128xf32, #tpu.memory_space<vmem>>, vector<1x16xf32>,
      %get3A_178 = vector.shape_cast %get3A_177 : vector<1x16xf32> to vector<16xf32>
      %get3A_179 = arith.index_cast %scan3A_120 : i32 to index
      %get3A_180 = arith.constant 64 : index
      %get3A_181 = tpu.vector_load %arg9[%get3A_179, %get3A_180] {strides = array<i32>} : memref<200x128xf32, #tpu.memory_space<vmem>>, vector<1x16xf32>,
      %get3A_182 = vector.shape_cast %get3A_181 : vector<1x16xf32> to vector<16xf32>
      %add3A_183 = arith.addf %get3A_178, %get3A_182 : vector<16xf32>
      %swap3A_184 = arith.index_cast %scan3A_120 : i32 to index
      %swap3A_185 = arith.constant 64 : index
      %swap3A_186 = tpu.vector_load %arg8[%swap3A_184, %swap3A_185] {strides = array<i32>} : memref<200x128xf32, #tpu.memory_space<vmem>>, vector<1x16xf32>,
      %swap3A_187 = vector.shape_cast %swap3A_186 : vector<1x16xf32> to vector<16xf32>
      %swap3A_188 = vector.shape_cast %add3A_183 : vector<16xf32> to vector<1x16xf32>
      tpu.vector_store %arg8[%swap3A_184, %swap3A_185], %swap3A_188 {strides = array<i32>} : memref<200x128xf32, #tpu.memory_space<vmem>>, vector<1x16xf32>,
      %get3A_189 = arith.index_cast %scan3A_120 : i32 to index
      %get3A_190 = arith.constant 80 : index
      %get3A_191 = tpu.vector_load %arg8[%get3A_189, %get3A_190] {strides = array<i32>} : memref<200x128xf32, #tpu.memory_space<vmem>>, vector<1x16xf32>,
      %get3A_192 = vector.shape_cast %get3A_191 : vector<1x16xf32> to vector<16xf32>
      %get3A_193 = arith.index_cast %scan3A_120 : i32 to index
      %get3A_194 = arith.constant 80 : index
      %get3A_195 = tpu.vector_load %arg9[%get3A_193, %get3A_194] {strides = array<i32>} : memref<200x128xf32, #tpu.memory_space<vmem>>, vector<1x16xf32>,
      %get3A_196 = vector.shape_cast %get3A_195 : vector<1x16xf32> to vector<16xf32>
      %add3A_197 = arith.addf %get3A_192, %get3A_196 : vector<16xf32>
      %swap3A_198 = arith.index_cast %scan3A_120 : i32 to index
      %swap3A_199 = arith.constant 80 : index
      %swap3A_200 = tpu.vector_load %arg8[%swap3A_198, %swap3A_199] {strides = array<i32>} : memref<200x128xf32, #tpu.memory_space<vmem>>, vector<1x16xf32>,
      %swap3A_201 = vector.shape_cast %swap3A_200 : vector<1x16xf32> to vector<16xf32>
      %swap3A_202 = vector.shape_cast %add3A_197 : vector<16xf32> to vector<1x16xf32>
      tpu.vector_store %arg8[%swap3A_198, %swap3A_199], %swap3A_202 {strides = array<i32>} : memref<200x128xf32, #tpu.memory_space<vmem>>, vector<1x16xf32>,
      %get3A_203 = arith.index_cast %scan3A_120 : i32 to index
      %get3A_204 = arith.constant 96 : index
      %get3A_205 = tpu.vector_load %arg8[%get3A_203, %get3A_204] {strides = array<i32>} : memref<200x128xf32, #tpu.memory_space<vmem>>, vector<1x16xf32>,
      %get3A_206 = vector.shape_cast %get3A_205 : vector<1x16xf32> to vector<16xf32>
      %get3A_207 = arith.index_cast %scan3A_120 : i32 to index
      %get3A_208 = arith.constant 96 : index
      %get3A_209 = tpu.vector_load %arg9[%get3A_207, %get3A_208] {strides = array<i32>} : memref<200x128xf32, #tpu.memory_space<vmem>>, vector<1x16xf32>,
      %get3A_210 = vector.shape_cast %get3A_209 : vector<1x16xf32> to vector<16xf32>
      %add3A_211 = arith.addf %get3A_206, %get3A_210 : vector<16xf32>
      %swap3A_212 = arith.index_cast %scan3A_120 : i32 to index
      %swap3A_213 = arith.constant 96 : index
      %swap3A_214 = tpu.vector_load %arg8[%swap3A_212, %swap3A_213] {strides = array<i32>} : memref<200x128xf32, #tpu.memory_space<vmem>>, vector<1x16xf32>,
      %swap3A_215 = vector.shape_cast %swap3A_214 : vector<1x16xf32> to vector<16xf32>
      %swap3A_216 = vector.shape_cast %add3A_211 : vector<16xf32> to vector<1x16xf32>
      tpu.vector_store %arg8[%swap3A_212, %swap3A_213], %swap3A_216 {strides = array<i32>} : memref<200x128xf32, #tpu.memory_space<vmem>>, vector<1x16xf32>,
      %get3A_217 = arith.index_cast %scan3A_120 : i32 to index
      %get3A_218 = arith.constant 112 : index
      %get3A_219 = tpu.vector_load %arg8[%get3A_217, %get3A_218] {strides = array<i32>} : memref<200x128xf32, #tpu.memory_space<vmem>>, vector<1x16xf32>,
      %get3A_220 = vector.shape_cast %get3A_219 : vector<1x16xf32> to vector<16xf32>
      %get3A_221 = arith.index_cast %scan3A_120 : i32 to index
      %get3A_222 = arith.constant 112 : index
      %get3A_223 = tpu.vector_load %arg9[%get3A_221, %get3A_222] {strides = array<i32>} : memref<200x128xf32, #tpu.memory_space<vmem>>, vector<1x16xf32>,
      %get3A_224 = vector.shape_cast %get3A_223 : vector<1x16xf32> to vector<16xf32>
      %add3A_225 = arith.addf %get3A_220, %get3A_224 : vector<16xf32>
      %swap3A_226 = arith.index_cast %scan3A_120 : i32 to index
      %swap3A_227 = arith.constant 112 : index
      %swap3A_228 = tpu.vector_load %arg8[%swap3A_226, %swap3A_227] {strides = array<i32>} : memref<200x128xf32, #tpu.memory_space<vmem>>, vector<1x16xf32>,
      %swap3A_229 = vector.shape_cast %swap3A_228 : vector<1x16xf32> to vector<16xf32>
      %swap3A_230 = vector.shape_cast %add3A_225 : vector<16xf32> to vector<1x16xf32>
      tpu.vector_store %arg8[%swap3A_226, %swap3A_227], %swap3A_230 {strides = array<i32>} : memref<200x128xf32, #tpu.memory_space<vmem>>, vector<1x16xf32>,
    }
    %scan3A_105 = arith.constant 200 : i32
    %scan3A_106 = arith.constant 0 : i32
    %scan3A_107 = arith.constant 0 : i32
    %scan3A_108 = arith.constant 12 : i32
    %scan3A_109 = arith.addi %scan3A_107, %scan3A_108 : i32
    %scan3A_110 = arith.constant 1 : i32
    scf.for %scan3A_120 = %scan3A_107 to %scan3A_109 step %scan3A_110  : i32 {
      %mul3A_121 = arith.constant 2 : i32
      %mul3A_122 = arith.muli %mul3A_121, %scan3A_120 : i32
      %gt3A = arith.constant 0 : i32
      %gt3A_123 = arith.cmpi sgt, %scan3A_120, %gt3A : i32
      %convert_element_type3A = arith.extui %gt3A_123 : i1 to i32
      %cond3A = arith.constant 0 : i32
      %cond3A_124 = arith.cmpi ne, %convert_element_type3A, %cond3A : i32
      scf.if %cond3A_124 {
        %sub3A = arith.constant 1 : i32
        %sub3A_380 = arith.subi %mul3A_122, %sub3A : i32
        %mul3A_381 = arith.constant 200 : i32
        %mul3A_382 = arith.muli %sub3A_380, %mul3A_381 : i32
        %add3A_383 = arith.addi %mul3A_2, %mul3A_382 : i32
        %dma_wait3A_384 = arith.constant 0 : i32
        %dma_wait3A_385 = tpu.memref_slice %arg5[%add3A_383, %dma_wait3A_384] : memref<160000x128xf32, #tpu.memory_space<hbm>> -> memref<200x128xf32, #tpu.memory_space<hbm>>
        %dma_wait3A_386 = arith.constant 0 : i32
        %dma_wait3A_387 = tpu.memref_slice %arg5[%add3A_383, %dma_wait3A_386] : memref<160000x128xf32, #tpu.memory_space<hbm>> -> memref<200x128xf32, #tpu.memory_space<hbm>>
        tpu.wait_dma2 semaphore(%arg15 : memref<!tpu.dma_semaphore, #tpu.memory_space<semaphore_mem>>) src(%arg10 : memref<200x128xf32, #tpu.memory_space<vmem>>) dst(%dma_wait3A_387 : memref<200x128xf32, #tpu.memory_space<hbm>>)
      } else {
      }
      %add3A_125 = arith.constant 1 : i32
      %add3A_126 = arith.addi %mul3A_122, %add3A_125 : i32
      %mul3A_127 = arith.constant 200 : i32
      %mul3A_128 = arith.muli %add3A_126, %mul3A_127 : i32
      %add3A_129 = arith.constant 0 : i32
      %add3A_130 = arith.addi %mul3A_128, %add3A_129 : i32
      %dma_start3A_131 = arith.constant 0 : i32
      %dma_start3A_132 = arith.constant 0 : i32
      %dma_start3A_133 = tpu.memref_slice %arg10[%dma_start3A_131, %dma_start3A_132] : memref<200x128xf32, #tpu.memory_space<vmem>> -> memref<80x128xf32, #tpu.memory_space<vmem>>
      %dma_start3A_134 = tpu.memref_slice %arg6[%add3A_130] : memref<5000xi32, #tpu.memory_space<vmem>> -> memref<80xi32, #tpu.memory_space<vmem>>
      %dma_start3A_135 = arith.constant 0 : i32
      %dma_start3A_136 = arith.constant 0 : i32
      %dma_start3A_137 = tpu.memref_slice %arg2[%dma_start3A_135, %dma_start3A_136] : memref<10000x128xf32, #tpu.memory_space<hbm>> -> memref<10000x128xf32, #tpu.memory_space<hbm>>
      tpu.enqueue_indirect_dma source(%dma_start3A_137 : memref<10000x128xf32, #tpu.memory_space<hbm>>) target(%dma_start3A_133 : memref<80x128xf32, #tpu.memory_space<vmem>>) offsets(%dma_start3A_134 : memref<80xi32, #tpu.memory_space<vmem>>) semaphore(%arg13 : memref<!tpu.dma_semaphore, #tpu.memory_space<semaphore_mem>>)
      %mul3A_138 = arith.constant 200 : i32
      %mul3A_139 = arith.muli %add3A_126, %mul3A_138 : i32
      %add3A_140 = arith.constant 80 : i32
      %add3A_141 = arith.addi %mul3A_139, %add3A_140 : i32
      %dma_start3A_142 = arith.constant 80 : i32
      %dma_start3A_143 = arith.constant 0 : i32
      %dma_start3A_144 = tpu.memref_slice %arg10[%dma_start3A_142, %dma_start3A_143] : memref<200x128xf32, #tpu.memory_space<vmem>> -> memref<80x128xf32, #tpu.memory_space<vmem>>
      %dma_start3A_145 = tpu.memref_slice %arg6[%add3A_141] : memref<5000xi32, #tpu.memory_space<vmem>> -> memref<80xi32, #tpu.memory_space<vmem>>
      %dma_start3A_146 = arith.constant 0 : i32
      %dma_start3A_147 = arith.constant 0 : i32
      %dma_start3A_148 = tpu.memref_slice %arg2[%dma_start3A_146, %dma_start3A_147] : memref<10000x128xf32, #tpu.memory_space<hbm>> -> memref<10000x128xf32, #tpu.memory_space<hbm>>
      tpu.enqueue_indirect_dma source(%dma_start3A_148 : memref<10000x128xf32, #tpu.memory_space<hbm>>) target(%dma_start3A_144 : memref<80x128xf32, #tpu.memory_space<vmem>>) offsets(%dma_start3A_145 : memref<80xi32, #tpu.memory_space<vmem>>) semaphore(%arg13 : memref<!tpu.dma_semaphore, #tpu.memory_space<semaphore_mem>>)
      %mul3A_149 = arith.constant 200 : i32
      %mul3A_150 = arith.muli %add3A_126, %mul3A_149 : i32
      %add3A_151 = arith.constant 160 : i32
      %add3A_152 = arith.addi %mul3A_150, %add3A_151 : i32
      %dma_start3A_153 = arith.constant 160 : i32
      %dma_start3A_154 = arith.constant 0 : i32
      %dma_start3A_155 = tpu.memref_slice %arg10[%dma_start3A_153, %dma_start3A_154] : memref<200x128xf32, #tpu.memory_space<vmem>> -> memref<40x128xf32, #tpu.memory_space<vmem>>
      %dma_start3A_156 = tpu.memref_slice %arg6[%add3A_152] : memref<5000xi32, #tpu.memory_space<vmem>> -> memref<40xi32, #tpu.memory_space<vmem>>
      %dma_start3A_157 = arith.constant 0 : i32
      %dma_start3A_158 = arith.constant 0 : i32
      %dma_start3A_159 = tpu.memref_slice %arg2[%dma_start3A_157, %dma_start3A_158] : memref<10000x128xf32, #tpu.memory_space<hbm>> -> memref<10000x128xf32, #tpu.memory_space<hbm>>
      tpu.enqueue_indirect_dma source(%dma_start3A_159 : memref<10000x128xf32, #tpu.memory_space<hbm>>) target(%dma_start3A_155 : memref<40x128xf32, #tpu.memory_space<vmem>>) offsets(%dma_start3A_156 : memref<40xi32, #tpu.memory_space<vmem>>) semaphore(%arg13 : memref<!tpu.dma_semaphore, #tpu.memory_space<semaphore_mem>>)
      %mul3A_160 = arith.constant 200 : i32
      %mul3A_161 = arith.muli %add3A_126, %mul3A_160 : i32
      %add3A_162 = arith.constant 0 : i32
      %add3A_163 = arith.addi %mul3A_161, %add3A_162 : i32
      %dma_start3A_164 = arith.constant 0 : i32
      %dma_start3A_165 = arith.constant 0 : i32
      %dma_start3A_166 = tpu.memref_slice %arg11[%dma_start3A_164, %dma_start3A_165] : memref<200x128xf32, #tpu.memory_space<vmem>> -> memref<80x128xf32, #tpu.memory_space<vmem>>
      %dma_start3A_167 = tpu.memref_slice %arg7[%add3A_163] : memref<5000xi32, #tpu.memory_space<vmem>> -> memref<80xi32, #tpu.memory_space<vmem>>
      %dma_start3A_168 = arith.constant 0 : i32
      %dma_start3A_169 = arith.constant 0 : i32
      %dma_start3A_170 = tpu.memref_slice %arg3[%dma_start3A_168, %dma_start3A_169] : memref<10000x128xf32, #tpu.memory_space<hbm>> -> memref<10000x128xf32, #tpu.memory_space<hbm>>
      tpu.enqueue_indirect_dma source(%dma_start3A_170 : memref<10000x128xf32, #tpu.memory_space<hbm>>) target(%dma_start3A_166 : memref<80x128xf32, #tpu.memory_space<vmem>>) offsets(%dma_start3A_167 : memref<80xi32, #tpu.memory_space<vmem>>) semaphore(%arg13 : memref<!tpu.dma_semaphore, #tpu.memory_space<semaphore_mem>>)
      %mul3A_171 = arith.constant 200 : i32
      %mul3A_172 = arith.muli %add3A_126, %mul3A_171 : i32
      %add3A_173 = arith.constant 80 : i32
      %add3A_174 = arith.addi %mul3A_172, %add3A_173 : i32
      %dma_start3A_175 = arith.constant 80 : i32
      %dma_start3A_176 = arith.constant 0 : i32
      %dma_start3A_177 = tpu.memref_slice %arg11[%dma_start3A_175, %dma_start3A_176] : memref<200x128xf32, #tpu.memory_space<vmem>> -> memref<80x128xf32, #tpu.memory_space<vmem>>
      %dma_start3A_178 = tpu.memref_slice %arg7[%add3A_174] : memref<5000xi32, #tpu.memory_space<vmem>> -> memref<80xi32, #tpu.memory_space<vmem>>
      %dma_start3A_179 = arith.constant 0 : i32
      %dma_start3A_180 = arith.constant 0 : i32
      %dma_start3A_181 = tpu.memref_slice %arg3[%dma_start3A_179, %dma_start3A_180] : memref<10000x128xf32, #tpu.memory_space<hbm>> -> memref<10000x128xf32, #tpu.memory_space<hbm>>
      tpu.enqueue_indirect_dma source(%dma_start3A_181 : memref<10000x128xf32, #tpu.memory_space<hbm>>) target(%dma_start3A_177 : memref<80x128xf32, #tpu.memory_space<vmem>>) offsets(%dma_start3A_178 : memref<80xi32, #tpu.memory_space<vmem>>) semaphore(%arg13 : memref<!tpu.dma_semaphore, #tpu.memory_space<semaphore_mem>>)
      %mul3A_182 = arith.constant 200 : i32
      %mul3A_183 = arith.muli %add3A_126, %mul3A_182 : i32
      %add3A_184 = arith.constant 160 : i32
      %add3A_185 = arith.addi %mul3A_183, %add3A_184 : i32
      %dma_start3A_186 = arith.constant 160 : i32
      %dma_start3A_187 = arith.constant 0 : i32
      %dma_start3A_188 = tpu.memref_slice %arg11[%dma_start3A_186, %dma_start3A_187] : memref<200x128xf32, #tpu.memory_space<vmem>> -> memref<40x128xf32, #tpu.memory_space<vmem>>
      %dma_start3A_189 = tpu.memref_slice %arg7[%add3A_185] : memref<5000xi32, #tpu.memory_space<vmem>> -> memref<40xi32, #tpu.memory_space<vmem>>
      %dma_start3A_190 = arith.constant 0 : i32
      %dma_start3A_191 = arith.constant 0 : i32
      %dma_start3A_192 = tpu.memref_slice %arg3[%dma_start3A_190, %dma_start3A_191] : memref<10000x128xf32, #tpu.memory_space<hbm>> -> memref<10000x128xf32, #tpu.memory_space<hbm>>
      tpu.enqueue_indirect_dma source(%dma_start3A_192 : memref<10000x128xf32, #tpu.memory_space<hbm>>) target(%dma_start3A_188 : memref<40x128xf32, #tpu.memory_space<vmem>>) offsets(%dma_start3A_189 : memref<40xi32, #tpu.memory_space<vmem>>) semaphore(%arg13 : memref<!tpu.dma_semaphore, #tpu.memory_space<semaphore_mem>>)
      %mul3A_193 = arith.constant 200 : i32
      %mul3A_194 = arith.muli %mul3A_122, %mul3A_193 : i32
      %add3A_195 = arith.addi %mul3A_2, %mul3A_194 : i32
      %dma_start3A_196 = arith.constant 0 : i32
      %dma_start3A_197 = tpu.memref_slice %arg5[%add3A_195, %dma_start3A_196] : memref<160000x128xf32, #tpu.memory_space<hbm>> -> memref<200x128xf32, #tpu.memory_space<hbm>>
      %dma_start3A_198 = arith.constant 0 : i32
      %dma_start3A_199 = tpu.memref_slice %arg5[%add3A_195, %dma_start3A_198] : memref<160000x128xf32, #tpu.memory_space<hbm>> -> memref<200x128xf32, #tpu.memory_space<hbm>>
      tpu.enqueue_dma source(%arg8 : memref<200x128xf32, #tpu.memory_space<vmem>>) target(%dma_start3A_199 : memref<200x128xf32, #tpu.memory_space<hbm>>) target_semaphore(%arg14 : memref<!tpu.dma_semaphore, #tpu.memory_space<semaphore_mem>>)
      %dma_wait3A_200 = arith.constant 0 : i32
      %dma_wait3A_201 = arith.constant 0 : i32
      %dma_wait3A_202 = tpu.memref_slice %arg10[%dma_wait3A_200, %dma_wait3A_201] : memref<200x128xf32, #tpu.memory_space<vmem>> -> memref<80x128xf32, #tpu.memory_space<vmem>>
      %dma_wait3A_203 = tpu.memref_slice %arg6[%add3A_130] : memref<5000xi32, #tpu.memory_space<vmem>> -> memref<80xi32, #tpu.memory_space<vmem>>
      %dma_wait3A_204 = arith.constant 0 : i32
      %dma_wait3A_205 = arith.constant 0 : i32
      %dma_wait3A_206 = tpu.memref_slice %arg2[%dma_wait3A_204, %dma_wait3A_205] : memref<10000x128xf32, #tpu.memory_space<hbm>> -> memref<10000x128xf32, #tpu.memory_space<hbm>>
      tpu.wait_indirect_dma semaphore(%arg13 : memref<!tpu.dma_semaphore, #tpu.memory_space<semaphore_mem>>) src(%dma_wait3A_206 : memref<10000x128xf32, #tpu.memory_space<hbm>>) dst(%dma_wait3A_202 : memref<80x128xf32, #tpu.memory_space<vmem>>)
      %dma_wait3A_207 = arith.constant 80 : i32
      %dma_wait3A_208 = arith.constant 0 : i32
      %dma_wait3A_209 = tpu.memref_slice %arg10[%dma_wait3A_207, %dma_wait3A_208] : memref<200x128xf32, #tpu.memory_space<vmem>> -> memref<80x128xf32, #tpu.memory_space<vmem>>
      %dma_wait3A_210 = tpu.memref_slice %arg6[%add3A_141] : memref<5000xi32, #tpu.memory_space<vmem>> -> memref<80xi32, #tpu.memory_space<vmem>>
      %dma_wait3A_211 = arith.constant 0 : i32
      %dma_wait3A_212 = arith.constant 0 : i32
      %dma_wait3A_213 = tpu.memref_slice %arg2[%dma_wait3A_211, %dma_wait3A_212] : memref<10000x128xf32, #tpu.memory_space<hbm>> -> memref<10000x128xf32, #tpu.memory_space<hbm>>
      tpu.wait_indirect_dma semaphore(%arg13 : memref<!tpu.dma_semaphore, #tpu.memory_space<semaphore_mem>>) src(%dma_wait3A_213 : memref<10000x128xf32, #tpu.memory_space<hbm>>) dst(%dma_wait3A_209 : memref<80x128xf32, #tpu.memory_space<vmem>>)
      %dma_wait3A_214 = arith.constant 160 : i32
      %dma_wait3A_215 = arith.constant 0 : i32
      %dma_wait3A_216 = tpu.memref_slice %arg10[%dma_wait3A_214, %dma_wait3A_215] : memref<200x128xf32, #tpu.memory_space<vmem>> -> memref<40x128xf32, #tpu.memory_space<vmem>>
      %dma_wait3A_217 = tpu.memref_slice %arg6[%add3A_152] : memref<5000xi32, #tpu.memory_space<vmem>> -> memref<40xi32, #tpu.memory_space<vmem>>
      %dma_wait3A_218 = arith.constant 0 : i32
      %dma_wait3A_219 = arith.constant 0 : i32
      %dma_wait3A_220 = tpu.memref_slice %arg2[%dma_wait3A_218, %dma_wait3A_219] : memref<10000x128xf32, #tpu.memory_space<hbm>> -> memref<10000x128xf32, #tpu.memory_space<hbm>>
      tpu.wait_indirect_dma semaphore(%arg13 : memref<!tpu.dma_semaphore, #tpu.memory_space<semaphore_mem>>) src(%dma_wait3A_220 : memref<10000x128xf32, #tpu.memory_space<hbm>>) dst(%dma_wait3A_216 : memref<40x128xf32, #tpu.memory_space<vmem>>)
      %dma_wait3A_221 = arith.constant 0 : i32
      %dma_wait3A_222 = arith.constant 0 : i32
      %dma_wait3A_223 = tpu.memref_slice %arg11[%dma_wait3A_221, %dma_wait3A_222] : memref<200x128xf32, #tpu.memory_space<vmem>> -> memref<80x128xf32, #tpu.memory_space<vmem>>
      %dma_wait3A_224 = tpu.memref_slice %arg7[%add3A_163] : memref<5000xi32, #tpu.memory_space<vmem>> -> memref<80xi32, #tpu.memory_space<vmem>>
      %dma_wait3A_225 = arith.constant 0 : i32
      %dma_wait3A_226 = arith.constant 0 : i32
      %dma_wait3A_227 = tpu.memref_slice %arg3[%dma_wait3A_225, %dma_wait3A_226] : memref<10000x128xf32, #tpu.memory_space<hbm>> -> memref<10000x128xf32, #tpu.memory_space<hbm>>
      tpu.wait_indirect_dma semaphore(%arg13 : memref<!tpu.dma_semaphore, #tpu.memory_space<semaphore_mem>>) src(%dma_wait3A_227 : memref<10000x128xf32, #tpu.memory_space<hbm>>) dst(%dma_wait3A_223 : memref<80x128xf32, #tpu.memory_space<vmem>>)
      %dma_wait3A_228 = arith.constant 80 : i32
      %dma_wait3A_229 = arith.constant 0 : i32
      %dma_wait3A_230 = tpu.memref_slice %arg11[%dma_wait3A_228, %dma_wait3A_229] : memref<200x128xf32, #tpu.memory_space<vmem>> -> memref<80x128xf32, #tpu.memory_space<vmem>>
      %dma_wait3A_231 = tpu.memref_slice %arg7[%add3A_174] : memref<5000xi32, #tpu.memory_space<vmem>> -> memref<80xi32, #tpu.memory_space<vmem>>
      %dma_wait3A_232 = arith.constant 0 : i32
      %dma_wait3A_233 = arith.constant 0 : i32
      %dma_wait3A_234 = tpu.memref_slice %arg3[%dma_wait3A_232, %dma_wait3A_233] : memref<10000x128xf32, #tpu.memory_space<hbm>> -> memref<10000x128xf32, #tpu.memory_space<hbm>>
      tpu.wait_indirect_dma semaphore(%arg13 : memref<!tpu.dma_semaphore, #tpu.memory_space<semaphore_mem>>) src(%dma_wait3A_234 : memref<10000x128xf32, #tpu.memory_space<hbm>>) dst(%dma_wait3A_230 : memref<80x128xf32, #tpu.memory_space<vmem>>)
      %dma_wait3A_235 = arith.constant 160 : i32
      %dma_wait3A_236 = arith.constant 0 : i32
      %dma_wait3A_237 = tpu.memref_slice %arg11[%dma_wait3A_235, %dma_wait3A_236] : memref<200x128xf32, #tpu.memory_space<vmem>> -> memref<40x128xf32, #tpu.memory_space<vmem>>
      %dma_wait3A_238 = tpu.memref_slice %arg7[%add3A_185] : memref<5000xi32, #tpu.memory_space<vmem>> -> memref<40xi32, #tpu.memory_space<vmem>>
      %dma_wait3A_239 = arith.constant 0 : i32
      %dma_wait3A_240 = arith.constant 0 : i32
      %dma_wait3A_241 = tpu.memref_slice %arg3[%dma_wait3A_239, %dma_wait3A_240] : memref<10000x128xf32, #tpu.memory_space<hbm>> -> memref<10000x128xf32, #tpu.memory_space<hbm>>
      tpu.wait_indirect_dma semaphore(%arg13 : memref<!tpu.dma_semaphore, #tpu.memory_space<semaphore_mem>>) src(%dma_wait3A_241 : memref<10000x128xf32, #tpu.memory_space<hbm>>) dst(%dma_wait3A_237 : memref<40x128xf32, #tpu.memory_space<vmem>>)
      %scan3A_242 = arith.constant 0 : i32
      %scan3A_243 = arith.constant 0 : i32
      %scan3A_244 = arith.constant 200 : i32
      %scan3A_245 = arith.addi %scan3A_243, %scan3A_244 : i32
      %scan3A_246 = arith.constant 1 : i32
      scf.for %scan3A_380 = %scan3A_243 to %scan3A_245 step %scan3A_246  : i32 {
        %get3A = arith.index_cast %scan3A_380 : i32 to index
        %get3A_381 = arith.constant 0 : index
        %get3A_382 = tpu.vector_load %arg10[%get3A, %get3A_381] {strides = array<i32>} : memref<200x128xf32, #tpu.memory_space<vmem>>, vector<1x16xf32>,
        %get3A_383 = vector.shape_cast %get3A_382 : vector<1x16xf32> to vector<16xf32>
        %get3A_384 = arith.index_cast %scan3A_380 : i32 to index
        %get3A_385 = arith.constant 0 : index
        %get3A_386 = tpu.vector_load %arg11[%get3A_384, %get3A_385] {strides = array<i32>} : memref<200x128xf32, #tpu.memory_space<vmem>>, vector<1x16xf32>,
        %get3A_387 = vector.shape_cast %get3A_386 : vector<1x16xf32> to vector<16xf32>
        %add3A_388 = arith.addf %get3A_383, %get3A_387 : vector<16xf32>
        %swap3A = arith.index_cast %scan3A_380 : i32 to index
        %swap3A_389 = arith.constant 0 : index
        %swap3A_390 = tpu.vector_load %arg10[%swap3A, %swap3A_389] {strides = array<i32>} : memref<200x128xf32, #tpu.memory_space<vmem>>, vector<1x16xf32>,
        %swap3A_391 = vector.shape_cast %swap3A_390 : vector<1x16xf32> to vector<16xf32>
        %swap3A_392 = vector.shape_cast %add3A_388 : vector<16xf32> to vector<1x16xf32>
        tpu.vector_store %arg10[%swap3A, %swap3A_389], %swap3A_392 {strides = array<i32>} : memref<200x128xf32, #tpu.memory_space<vmem>>, vector<1x16xf32>,
        %get3A_393 = arith.index_cast %scan3A_380 : i32 to index
        %get3A_394 = arith.constant 16 : index
        %get3A_395 = tpu.vector_load %arg10[%get3A_393, %get3A_394] {strides = array<i32>} : memref<200x128xf32, #tpu.memory_space<vmem>>, vector<1x16xf32>,
        %get3A_396 = vector.shape_cast %get3A_395 : vector<1x16xf32> to vector<16xf32>
        %get3A_397 = arith.index_cast %scan3A_380 : i32 to index
        %get3A_398 = arith.constant 16 : index
        %get3A_399 = tpu.vector_load %arg11[%get3A_397, %get3A_398] {strides = array<i32>} : memref<200x128xf32, #tpu.memory_space<vmem>>, vector<1x16xf32>,
        %get3A_400 = vector.shape_cast %get3A_399 : vector<1x16xf32> to vector<16xf32>
        %add3A_401 = arith.addf %get3A_396, %get3A_400 : vector<16xf32>
        %swap3A_402 = arith.index_cast %scan3A_380 : i32 to index
        %swap3A_403 = arith.constant 16 : index
        %swap3A_404 = tpu.vector_load %arg10[%swap3A_402, %swap3A_403] {strides = array<i32>} : memref<200x128xf32, #tpu.memory_space<vmem>>, vector<1x16xf32>,
        %swap3A_405 = vector.shape_cast %swap3A_404 : vector<1x16xf32> to vector<16xf32>
        %swap3A_406 = vector.shape_cast %add3A_401 : vector<16xf32> to vector<1x16xf32>
        tpu.vector_store %arg10[%swap3A_402, %swap3A_403], %swap3A_406 {strides = array<i32>} : memref<200x128xf32, #tpu.memory_space<vmem>>, vector<1x16xf32>,
        %get3A_407 = arith.index_cast %scan3A_380 : i32 to index
        %get3A_408 = arith.constant 32 : index
        %get3A_409 = tpu.vector_load %arg10[%get3A_407, %get3A_408] {strides = array<i32>} : memref<200x128xf32, #tpu.memory_space<vmem>>, vector<1x16xf32>,
        %get3A_410 = vector.shape_cast %get3A_409 : vector<1x16xf32> to vector<16xf32>
        %get3A_411 = arith.index_cast %scan3A_380 : i32 to index
        %get3A_412 = arith.constant 32 : index
        %get3A_413 = tpu.vector_load %arg11[%get3A_411, %get3A_412] {strides = array<i32>} : memref<200x128xf32, #tpu.memory_space<vmem>>, vector<1x16xf32>,
        %get3A_414 = vector.shape_cast %get3A_413 : vector<1x16xf32> to vector<16xf32>
        %add3A_415 = arith.addf %get3A_410, %get3A_414 : vector<16xf32>
        %swap3A_416 = arith.index_cast %scan3A_380 : i32 to index
        %swap3A_417 = arith.constant 32 : index
        %swap3A_418 = tpu.vector_load %arg10[%swap3A_416, %swap3A_417] {strides = array<i32>} : memref<200x128xf32, #tpu.memory_space<vmem>>, vector<1x16xf32>,
        %swap3A_419 = vector.shape_cast %swap3A_418 : vector<1x16xf32> to vector<16xf32>
        %swap3A_420 = vector.shape_cast %add3A_415 : vector<16xf32> to vector<1x16xf32>
        tpu.vector_store %arg10[%swap3A_416, %swap3A_417], %swap3A_420 {strides = array<i32>} : memref<200x128xf32, #tpu.memory_space<vmem>>, vector<1x16xf32>,
        %get3A_421 = arith.index_cast %scan3A_380 : i32 to index
        %get3A_422 = arith.constant 48 : index
        %get3A_423 = tpu.vector_load %arg10[%get3A_421, %get3A_422] {strides = array<i32>} : memref<200x128xf32, #tpu.memory_space<vmem>>, vector<1x16xf32>,
        %get3A_424 = vector.shape_cast %get3A_423 : vector<1x16xf32> to vector<16xf32>
        %get3A_425 = arith.index_cast %scan3A_380 : i32 to index
        %get3A_426 = arith.constant 48 : index
        %get3A_427 = tpu.vector_load %arg11[%get3A_425, %get3A_426] {strides = array<i32>} : memref<200x128xf32, #tpu.memory_space<vmem>>, vector<1x16xf32>,
        %get3A_428 = vector.shape_cast %get3A_427 : vector<1x16xf32> to vector<16xf32>
        %add3A_429 = arith.addf %get3A_424, %get3A_428 : vector<16xf32>
        %swap3A_430 = arith.index_cast %scan3A_380 : i32 to index
        %swap3A_431 = arith.constant 48 : index
        %swap3A_432 = tpu.vector_load %arg10[%swap3A_430, %swap3A_431] {strides = array<i32>} : memref<200x128xf32, #tpu.memory_space<vmem>>, vector<1x16xf32>,
        %swap3A_433 = vector.shape_cast %swap3A_432 : vector<1x16xf32> to vector<16xf32>
        %swap3A_434 = vector.shape_cast %add3A_429 : vector<16xf32> to vector<1x16xf32>
        tpu.vector_store %arg10[%swap3A_430, %swap3A_431], %swap3A_434 {strides = array<i32>} : memref<200x128xf32, #tpu.memory_space<vmem>>, vector<1x16xf32>,
        %get3A_435 = arith.index_cast %scan3A_380 : i32 to index
        %get3A_436 = arith.constant 64 : index
        %get3A_437 = tpu.vector_load %arg10[%get3A_435, %get3A_436] {strides = array<i32>} : memref<200x128xf32, #tpu.memory_space<vmem>>, vector<1x16xf32>,
        %get3A_438 = vector.shape_cast %get3A_437 : vector<1x16xf32> to vector<16xf32>
        %get3A_439 = arith.index_cast %scan3A_380 : i32 to index
        %get3A_440 = arith.constant 64 : index
        %get3A_441 = tpu.vector_load %arg11[%get3A_439, %get3A_440] {strides = array<i32>} : memref<200x128xf32, #tpu.memory_space<vmem>>, vector<1x16xf32>,
        %get3A_442 = vector.shape_cast %get3A_441 : vector<1x16xf32> to vector<16xf32>
        %add3A_443 = arith.addf %get3A_438, %get3A_442 : vector<16xf32>
        %swap3A_444 = arith.index_cast %scan3A_380 : i32 to index
        %swap3A_445 = arith.constant 64 : index
        %swap3A_446 = tpu.vector_load %arg10[%swap3A_444, %swap3A_445] {strides = array<i32>} : memref<200x128xf32, #tpu.memory_space<vmem>>, vector<1x16xf32>,
        %swap3A_447 = vector.shape_cast %swap3A_446 : vector<1x16xf32> to vector<16xf32>
        %swap3A_448 = vector.shape_cast %add3A_443 : vector<16xf32> to vector<1x16xf32>
        tpu.vector_store %arg10[%swap3A_444, %swap3A_445], %swap3A_448 {strides = array<i32>} : memref<200x128xf32, #tpu.memory_space<vmem>>, vector<1x16xf32>,
        %get3A_449 = arith.index_cast %scan3A_380 : i32 to index
        %get3A_450 = arith.constant 80 : index
        %get3A_451 = tpu.vector_load %arg10[%get3A_449, %get3A_450] {strides = array<i32>} : memref<200x128xf32, #tpu.memory_space<vmem>>, vector<1x16xf32>,
        %get3A_452 = vector.shape_cast %get3A_451 : vector<1x16xf32> to vector<16xf32>
        %get3A_453 = arith.index_cast %scan3A_380 : i32 to index
        %get3A_454 = arith.constant 80 : index
        %get3A_455 = tpu.vector_load %arg11[%get3A_453, %get3A_454] {strides = array<i32>} : memref<200x128xf32, #tpu.memory_space<vmem>>, vector<1x16xf32>,
        %get3A_456 = vector.shape_cast %get3A_455 : vector<1x16xf32> to vector<16xf32>
        %add3A_457 = arith.addf %get3A_452, %get3A_456 : vector<16xf32>
        %swap3A_458 = arith.index_cast %scan3A_380 : i32 to index
        %swap3A_459 = arith.constant 80 : index
        %swap3A_460 = tpu.vector_load %arg10[%swap3A_458, %swap3A_459] {strides = array<i32>} : memref<200x128xf32, #tpu.memory_space<vmem>>, vector<1x16xf32>,
        %swap3A_461 = vector.shape_cast %swap3A_460 : vector<1x16xf32> to vector<16xf32>
        %swap3A_462 = vector.shape_cast %add3A_457 : vector<16xf32> to vector<1x16xf32>
        tpu.vector_store %arg10[%swap3A_458, %swap3A_459], %swap3A_462 {strides = array<i32>} : memref<200x128xf32, #tpu.memory_space<vmem>>, vector<1x16xf32>,
        %get3A_463 = arith.index_cast %scan3A_380 : i32 to index
        %get3A_464 = arith.constant 96 : index
        %get3A_465 = tpu.vector_load %arg10[%get3A_463, %get3A_464] {strides = array<i32>} : memref<200x128xf32, #tpu.memory_space<vmem>>, vector<1x16xf32>,
        %get3A_466 = vector.shape_cast %get3A_465 : vector<1x16xf32> to vector<16xf32>
        %get3A_467 = arith.index_cast %scan3A_380 : i32 to index
        %get3A_468 = arith.constant 96 : index
        %get3A_469 = tpu.vector_load %arg11[%get3A_467, %get3A_468] {strides = array<i32>} : memref<200x128xf32, #tpu.memory_space<vmem>>, vector<1x16xf32>,
        %get3A_470 = vector.shape_cast %get3A_469 : vector<1x16xf32> to vector<16xf32>
        %add3A_471 = arith.addf %get3A_466, %get3A_470 : vector<16xf32>
        %swap3A_472 = arith.index_cast %scan3A_380 : i32 to index
        %swap3A_473 = arith.constant 96 : index
        %swap3A_474 = tpu.vector_load %arg10[%swap3A_472, %swap3A_473] {strides = array<i32>} : memref<200x128xf32, #tpu.memory_space<vmem>>, vector<1x16xf32>,
        %swap3A_475 = vector.shape_cast %swap3A_474 : vector<1x16xf32> to vector<16xf32>
        %swap3A_476 = vector.shape_cast %add3A_471 : vector<16xf32> to vector<1x16xf32>
        tpu.vector_store %arg10[%swap3A_472, %swap3A_473], %swap3A_476 {strides = array<i32>} : memref<200x128xf32, #tpu.memory_space<vmem>>, vector<1x16xf32>,
        %get3A_477 = arith.index_cast %scan3A_380 : i32 to index
        %get3A_478 = arith.constant 112 : index
        %get3A_479 = tpu.vector_load %arg10[%get3A_477, %get3A_478] {strides = array<i32>} : memref<200x128xf32, #tpu.memory_space<vmem>>, vector<1x16xf32>,
        %get3A_480 = vector.shape_cast %get3A_479 : vector<1x16xf32> to vector<16xf32>
        %get3A_481 = arith.index_cast %scan3A_380 : i32 to index
        %get3A_482 = arith.constant 112 : index
        %get3A_483 = tpu.vector_load %arg11[%get3A_481, %get3A_482] {strides = array<i32>} : memref<200x128xf32, #tpu.memory_space<vmem>>, vector<1x16xf32>,
        %get3A_484 = vector.shape_cast %get3A_483 : vector<1x16xf32> to vector<16xf32>
        %add3A_485 = arith.addf %get3A_480, %get3A_484 : vector<16xf32>
        %swap3A_486 = arith.index_cast %scan3A_380 : i32 to index
        %swap3A_487 = arith.constant 112 : index
        %swap3A_488 = tpu.vector_load %arg10[%swap3A_486, %swap3A_487] {strides = array<i32>} : memref<200x128xf32, #tpu.memory_space<vmem>>, vector<1x16xf32>,
        %swap3A_489 = vector.shape_cast %swap3A_488 : vector<1x16xf32> to vector<16xf32>
        %swap3A_490 = vector.shape_cast %add3A_485 : vector<16xf32> to vector<1x16xf32>
        tpu.vector_store %arg10[%swap3A_486, %swap3A_487], %swap3A_490 {strides = array<i32>} : memref<200x128xf32, #tpu.memory_space<vmem>>, vector<1x16xf32>,
      }
      %scan3A_247 = arith.constant 200 : i32
      %mul3A_248 = arith.constant 200 : i32
      %mul3A_249 = arith.muli %mul3A_122, %mul3A_248 : i32
      %add3A_250 = arith.addi %mul3A_2, %mul3A_249 : i32
      %dma_wait3A_251 = arith.constant 0 : i32
      %dma_wait3A_252 = tpu.memref_slice %arg5[%add3A_250, %dma_wait3A_251] : memref<160000x128xf32, #tpu.memory_space<hbm>> -> memref<200x128xf32, #tpu.memory_space<hbm>>
      %dma_wait3A_253 = arith.constant 0 : i32
      %dma_wait3A_254 = tpu.memref_slice %arg5[%add3A_250, %dma_wait3A_253] : memref<160000x128xf32, #tpu.memory_space<hbm>> -> memref<200x128xf32, #tpu.memory_space<hbm>>
      tpu.wait_dma2 semaphore(%arg14 : memref<!tpu.dma_semaphore, #tpu.memory_space<semaphore_mem>>) src(%arg8 : memref<200x128xf32, #tpu.memory_space<vmem>>) dst(%dma_wait3A_254 : memref<200x128xf32, #tpu.memory_space<hbm>>)
      %add3A_255 = arith.constant 2 : i32
      %add3A_256 = arith.addi %mul3A_122, %add3A_255 : i32
      %mul3A_257 = arith.constant 200 : i32
      %mul3A_258 = arith.muli %add3A_256, %mul3A_257 : i32
      %add3A_259 = arith.constant 0 : i32
      %add3A_260 = arith.addi %mul3A_258, %add3A_259 : i32
      %dma_start3A_261 = arith.constant 0 : i32
      %dma_start3A_262 = arith.constant 0 : i32
      %dma_start3A_263 = tpu.memref_slice %arg8[%dma_start3A_261, %dma_start3A_262] : memref<200x128xf32, #tpu.memory_space<vmem>> -> memref<80x128xf32, #tpu.memory_space<vmem>>
      %dma_start3A_264 = tpu.memref_slice %arg6[%add3A_260] : memref<5000xi32, #tpu.memory_space<vmem>> -> memref<80xi32, #tpu.memory_space<vmem>>
      %dma_start3A_265 = arith.constant 0 : i32
      %dma_start3A_266 = arith.constant 0 : i32
      %dma_start3A_267 = tpu.memref_slice %arg2[%dma_start3A_265, %dma_start3A_266] : memref<10000x128xf32, #tpu.memory_space<hbm>> -> memref<10000x128xf32, #tpu.memory_space<hbm>>
      tpu.enqueue_indirect_dma source(%dma_start3A_267 : memref<10000x128xf32, #tpu.memory_space<hbm>>) target(%dma_start3A_263 : memref<80x128xf32, #tpu.memory_space<vmem>>) offsets(%dma_start3A_264 : memref<80xi32, #tpu.memory_space<vmem>>) semaphore(%arg12 : memref<!tpu.dma_semaphore, #tpu.memory_space<semaphore_mem>>)
      %mul3A_268 = arith.constant 200 : i32
      %mul3A_269 = arith.muli %add3A_256, %mul3A_268 : i32
      %add3A_270 = arith.constant 80 : i32
      %add3A_271 = arith.addi %mul3A_269, %add3A_270 : i32
      %dma_start3A_272 = arith.constant 80 : i32
      %dma_start3A_273 = arith.constant 0 : i32
      %dma_start3A_274 = tpu.memref_slice %arg8[%dma_start3A_272, %dma_start3A_273] : memref<200x128xf32, #tpu.memory_space<vmem>> -> memref<80x128xf32, #tpu.memory_space<vmem>>
      %dma_start3A_275 = tpu.memref_slice %arg6[%add3A_271] : memref<5000xi32, #tpu.memory_space<vmem>> -> memref<80xi32, #tpu.memory_space<vmem>>
      %dma_start3A_276 = arith.constant 0 : i32
      %dma_start3A_277 = arith.constant 0 : i32
      %dma_start3A_278 = tpu.memref_slice %arg2[%dma_start3A_276, %dma_start3A_277] : memref<10000x128xf32, #tpu.memory_space<hbm>> -> memref<10000x128xf32, #tpu.memory_space<hbm>>
      tpu.enqueue_indirect_dma source(%dma_start3A_278 : memref<10000x128xf32, #tpu.memory_space<hbm>>) target(%dma_start3A_274 : memref<80x128xf32, #tpu.memory_space<vmem>>) offsets(%dma_start3A_275 : memref<80xi32, #tpu.memory_space<vmem>>) semaphore(%arg12 : memref<!tpu.dma_semaphore, #tpu.memory_space<semaphore_mem>>)
      %mul3A_279 = arith.constant 200 : i32
      %mul3A_280 = arith.muli %add3A_256, %mul3A_279 : i32
      %add3A_281 = arith.constant 160 : i32
      %add3A_282 = arith.addi %mul3A_280, %add3A_281 : i32
      %dma_start3A_283 = arith.constant 160 : i32
      %dma_start3A_284 = arith.constant 0 : i32
      %dma_start3A_285 = tpu.memref_slice %arg8[%dma_start3A_283, %dma_start3A_284] : memref<200x128xf32, #tpu.memory_space<vmem>> -> memref<40x128xf32, #tpu.memory_space<vmem>>
      %dma_start3A_286 = tpu.memref_slice %arg6[%add3A_282] : memref<5000xi32, #tpu.memory_space<vmem>> -> memref<40xi32, #tpu.memory_space<vmem>>
      %dma_start3A_287 = arith.constant 0 : i32
      %dma_start3A_288 = arith.constant 0 : i32
      %dma_start3A_289 = tpu.memref_slice %arg2[%dma_start3A_287, %dma_start3A_288] : memref<10000x128xf32, #tpu.memory_space<hbm>> -> memref<10000x128xf32, #tpu.memory_space<hbm>>
      tpu.enqueue_indirect_dma source(%dma_start3A_289 : memref<10000x128xf32, #tpu.memory_space<hbm>>) target(%dma_start3A_285 : memref<40x128xf32, #tpu.memory_space<vmem>>) offsets(%dma_start3A_286 : memref<40xi32, #tpu.memory_space<vmem>>) semaphore(%arg12 : memref<!tpu.dma_semaphore, #tpu.memory_space<semaphore_mem>>)
      %mul3A_290 = arith.constant 200 : i32
      %mul3A_291 = arith.muli %add3A_256, %mul3A_290 : i32
      %add3A_292 = arith.constant 0 : i32
      %add3A_293 = arith.addi %mul3A_291, %add3A_292 : i32
      %dma_start3A_294 = arith.constant 0 : i32
      %dma_start3A_295 = arith.constant 0 : i32
      %dma_start3A_296 = tpu.memref_slice %arg9[%dma_start3A_294, %dma_start3A_295] : memref<200x128xf32, #tpu.memory_space<vmem>> -> memref<80x128xf32, #tpu.memory_space<vmem>>
      %dma_start3A_297 = tpu.memref_slice %arg7[%add3A_293] : memref<5000xi32, #tpu.memory_space<vmem>> -> memref<80xi32, #tpu.memory_space<vmem>>
      %dma_start3A_298 = arith.constant 0 : i32
      %dma_start3A_299 = arith.constant 0 : i32
      %dma_start3A_300 = tpu.memref_slice %arg3[%dma_start3A_298, %dma_start3A_299] : memref<10000x128xf32, #tpu.memory_space<hbm>> -> memref<10000x128xf32, #tpu.memory_space<hbm>>
      tpu.enqueue_indirect_dma source(%dma_start3A_300 : memref<10000x128xf32, #tpu.memory_space<hbm>>) target(%dma_start3A_296 : memref<80x128xf32, #tpu.memory_space<vmem>>) offsets(%dma_start3A_297 : memref<80xi32, #tpu.memory_space<vmem>>) semaphore(%arg12 : memref<!tpu.dma_semaphore, #tpu.memory_space<semaphore_mem>>)
      %mul3A_301 = arith.constant 200 : i32
      %mul3A_302 = arith.muli %add3A_256, %mul3A_301 : i32
      %add3A_303 = arith.constant 80 : i32
      %add3A_304 = arith.addi %mul3A_302, %add3A_303 : i32
      %dma_start3A_305 = arith.constant 80 : i32
      %dma_start3A_306 = arith.constant 0 : i32
      %dma_start3A_307 = tpu.memref_slice %arg9[%dma_start3A_305, %dma_start3A_306] : memref<200x128xf32, #tpu.memory_space<vmem>> -> memref<80x128xf32, #tpu.memory_space<vmem>>
      %dma_start3A_308 = tpu.memref_slice %arg7[%add3A_304] : memref<5000xi32, #tpu.memory_space<vmem>> -> memref<80xi32, #tpu.memory_space<vmem>>
      %dma_start3A_309 = arith.constant 0 : i32
      %dma_start3A_310 = arith.constant 0 : i32
      %dma_start3A_311 = tpu.memref_slice %arg3[%dma_start3A_309, %dma_start3A_310] : memref<10000x128xf32, #tpu.memory_space<hbm>> -> memref<10000x128xf32, #tpu.memory_space<hbm>>
      tpu.enqueue_indirect_dma source(%dma_start3A_311 : memref<10000x128xf32, #tpu.memory_space<hbm>>) target(%dma_start3A_307 : memref<80x128xf32, #tpu.memory_space<vmem>>) offsets(%dma_start3A_308 : memref<80xi32, #tpu.memory_space<vmem>>) semaphore(%arg12 : memref<!tpu.dma_semaphore, #tpu.memory_space<semaphore_mem>>)
      %mul3A_312 = arith.constant 200 : i32
      %mul3A_313 = arith.muli %add3A_256, %mul3A_312 : i32
      %add3A_314 = arith.constant 160 : i32
      %add3A_315 = arith.addi %mul3A_313, %add3A_314 : i32
      %dma_start3A_316 = arith.constant 160 : i32
      %dma_start3A_317 = arith.constant 0 : i32
      %dma_start3A_318 = tpu.memref_slice %arg9[%dma_start3A_316, %dma_start3A_317] : memref<200x128xf32, #tpu.memory_space<vmem>> -> memref<40x128xf32, #tpu.memory_space<vmem>>
      %dma_start3A_319 = tpu.memref_slice %arg7[%add3A_315] : memref<5000xi32, #tpu.memory_space<vmem>> -> memref<40xi32, #tpu.memory_space<vmem>>
      %dma_start3A_320 = arith.constant 0 : i32
      %dma_start3A_321 = arith.constant 0 : i32
      %dma_start3A_322 = tpu.memref_slice %arg3[%dma_start3A_320, %dma_start3A_321] : memref<10000x128xf32, #tpu.memory_space<hbm>> -> memref<10000x128xf32, #tpu.memory_space<hbm>>
      tpu.enqueue_indirect_dma source(%dma_start3A_322 : memref<10000x128xf32, #tpu.memory_space<hbm>>) target(%dma_start3A_318 : memref<40x128xf32, #tpu.memory_space<vmem>>) offsets(%dma_start3A_319 : memref<40xi32, #tpu.memory_space<vmem>>) semaphore(%arg12 : memref<!tpu.dma_semaphore, #tpu.memory_space<semaphore_mem>>)
      %add3A_323 = arith.constant 1 : i32
      %add3A_324 = arith.addi %mul3A_122, %add3A_323 : i32
      %mul3A_325 = arith.constant 200 : i32
      %mul3A_326 = arith.muli %add3A_324, %mul3A_325 : i32
      %add3A_327 = arith.addi %mul3A_2, %mul3A_326 : i32
      %dma_start3A_328 = arith.constant 0 : i32
      %dma_start3A_329 = tpu.memref_slice %arg5[%add3A_327, %dma_start3A_328] : memref<160000x128xf32, #tpu.memory_space<hbm>> -> memref<200x128xf32, #tpu.memory_space<hbm>>
      %dma_start3A_330 = arith.constant 0 : i32
      %dma_start3A_331 = tpu.memref_slice %arg5[%add3A_327, %dma_start3A_330] : memref<160000x128xf32, #tpu.memory_space<hbm>> -> memref<200x128xf32, #tpu.memory_space<hbm>>
      tpu.enqueue_dma source(%arg10 : memref<200x128xf32, #tpu.memory_space<vmem>>) target(%dma_start3A_331 : memref<200x128xf32, #tpu.memory_space<hbm>>) target_semaphore(%arg15 : memref<!tpu.dma_semaphore, #tpu.memory_space<semaphore_mem>>)
      %dma_wait3A_332 = arith.constant 0 : i32
      %dma_wait3A_333 = arith.constant 0 : i32
      %dma_wait3A_334 = tpu.memref_slice %arg8[%dma_wait3A_332, %dma_wait3A_333] : memref<200x128xf32, #tpu.memory_space<vmem>> -> memref<80x128xf32, #tpu.memory_space<vmem>>
      %dma_wait3A_335 = tpu.memref_slice %arg6[%add3A_260] : memref<5000xi32, #tpu.memory_space<vmem>> -> memref<80xi32, #tpu.memory_space<vmem>>
      %dma_wait3A_336 = arith.constant 0 : i32
      %dma_wait3A_337 = arith.constant 0 : i32
      %dma_wait3A_338 = tpu.memref_slice %arg2[%dma_wait3A_336, %dma_wait3A_337] : memref<10000x128xf32, #tpu.memory_space<hbm>> -> memref<10000x128xf32, #tpu.memory_space<hbm>>
      tpu.wait_indirect_dma semaphore(%arg12 : memref<!tpu.dma_semaphore, #tpu.memory_space<semaphore_mem>>) src(%dma_wait3A_338 : memref<10000x128xf32, #tpu.memory_space<hbm>>) dst(%dma_wait3A_334 : memref<80x128xf32, #tpu.memory_space<vmem>>)
      %dma_wait3A_339 = arith.constant 80 : i32
      %dma_wait3A_340 = arith.constant 0 : i32
      %dma_wait3A_341 = tpu.memref_slice %arg8[%dma_wait3A_339, %dma_wait3A_340] : memref<200x128xf32, #tpu.memory_space<vmem>> -> memref<80x128xf32, #tpu.memory_space<vmem>>
      %dma_wait3A_342 = tpu.memref_slice %arg6[%add3A_271] : memref<5000xi32, #tpu.memory_space<vmem>> -> memref<80xi32, #tpu.memory_space<vmem>>
      %dma_wait3A_343 = arith.constant 0 : i32
      %dma_wait3A_344 = arith.constant 0 : i32
      %dma_wait3A_345 = tpu.memref_slice %arg2[%dma_wait3A_343, %dma_wait3A_344] : memref<10000x128xf32, #tpu.memory_space<hbm>> -> memref<10000x128xf32, #tpu.memory_space<hbm>>
      tpu.wait_indirect_dma semaphore(%arg12 : memref<!tpu.dma_semaphore, #tpu.memory_space<semaphore_mem>>) src(%dma_wait3A_345 : memref<10000x128xf32, #tpu.memory_space<hbm>>) dst(%dma_wait3A_341 : memref<80x128xf32, #tpu.memory_space<vmem>>)
      %dma_wait3A_346 = arith.constant 160 : i32
      %dma_wait3A_347 = arith.constant 0 : i32
      %dma_wait3A_348 = tpu.memref_slice %arg8[%dma_wait3A_346, %dma_wait3A_347] : memref<200x128xf32, #tpu.memory_space<vmem>> -> memref<40x128xf32, #tpu.memory_space<vmem>>
      %dma_wait3A_349 = tpu.memref_slice %arg6[%add3A_282] : memref<5000xi32, #tpu.memory_space<vmem>> -> memref<40xi32, #tpu.memory_space<vmem>>
      %dma_wait3A_350 = arith.constant 0 : i32
      %dma_wait3A_351 = arith.constant 0 : i32
      %dma_wait3A_352 = tpu.memref_slice %arg2[%dma_wait3A_350, %dma_wait3A_351] : memref<10000x128xf32, #tpu.memory_space<hbm>> -> memref<10000x128xf32, #tpu.memory_space<hbm>>
      tpu.wait_indirect_dma semaphore(%arg12 : memref<!tpu.dma_semaphore, #tpu.memory_space<semaphore_mem>>) src(%dma_wait3A_352 : memref<10000x128xf32, #tpu.memory_space<hbm>>) dst(%dma_wait3A_348 : memref<40x128xf32, #tpu.memory_space<vmem>>)
      %dma_wait3A_353 = arith.constant 0 : i32
      %dma_wait3A_354 = arith.constant 0 : i32
      %dma_wait3A_355 = tpu.memref_slice %arg9[%dma_wait3A_353, %dma_wait3A_354] : memref<200x128xf32, #tpu.memory_space<vmem>> -> memref<80x128xf32, #tpu.memory_space<vmem>>
      %dma_wait3A_356 = tpu.memref_slice %arg7[%add3A_293] : memref<5000xi32, #tpu.memory_space<vmem>> -> memref<80xi32, #tpu.memory_space<vmem>>
      %dma_wait3A_357 = arith.constant 0 : i32
      %dma_wait3A_358 = arith.constant 0 : i32
      %dma_wait3A_359 = tpu.memref_slice %arg3[%dma_wait3A_357, %dma_wait3A_358] : memref<10000x128xf32, #tpu.memory_space<hbm>> -> memref<10000x128xf32, #tpu.memory_space<hbm>>
      tpu.wait_indirect_dma semaphore(%arg12 : memref<!tpu.dma_semaphore, #tpu.memory_space<semaphore_mem>>) src(%dma_wait3A_359 : memref<10000x128xf32, #tpu.memory_space<hbm>>) dst(%dma_wait3A_355 : memref<80x128xf32, #tpu.memory_space<vmem>>)
      %dma_wait3A_360 = arith.constant 80 : i32
      %dma_wait3A_361 = arith.constant 0 : i32
      %dma_wait3A_362 = tpu.memref_slice %arg9[%dma_wait3A_360, %dma_wait3A_361] : memref<200x128xf32, #tpu.memory_space<vmem>> -> memref<80x128xf32, #tpu.memory_space<vmem>>
      %dma_wait3A_363 = tpu.memref_slice %arg7[%add3A_304] : memref<5000xi32, #tpu.memory_space<vmem>> -> memref<80xi32, #tpu.memory_space<vmem>>
      %dma_wait3A_364 = arith.constant 0 : i32
      %dma_wait3A_365 = arith.constant 0 : i32
      %dma_wait3A_366 = tpu.memref_slice %arg3[%dma_wait3A_364, %dma_wait3A_365] : memref<10000x128xf32, #tpu.memory_space<hbm>> -> memref<10000x128xf32, #tpu.memory_space<hbm>>
      tpu.wait_indirect_dma semaphore(%arg12 : memref<!tpu.dma_semaphore, #tpu.memory_space<semaphore_mem>>) src(%dma_wait3A_366 : memref<10000x128xf32, #tpu.memory_space<hbm>>) dst(%dma_wait3A_362 : memref<80x128xf32, #tpu.memory_space<vmem>>)
      %dma_wait3A_367 = arith.constant 160 : i32
      %dma_wait3A_368 = arith.constant 0 : i32
      %dma_wait3A_369 = tpu.memref_slice %arg9[%dma_wait3A_367, %dma_wait3A_368] : memref<200x128xf32, #tpu.memory_space<vmem>> -> memref<40x128xf32, #tpu.memory_space<vmem>>
      %dma_wait3A_370 = tpu.memref_slice %arg7[%add3A_315] : memref<5000xi32, #tpu.memory_space<vmem>> -> memref<40xi32, #tpu.memory_space<vmem>>
      %dma_wait3A_371 = arith.constant 0 : i32
      %dma_wait3A_372 = arith.constant 0 : i32
      %dma_wait3A_373 = tpu.memref_slice %arg3[%dma_wait3A_371, %dma_wait3A_372] : memref<10000x128xf32, #tpu.memory_space<hbm>> -> memref<10000x128xf32, #tpu.memory_space<hbm>>
      tpu.wait_indirect_dma semaphore(%arg12 : memref<!tpu.dma_semaphore, #tpu.memory_space<semaphore_mem>>) src(%dma_wait3A_373 : memref<10000x128xf32, #tpu.memory_space<hbm>>) dst(%dma_wait3A_369 : memref<40x128xf32, #tpu.memory_space<vmem>>)
      %scan3A_374 = arith.constant 0 : i32
      %scan3A_375 = arith.constant 0 : i32
      %scan3A_376 = arith.constant 200 : i32
      %scan3A_377 = arith.addi %scan3A_375, %scan3A_376 : i32
      %scan3A_378 = arith.constant 1 : i32
      scf.for %scan3A_380 = %scan3A_375 to %scan3A_377 step %scan3A_378  : i32 {
        %get3A = arith.index_cast %scan3A_380 : i32 to index
        %get3A_381 = arith.constant 0 : index
        %get3A_382 = tpu.vector_load %arg8[%get3A, %get3A_381] {strides = array<i32>} : memref<200x128xf32, #tpu.memory_space<vmem>>, vector<1x16xf32>,
        %get3A_383 = vector.shape_cast %get3A_382 : vector<1x16xf32> to vector<16xf32>
        %get3A_384 = arith.index_cast %scan3A_380 : i32 to index
        %get3A_385 = arith.constant 0 : index
        %get3A_386 = tpu.vector_load %arg9[%get3A_384, %get3A_385] {strides = array<i32>} : memref<200x128xf32, #tpu.memory_space<vmem>>, vector<1x16xf32>,
        %get3A_387 = vector.shape_cast %get3A_386 : vector<1x16xf32> to vector<16xf32>
        %add3A_388 = arith.addf %get3A_383, %get3A_387 : vector<16xf32>
        %swap3A = arith.index_cast %scan3A_380 : i32 to index
        %swap3A_389 = arith.constant 0 : index
        %swap3A_390 = tpu.vector_load %arg8[%swap3A, %swap3A_389] {strides = array<i32>} : memref<200x128xf32, #tpu.memory_space<vmem>>, vector<1x16xf32>,
        %swap3A_391 = vector.shape_cast %swap3A_390 : vector<1x16xf32> to vector<16xf32>
        %swap3A_392 = vector.shape_cast %add3A_388 : vector<16xf32> to vector<1x16xf32>
        tpu.vector_store %arg8[%swap3A, %swap3A_389], %swap3A_392 {strides = array<i32>} : memref<200x128xf32, #tpu.memory_space<vmem>>, vector<1x16xf32>,
        %get3A_393 = arith.index_cast %scan3A_380 : i32 to index
        %get3A_394 = arith.constant 16 : index
        %get3A_395 = tpu.vector_load %arg8[%get3A_393, %get3A_394] {strides = array<i32>} : memref<200x128xf32, #tpu.memory_space<vmem>>, vector<1x16xf32>,
        %get3A_396 = vector.shape_cast %get3A_395 : vector<1x16xf32> to vector<16xf32>
        %get3A_397 = arith.index_cast %scan3A_380 : i32 to index
        %get3A_398 = arith.constant 16 : index
        %get3A_399 = tpu.vector_load %arg9[%get3A_397, %get3A_398] {strides = array<i32>} : memref<200x128xf32, #tpu.memory_space<vmem>>, vector<1x16xf32>,
        %get3A_400 = vector.shape_cast %get3A_399 : vector<1x16xf32> to vector<16xf32>
        %add3A_401 = arith.addf %get3A_396, %get3A_400 : vector<16xf32>
        %swap3A_402 = arith.index_cast %scan3A_380 : i32 to index
        %swap3A_403 = arith.constant 16 : index
        %swap3A_404 = tpu.vector_load %arg8[%swap3A_402, %swap3A_403] {strides = array<i32>} : memref<200x128xf32, #tpu.memory_space<vmem>>, vector<1x16xf32>,
        %swap3A_405 = vector.shape_cast %swap3A_404 : vector<1x16xf32> to vector<16xf32>
        %swap3A_406 = vector.shape_cast %add3A_401 : vector<16xf32> to vector<1x16xf32>
        tpu.vector_store %arg8[%swap3A_402, %swap3A_403], %swap3A_406 {strides = array<i32>} : memref<200x128xf32, #tpu.memory_space<vmem>>, vector<1x16xf32>,
        %get3A_407 = arith.index_cast %scan3A_380 : i32 to index
        %get3A_408 = arith.constant 32 : index
        %get3A_409 = tpu.vector_load %arg8[%get3A_407, %get3A_408] {strides = array<i32>} : memref<200x128xf32, #tpu.memory_space<vmem>>, vector<1x16xf32>,
        %get3A_410 = vector.shape_cast %get3A_409 : vector<1x16xf32> to vector<16xf32>
        %get3A_411 = arith.index_cast %scan3A_380 : i32 to index
        %get3A_412 = arith.constant 32 : index
        %get3A_413 = tpu.vector_load %arg9[%get3A_411, %get3A_412] {strides = array<i32>} : memref<200x128xf32, #tpu.memory_space<vmem>>, vector<1x16xf32>,
        %get3A_414 = vector.shape_cast %get3A_413 : vector<1x16xf32> to vector<16xf32>
        %add3A_415 = arith.addf %get3A_410, %get3A_414 : vector<16xf32>
        %swap3A_416 = arith.index_cast %scan3A_380 : i32 to index
        %swap3A_417 = arith.constant 32 : index
        %swap3A_418 = tpu.vector_load %arg8[%swap3A_416, %swap3A_417] {strides = array<i32>} : memref<200x128xf32, #tpu.memory_space<vmem>>, vector<1x16xf32>,
        %swap3A_419 = vector.shape_cast %swap3A_418 : vector<1x16xf32> to vector<16xf32>
        %swap3A_420 = vector.shape_cast %add3A_415 : vector<16xf32> to vector<1x16xf32>
        tpu.vector_store %arg8[%swap3A_416, %swap3A_417], %swap3A_420 {strides = array<i32>} : memref<200x128xf32, #tpu.memory_space<vmem>>, vector<1x16xf32>,
        %get3A_421 = arith.index_cast %scan3A_380 : i32 to index
        %get3A_422 = arith.constant 48 : index
        %get3A_423 = tpu.vector_load %arg8[%get3A_421, %get3A_422] {strides = array<i32>} : memref<200x128xf32, #tpu.memory_space<vmem>>, vector<1x16xf32>,
        %get3A_424 = vector.shape_cast %get3A_423 : vector<1x16xf32> to vector<16xf32>
        %get3A_425 = arith.index_cast %scan3A_380 : i32 to index
        %get3A_426 = arith.constant 48 : index
        %get3A_427 = tpu.vector_load %arg9[%get3A_425, %get3A_426] {strides = array<i32>} : memref<200x128xf32, #tpu.memory_space<vmem>>, vector<1x16xf32>,
        %get3A_428 = vector.shape_cast %get3A_427 : vector<1x16xf32> to vector<16xf32>
        %add3A_429 = arith.addf %get3A_424, %get3A_428 : vector<16xf32>
        %swap3A_430 = arith.index_cast %scan3A_380 : i32 to index
        %swap3A_431 = arith.constant 48 : index
        %swap3A_432 = tpu.vector_load %arg8[%swap3A_430, %swap3A_431] {strides = array<i32>} : memref<200x128xf32, #tpu.memory_space<vmem>>, vector<1x16xf32>,
        %swap3A_433 = vector.shape_cast %swap3A_432 : vector<1x16xf32> to vector<16xf32>
        %swap3A_434 = vector.shape_cast %add3A_429 : vector<16xf32> to vector<1x16xf32>
        tpu.vector_store %arg8[%swap3A_430, %swap3A_431], %swap3A_434 {strides = array<i32>} : memref<200x128xf32, #tpu.memory_space<vmem>>, vector<1x16xf32>,
        %get3A_435 = arith.index_cast %scan3A_380 : i32 to index
        %get3A_436 = arith.constant 64 : index
        %get3A_437 = tpu.vector_load %arg8[%get3A_435, %get3A_436] {strides = array<i32>} : memref<200x128xf32, #tpu.memory_space<vmem>>, vector<1x16xf32>,
        %get3A_438 = vector.shape_cast %get3A_437 : vector<1x16xf32> to vector<16xf32>
        %get3A_439 = arith.index_cast %scan3A_380 : i32 to index
        %get3A_440 = arith.constant 64 : index
        %get3A_441 = tpu.vector_load %arg9[%get3A_439, %get3A_440] {strides = array<i32>} : memref<200x128xf32, #tpu.memory_space<vmem>>, vector<1x16xf32>,
        %get3A_442 = vector.shape_cast %get3A_441 : vector<1x16xf32> to vector<16xf32>
        %add3A_443 = arith.addf %get3A_438, %get3A_442 : vector<16xf32>
        %swap3A_444 = arith.index_cast %scan3A_380 : i32 to index
        %swap3A_445 = arith.constant 64 : index
        %swap3A_446 = tpu.vector_load %arg8[%swap3A_444, %swap3A_445] {strides = array<i32>} : memref<200x128xf32, #tpu.memory_space<vmem>>, vector<1x16xf32>,
        %swap3A_447 = vector.shape_cast %swap3A_446 : vector<1x16xf32> to vector<16xf32>
        %swap3A_448 = vector.shape_cast %add3A_443 : vector<16xf32> to vector<1x16xf32>
        tpu.vector_store %arg8[%swap3A_444, %swap3A_445], %swap3A_448 {strides = array<i32>} : memref<200x128xf32, #tpu.memory_space<vmem>>, vector<1x16xf32>,
        %get3A_449 = arith.index_cast %scan3A_380 : i32 to index
        %get3A_450 = arith.constant 80 : index
        %get3A_451 = tpu.vector_load %arg8[%get3A_449, %get3A_450] {strides = array<i32>} : memref<200x128xf32, #tpu.memory_space<vmem>>, vector<1x16xf32>,
        %get3A_452 = vector.shape_cast %get3A_451 : vector<1x16xf32> to vector<16xf32>
        %get3A_453 = arith.index_cast %scan3A_380 : i32 to index
        %get3A_454 = arith.constant 80 : index
        %get3A_455 = tpu.vector_load %arg9[%get3A_453, %get3A_454] {strides = array<i32>} : memref<200x128xf32, #tpu.memory_space<vmem>>, vector<1x16xf32>,
        %get3A_456 = vector.shape_cast %get3A_455 : vector<1x16xf32> to vector<16xf32>
        %add3A_457 = arith.addf %get3A_452, %get3A_456 : vector<16xf32>
        %swap3A_458 = arith.index_cast %scan3A_380 : i32 to index
        %swap3A_459 = arith.constant 80 : index
        %swap3A_460 = tpu.vector_load %arg8[%swap3A_458, %swap3A_459] {strides = array<i32>} : memref<200x128xf32, #tpu.memory_space<vmem>>, vector<1x16xf32>,
        %swap3A_461 = vector.shape_cast %swap3A_460 : vector<1x16xf32> to vector<16xf32>
        %swap3A_462 = vector.shape_cast %add3A_457 : vector<16xf32> to vector<1x16xf32>
        tpu.vector_store %arg8[%swap3A_458, %swap3A_459], %swap3A_462 {strides = array<i32>} : memref<200x128xf32, #tpu.memory_space<vmem>>, vector<1x16xf32>,
        %get3A_463 = arith.index_cast %scan3A_380 : i32 to index
        %get3A_464 = arith.constant 96 : index
        %get3A_465 = tpu.vector_load %arg8[%get3A_463, %get3A_464] {strides = array<i32>} : memref<200x128xf32, #tpu.memory_space<vmem>>, vector<1x16xf32>,
        %get3A_466 = vector.shape_cast %get3A_465 : vector<1x16xf32> to vector<16xf32>
        %get3A_467 = arith.index_cast %scan3A_380 : i32 to index
        %get3A_468 = arith.constant 96 : index
        %get3A_469 = tpu.vector_load %arg9[%get3A_467, %get3A_468] {strides = array<i32>} : memref<200x128xf32, #tpu.memory_space<vmem>>, vector<1x16xf32>,
        %get3A_470 = vector.shape_cast %get3A_469 : vector<1x16xf32> to vector<16xf32>
        %add3A_471 = arith.addf %get3A_466, %get3A_470 : vector<16xf32>
        %swap3A_472 = arith.index_cast %scan3A_380 : i32 to index
        %swap3A_473 = arith.constant 96 : index
        %swap3A_474 = tpu.vector_load %arg8[%swap3A_472, %swap3A_473] {strides = array<i32>} : memref<200x128xf32, #tpu.memory_space<vmem>>, vector<1x16xf32>,
        %swap3A_475 = vector.shape_cast %swap3A_474 : vector<1x16xf32> to vector<16xf32>
        %swap3A_476 = vector.shape_cast %add3A_471 : vector<16xf32> to vector<1x16xf32>
        tpu.vector_store %arg8[%swap3A_472, %swap3A_473], %swap3A_476 {strides = array<i32>} : memref<200x128xf32, #tpu.memory_space<vmem>>, vector<1x16xf32>,
        %get3A_477 = arith.index_cast %scan3A_380 : i32 to index
        %get3A_478 = arith.constant 112 : index
        %get3A_479 = tpu.vector_load %arg8[%get3A_477, %get3A_478] {strides = array<i32>} : memref<200x128xf32, #tpu.memory_space<vmem>>, vector<1x16xf32>,
        %get3A_480 = vector.shape_cast %get3A_479 : vector<1x16xf32> to vector<16xf32>
        %get3A_481 = arith.index_cast %scan3A_380 : i32 to index
        %get3A_482 = arith.constant 112 : index
        %get3A_483 = tpu.vector_load %arg9[%get3A_481, %get3A_482] {strides = array<i32>} : memref<200x128xf32, #tpu.memory_space<vmem>>, vector<1x16xf32>,
        %get3A_484 = vector.shape_cast %get3A_483 : vector<1x16xf32> to vector<16xf32>
        %add3A_485 = arith.addf %get3A_480, %get3A_484 : vector<16xf32>
        %swap3A_486 = arith.index_cast %scan3A_380 : i32 to index
        %swap3A_487 = arith.constant 112 : index
        %swap3A_488 = tpu.vector_load %arg8[%swap3A_486, %swap3A_487] {strides = array<i32>} : memref<200x128xf32, #tpu.memory_space<vmem>>, vector<1x16xf32>,
        %swap3A_489 = vector.shape_cast %swap3A_488 : vector<1x16xf32> to vector<16xf32>
        %swap3A_490 = vector.shape_cast %add3A_485 : vector<16xf32> to vector<1x16xf32>
        tpu.vector_store %arg8[%swap3A_486, %swap3A_487], %swap3A_490 {strides = array<i32>} : memref<200x128xf32, #tpu.memory_space<vmem>>, vector<1x16xf32>,
      }
      %scan3A_379 = arith.constant 200 : i32
    }
    %scan3A_111 = arith.constant 12 : i32
    %add3A_112 = arith.constant 4600 : i32
    %add3A_113 = arith.addi %mul3A_2, %add3A_112 : i32
    %dma_wait3A_114 = arith.constant 0 : i32
    %dma_wait3A_115 = tpu.memref_slice %arg5[%add3A_113, %dma_wait3A_114] : memref<160000x128xf32, #tpu.memory_space<hbm>> -> memref<200x128xf32, #tpu.memory_space<hbm>>
    %dma_wait3A_116 = arith.constant 0 : i32
    %dma_wait3A_117 = tpu.memref_slice %arg5[%add3A_113, %dma_wait3A_116] : memref<160000x128xf32, #tpu.memory_space<hbm>> -> memref<200x128xf32, #tpu.memory_space<hbm>>
    tpu.wait_dma2 semaphore(%arg15 : memref<!tpu.dma_semaphore, #tpu.memory_space<semaphore_mem>>) src(%arg10 : memref<200x128xf32, #tpu.memory_space<vmem>>) dst(%dma_wait3A_117 : memref<200x128xf32, #tpu.memory_space<hbm>>)
    %add3A_118 = arith.constant 4800 : i32
    %add3A_119 = arith.addi %mul3A_2, %add3A_118 : i32
    "tpu.region"() ({
      %run_scoped3A = tpu.sem_alloc : memref<!tpu.dma_semaphore, #tpu.memory_space<semaphore_mem>>
      %dma_start3A_120 = arith.constant 0 : i32
      %dma_start3A_121 = tpu.memref_slice %arg5[%add3A_119, %dma_start3A_120] : memref<160000x128xf32, #tpu.memory_space<hbm>> -> memref<200x128xf32, #tpu.memory_space<hbm>>
      %dma_start3A_122 = arith.constant 0 : i32
      %dma_start3A_123 = tpu.memref_slice %arg5[%add3A_119, %dma_start3A_122] : memref<160000x128xf32, #tpu.memory_space<hbm>> -> memref<200x128xf32, #tpu.memory_space<hbm>>
      tpu.enqueue_dma source(%arg8 : memref<200x128xf32, #tpu.memory_space<vmem>>) target(%dma_start3A_123 : memref<200x128xf32, #tpu.memory_space<hbm>>) target_semaphore(%run_scoped3A : memref<!tpu.dma_semaphore, #tpu.memory_space<semaphore_mem>>)
      %dma_wait3A_124 = arith.constant 0 : i32
      %dma_wait3A_125 = tpu.memref_slice %arg5[%add3A_119, %dma_wait3A_124] : memref<160000x128xf32, #tpu.memory_space<hbm>> -> memref<200x128xf32, #tpu.memory_space<hbm>>
      %dma_wait3A_126 = arith.constant 0 : i32
      %dma_wait3A_127 = tpu.memref_slice %arg5[%add3A_119, %dma_wait3A_126] : memref<160000x128xf32, #tpu.memory_space<hbm>> -> memref<200x128xf32, #tpu.memory_space<hbm>>
      tpu.wait_dma2 semaphore(%run_scoped3A : memref<!tpu.dma_semaphore, #tpu.memory_space<semaphore_mem>>) src(%arg8 : memref<200x128xf32, #tpu.memory_space<vmem>>) dst(%dma_wait3A_127 : memref<200x128xf32, #tpu.memory_space<hbm>>)
      tpu.yield
    }) : () -> ()
    return
  }
}

#map = affine_map<(d0, d1) -> (0, 0)>
#map1 = affine_map<(d0, d1) -> (0)>
module attributes {stable_mosaic.version = 14 : i64} {
  func.func @gather_k(%arg0: i32, %arg1: i32, %arg2: memref<10000x128xf32, #tpu.memory_space<hbm>>, %arg3: memref<10000x128xf32, #tpu.memory_space<hbm>>, %arg4: memref<640000xi32, #tpu.memory_space<hbm>>, %arg5: memref<160000x128xf32, #tpu.memory_space<hbm>>, %arg6: memref<5000xi32, #tpu.memory_space<vmem>>, %arg7: memref<5000xi32, #tpu.memory_space<vmem>>, %arg8: memref<200x128xf32, #tpu.memory_space<vmem>>, %arg9: memref<200x128xf32, #tpu.memory_space<vmem>>, %arg10: memref<200x128xf32, #tpu.memory_space<vmem>>, %arg11: memref<200x128xf32, #tpu.memory_space<vmem>>, %arg12: memref<!tpu.dma_semaphore, #tpu.memory_space<semaphore_mem>>, %arg13: memref<!tpu.dma_semaphore, #tpu.memory_space<semaphore_mem>>, %arg14: memref<!tpu.dma_semaphore, #tpu.memory_space<semaphore_mem>>, %arg15: memref<!tpu.dma_semaphore, #tpu.memory_space<semaphore_mem>>) attributes {dimension_semantics = [#tpu.dimension_semantics<core_parallel>, #tpu.dimension_semantics<subcore_parallel>], iteration_bounds = array<i64: 2, 16>, scalar_prefetch = 0 : i64, scratch_operands = 10 : i64, tpu.core_type = #tpu.core_type<sc_vector_subcore>, window_params = [{transform_indices = #map}, {transform_indices = #map}, {transform_indices = #map1}, {transform_indices = #map}]} {
    %mul3A = arith.constant 16 : i32
    %mul3A_0 = arith.muli %arg0, %mul3A : i32
    %add3A = arith.addi %mul3A_0, %arg1 : i32
    %mul3A_1 = arith.constant 5000 : i32
    %mul3A_2 = arith.muli %add3A, %mul3A_1 : i32
    %add3A_3 = arith.constant 0 : i32
    %add3A_4 = arith.addi %add3A_3, %mul3A_2 : i32
    "tpu.region"() ({
      %run_scoped3A = tpu.sem_alloc : memref<!tpu.dma_semaphore, #tpu.memory_space<semaphore_mem>>
      %dma_start3A_120 = tpu.memref_slice %arg4[%add3A_4] : memref<640000xi32, #tpu.memory_space<hbm>> -> memref<5000xi32, #tpu.memory_space<hbm>>
      %dma_start3A_121 = tpu.memref_slice %arg4[%add3A_4] : memref<640000xi32, #tpu.memory_space<hbm>> -> memref<5000xi32, #tpu.memory_space<hbm>>
      tpu.enqueue_dma source(%dma_start3A_121 : memref<5000xi32, #tpu.memory_space<hbm>>) target(%arg6 : memref<5000xi32, #tpu.memory_space<vmem>>) target_semaphore(%run_scoped3A : memref<!tpu.dma_semaphore, #tpu.memory_space<semaphore_mem>>)
      %dma_wait3A_122 = tpu.memref_slice %arg4[%add3A_4] : memref<640000xi32, #tpu.memory_space<hbm>> -> memref<5000xi32, #tpu.memory_space<hbm>>
      %dma_wait3A_123 = tpu.memref_slice %arg4[%add3A_4] : memref<640000xi32, #tpu.memory_space<hbm>> -> memref<5000xi32, #tpu.memory_space<hbm>>
      tpu.wait_dma2 semaphore(%run_scoped3A : memref<!tpu.dma_semaphore, #tpu.memory_space<semaphore_mem>>) src(%dma_wait3A_123 : memref<5000xi32, #tpu.memory_space<hbm>>) dst(%arg6 : memref<5000xi32, #tpu.memory_space<vmem>>)
      tpu.yield
    }) : () -> ()
    %add3A_5 = arith.constant 320000 : i32
    %add3A_6 = arith.addi %add3A_5, %mul3A_2 : i32
    "tpu.region"() ({
      %run_scoped3A = tpu.sem_alloc : memref<!tpu.dma_semaphore, #tpu.memory_space<semaphore_mem>>
      %dma_start3A_120 = tpu.memref_slice %arg4[%add3A_6] : memref<640000xi32, #tpu.memory_space<hbm>> -> memref<5000xi32, #tpu.memory_space<hbm>>
      %dma_start3A_121 = tpu.memref_slice %arg4[%add3A_6] : memref<640000xi32, #tpu.memory_space<hbm>> -> memref<5000xi32, #tpu.memory_space<hbm>>
      tpu.enqueue_dma source(%dma_start3A_121 : memref<5000xi32, #tpu.memory_space<hbm>>) target(%arg7 : memref<5000xi32, #tpu.memory_space<vmem>>) target_semaphore(%run_scoped3A : memref<!tpu.dma_semaphore, #tpu.memory_space<semaphore_mem>>)
      %dma_wait3A_122 = tpu.memref_slice %arg4[%add3A_6] : memref<640000xi32, #tpu.memory_space<hbm>> -> memref<5000xi32, #tpu.memory_space<hbm>>
      %dma_wait3A_123 = tpu.memref_slice %arg4[%add3A_6] : memref<640000xi32, #tpu.memory_space<hbm>> -> memref<5000xi32, #tpu.memory_space<hbm>>
      tpu.wait_dma2 semaphore(%run_scoped3A : memref<!tpu.dma_semaphore, #tpu.memory_space<semaphore_mem>>) src(%dma_wait3A_123 : memref<5000xi32, #tpu.memory_space<hbm>>) dst(%arg7 : memref<5000xi32, #tpu.memory_space<vmem>>)
      tpu.yield
    }) : () -> ()
    %dma_start3A = arith.constant 0 : i32
    %dma_start3A_7 = arith.constant 0 : i32
    %dma_start3A_8 = tpu.memref_slice %arg8[%dma_start3A, %dma_start3A_7] : memref<200x128xf32, #tpu.memory_space<vmem>> -> memref<80x128xf32, #tpu.memory_space<vmem>>
    %dma_start3A_9 = arith.constant 0 : i32
    %dma_start3A_10 = tpu.memref_slice %arg6[%dma_start3A_9] : memref<5000xi32, #tpu.memory_space<vmem>> -> memref<80xi32, #tpu.memory_space<vmem>>
    %dma_start3A_11 = arith.constant 0 : i32
    %dma_start3A_12 = arith.constant 0 : i32
    %dma_start3A_13 = tpu.memref_slice %arg2[%dma_start3A_11, %dma_start3A_12] : memref<10000x128xf32, #tpu.memory_space<hbm>> -> memref<10000x128xf32, #tpu.memory_space<hbm>>
    tpu.enqueue_indirect_dma source(%dma_start3A_13 : memref<10000x128xf32, #tpu.memory_space<hbm>>) target(%dma_start3A_8 : memref<80x128xf32, #tpu.memory_space<vmem>>) offsets(%dma_start3A_10 : memref<80xi32, #tpu.memory_space<vmem>>) semaphore(%arg12 : memref<!tpu.dma_semaphore, #tpu.memory_space<semaphore_mem>>)
    %dma_start3A_14 = arith.constant 80 : i32
    %dma_start3A_15 = arith.constant 0 : i32
    %dma_start3A_16 = tpu.memref_slice %arg8[%dma_start3A_14, %dma_start3A_15] : memref<200x128xf32, #tpu.memory_space<vmem>> -> memref<80x128xf32, #tpu.memory_space<vmem>>
    %dma_start3A_17 = arith.constant 80 : i32
    %dma_start3A_18 = tpu.memref_slice %arg6[%dma_start3A_17] : memref<5000xi32, #tpu.memory_space<vmem>> -> memref<80xi32, #tpu.memory_space<vmem>>
    %dma_start3A_19 = arith.constant 0 : i32
    %dma_start3A_20 = arith.constant 0 : i32
    %dma_start3A_21 = tpu.memref_slice %arg2[%dma_start3A_19, %dma_start3A_20] : memref<10000x128xf32, #tpu.memory_space<hbm>> -> memref<10000x128xf32, #tpu.memory_space<hbm>>
    tpu.enqueue_indirect_dma source(%dma_start3A_21 : memref<10000x128xf32, #tpu.memory_space<hbm>>) target(%dma_start3A_16 : memref<80x128xf32, #tpu.memory_space<vmem>>) offsets(%dma_start3A_18 : memref<80xi32, #tpu.memory_space<vmem>>) semaphore(%arg12 : memref<!tpu.dma_semaphore, #tpu.memory_space<semaphore_mem>>)
    %dma_start3A_22 = arith.constant 160 : i32
    %dma_start3A_23 = arith.constant 0 : i32
    %dma_start3A_24 = tpu.memref_slice %arg8[%dma_start3A_22, %dma_start3A_23] : memref<200x128xf32, #tpu.memory_space<vmem>> -> memref<40x128xf32, #tpu.memory_space<vmem>>
    %dma_start3A_25 = arith.constant 160 : i32
    %dma_start3A_26 = tpu.memref_slice %arg6[%dma_start3A_25] : memref<5000xi32, #tpu.memory_space<vmem>> -> memref<40xi32, #tpu.memory_space<vmem>>
    %dma_start3A_27 = arith.constant 0 : i32
    %dma_start3A_28 = arith.constant 0 : i32
    %dma_start3A_29 = tpu.memref_slice %arg2[%dma_start3A_27, %dma_start3A_28] : memref<10000x128xf32, #tpu.memory_space<hbm>> -> memref<10000x128xf32, #tpu.memory_space<hbm>>
    tpu.enqueue_indirect_dma source(%dma_start3A_29 : memref<10000x128xf32, #tpu.memory_space<hbm>>) target(%dma_start3A_24 : memref<40x128xf32, #tpu.memory_space<vmem>>) offsets(%dma_start3A_26 : memref<40xi32, #tpu.memory_space<vmem>>) semaphore(%arg12 : memref<!tpu.dma_semaphore, #tpu.memory_space<semaphore_mem>>)
    %dma_start3A_30 = arith.constant 0 : i32
    %dma_start3A_31 = arith.constant 0 : i32
    %dma_start3A_32 = tpu.memref_slice %arg9[%dma_start3A_30, %dma_start3A_31] : memref<200x128xf32, #tpu.memory_space<vmem>> -> memref<80x128xf32, #tpu.memory_space<vmem>>
    %dma_start3A_33 = arith.constant 0 : i32
    %dma_start3A_34 = tpu.memref_slice %arg7[%dma_start3A_33] : memref<5000xi32, #tpu.memory_space<vmem>> -> memref<80xi32, #tpu.memory_space<vmem>>
    %dma_start3A_35 = arith.constant 0 : i32
    %dma_start3A_36 = arith.constant 0 : i32
    %dma_start3A_37 = tpu.memref_slice %arg3[%dma_start3A_35, %dma_start3A_36] : memref<10000x128xf32, #tpu.memory_space<hbm>> -> memref<10000x128xf32, #tpu.memory_space<hbm>>
    tpu.enqueue_indirect_dma source(%dma_start3A_37 : memref<10000x128xf32, #tpu.memory_space<hbm>>) target(%dma_start3A_32 : memref<80x128xf32, #tpu.memory_space<vmem>>) offsets(%dma_start3A_34 : memref<80xi32, #tpu.memory_space<vmem>>) semaphore(%arg12 : memref<!tpu.dma_semaphore, #tpu.memory_space<semaphore_mem>>)
    %dma_start3A_38 = arith.constant 80 : i32
    %dma_start3A_39 = arith.constant 0 : i32
    %dma_start3A_40 = tpu.memref_slice %arg9[%dma_start3A_38, %dma_start3A_39] : memref<200x128xf32, #tpu.memory_space<vmem>> -> memref<80x128xf32, #tpu.memory_space<vmem>>
    %dma_start3A_41 = arith.constant 80 : i32
    %dma_start3A_42 = tpu.memref_slice %arg7[%dma_start3A_41] : memref<5000xi32, #tpu.memory_space<vmem>> -> memref<80xi32, #tpu.memory_space<vmem>>
    %dma_start3A_43 = arith.constant 0 : i32
    %dma_start3A_44 = arith.constant 0 : i32
    %dma_start3A_45 = tpu.memref_slice %arg3[%dma_start3A_43, %dma_start3A_44] : memref<10000x128xf32, #tpu.memory_space<hbm>> -> memref<10000x128xf32, #tpu.memory_space<hbm>>
    tpu.enqueue_indirect_dma source(%dma_start3A_45 : memref<10000x128xf32, #tpu.memory_space<hbm>>) target(%dma_start3A_40 : memref<80x128xf32, #tpu.memory_space<vmem>>) offsets(%dma_start3A_42 : memref<80xi32, #tpu.memory_space<vmem>>) semaphore(%arg12 : memref<!tpu.dma_semaphore, #tpu.memory_space<semaphore_mem>>)
    %dma_start3A_46 = arith.constant 160 : i32
    %dma_start3A_47 = arith.constant 0 : i32
    %dma_start3A_48 = tpu.memref_slice %arg9[%dma_start3A_46, %dma_start3A_47] : memref<200x128xf32, #tpu.memory_space<vmem>> -> memref<40x128xf32, #tpu.memory_space<vmem>>
    %dma_start3A_49 = arith.constant 160 : i32
    %dma_start3A_50 = tpu.memref_slice %arg7[%dma_start3A_49] : memref<5000xi32, #tpu.memory_space<vmem>> -> memref<40xi32, #tpu.memory_space<vmem>>
    %dma_start3A_51 = arith.constant 0 : i32
    %dma_start3A_52 = arith.constant 0 : i32
    %dma_start3A_53 = tpu.memref_slice %arg3[%dma_start3A_51, %dma_start3A_52] : memref<10000x128xf32, #tpu.memory_space<hbm>> -> memref<10000x128xf32, #tpu.memory_space<hbm>>
    tpu.enqueue_indirect_dma source(%dma_start3A_53 : memref<10000x128xf32, #tpu.memory_space<hbm>>) target(%dma_start3A_48 : memref<40x128xf32, #tpu.memory_space<vmem>>) offsets(%dma_start3A_50 : memref<40xi32, #tpu.memory_space<vmem>>) semaphore(%arg12 : memref<!tpu.dma_semaphore, #tpu.memory_space<semaphore_mem>>)
    %dma_wait3A = arith.constant 0 : i32
    %dma_wait3A_54 = arith.constant 0 : i32
    %dma_wait3A_55 = tpu.memref_slice %arg8[%dma_wait3A, %dma_wait3A_54] : memref<200x128xf32, #tpu.memory_space<vmem>> -> memref<80x128xf32, #tpu.memory_space<vmem>>
    %dma_wait3A_56 = arith.constant 0 : i32
    %dma_wait3A_57 = tpu.memref_slice %arg6[%dma_wait3A_56] : memref<5000xi32, #tpu.memory_space<vmem>> -> memref<80xi32, #tpu.memory_space<vmem>>
    %dma_wait3A_58 = arith.constant 0 : i32
    %dma_wait3A_59 = arith.constant 0 : i32
    %dma_wait3A_60 = tpu.memref_slice %arg2[%dma_wait3A_58, %dma_wait3A_59] : memref<10000x128xf32, #tpu.memory_space<hbm>> -> memref<10000x128xf32, #tpu.memory_space<hbm>>
    tpu.wait_indirect_dma semaphore(%arg12 : memref<!tpu.dma_semaphore, #tpu.memory_space<semaphore_mem>>) src(%dma_wait3A_60 : memref<10000x128xf32, #tpu.memory_space<hbm>>) dst(%dma_wait3A_55 : memref<80x128xf32, #tpu.memory_space<vmem>>)
    %dma_wait3A_61 = arith.constant 80 : i32
    %dma_wait3A_62 = arith.constant 0 : i32
    %dma_wait3A_63 = tpu.memref_slice %arg8[%dma_wait3A_61, %dma_wait3A_62] : memref<200x128xf32, #tpu.memory_space<vmem>> -> memref<80x128xf32, #tpu.memory_space<vmem>>
    %dma_wait3A_64 = arith.constant 80 : i32
    %dma_wait3A_65 = tpu.memref_slice %arg6[%dma_wait3A_64] : memref<5000xi32, #tpu.memory_space<vmem>> -> memref<80xi32, #tpu.memory_space<vmem>>
    %dma_wait3A_66 = arith.constant 0 : i32
    %dma_wait3A_67 = arith.constant 0 : i32
    %dma_wait3A_68 = tpu.memref_slice %arg2[%dma_wait3A_66, %dma_wait3A_67] : memref<10000x128xf32, #tpu.memory_space<hbm>> -> memref<10000x128xf32, #tpu.memory_space<hbm>>
    tpu.wait_indirect_dma semaphore(%arg12 : memref<!tpu.dma_semaphore, #tpu.memory_space<semaphore_mem>>) src(%dma_wait3A_68 : memref<10000x128xf32, #tpu.memory_space<hbm>>) dst(%dma_wait3A_63 : memref<80x128xf32, #tpu.memory_space<vmem>>)
    %dma_wait3A_69 = arith.constant 160 : i32
    %dma_wait3A_70 = arith.constant 0 : i32
    %dma_wait3A_71 = tpu.memref_slice %arg8[%dma_wait3A_69, %dma_wait3A_70] : memref<200x128xf32, #tpu.memory_space<vmem>> -> memref<40x128xf32, #tpu.memory_space<vmem>>
    %dma_wait3A_72 = arith.constant 160 : i32
    %dma_wait3A_73 = tpu.memref_slice %arg6[%dma_wait3A_72] : memref<5000xi32, #tpu.memory_space<vmem>> -> memref<40xi32, #tpu.memory_space<vmem>>
    %dma_wait3A_74 = arith.constant 0 : i32
    %dma_wait3A_75 = arith.constant 0 : i32
    %dma_wait3A_76 = tpu.memref_slice %arg2[%dma_wait3A_74, %dma_wait3A_75] : memref<10000x128xf32, #tpu.memory_space<hbm>> -> memref<10000x128xf32, #tpu.memory_space<hbm>>
    tpu.wait_indirect_dma semaphore(%arg12 : memref<!tpu.dma_semaphore, #tpu.memory_space<semaphore_mem>>) src(%dma_wait3A_76 : memref<10000x128xf32, #tpu.memory_space<hbm>>) dst(%dma_wait3A_71 : memref<40x128xf32, #tpu.memory_space<vmem>>)
    %dma_wait3A_77 = arith.constant 0 : i32
    %dma_wait3A_78 = arith.constant 0 : i32
    %dma_wait3A_79 = tpu.memref_slice %arg9[%dma_wait3A_77, %dma_wait3A_78] : memref<200x128xf32, #tpu.memory_space<vmem>> -> memref<80x128xf32, #tpu.memory_space<vmem>>
    %dma_wait3A_80 = arith.constant 0 : i32
    %dma_wait3A_81 = tpu.memref_slice %arg7[%dma_wait3A_80] : memref<5000xi32, #tpu.memory_space<vmem>> -> memref<80xi32, #tpu.memory_space<vmem>>
    %dma_wait3A_82 = arith.constant 0 : i32
    %dma_wait3A_83 = arith.constant 0 : i32
    %dma_wait3A_84 = tpu.memref_slice %arg3[%dma_wait3A_82, %dma_wait3A_83] : memref<10000x128xf32, #tpu.memory_space<hbm>> -> memref<10000x128xf32, #tpu.memory_space<hbm>>
    tpu.wait_indirect_dma semaphore(%arg12 : memref<!tpu.dma_semaphore, #tpu.memory_space<semaphore_mem>>) src(%dma_wait3A_84 : memref<10000x128xf32, #tpu.memory_space<hbm>>) dst(%dma_wait3A_79 : memref<80x128xf32, #tpu.memory_space<vmem>>)
    %dma_wait3A_85 = arith.constant 80 : i32
    %dma_wait3A_86 = arith.constant 0 : i32
    %dma_wait3A_87 = tpu.memref_slice %arg9[%dma_wait3A_85, %dma_wait3A_86] : memref<200x128xf32, #tpu.memory_space<vmem>> -> memref<80x128xf32, #tpu.memory_space<vmem>>
    %dma_wait3A_88 = arith.constant 80 : i32
    %dma_wait3A_89 = tpu.memref_slice %arg7[%dma_wait3A_88] : memref<5000xi32, #tpu.memory_space<vmem>> -> memref<80xi32, #tpu.memory_space<vmem>>
    %dma_wait3A_90 = arith.constant 0 : i32
    %dma_wait3A_91 = arith.constant 0 : i32
    %dma_wait3A_92 = tpu.memref_slice %arg3[%dma_wait3A_90, %dma_wait3A_91] : memref<10000x128xf32, #tpu.memory_space<hbm>> -> memref<10000x128xf32, #tpu.memory_space<hbm>>
    tpu.wait_indirect_dma semaphore(%arg12 : memref<!tpu.dma_semaphore, #tpu.memory_space<semaphore_mem>>) src(%dma_wait3A_92 : memref<10000x128xf32, #tpu.memory_space<hbm>>) dst(%dma_wait3A_87 : memref<80x128xf32, #tpu.memory_space<vmem>>)
    %dma_wait3A_93 = arith.constant 160 : i32
    %dma_wait3A_94 = arith.constant 0 : i32
    %dma_wait3A_95 = tpu.memref_slice %arg9[%dma_wait3A_93, %dma_wait3A_94] : memref<200x128xf32, #tpu.memory_space<vmem>> -> memref<40x128xf32, #tpu.memory_space<vmem>>
    %dma_wait3A_96 = arith.constant 160 : i32
    %dma_wait3A_97 = tpu.memref_slice %arg7[%dma_wait3A_96] : memref<5000xi32, #tpu.memory_space<vmem>> -> memref<40xi32, #tpu.memory_space<vmem>>
    %dma_wait3A_98 = arith.constant 0 : i32
    %dma_wait3A_99 = arith.constant 0 : i32
    %dma_wait3A_100 = tpu.memref_slice %arg3[%dma_wait3A_98, %dma_wait3A_99] : memref<10000x128xf32, #tpu.memory_space<hbm>> -> memref<10000x128xf32, #tpu.memory_space<hbm>>
    tpu.wait_indirect_dma semaphore(%arg12 : memref<!tpu.dma_semaphore, #tpu.memory_space<semaphore_mem>>) src(%dma_wait3A_100 : memref<10000x128xf32, #tpu.memory_space<hbm>>) dst(%dma_wait3A_95 : memref<40x128xf32, #tpu.memory_space<vmem>>)
    %scan3A = arith.constant 0 : i32
    %scan3A_101 = arith.constant 0 : i32
    %scan3A_102 = arith.constant 200 : i32
    %scan3A_103 = arith.addi %scan3A_101, %scan3A_102 : i32
    %scan3A_104 = arith.constant 1 : i32
    scf.for %scan3A_120 = %scan3A_101 to %scan3A_103 step %scan3A_104  : i32 {
      %get3A = arith.index_cast %scan3A_120 : i32 to index
      %get3A_121 = arith.constant 0 : index
      %get3A_122 = tpu.vector_load %arg8[%get3A, %get3A_121] {strides = array<i32>} : memref<200x128xf32, #tpu.memory_space<vmem>>, vector<1x16xf32>,
      %get3A_123 = vector.shape_cast %get3A_122 : vector<1x16xf32> to vector<16xf32>
      %get3A_124 = arith.index_cast %scan3A_120 : i32 to index
      %get3A_125 = arith.constant 0 : index
      %get3A_126 = tpu.vector_load %arg9[%get3A_124, %get3A_125] {strides = array<i32>} : memref<200x128xf32, #tpu.memory_space<vmem>>, vector<1x16xf32>,
      %get3A_127 = vector.shape_cast %get3A_126 : vector<1x16xf32> to vector<16xf32>
      %add3A_128 = arith.addf %get3A_123, %get3A_127 : vector<16xf32>
      %swap3A = arith.index_cast %scan3A_120 : i32 to index
      %swap3A_129 = arith.constant 0 : index
      %swap3A_130 = tpu.vector_load %arg8[%swap3A, %swap3A_129] {strides = array<i32>} : memref<200x128xf32, #tpu.memory_space<vmem>>, vector<1x16xf32>,
      %swap3A_131 = vector.shape_cast %swap3A_130 : vector<1x16xf32> to vector<16xf32>
      %swap3A_132 = vector.shape_cast %add3A_128 : vector<16xf32> to vector<1x16xf32>
      tpu.vector_store %arg8[%swap3A, %swap3A_129], %swap3A_132 {strides = array<i32>} : memref<200x128xf32, #tpu.memory_space<vmem>>, vector<1x16xf32>,
      %get3A_133 = arith.index_cast %scan3A_120 : i32 to index
      %get3A_134 = arith.constant 16 : index
      %get3A_135 = tpu.vector_load %arg8[%get3A_133, %get3A_134] {strides = array<i32>} : memref<200x128xf32, #tpu.memory_space<vmem>>, vector<1x16xf32>,
      %get3A_136 = vector.shape_cast %get3A_135 : vector<1x16xf32> to vector<16xf32>
      %get3A_137 = arith.index_cast %scan3A_120 : i32 to index
      %get3A_138 = arith.constant 16 : index
      %get3A_139 = tpu.vector_load %arg9[%get3A_137, %get3A_138] {strides = array<i32>} : memref<200x128xf32, #tpu.memory_space<vmem>>, vector<1x16xf32>,
      %get3A_140 = vector.shape_cast %get3A_139 : vector<1x16xf32> to vector<16xf32>
      %add3A_141 = arith.addf %get3A_136, %get3A_140 : vector<16xf32>
      %swap3A_142 = arith.index_cast %scan3A_120 : i32 to index
      %swap3A_143 = arith.constant 16 : index
      %swap3A_144 = tpu.vector_load %arg8[%swap3A_142, %swap3A_143] {strides = array<i32>} : memref<200x128xf32, #tpu.memory_space<vmem>>, vector<1x16xf32>,
      %swap3A_145 = vector.shape_cast %swap3A_144 : vector<1x16xf32> to vector<16xf32>
      %swap3A_146 = vector.shape_cast %add3A_141 : vector<16xf32> to vector<1x16xf32>
      tpu.vector_store %arg8[%swap3A_142, %swap3A_143], %swap3A_146 {strides = array<i32>} : memref<200x128xf32, #tpu.memory_space<vmem>>, vector<1x16xf32>,
      %get3A_147 = arith.index_cast %scan3A_120 : i32 to index
      %get3A_148 = arith.constant 32 : index
      %get3A_149 = tpu.vector_load %arg8[%get3A_147, %get3A_148] {strides = array<i32>} : memref<200x128xf32, #tpu.memory_space<vmem>>, vector<1x16xf32>,
      %get3A_150 = vector.shape_cast %get3A_149 : vector<1x16xf32> to vector<16xf32>
      %get3A_151 = arith.index_cast %scan3A_120 : i32 to index
      %get3A_152 = arith.constant 32 : index
      %get3A_153 = tpu.vector_load %arg9[%get3A_151, %get3A_152] {strides = array<i32>} : memref<200x128xf32, #tpu.memory_space<vmem>>, vector<1x16xf32>,
      %get3A_154 = vector.shape_cast %get3A_153 : vector<1x16xf32> to vector<16xf32>
      %add3A_155 = arith.addf %get3A_150, %get3A_154 : vector<16xf32>
      %swap3A_156 = arith.index_cast %scan3A_120 : i32 to index
      %swap3A_157 = arith.constant 32 : index
      %swap3A_158 = tpu.vector_load %arg8[%swap3A_156, %swap3A_157] {strides = array<i32>} : memref<200x128xf32, #tpu.memory_space<vmem>>, vector<1x16xf32>,
      %swap3A_159 = vector.shape_cast %swap3A_158 : vector<1x16xf32> to vector<16xf32>
      %swap3A_160 = vector.shape_cast %add3A_155 : vector<16xf32> to vector<1x16xf32>
      tpu.vector_store %arg8[%swap3A_156, %swap3A_157], %swap3A_160 {strides = array<i32>} : memref<200x128xf32, #tpu.memory_space<vmem>>, vector<1x16xf32>,
      %get3A_161 = arith.index_cast %scan3A_120 : i32 to index
      %get3A_162 = arith.constant 48 : index
      %get3A_163 = tpu.vector_load %arg8[%get3A_161, %get3A_162] {strides = array<i32>} : memref<200x128xf32, #tpu.memory_space<vmem>>, vector<1x16xf32>,
      %get3A_164 = vector.shape_cast %get3A_163 : vector<1x16xf32> to vector<16xf32>
      %get3A_165 = arith.index_cast %scan3A_120 : i32 to index
      %get3A_166 = arith.constant 48 : index
      %get3A_167 = tpu.vector_load %arg9[%get3A_165, %get3A_166] {strides = array<i32>} : memref<200x128xf32, #tpu.memory_space<vmem>>, vector<1x16xf32>,
      %get3A_168 = vector.shape_cast %get3A_167 : vector<1x16xf32> to vector<16xf32>
      %add3A_169 = arith.addf %get3A_164, %get3A_168 : vector<16xf32>
      %swap3A_170 = arith.index_cast %scan3A_120 : i32 to index
      %swap3A_171 = arith.constant 48 : index
      %swap3A_172 = tpu.vector_load %arg8[%swap3A_170, %swap3A_171] {strides = array<i32>} : memref<200x128xf32, #tpu.memory_space<vmem>>, vector<1x16xf32>,
      %swap3A_173 = vector.shape_cast %swap3A_172 : vector<1x16xf32> to vector<16xf32>
      %swap3A_174 = vector.shape_cast %add3A_169 : vector<16xf32> to vector<1x16xf32>
      tpu.vector_store %arg8[%swap3A_170, %swap3A_171], %swap3A_174 {strides = array<i32>} : memref<200x128xf32, #tpu.memory_space<vmem>>, vector<1x16xf32>,
      %get3A_175 = arith.index_cast %scan3A_120 : i32 to index
      %get3A_176 = arith.constant 64 : index
      %get3A_177 = tpu.vector_load %arg8[%get3A_175, %get3A_176] {strides = array<i32>} : memref<200x128xf32, #tpu.memory_space<vmem>>, vector<1x16xf32>,
      %get3A_178 = vector.shape_cast %get3A_177 : vector<1x16xf32> to vector<16xf32>
      %get3A_179 = arith.index_cast %scan3A_120 : i32 to index
      %get3A_180 = arith.constant 64 : index
      %get3A_181 = tpu.vector_load %arg9[%get3A_179, %get3A_180] {strides = array<i32>} : memref<200x128xf32, #tpu.memory_space<vmem>>, vector<1x16xf32>,
      %get3A_182 = vector.shape_cast %get3A_181 : vector<1x16xf32> to vector<16xf32>
      %add3A_183 = arith.addf %get3A_178, %get3A_182 : vector<16xf32>
      %swap3A_184 = arith.index_cast %scan3A_120 : i32 to index
      %swap3A_185 = arith.constant 64 : index
      %swap3A_186 = tpu.vector_load %arg8[%swap3A_184, %swap3A_185] {strides = array<i32>} : memref<200x128xf32, #tpu.memory_space<vmem>>, vector<1x16xf32>,
      %swap3A_187 = vector.shape_cast %swap3A_186 : vector<1x16xf32> to vector<16xf32>
      %swap3A_188 = vector.shape_cast %add3A_183 : vector<16xf32> to vector<1x16xf32>
      tpu.vector_store %arg8[%swap3A_184, %swap3A_185], %swap3A_188 {strides = array<i32>} : memref<200x128xf32, #tpu.memory_space<vmem>>, vector<1x16xf32>,
      %get3A_189 = arith.index_cast %scan3A_120 : i32 to index
      %get3A_190 = arith.constant 80 : index
      %get3A_191 = tpu.vector_load %arg8[%get3A_189, %get3A_190] {strides = array<i32>} : memref<200x128xf32, #tpu.memory_space<vmem>>, vector<1x16xf32>,
      %get3A_192 = vector.shape_cast %get3A_191 : vector<1x16xf32> to vector<16xf32>
      %get3A_193 = arith.index_cast %scan3A_120 : i32 to index
      %get3A_194 = arith.constant 80 : index
      %get3A_195 = tpu.vector_load %arg9[%get3A_193, %get3A_194] {strides = array<i32>} : memref<200x128xf32, #tpu.memory_space<vmem>>, vector<1x16xf32>,
      %get3A_196 = vector.shape_cast %get3A_195 : vector<1x16xf32> to vector<16xf32>
      %add3A_197 = arith.addf %get3A_192, %get3A_196 : vector<16xf32>
      %swap3A_198 = arith.index_cast %scan3A_120 : i32 to index
      %swap3A_199 = arith.constant 80 : index
      %swap3A_200 = tpu.vector_load %arg8[%swap3A_198, %swap3A_199] {strides = array<i32>} : memref<200x128xf32, #tpu.memory_space<vmem>>, vector<1x16xf32>,
      %swap3A_201 = vector.shape_cast %swap3A_200 : vector<1x16xf32> to vector<16xf32>
      %swap3A_202 = vector.shape_cast %add3A_197 : vector<16xf32> to vector<1x16xf32>
      tpu.vector_store %arg8[%swap3A_198, %swap3A_199], %swap3A_202 {strides = array<i32>} : memref<200x128xf32, #tpu.memory_space<vmem>>, vector<1x16xf32>,
      %get3A_203 = arith.index_cast %scan3A_120 : i32 to index
      %get3A_204 = arith.constant 96 : index
      %get3A_205 = tpu.vector_load %arg8[%get3A_203, %get3A_204] {strides = array<i32>} : memref<200x128xf32, #tpu.memory_space<vmem>>, vector<1x16xf32>,
      %get3A_206 = vector.shape_cast %get3A_205 : vector<1x16xf32> to vector<16xf32>
      %get3A_207 = arith.index_cast %scan3A_120 : i32 to index
      %get3A_208 = arith.constant 96 : index
      %get3A_209 = tpu.vector_load %arg9[%get3A_207, %get3A_208] {strides = array<i32>} : memref<200x128xf32, #tpu.memory_space<vmem>>, vector<1x16xf32>,
      %get3A_210 = vector.shape_cast %get3A_209 : vector<1x16xf32> to vector<16xf32>
      %add3A_211 = arith.addf %get3A_206, %get3A_210 : vector<16xf32>
      %swap3A_212 = arith.index_cast %scan3A_120 : i32 to index
      %swap3A_213 = arith.constant 96 : index
      %swap3A_214 = tpu.vector_load %arg8[%swap3A_212, %swap3A_213] {strides = array<i32>} : memref<200x128xf32, #tpu.memory_space<vmem>>, vector<1x16xf32>,
      %swap3A_215 = vector.shape_cast %swap3A_214 : vector<1x16xf32> to vector<16xf32>
      %swap3A_216 = vector.shape_cast %add3A_211 : vector<16xf32> to vector<1x16xf32>
      tpu.vector_store %arg8[%swap3A_212, %swap3A_213], %swap3A_216 {strides = array<i32>} : memref<200x128xf32, #tpu.memory_space<vmem>>, vector<1x16xf32>,
      %get3A_217 = arith.index_cast %scan3A_120 : i32 to index
      %get3A_218 = arith.constant 112 : index
      %get3A_219 = tpu.vector_load %arg8[%get3A_217, %get3A_218] {strides = array<i32>} : memref<200x128xf32, #tpu.memory_space<vmem>>, vector<1x16xf32>,
      %get3A_220 = vector.shape_cast %get3A_219 : vector<1x16xf32> to vector<16xf32>
      %get3A_221 = arith.index_cast %scan3A_120 : i32 to index
      %get3A_222 = arith.constant 112 : index
      %get3A_223 = tpu.vector_load %arg9[%get3A_221, %get3A_222] {strides = array<i32>} : memref<200x128xf32, #tpu.memory_space<vmem>>, vector<1x16xf32>,
      %get3A_224 = vector.shape_cast %get3A_223 : vector<1x16xf32> to vector<16xf32>
      %add3A_225 = arith.addf %get3A_220, %get3A_224 : vector<16xf32>
      %swap3A_226 = arith.index_cast %scan3A_120 : i32 to index
      %swap3A_227 = arith.constant 112 : index
      %swap3A_228 = tpu.vector_load %arg8[%swap3A_226, %swap3A_227] {strides = array<i32>} : memref<200x128xf32, #tpu.memory_space<vmem>>, vector<1x16xf32>,
      %swap3A_229 = vector.shape_cast %swap3A_228 : vector<1x16xf32> to vector<16xf32>
      %swap3A_230 = vector.shape_cast %add3A_225 : vector<16xf32> to vector<1x16xf32>
      tpu.vector_store %arg8[%swap3A_226, %swap3A_227], %swap3A_230 {strides = array<i32>} : memref<200x128xf32, #tpu.memory_space<vmem>>, vector<1x16xf32>,
    }
    %scan3A_105 = arith.constant 200 : i32
    %scan3A_106 = arith.constant 0 : i32
    %scan3A_107 = arith.constant 0 : i32
    %scan3A_108 = arith.constant 12 : i32
    %scan3A_109 = arith.addi %scan3A_107, %scan3A_108 : i32
    %scan3A_110 = arith.constant 1 : i32
    scf.for %scan3A_120 = %scan3A_107 to %scan3A_109 step %scan3A_110  : i32 {
      %mul3A_121 = arith.constant 2 : i32
      %mul3A_122 = arith.muli %mul3A_121, %scan3A_120 : i32
      %gt3A = arith.constant 0 : i32
      %gt3A_123 = arith.cmpi sgt, %scan3A_120, %gt3A : i32
      %convert_element_type3A = arith.extui %gt3A_123 : i1 to i32
      %cond3A = arith.constant 0 : i32
      %cond3A_124 = arith.cmpi ne, %convert_element_type3A, %cond3A : i32
      scf.if %cond3A_124 {
        %sub3A = arith.constant 1 : i32
        %sub3A_380 = arith.subi %mul3A_122, %sub3A : i32
        %mul3A_381 = arith.constant 200 : i32
        %mul3A_382 = arith.muli %sub3A_380, %mul3A_381 : i32
        %add3A_383 = arith.addi %mul3A_2, %mul3A_382 : i32
        %dma_wait3A_384 = arith.constant 0 : i32
        %dma_wait3A_385 = tpu.memref_slice %arg5[%add3A_383, %dma_wait3A_384] : memref<160000x128xf32, #tpu.memory_space<hbm>> -> memref<200x128xf32, #tpu.memory_space<hbm>>
        %dma_wait3A_386 = arith.constant 0 : i32
        %dma_wait3A_387 = tpu.memref_slice %arg5[%add3A_383, %dma_wait3A_386] : memref<160000x128xf32, #tpu.memory_space<hbm>> -> memref<200x128xf32, #tpu.memory_space<hbm>>
        tpu.wait_dma2 semaphore(%arg15 : memref<!tpu.dma_semaphore, #tpu.memory_space<semaphore_mem>>) src(%arg10 : memref<200x128xf32, #tpu.memory_space<vmem>>) dst(%dma_wait3A_387 : memref<200x128xf32, #tpu.memory_space<hbm>>)
      } else {
      }
      %add3A_125 = arith.constant 1 : i32
      %add3A_126 = arith.addi %mul3A_122, %add3A_125 : i32
      %mul3A_127 = arith.constant 200 : i32
      %mul3A_128 = arith.muli %add3A_126, %mul3A_127 : i32
      %add3A_129 = arith.constant 0 : i32
      %add3A_130 = arith.addi %mul3A_128, %add3A_129 : i32
      %dma_start3A_131 = arith.constant 0 : i32
      %dma_start3A_132 = arith.constant 0 : i32
      %dma_start3A_133 = tpu.memref_slice %arg10[%dma_start3A_131, %dma_start3A_132] : memref<200x128xf32, #tpu.memory_space<vmem>> -> memref<80x128xf32, #tpu.memory_space<vmem>>
      %dma_start3A_134 = tpu.memref_slice %arg6[%add3A_130] : memref<5000xi32, #tpu.memory_space<vmem>> -> memref<80xi32, #tpu.memory_space<vmem>>
      %dma_start3A_135 = arith.constant 0 : i32
      %dma_start3A_136 = arith.constant 0 : i32
      %dma_start3A_137 = tpu.memref_slice %arg2[%dma_start3A_135, %dma_start3A_136] : memref<10000x128xf32, #tpu.memory_space<hbm>> -> memref<10000x128xf32, #tpu.memory_space<hbm>>
      tpu.enqueue_indirect_dma source(%dma_start3A_137 : memref<10000x128xf32, #tpu.memory_space<hbm>>) target(%dma_start3A_133 : memref<80x128xf32, #tpu.memory_space<vmem>>) offsets(%dma_start3A_134 : memref<80xi32, #tpu.memory_space<vmem>>) semaphore(%arg13 : memref<!tpu.dma_semaphore, #tpu.memory_space<semaphore_mem>>)
      %mul3A_138 = arith.constant 200 : i32
      %mul3A_139 = arith.muli %add3A_126, %mul3A_138 : i32
      %add3A_140 = arith.constant 80 : i32
      %add3A_141 = arith.addi %mul3A_139, %add3A_140 : i32
      %dma_start3A_142 = arith.constant 80 : i32
      %dma_start3A_143 = arith.constant 0 : i32
      %dma_start3A_144 = tpu.memref_slice %arg10[%dma_start3A_142, %dma_start3A_143] : memref<200x128xf32, #tpu.memory_space<vmem>> -> memref<80x128xf32, #tpu.memory_space<vmem>>
      %dma_start3A_145 = tpu.memref_slice %arg6[%add3A_141] : memref<5000xi32, #tpu.memory_space<vmem>> -> memref<80xi32, #tpu.memory_space<vmem>>
      %dma_start3A_146 = arith.constant 0 : i32
      %dma_start3A_147 = arith.constant 0 : i32
      %dma_start3A_148 = tpu.memref_slice %arg2[%dma_start3A_146, %dma_start3A_147] : memref<10000x128xf32, #tpu.memory_space<hbm>> -> memref<10000x128xf32, #tpu.memory_space<hbm>>
      tpu.enqueue_indirect_dma source(%dma_start3A_148 : memref<10000x128xf32, #tpu.memory_space<hbm>>) target(%dma_start3A_144 : memref<80x128xf32, #tpu.memory_space<vmem>>) offsets(%dma_start3A_145 : memref<80xi32, #tpu.memory_space<vmem>>) semaphore(%arg13 : memref<!tpu.dma_semaphore, #tpu.memory_space<semaphore_mem>>)
      %mul3A_149 = arith.constant 200 : i32
      %mul3A_150 = arith.muli %add3A_126, %mul3A_149 : i32
      %add3A_151 = arith.constant 160 : i32
      %add3A_152 = arith.addi %mul3A_150, %add3A_151 : i32
      %dma_start3A_153 = arith.constant 160 : i32
      %dma_start3A_154 = arith.constant 0 : i32
      %dma_start3A_155 = tpu.memref_slice %arg10[%dma_start3A_153, %dma_start3A_154] : memref<200x128xf32, #tpu.memory_space<vmem>> -> memref<40x128xf32, #tpu.memory_space<vmem>>
      %dma_start3A_156 = tpu.memref_slice %arg6[%add3A_152] : memref<5000xi32, #tpu.memory_space<vmem>> -> memref<40xi32, #tpu.memory_space<vmem>>
      %dma_start3A_157 = arith.constant 0 : i32
      %dma_start3A_158 = arith.constant 0 : i32
      %dma_start3A_159 = tpu.memref_slice %arg2[%dma_start3A_157, %dma_start3A_158] : memref<10000x128xf32, #tpu.memory_space<hbm>> -> memref<10000x128xf32, #tpu.memory_space<hbm>>
      tpu.enqueue_indirect_dma source(%dma_start3A_159 : memref<10000x128xf32, #tpu.memory_space<hbm>>) target(%dma_start3A_155 : memref<40x128xf32, #tpu.memory_space<vmem>>) offsets(%dma_start3A_156 : memref<40xi32, #tpu.memory_space<vmem>>) semaphore(%arg13 : memref<!tpu.dma_semaphore, #tpu.memory_space<semaphore_mem>>)
      %mul3A_160 = arith.constant 200 : i32
      %mul3A_161 = arith.muli %add3A_126, %mul3A_160 : i32
      %add3A_162 = arith.constant 0 : i32
      %add3A_163 = arith.addi %mul3A_161, %add3A_162 : i32
      %dma_start3A_164 = arith.constant 0 : i32
      %dma_start3A_165 = arith.constant 0 : i32
      %dma_start3A_166 = tpu.memref_slice %arg11[%dma_start3A_164, %dma_start3A_165] : memref<200x128xf32, #tpu.memory_space<vmem>> -> memref<80x128xf32, #tpu.memory_space<vmem>>
      %dma_start3A_167 = tpu.memref_slice %arg7[%add3A_163] : memref<5000xi32, #tpu.memory_space<vmem>> -> memref<80xi32, #tpu.memory_space<vmem>>
      %dma_start3A_168 = arith.constant 0 : i32
      %dma_start3A_169 = arith.constant 0 : i32
      %dma_start3A_170 = tpu.memref_slice %arg3[%dma_start3A_168, %dma_start3A_169] : memref<10000x128xf32, #tpu.memory_space<hbm>> -> memref<10000x128xf32, #tpu.memory_space<hbm>>
      tpu.enqueue_indirect_dma source(%dma_start3A_170 : memref<10000x128xf32, #tpu.memory_space<hbm>>) target(%dma_start3A_166 : memref<80x128xf32, #tpu.memory_space<vmem>>) offsets(%dma_start3A_167 : memref<80xi32, #tpu.memory_space<vmem>>) semaphore(%arg13 : memref<!tpu.dma_semaphore, #tpu.memory_space<semaphore_mem>>)
      %mul3A_171 = arith.constant 200 : i32
      %mul3A_172 = arith.muli %add3A_126, %mul3A_171 : i32
      %add3A_173 = arith.constant 80 : i32
      %add3A_174 = arith.addi %mul3A_172, %add3A_173 : i32
      %dma_start3A_175 = arith.constant 80 : i32
      %dma_start3A_176 = arith.constant 0 : i32
      %dma_start3A_177 = tpu.memref_slice %arg11[%dma_start3A_175, %dma_start3A_176] : memref<200x128xf32, #tpu.memory_space<vmem>> -> memref<80x128xf32, #tpu.memory_space<vmem>>
      %dma_start3A_178 = tpu.memref_slice %arg7[%add3A_174] : memref<5000xi32, #tpu.memory_space<vmem>> -> memref<80xi32, #tpu.memory_space<vmem>>
      %dma_start3A_179 = arith.constant 0 : i32
      %dma_start3A_180 = arith.constant 0 : i32
      %dma_start3A_181 = tpu.memref_slice %arg3[%dma_start3A_179, %dma_start3A_180] : memref<10000x128xf32, #tpu.memory_space<hbm>> -> memref<10000x128xf32, #tpu.memory_space<hbm>>
      tpu.enqueue_indirect_dma source(%dma_start3A_181 : memref<10000x128xf32, #tpu.memory_space<hbm>>) target(%dma_start3A_177 : memref<80x128xf32, #tpu.memory_space<vmem>>) offsets(%dma_start3A_178 : memref<80xi32, #tpu.memory_space<vmem>>) semaphore(%arg13 : memref<!tpu.dma_semaphore, #tpu.memory_space<semaphore_mem>>)
      %mul3A_182 = arith.constant 200 : i32
      %mul3A_183 = arith.muli %add3A_126, %mul3A_182 : i32
      %add3A_184 = arith.constant 160 : i32
      %add3A_185 = arith.addi %mul3A_183, %add3A_184 : i32
      %dma_start3A_186 = arith.constant 160 : i32
      %dma_start3A_187 = arith.constant 0 : i32
      %dma_start3A_188 = tpu.memref_slice %arg11[%dma_start3A_186, %dma_start3A_187] : memref<200x128xf32, #tpu.memory_space<vmem>> -> memref<40x128xf32, #tpu.memory_space<vmem>>
      %dma_start3A_189 = tpu.memref_slice %arg7[%add3A_185] : memref<5000xi32, #tpu.memory_space<vmem>> -> memref<40xi32, #tpu.memory_space<vmem>>
      %dma_start3A_190 = arith.constant 0 : i32
      %dma_start3A_191 = arith.constant 0 : i32
      %dma_start3A_192 = tpu.memref_slice %arg3[%dma_start3A_190, %dma_start3A_191] : memref<10000x128xf32, #tpu.memory_space<hbm>> -> memref<10000x128xf32, #tpu.memory_space<hbm>>
      tpu.enqueue_indirect_dma source(%dma_start3A_192 : memref<10000x128xf32, #tpu.memory_space<hbm>>) target(%dma_start3A_188 : memref<40x128xf32, #tpu.memory_space<vmem>>) offsets(%dma_start3A_189 : memref<40xi32, #tpu.memory_space<vmem>>) semaphore(%arg13 : memref<!tpu.dma_semaphore, #tpu.memory_space<semaphore_mem>>)
      %mul3A_193 = arith.constant 200 : i32
      %mul3A_194 = arith.muli %mul3A_122, %mul3A_193 : i32
      %add3A_195 = arith.addi %mul3A_2, %mul3A_194 : i32
      %dma_start3A_196 = arith.constant 0 : i32
      %dma_start3A_197 = tpu.memref_slice %arg5[%add3A_195, %dma_start3A_196] : memref<160000x128xf32, #tpu.memory_space<hbm>> -> memref<200x128xf32, #tpu.memory_space<hbm>>
      %dma_start3A_198 = arith.constant 0 : i32
      %dma_start3A_199 = tpu.memref_slice %arg5[%add3A_195, %dma_start3A_198] : memref<160000x128xf32, #tpu.memory_space<hbm>> -> memref<200x128xf32, #tpu.memory_space<hbm>>
      tpu.enqueue_dma source(%arg8 : memref<200x128xf32, #tpu.memory_space<vmem>>) target(%dma_start3A_199 : memref<200x128xf32, #tpu.memory_space<hbm>>) target_semaphore(%arg14 : memref<!tpu.dma_semaphore, #tpu.memory_space<semaphore_mem>>)
      %dma_wait3A_200 = arith.constant 0 : i32
      %dma_wait3A_201 = arith.constant 0 : i32
      %dma_wait3A_202 = tpu.memref_slice %arg10[%dma_wait3A_200, %dma_wait3A_201] : memref<200x128xf32, #tpu.memory_space<vmem>> -> memref<80x128xf32, #tpu.memory_space<vmem>>
      %dma_wait3A_203 = tpu.memref_slice %arg6[%add3A_130] : memref<5000xi32, #tpu.memory_space<vmem>> -> memref<80xi32, #tpu.memory_space<vmem>>
      %dma_wait3A_204 = arith.constant 0 : i32
      %dma_wait3A_205 = arith.constant 0 : i32
      %dma_wait3A_206 = tpu.memref_slice %arg2[%dma_wait3A_204, %dma_wait3A_205] : memref<10000x128xf32, #tpu.memory_space<hbm>> -> memref<10000x128xf32, #tpu.memory_space<hbm>>
      tpu.wait_indirect_dma semaphore(%arg13 : memref<!tpu.dma_semaphore, #tpu.memory_space<semaphore_mem>>) src(%dma_wait3A_206 : memref<10000x128xf32, #tpu.memory_space<hbm>>) dst(%dma_wait3A_202 : memref<80x128xf32, #tpu.memory_space<vmem>>)
      %dma_wait3A_207 = arith.constant 80 : i32
      %dma_wait3A_208 = arith.constant 0 : i32
      %dma_wait3A_209 = tpu.memref_slice %arg10[%dma_wait3A_207, %dma_wait3A_208] : memref<200x128xf32, #tpu.memory_space<vmem>> -> memref<80x128xf32, #tpu.memory_space<vmem>>
      %dma_wait3A_210 = tpu.memref_slice %arg6[%add3A_141] : memref<5000xi32, #tpu.memory_space<vmem>> -> memref<80xi32, #tpu.memory_space<vmem>>
      %dma_wait3A_211 = arith.constant 0 : i32
      %dma_wait3A_212 = arith.constant 0 : i32
      %dma_wait3A_213 = tpu.memref_slice %arg2[%dma_wait3A_211, %dma_wait3A_212] : memref<10000x128xf32, #tpu.memory_space<hbm>> -> memref<10000x128xf32, #tpu.memory_space<hbm>>
      tpu.wait_indirect_dma semaphore(%arg13 : memref<!tpu.dma_semaphore, #tpu.memory_space<semaphore_mem>>) src(%dma_wait3A_213 : memref<10000x128xf32, #tpu.memory_space<hbm>>) dst(%dma_wait3A_209 : memref<80x128xf32, #tpu.memory_space<vmem>>)
      %dma_wait3A_214 = arith.constant 160 : i32
      %dma_wait3A_215 = arith.constant 0 : i32
      %dma_wait3A_216 = tpu.memref_slice %arg10[%dma_wait3A_214, %dma_wait3A_215] : memref<200x128xf32, #tpu.memory_space<vmem>> -> memref<40x128xf32, #tpu.memory_space<vmem>>
      %dma_wait3A_217 = tpu.memref_slice %arg6[%add3A_152] : memref<5000xi32, #tpu.memory_space<vmem>> -> memref<40xi32, #tpu.memory_space<vmem>>
      %dma_wait3A_218 = arith.constant 0 : i32
      %dma_wait3A_219 = arith.constant 0 : i32
      %dma_wait3A_220 = tpu.memref_slice %arg2[%dma_wait3A_218, %dma_wait3A_219] : memref<10000x128xf32, #tpu.memory_space<hbm>> -> memref<10000x128xf32, #tpu.memory_space<hbm>>
      tpu.wait_indirect_dma semaphore(%arg13 : memref<!tpu.dma_semaphore, #tpu.memory_space<semaphore_mem>>) src(%dma_wait3A_220 : memref<10000x128xf32, #tpu.memory_space<hbm>>) dst(%dma_wait3A_216 : memref<40x128xf32, #tpu.memory_space<vmem>>)
      %dma_wait3A_221 = arith.constant 0 : i32
      %dma_wait3A_222 = arith.constant 0 : i32
      %dma_wait3A_223 = tpu.memref_slice %arg11[%dma_wait3A_221, %dma_wait3A_222] : memref<200x128xf32, #tpu.memory_space<vmem>> -> memref<80x128xf32, #tpu.memory_space<vmem>>
      %dma_wait3A_224 = tpu.memref_slice %arg7[%add3A_163] : memref<5000xi32, #tpu.memory_space<vmem>> -> memref<80xi32, #tpu.memory_space<vmem>>
      %dma_wait3A_225 = arith.constant 0 : i32
      %dma_wait3A_226 = arith.constant 0 : i32
      %dma_wait3A_227 = tpu.memref_slice %arg3[%dma_wait3A_225, %dma_wait3A_226] : memref<10000x128xf32, #tpu.memory_space<hbm>> -> memref<10000x128xf32, #tpu.memory_space<hbm>>
      tpu.wait_indirect_dma semaphore(%arg13 : memref<!tpu.dma_semaphore, #tpu.memory_space<semaphore_mem>>) src(%dma_wait3A_227 : memref<10000x128xf32, #tpu.memory_space<hbm>>) dst(%dma_wait3A_223 : memref<80x128xf32, #tpu.memory_space<vmem>>)
      %dma_wait3A_228 = arith.constant 80 : i32
      %dma_wait3A_229 = arith.constant 0 : i32
      %dma_wait3A_230 = tpu.memref_slice %arg11[%dma_wait3A_228, %dma_wait3A_229] : memref<200x128xf32, #tpu.memory_space<vmem>> -> memref<80x128xf32, #tpu.memory_space<vmem>>
      %dma_wait3A_231 = tpu.memref_slice %arg7[%add3A_174] : memref<5000xi32, #tpu.memory_space<vmem>> -> memref<80xi32, #tpu.memory_space<vmem>>
      %dma_wait3A_232 = arith.constant 0 : i32
      %dma_wait3A_233 = arith.constant 0 : i32
      %dma_wait3A_234 = tpu.memref_slice %arg3[%dma_wait3A_232, %dma_wait3A_233] : memref<10000x128xf32, #tpu.memory_space<hbm>> -> memref<10000x128xf32, #tpu.memory_space<hbm>>
      tpu.wait_indirect_dma semaphore(%arg13 : memref<!tpu.dma_semaphore, #tpu.memory_space<semaphore_mem>>) src(%dma_wait3A_234 : memref<10000x128xf32, #tpu.memory_space<hbm>>) dst(%dma_wait3A_230 : memref<80x128xf32, #tpu.memory_space<vmem>>)
      %dma_wait3A_235 = arith.constant 160 : i32
      %dma_wait3A_236 = arith.constant 0 : i32
      %dma_wait3A_237 = tpu.memref_slice %arg11[%dma_wait3A_235, %dma_wait3A_236] : memref<200x128xf32, #tpu.memory_space<vmem>> -> memref<40x128xf32, #tpu.memory_space<vmem>>
      %dma_wait3A_238 = tpu.memref_slice %arg7[%add3A_185] : memref<5000xi32, #tpu.memory_space<vmem>> -> memref<40xi32, #tpu.memory_space<vmem>>
      %dma_wait3A_239 = arith.constant 0 : i32
      %dma_wait3A_240 = arith.constant 0 : i32
      %dma_wait3A_241 = tpu.memref_slice %arg3[%dma_wait3A_239, %dma_wait3A_240] : memref<10000x128xf32, #tpu.memory_space<hbm>> -> memref<10000x128xf32, #tpu.memory_space<hbm>>
      tpu.wait_indirect_dma semaphore(%arg13 : memref<!tpu.dma_semaphore, #tpu.memory_space<semaphore_mem>>) src(%dma_wait3A_241 : memref<10000x128xf32, #tpu.memory_space<hbm>>) dst(%dma_wait3A_237 : memref<40x128xf32, #tpu.memory_space<vmem>>)
      %scan3A_242 = arith.constant 0 : i32
      %scan3A_243 = arith.constant 0 : i32
      %scan3A_244 = arith.constant 200 : i32
      %scan3A_245 = arith.addi %scan3A_243, %scan3A_244 : i32
      %scan3A_246 = arith.constant 1 : i32
      scf.for %scan3A_380 = %scan3A_243 to %scan3A_245 step %scan3A_246  : i32 {
        %get3A = arith.index_cast %scan3A_380 : i32 to index
        %get3A_381 = arith.constant 0 : index
        %get3A_382 = tpu.vector_load %arg10[%get3A, %get3A_381] {strides = array<i32>} : memref<200x128xf32, #tpu.memory_space<vmem>>, vector<1x16xf32>,
        %get3A_383 = vector.shape_cast %get3A_382 : vector<1x16xf32> to vector<16xf32>
        %get3A_384 = arith.index_cast %scan3A_380 : i32 to index
        %get3A_385 = arith.constant 0 : index
        %get3A_386 = tpu.vector_load %arg11[%get3A_384, %get3A_385] {strides = array<i32>} : memref<200x128xf32, #tpu.memory_space<vmem>>, vector<1x16xf32>,
        %get3A_387 = vector.shape_cast %get3A_386 : vector<1x16xf32> to vector<16xf32>
        %add3A_388 = arith.addf %get3A_383, %get3A_387 : vector<16xf32>
        %swap3A = arith.index_cast %scan3A_380 : i32 to index
        %swap3A_389 = arith.constant 0 : index
        %swap3A_390 = tpu.vector_load %arg10[%swap3A, %swap3A_389] {strides = array<i32>} : memref<200x128xf32, #tpu.memory_space<vmem>>, vector<1x16xf32>,
        %swap3A_391 = vector.shape_cast %swap3A_390 : vector<1x16xf32> to vector<16xf32>
        %swap3A_392 = vector.shape_cast %add3A_388 : vector<16xf32> to vector<1x16xf32>
        tpu.vector_store %arg10[%swap3A, %swap3A_389], %swap3A_392 {strides = array<i32>} : memref<200x128xf32, #tpu.memory_space<vmem>>, vector<1x16xf32>,
        %get3A_393 = arith.index_cast %scan3A_380 : i32 to index
        %get3A_394 = arith.constant 16 : index
        %get3A_395 = tpu.vector_load %arg10[%get3A_393, %get3A_394] {strides = array<i32>} : memref<200x128xf32, #tpu.memory_space<vmem>>, vector<1x16xf32>,
        %get3A_396 = vector.shape_cast %get3A_395 : vector<1x16xf32> to vector<16xf32>
        %get3A_397 = arith.index_cast %scan3A_380 : i32 to index
        %get3A_398 = arith.constant 16 : index
        %get3A_399 = tpu.vector_load %arg11[%get3A_397, %get3A_398] {strides = array<i32>} : memref<200x128xf32, #tpu.memory_space<vmem>>, vector<1x16xf32>,
        %get3A_400 = vector.shape_cast %get3A_399 : vector<1x16xf32> to vector<16xf32>
        %add3A_401 = arith.addf %get3A_396, %get3A_400 : vector<16xf32>
        %swap3A_402 = arith.index_cast %scan3A_380 : i32 to index
        %swap3A_403 = arith.constant 16 : index
        %swap3A_404 = tpu.vector_load %arg10[%swap3A_402, %swap3A_403] {strides = array<i32>} : memref<200x128xf32, #tpu.memory_space<vmem>>, vector<1x16xf32>,
        %swap3A_405 = vector.shape_cast %swap3A_404 : vector<1x16xf32> to vector<16xf32>
        %swap3A_406 = vector.shape_cast %add3A_401 : vector<16xf32> to vector<1x16xf32>
        tpu.vector_store %arg10[%swap3A_402, %swap3A_403], %swap3A_406 {strides = array<i32>} : memref<200x128xf32, #tpu.memory_space<vmem>>, vector<1x16xf32>,
        %get3A_407 = arith.index_cast %scan3A_380 : i32 to index
        %get3A_408 = arith.constant 32 : index
        %get3A_409 = tpu.vector_load %arg10[%get3A_407, %get3A_408] {strides = array<i32>} : memref<200x128xf32, #tpu.memory_space<vmem>>, vector<1x16xf32>,
        %get3A_410 = vector.shape_cast %get3A_409 : vector<1x16xf32> to vector<16xf32>
        %get3A_411 = arith.index_cast %scan3A_380 : i32 to index
        %get3A_412 = arith.constant 32 : index
        %get3A_413 = tpu.vector_load %arg11[%get3A_411, %get3A_412] {strides = array<i32>} : memref<200x128xf32, #tpu.memory_space<vmem>>, vector<1x16xf32>,
        %get3A_414 = vector.shape_cast %get3A_413 : vector<1x16xf32> to vector<16xf32>
        %add3A_415 = arith.addf %get3A_410, %get3A_414 : vector<16xf32>
        %swap3A_416 = arith.index_cast %scan3A_380 : i32 to index
        %swap3A_417 = arith.constant 32 : index
        %swap3A_418 = tpu.vector_load %arg10[%swap3A_416, %swap3A_417] {strides = array<i32>} : memref<200x128xf32, #tpu.memory_space<vmem>>, vector<1x16xf32>,
        %swap3A_419 = vector.shape_cast %swap3A_418 : vector<1x16xf32> to vector<16xf32>
        %swap3A_420 = vector.shape_cast %add3A_415 : vector<16xf32> to vector<1x16xf32>
        tpu.vector_store %arg10[%swap3A_416, %swap3A_417], %swap3A_420 {strides = array<i32>} : memref<200x128xf32, #tpu.memory_space<vmem>>, vector<1x16xf32>,
        %get3A_421 = arith.index_cast %scan3A_380 : i32 to index
        %get3A_422 = arith.constant 48 : index
        %get3A_423 = tpu.vector_load %arg10[%get3A_421, %get3A_422] {strides = array<i32>} : memref<200x128xf32, #tpu.memory_space<vmem>>, vector<1x16xf32>,
        %get3A_424 = vector.shape_cast %get3A_423 : vector<1x16xf32> to vector<16xf32>
        %get3A_425 = arith.index_cast %scan3A_380 : i32 to index
        %get3A_426 = arith.constant 48 : index
        %get3A_427 = tpu.vector_load %arg11[%get3A_425, %get3A_426] {strides = array<i32>} : memref<200x128xf32, #tpu.memory_space<vmem>>, vector<1x16xf32>,
        %get3A_428 = vector.shape_cast %get3A_427 : vector<1x16xf32> to vector<16xf32>
        %add3A_429 = arith.addf %get3A_424, %get3A_428 : vector<16xf32>
        %swap3A_430 = arith.index_cast %scan3A_380 : i32 to index
        %swap3A_431 = arith.constant 48 : index
        %swap3A_432 = tpu.vector_load %arg10[%swap3A_430, %swap3A_431] {strides = array<i32>} : memref<200x128xf32, #tpu.memory_space<vmem>>, vector<1x16xf32>,
        %swap3A_433 = vector.shape_cast %swap3A_432 : vector<1x16xf32> to vector<16xf32>
        %swap3A_434 = vector.shape_cast %add3A_429 : vector<16xf32> to vector<1x16xf32>
        tpu.vector_store %arg10[%swap3A_430, %swap3A_431], %swap3A_434 {strides = array<i32>} : memref<200x128xf32, #tpu.memory_space<vmem>>, vector<1x16xf32>,
        %get3A_435 = arith.index_cast %scan3A_380 : i32 to index
        %get3A_436 = arith.constant 64 : index
        %get3A_437 = tpu.vector_load %arg10[%get3A_435, %get3A_436] {strides = array<i32>} : memref<200x128xf32, #tpu.memory_space<vmem>>, vector<1x16xf32>,
        %get3A_438 = vector.shape_cast %get3A_437 : vector<1x16xf32> to vector<16xf32>
        %get3A_439 = arith.index_cast %scan3A_380 : i32 to index
        %get3A_440 = arith.constant 64 : index
        %get3A_441 = tpu.vector_load %arg11[%get3A_439, %get3A_440] {strides = array<i32>} : memref<200x128xf32, #tpu.memory_space<vmem>>, vector<1x16xf32>,
        %get3A_442 = vector.shape_cast %get3A_441 : vector<1x16xf32> to vector<16xf32>
        %add3A_443 = arith.addf %get3A_438, %get3A_442 : vector<16xf32>
        %swap3A_444 = arith.index_cast %scan3A_380 : i32 to index
        %swap3A_445 = arith.constant 64 : index
        %swap3A_446 = tpu.vector_load %arg10[%swap3A_444, %swap3A_445] {strides = array<i32>} : memref<200x128xf32, #tpu.memory_space<vmem>>, vector<1x16xf32>,
        %swap3A_447 = vector.shape_cast %swap3A_446 : vector<1x16xf32> to vector<16xf32>
        %swap3A_448 = vector.shape_cast %add3A_443 : vector<16xf32> to vector<1x16xf32>
        tpu.vector_store %arg10[%swap3A_444, %swap3A_445], %swap3A_448 {strides = array<i32>} : memref<200x128xf32, #tpu.memory_space<vmem>>, vector<1x16xf32>,
        %get3A_449 = arith.index_cast %scan3A_380 : i32 to index
        %get3A_450 = arith.constant 80 : index
        %get3A_451 = tpu.vector_load %arg10[%get3A_449, %get3A_450] {strides = array<i32>} : memref<200x128xf32, #tpu.memory_space<vmem>>, vector<1x16xf32>,
        %get3A_452 = vector.shape_cast %get3A_451 : vector<1x16xf32> to vector<16xf32>
        %get3A_453 = arith.index_cast %scan3A_380 : i32 to index
        %get3A_454 = arith.constant 80 : index
        %get3A_455 = tpu.vector_load %arg11[%get3A_453, %get3A_454] {strides = array<i32>} : memref<200x128xf32, #tpu.memory_space<vmem>>, vector<1x16xf32>,
        %get3A_456 = vector.shape_cast %get3A_455 : vector<1x16xf32> to vector<16xf32>
        %add3A_457 = arith.addf %get3A_452, %get3A_456 : vector<16xf32>
        %swap3A_458 = arith.index_cast %scan3A_380 : i32 to index
        %swap3A_459 = arith.constant 80 : index
        %swap3A_460 = tpu.vector_load %arg10[%swap3A_458, %swap3A_459] {strides = array<i32>} : memref<200x128xf32, #tpu.memory_space<vmem>>, vector<1x16xf32>,
        %swap3A_461 = vector.shape_cast %swap3A_460 : vector<1x16xf32> to vector<16xf32>
        %swap3A_462 = vector.shape_cast %add3A_457 : vector<16xf32> to vector<1x16xf32>
        tpu.vector_store %arg10[%swap3A_458, %swap3A_459], %swap3A_462 {strides = array<i32>} : memref<200x128xf32, #tpu.memory_space<vmem>>, vector<1x16xf32>,
        %get3A_463 = arith.index_cast %scan3A_380 : i32 to index
        %get3A_464 = arith.constant 96 : index
        %get3A_465 = tpu.vector_load %arg10[%get3A_463, %get3A_464] {strides = array<i32>} : memref<200x128xf32, #tpu.memory_space<vmem>>, vector<1x16xf32>,
        %get3A_466 = vector.shape_cast %get3A_465 : vector<1x16xf32> to vector<16xf32>
        %get3A_467 = arith.index_cast %scan3A_380 : i32 to index
        %get3A_468 = arith.constant 96 : index
        %get3A_469 = tpu.vector_load %arg11[%get3A_467, %get3A_468] {strides = array<i32>} : memref<200x128xf32, #tpu.memory_space<vmem>>, vector<1x16xf32>,
        %get3A_470 = vector.shape_cast %get3A_469 : vector<1x16xf32> to vector<16xf32>
        %add3A_471 = arith.addf %get3A_466, %get3A_470 : vector<16xf32>
        %swap3A_472 = arith.index_cast %scan3A_380 : i32 to index
        %swap3A_473 = arith.constant 96 : index
        %swap3A_474 = tpu.vector_load %arg10[%swap3A_472, %swap3A_473] {strides = array<i32>} : memref<200x128xf32, #tpu.memory_space<vmem>>, vector<1x16xf32>,
        %swap3A_475 = vector.shape_cast %swap3A_474 : vector<1x16xf32> to vector<16xf32>
        %swap3A_476 = vector.shape_cast %add3A_471 : vector<16xf32> to vector<1x16xf32>
        tpu.vector_store %arg10[%swap3A_472, %swap3A_473], %swap3A_476 {strides = array<i32>} : memref<200x128xf32, #tpu.memory_space<vmem>>, vector<1x16xf32>,
        %get3A_477 = arith.index_cast %scan3A_380 : i32 to index
        %get3A_478 = arith.constant 112 : index
        %get3A_479 = tpu.vector_load %arg10[%get3A_477, %get3A_478] {strides = array<i32>} : memref<200x128xf32, #tpu.memory_space<vmem>>, vector<1x16xf32>,
        %get3A_480 = vector.shape_cast %get3A_479 : vector<1x16xf32> to vector<16xf32>
        %get3A_481 = arith.index_cast %scan3A_380 : i32 to index
        %get3A_482 = arith.constant 112 : index
        %get3A_483 = tpu.vector_load %arg11[%get3A_481, %get3A_482] {strides = array<i32>} : memref<200x128xf32, #tpu.memory_space<vmem>>, vector<1x16xf32>,
        %get3A_484 = vector.shape_cast %get3A_483 : vector<1x16xf32> to vector<16xf32>
        %add3A_485 = arith.addf %get3A_480, %get3A_484 : vector<16xf32>
        %swap3A_486 = arith.index_cast %scan3A_380 : i32 to index
        %swap3A_487 = arith.constant 112 : index
        %swap3A_488 = tpu.vector_load %arg10[%swap3A_486, %swap3A_487] {strides = array<i32>} : memref<200x128xf32, #tpu.memory_space<vmem>>, vector<1x16xf32>,
        %swap3A_489 = vector.shape_cast %swap3A_488 : vector<1x16xf32> to vector<16xf32>
        %swap3A_490 = vector.shape_cast %add3A_485 : vector<16xf32> to vector<1x16xf32>
        tpu.vector_store %arg10[%swap3A_486, %swap3A_487], %swap3A_490 {strides = array<i32>} : memref<200x128xf32, #tpu.memory_space<vmem>>, vector<1x16xf32>,
      }
      %scan3A_247 = arith.constant 200 : i32
      %mul3A_248 = arith.constant 200 : i32
      %mul3A_249 = arith.muli %mul3A_122, %mul3A_248 : i32
      %add3A_250 = arith.addi %mul3A_2, %mul3A_249 : i32
      %dma_wait3A_251 = arith.constant 0 : i32
      %dma_wait3A_252 = tpu.memref_slice %arg5[%add3A_250, %dma_wait3A_251] : memref<160000x128xf32, #tpu.memory_space<hbm>> -> memref<200x128xf32, #tpu.memory_space<hbm>>
      %dma_wait3A_253 = arith.constant 0 : i32
      %dma_wait3A_254 = tpu.memref_slice %arg5[%add3A_250, %dma_wait3A_253] : memref<160000x128xf32, #tpu.memory_space<hbm>> -> memref<200x128xf32, #tpu.memory_space<hbm>>
      tpu.wait_dma2 semaphore(%arg14 : memref<!tpu.dma_semaphore, #tpu.memory_space<semaphore_mem>>) src(%arg8 : memref<200x128xf32, #tpu.memory_space<vmem>>) dst(%dma_wait3A_254 : memref<200x128xf32, #tpu.memory_space<hbm>>)
      %add3A_255 = arith.constant 2 : i32
      %add3A_256 = arith.addi %mul3A_122, %add3A_255 : i32
      %mul3A_257 = arith.constant 200 : i32
      %mul3A_258 = arith.muli %add3A_256, %mul3A_257 : i32
      %add3A_259 = arith.constant 0 : i32
      %add3A_260 = arith.addi %mul3A_258, %add3A_259 : i32
      %dma_start3A_261 = arith.constant 0 : i32
      %dma_start3A_262 = arith.constant 0 : i32
      %dma_start3A_263 = tpu.memref_slice %arg8[%dma_start3A_261, %dma_start3A_262] : memref<200x128xf32, #tpu.memory_space<vmem>> -> memref<80x128xf32, #tpu.memory_space<vmem>>
      %dma_start3A_264 = tpu.memref_slice %arg6[%add3A_260] : memref<5000xi32, #tpu.memory_space<vmem>> -> memref<80xi32, #tpu.memory_space<vmem>>
      %dma_start3A_265 = arith.constant 0 : i32
      %dma_start3A_266 = arith.constant 0 : i32
      %dma_start3A_267 = tpu.memref_slice %arg2[%dma_start3A_265, %dma_start3A_266] : memref<10000x128xf32, #tpu.memory_space<hbm>> -> memref<10000x128xf32, #tpu.memory_space<hbm>>
      tpu.enqueue_indirect_dma source(%dma_start3A_267 : memref<10000x128xf32, #tpu.memory_space<hbm>>) target(%dma_start3A_263 : memref<80x128xf32, #tpu.memory_space<vmem>>) offsets(%dma_start3A_264 : memref<80xi32, #tpu.memory_space<vmem>>) semaphore(%arg12 : memref<!tpu.dma_semaphore, #tpu.memory_space<semaphore_mem>>)
      %mul3A_268 = arith.constant 200 : i32
      %mul3A_269 = arith.muli %add3A_256, %mul3A_268 : i32
      %add3A_270 = arith.constant 80 : i32
      %add3A_271 = arith.addi %mul3A_269, %add3A_270 : i32
      %dma_start3A_272 = arith.constant 80 : i32
      %dma_start3A_273 = arith.constant 0 : i32
      %dma_start3A_274 = tpu.memref_slice %arg8[%dma_start3A_272, %dma_start3A_273] : memref<200x128xf32, #tpu.memory_space<vmem>> -> memref<80x128xf32, #tpu.memory_space<vmem>>
      %dma_start3A_275 = tpu.memref_slice %arg6[%add3A_271] : memref<5000xi32, #tpu.memory_space<vmem>> -> memref<80xi32, #tpu.memory_space<vmem>>
      %dma_start3A_276 = arith.constant 0 : i32
      %dma_start3A_277 = arith.constant 0 : i32
      %dma_start3A_278 = tpu.memref_slice %arg2[%dma_start3A_276, %dma_start3A_277] : memref<10000x128xf32, #tpu.memory_space<hbm>> -> memref<10000x128xf32, #tpu.memory_space<hbm>>
      tpu.enqueue_indirect_dma source(%dma_start3A_278 : memref<10000x128xf32, #tpu.memory_space<hbm>>) target(%dma_start3A_274 : memref<80x128xf32, #tpu.memory_space<vmem>>) offsets(%dma_start3A_275 : memref<80xi32, #tpu.memory_space<vmem>>) semaphore(%arg12 : memref<!tpu.dma_semaphore, #tpu.memory_space<semaphore_mem>>)
      %mul3A_279 = arith.constant 200 : i32
      %mul3A_280 = arith.muli %add3A_256, %mul3A_279 : i32
      %add3A_281 = arith.constant 160 : i32
      %add3A_282 = arith.addi %mul3A_280, %add3A_281 : i32
      %dma_start3A_283 = arith.constant 160 : i32
      %dma_start3A_284 = arith.constant 0 : i32
      %dma_start3A_285 = tpu.memref_slice %arg8[%dma_start3A_283, %dma_start3A_284] : memref<200x128xf32, #tpu.memory_space<vmem>> -> memref<40x128xf32, #tpu.memory_space<vmem>>
      %dma_start3A_286 = tpu.memref_slice %arg6[%add3A_282] : memref<5000xi32, #tpu.memory_space<vmem>> -> memref<40xi32, #tpu.memory_space<vmem>>
      %dma_start3A_287 = arith.constant 0 : i32
      %dma_start3A_288 = arith.constant 0 : i32
      %dma_start3A_289 = tpu.memref_slice %arg2[%dma_start3A_287, %dma_start3A_288] : memref<10000x128xf32, #tpu.memory_space<hbm>> -> memref<10000x128xf32, #tpu.memory_space<hbm>>
      tpu.enqueue_indirect_dma source(%dma_start3A_289 : memref<10000x128xf32, #tpu.memory_space<hbm>>) target(%dma_start3A_285 : memref<40x128xf32, #tpu.memory_space<vmem>>) offsets(%dma_start3A_286 : memref<40xi32, #tpu.memory_space<vmem>>) semaphore(%arg12 : memref<!tpu.dma_semaphore, #tpu.memory_space<semaphore_mem>>)
      %mul3A_290 = arith.constant 200 : i32
      %mul3A_291 = arith.muli %add3A_256, %mul3A_290 : i32
      %add3A_292 = arith.constant 0 : i32
      %add3A_293 = arith.addi %mul3A_291, %add3A_292 : i32
      %dma_start3A_294 = arith.constant 0 : i32
      %dma_start3A_295 = arith.constant 0 : i32
      %dma_start3A_296 = tpu.memref_slice %arg9[%dma_start3A_294, %dma_start3A_295] : memref<200x128xf32, #tpu.memory_space<vmem>> -> memref<80x128xf32, #tpu.memory_space<vmem>>
      %dma_start3A_297 = tpu.memref_slice %arg7[%add3A_293] : memref<5000xi32, #tpu.memory_space<vmem>> -> memref<80xi32, #tpu.memory_space<vmem>>
      %dma_start3A_298 = arith.constant 0 : i32
      %dma_start3A_299 = arith.constant 0 : i32
      %dma_start3A_300 = tpu.memref_slice %arg3[%dma_start3A_298, %dma_start3A_299] : memref<10000x128xf32, #tpu.memory_space<hbm>> -> memref<10000x128xf32, #tpu.memory_space<hbm>>
      tpu.enqueue_indirect_dma source(%dma_start3A_300 : memref<10000x128xf32, #tpu.memory_space<hbm>>) target(%dma_start3A_296 : memref<80x128xf32, #tpu.memory_space<vmem>>) offsets(%dma_start3A_297 : memref<80xi32, #tpu.memory_space<vmem>>) semaphore(%arg12 : memref<!tpu.dma_semaphore, #tpu.memory_space<semaphore_mem>>)
      %mul3A_301 = arith.constant 200 : i32
      %mul3A_302 = arith.muli %add3A_256, %mul3A_301 : i32
      %add3A_303 = arith.constant 80 : i32
      %add3A_304 = arith.addi %mul3A_302, %add3A_303 : i32
      %dma_start3A_305 = arith.constant 80 : i32
      %dma_start3A_306 = arith.constant 0 : i32
      %dma_start3A_307 = tpu.memref_slice %arg9[%dma_start3A_305, %dma_start3A_306] : memref<200x128xf32, #tpu.memory_space<vmem>> -> memref<80x128xf32, #tpu.memory_space<vmem>>
      %dma_start3A_308 = tpu.memref_slice %arg7[%add3A_304] : memref<5000xi32, #tpu.memory_space<vmem>> -> memref<80xi32, #tpu.memory_space<vmem>>
      %dma_start3A_309 = arith.constant 0 : i32
      %dma_start3A_310 = arith.constant 0 : i32
      %dma_start3A_311 = tpu.memref_slice %arg3[%dma_start3A_309, %dma_start3A_310] : memref<10000x128xf32, #tpu.memory_space<hbm>> -> memref<10000x128xf32, #tpu.memory_space<hbm>>
      tpu.enqueue_indirect_dma source(%dma_start3A_311 : memref<10000x128xf32, #tpu.memory_space<hbm>>) target(%dma_start3A_307 : memref<80x128xf32, #tpu.memory_space<vmem>>) offsets(%dma_start3A_308 : memref<80xi32, #tpu.memory_space<vmem>>) semaphore(%arg12 : memref<!tpu.dma_semaphore, #tpu.memory_space<semaphore_mem>>)
      %mul3A_312 = arith.constant 200 : i32
      %mul3A_313 = arith.muli %add3A_256, %mul3A_312 : i32
      %add3A_314 = arith.constant 160 : i32
      %add3A_315 = arith.addi %mul3A_313, %add3A_314 : i32
      %dma_start3A_316 = arith.constant 160 : i32
      %dma_start3A_317 = arith.constant 0 : i32
      %dma_start3A_318 = tpu.memref_slice %arg9[%dma_start3A_316, %dma_start3A_317] : memref<200x128xf32, #tpu.memory_space<vmem>> -> memref<40x128xf32, #tpu.memory_space<vmem>>
      %dma_start3A_319 = tpu.memref_slice %arg7[%add3A_315] : memref<5000xi32, #tpu.memory_space<vmem>> -> memref<40xi32, #tpu.memory_space<vmem>>
      %dma_start3A_320 = arith.constant 0 : i32
      %dma_start3A_321 = arith.constant 0 : i32
      %dma_start3A_322 = tpu.memref_slice %arg3[%dma_start3A_320, %dma_start3A_321] : memref<10000x128xf32, #tpu.memory_space<hbm>> -> memref<10000x128xf32, #tpu.memory_space<hbm>>
      tpu.enqueue_indirect_dma source(%dma_start3A_322 : memref<10000x128xf32, #tpu.memory_space<hbm>>) target(%dma_start3A_318 : memref<40x128xf32, #tpu.memory_space<vmem>>) offsets(%dma_start3A_319 : memref<40xi32, #tpu.memory_space<vmem>>) semaphore(%arg12 : memref<!tpu.dma_semaphore, #tpu.memory_space<semaphore_mem>>)
      %add3A_323 = arith.constant 1 : i32
      %add3A_324 = arith.addi %mul3A_122, %add3A_323 : i32
      %mul3A_325 = arith.constant 200 : i32
      %mul3A_326 = arith.muli %add3A_324, %mul3A_325 : i32
      %add3A_327 = arith.addi %mul3A_2, %mul3A_326 : i32
      %dma_start3A_328 = arith.constant 0 : i32
      %dma_start3A_329 = tpu.memref_slice %arg5[%add3A_327, %dma_start3A_328] : memref<160000x128xf32, #tpu.memory_space<hbm>> -> memref<200x128xf32, #tpu.memory_space<hbm>>
      %dma_start3A_330 = arith.constant 0 : i32
      %dma_start3A_331 = tpu.memref_slice %arg5[%add3A_327, %dma_start3A_330] : memref<160000x128xf32, #tpu.memory_space<hbm>> -> memref<200x128xf32, #tpu.memory_space<hbm>>
      tpu.enqueue_dma source(%arg10 : memref<200x128xf32, #tpu.memory_space<vmem>>) target(%dma_start3A_331 : memref<200x128xf32, #tpu.memory_space<hbm>>) target_semaphore(%arg15 : memref<!tpu.dma_semaphore, #tpu.memory_space<semaphore_mem>>)
      %dma_wait3A_332 = arith.constant 0 : i32
      %dma_wait3A_333 = arith.constant 0 : i32
      %dma_wait3A_334 = tpu.memref_slice %arg8[%dma_wait3A_332, %dma_wait3A_333] : memref<200x128xf32, #tpu.memory_space<vmem>> -> memref<80x128xf32, #tpu.memory_space<vmem>>
      %dma_wait3A_335 = tpu.memref_slice %arg6[%add3A_260] : memref<5000xi32, #tpu.memory_space<vmem>> -> memref<80xi32, #tpu.memory_space<vmem>>
      %dma_wait3A_336 = arith.constant 0 : i32
      %dma_wait3A_337 = arith.constant 0 : i32
      %dma_wait3A_338 = tpu.memref_slice %arg2[%dma_wait3A_336, %dma_wait3A_337] : memref<10000x128xf32, #tpu.memory_space<hbm>> -> memref<10000x128xf32, #tpu.memory_space<hbm>>
      tpu.wait_indirect_dma semaphore(%arg12 : memref<!tpu.dma_semaphore, #tpu.memory_space<semaphore_mem>>) src(%dma_wait3A_338 : memref<10000x128xf32, #tpu.memory_space<hbm>>) dst(%dma_wait3A_334 : memref<80x128xf32, #tpu.memory_space<vmem>>)
      %dma_wait3A_339 = arith.constant 80 : i32
      %dma_wait3A_340 = arith.constant 0 : i32
      %dma_wait3A_341 = tpu.memref_slice %arg8[%dma_wait3A_339, %dma_wait3A_340] : memref<200x128xf32, #tpu.memory_space<vmem>> -> memref<80x128xf32, #tpu.memory_space<vmem>>
      %dma_wait3A_342 = tpu.memref_slice %arg6[%add3A_271] : memref<5000xi32, #tpu.memory_space<vmem>> -> memref<80xi32, #tpu.memory_space<vmem>>
      %dma_wait3A_343 = arith.constant 0 : i32
      %dma_wait3A_344 = arith.constant 0 : i32
      %dma_wait3A_345 = tpu.memref_slice %arg2[%dma_wait3A_343, %dma_wait3A_344] : memref<10000x128xf32, #tpu.memory_space<hbm>> -> memref<10000x128xf32, #tpu.memory_space<hbm>>
      tpu.wait_indirect_dma semaphore(%arg12 : memref<!tpu.dma_semaphore, #tpu.memory_space<semaphore_mem>>) src(%dma_wait3A_345 : memref<10000x128xf32, #tpu.memory_space<hbm>>) dst(%dma_wait3A_341 : memref<80x128xf32, #tpu.memory_space<vmem>>)
      %dma_wait3A_346 = arith.constant 160 : i32
      %dma_wait3A_347 = arith.constant 0 : i32
      %dma_wait3A_348 = tpu.memref_slice %arg8[%dma_wait3A_346, %dma_wait3A_347] : memref<200x128xf32, #tpu.memory_space<vmem>> -> memref<40x128xf32, #tpu.memory_space<vmem>>
      %dma_wait3A_349 = tpu.memref_slice %arg6[%add3A_282] : memref<5000xi32, #tpu.memory_space<vmem>> -> memref<40xi32, #tpu.memory_space<vmem>>
      %dma_wait3A_350 = arith.constant 0 : i32
      %dma_wait3A_351 = arith.constant 0 : i32
      %dma_wait3A_352 = tpu.memref_slice %arg2[%dma_wait3A_350, %dma_wait3A_351] : memref<10000x128xf32, #tpu.memory_space<hbm>> -> memref<10000x128xf32, #tpu.memory_space<hbm>>
      tpu.wait_indirect_dma semaphore(%arg12 : memref<!tpu.dma_semaphore, #tpu.memory_space<semaphore_mem>>) src(%dma_wait3A_352 : memref<10000x128xf32, #tpu.memory_space<hbm>>) dst(%dma_wait3A_348 : memref<40x128xf32, #tpu.memory_space<vmem>>)
      %dma_wait3A_353 = arith.constant 0 : i32
      %dma_wait3A_354 = arith.constant 0 : i32
      %dma_wait3A_355 = tpu.memref_slice %arg9[%dma_wait3A_353, %dma_wait3A_354] : memref<200x128xf32, #tpu.memory_space<vmem>> -> memref<80x128xf32, #tpu.memory_space<vmem>>
      %dma_wait3A_356 = tpu.memref_slice %arg7[%add3A_293] : memref<5000xi32, #tpu.memory_space<vmem>> -> memref<80xi32, #tpu.memory_space<vmem>>
      %dma_wait3A_357 = arith.constant 0 : i32
      %dma_wait3A_358 = arith.constant 0 : i32
      %dma_wait3A_359 = tpu.memref_slice %arg3[%dma_wait3A_357, %dma_wait3A_358] : memref<10000x128xf32, #tpu.memory_space<hbm>> -> memref<10000x128xf32, #tpu.memory_space<hbm>>
      tpu.wait_indirect_dma semaphore(%arg12 : memref<!tpu.dma_semaphore, #tpu.memory_space<semaphore_mem>>) src(%dma_wait3A_359 : memref<10000x128xf32, #tpu.memory_space<hbm>>) dst(%dma_wait3A_355 : memref<80x128xf32, #tpu.memory_space<vmem>>)
      %dma_wait3A_360 = arith.constant 80 : i32
      %dma_wait3A_361 = arith.constant 0 : i32
      %dma_wait3A_362 = tpu.memref_slice %arg9[%dma_wait3A_360, %dma_wait3A_361] : memref<200x128xf32, #tpu.memory_space<vmem>> -> memref<80x128xf32, #tpu.memory_space<vmem>>
      %dma_wait3A_363 = tpu.memref_slice %arg7[%add3A_304] : memref<5000xi32, #tpu.memory_space<vmem>> -> memref<80xi32, #tpu.memory_space<vmem>>
      %dma_wait3A_364 = arith.constant 0 : i32
      %dma_wait3A_365 = arith.constant 0 : i32
      %dma_wait3A_366 = tpu.memref_slice %arg3[%dma_wait3A_364, %dma_wait3A_365] : memref<10000x128xf32, #tpu.memory_space<hbm>> -> memref<10000x128xf32, #tpu.memory_space<hbm>>
      tpu.wait_indirect_dma semaphore(%arg12 : memref<!tpu.dma_semaphore, #tpu.memory_space<semaphore_mem>>) src(%dma_wait3A_366 : memref<10000x128xf32, #tpu.memory_space<hbm>>) dst(%dma_wait3A_362 : memref<80x128xf32, #tpu.memory_space<vmem>>)
      %dma_wait3A_367 = arith.constant 160 : i32
      %dma_wait3A_368 = arith.constant 0 : i32
      %dma_wait3A_369 = tpu.memref_slice %arg9[%dma_wait3A_367, %dma_wait3A_368] : memref<200x128xf32, #tpu.memory_space<vmem>> -> memref<40x128xf32, #tpu.memory_space<vmem>>
      %dma_wait3A_370 = tpu.memref_slice %arg7[%add3A_315] : memref<5000xi32, #tpu.memory_space<vmem>> -> memref<40xi32, #tpu.memory_space<vmem>>
      %dma_wait3A_371 = arith.constant 0 : i32
      %dma_wait3A_372 = arith.constant 0 : i32
      %dma_wait3A_373 = tpu.memref_slice %arg3[%dma_wait3A_371, %dma_wait3A_372] : memref<10000x128xf32, #tpu.memory_space<hbm>> -> memref<10000x128xf32, #tpu.memory_space<hbm>>
      tpu.wait_indirect_dma semaphore(%arg12 : memref<!tpu.dma_semaphore, #tpu.memory_space<semaphore_mem>>) src(%dma_wait3A_373 : memref<10000x128xf32, #tpu.memory_space<hbm>>) dst(%dma_wait3A_369 : memref<40x128xf32, #tpu.memory_space<vmem>>)
      %scan3A_374 = arith.constant 0 : i32
      %scan3A_375 = arith.constant 0 : i32
      %scan3A_376 = arith.constant 200 : i32
      %scan3A_377 = arith.addi %scan3A_375, %scan3A_376 : i32
      %scan3A_378 = arith.constant 1 : i32
      scf.for %scan3A_380 = %scan3A_375 to %scan3A_377 step %scan3A_378  : i32 {
        %get3A = arith.index_cast %scan3A_380 : i32 to index
        %get3A_381 = arith.constant 0 : index
        %get3A_382 = tpu.vector_load %arg8[%get3A, %get3A_381] {strides = array<i32>} : memref<200x128xf32, #tpu.memory_space<vmem>>, vector<1x16xf32>,
        %get3A_383 = vector.shape_cast %get3A_382 : vector<1x16xf32> to vector<16xf32>
        %get3A_384 = arith.index_cast %scan3A_380 : i32 to index
        %get3A_385 = arith.constant 0 : index
        %get3A_386 = tpu.vector_load %arg9[%get3A_384, %get3A_385] {strides = array<i32>} : memref<200x128xf32, #tpu.memory_space<vmem>>, vector<1x16xf32>,
        %get3A_387 = vector.shape_cast %get3A_386 : vector<1x16xf32> to vector<16xf32>
        %add3A_388 = arith.addf %get3A_383, %get3A_387 : vector<16xf32>
        %swap3A = arith.index_cast %scan3A_380 : i32 to index
        %swap3A_389 = arith.constant 0 : index
        %swap3A_390 = tpu.vector_load %arg8[%swap3A, %swap3A_389] {strides = array<i32>} : memref<200x128xf32, #tpu.memory_space<vmem>>, vector<1x16xf32>,
        %swap3A_391 = vector.shape_cast %swap3A_390 : vector<1x16xf32> to vector<16xf32>
        %swap3A_392 = vector.shape_cast %add3A_388 : vector<16xf32> to vector<1x16xf32>
        tpu.vector_store %arg8[%swap3A, %swap3A_389], %swap3A_392 {strides = array<i32>} : memref<200x128xf32, #tpu.memory_space<vmem>>, vector<1x16xf32>,
        %get3A_393 = arith.index_cast %scan3A_380 : i32 to index
        %get3A_394 = arith.constant 16 : index
        %get3A_395 = tpu.vector_load %arg8[%get3A_393, %get3A_394] {strides = array<i32>} : memref<200x128xf32, #tpu.memory_space<vmem>>, vector<1x16xf32>,
        %get3A_396 = vector.shape_cast %get3A_395 : vector<1x16xf32> to vector<16xf32>
        %get3A_397 = arith.index_cast %scan3A_380 : i32 to index
        %get3A_398 = arith.constant 16 : index
        %get3A_399 = tpu.vector_load %arg9[%get3A_397, %get3A_398] {strides = array<i32>} : memref<200x128xf32, #tpu.memory_space<vmem>>, vector<1x16xf32>,
        %get3A_400 = vector.shape_cast %get3A_399 : vector<1x16xf32> to vector<16xf32>
        %add3A_401 = arith.addf %get3A_396, %get3A_400 : vector<16xf32>
        %swap3A_402 = arith.index_cast %scan3A_380 : i32 to index
        %swap3A_403 = arith.constant 16 : index
        %swap3A_404 = tpu.vector_load %arg8[%swap3A_402, %swap3A_403] {strides = array<i32>} : memref<200x128xf32, #tpu.memory_space<vmem>>, vector<1x16xf32>,
        %swap3A_405 = vector.shape_cast %swap3A_404 : vector<1x16xf32> to vector<16xf32>
        %swap3A_406 = vector.shape_cast %add3A_401 : vector<16xf32> to vector<1x16xf32>
        tpu.vector_store %arg8[%swap3A_402, %swap3A_403], %swap3A_406 {strides = array<i32>} : memref<200x128xf32, #tpu.memory_space<vmem>>, vector<1x16xf32>,
        %get3A_407 = arith.index_cast %scan3A_380 : i32 to index
        %get3A_408 = arith.constant 32 : index
        %get3A_409 = tpu.vector_load %arg8[%get3A_407, %get3A_408] {strides = array<i32>} : memref<200x128xf32, #tpu.memory_space<vmem>>, vector<1x16xf32>,
        %get3A_410 = vector.shape_cast %get3A_409 : vector<1x16xf32> to vector<16xf32>
        %get3A_411 = arith.index_cast %scan3A_380 : i32 to index
        %get3A_412 = arith.constant 32 : index
        %get3A_413 = tpu.vector_load %arg9[%get3A_411, %get3A_412] {strides = array<i32>} : memref<200x128xf32, #tpu.memory_space<vmem>>, vector<1x16xf32>,
        %get3A_414 = vector.shape_cast %get3A_413 : vector<1x16xf32> to vector<16xf32>
        %add3A_415 = arith.addf %get3A_410, %get3A_414 : vector<16xf32>
        %swap3A_416 = arith.index_cast %scan3A_380 : i32 to index
        %swap3A_417 = arith.constant 32 : index
        %swap3A_418 = tpu.vector_load %arg8[%swap3A_416, %swap3A_417] {strides = array<i32>} : memref<200x128xf32, #tpu.memory_space<vmem>>, vector<1x16xf32>,
        %swap3A_419 = vector.shape_cast %swap3A_418 : vector<1x16xf32> to vector<16xf32>
        %swap3A_420 = vector.shape_cast %add3A_415 : vector<16xf32> to vector<1x16xf32>
        tpu.vector_store %arg8[%swap3A_416, %swap3A_417], %swap3A_420 {strides = array<i32>} : memref<200x128xf32, #tpu.memory_space<vmem>>, vector<1x16xf32>,
        %get3A_421 = arith.index_cast %scan3A_380 : i32 to index
        %get3A_422 = arith.constant 48 : index
        %get3A_423 = tpu.vector_load %arg8[%get3A_421, %get3A_422] {strides = array<i32>} : memref<200x128xf32, #tpu.memory_space<vmem>>, vector<1x16xf32>,
        %get3A_424 = vector.shape_cast %get3A_423 : vector<1x16xf32> to vector<16xf32>
        %get3A_425 = arith.index_cast %scan3A_380 : i32 to index
        %get3A_426 = arith.constant 48 : index
        %get3A_427 = tpu.vector_load %arg9[%get3A_425, %get3A_426] {strides = array<i32>} : memref<200x128xf32, #tpu.memory_space<vmem>>, vector<1x16xf32>,
        %get3A_428 = vector.shape_cast %get3A_427 : vector<1x16xf32> to vector<16xf32>
        %add3A_429 = arith.addf %get3A_424, %get3A_428 : vector<16xf32>
        %swap3A_430 = arith.index_cast %scan3A_380 : i32 to index
        %swap3A_431 = arith.constant 48 : index
        %swap3A_432 = tpu.vector_load %arg8[%swap3A_430, %swap3A_431] {strides = array<i32>} : memref<200x128xf32, #tpu.memory_space<vmem>>, vector<1x16xf32>,
        %swap3A_433 = vector.shape_cast %swap3A_432 : vector<1x16xf32> to vector<16xf32>
        %swap3A_434 = vector.shape_cast %add3A_429 : vector<16xf32> to vector<1x16xf32>
        tpu.vector_store %arg8[%swap3A_430, %swap3A_431], %swap3A_434 {strides = array<i32>} : memref<200x128xf32, #tpu.memory_space<vmem>>, vector<1x16xf32>,
        %get3A_435 = arith.index_cast %scan3A_380 : i32 to index
        %get3A_436 = arith.constant 64 : index
        %get3A_437 = tpu.vector_load %arg8[%get3A_435, %get3A_436] {strides = array<i32>} : memref<200x128xf32, #tpu.memory_space<vmem>>, vector<1x16xf32>,
        %get3A_438 = vector.shape_cast %get3A_437 : vector<1x16xf32> to vector<16xf32>
        %get3A_439 = arith.index_cast %scan3A_380 : i32 to index
        %get3A_440 = arith.constant 64 : index
        %get3A_441 = tpu.vector_load %arg9[%get3A_439, %get3A_440] {strides = array<i32>} : memref<200x128xf32, #tpu.memory_space<vmem>>, vector<1x16xf32>,
        %get3A_442 = vector.shape_cast %get3A_441 : vector<1x16xf32> to vector<16xf32>
        %add3A_443 = arith.addf %get3A_438, %get3A_442 : vector<16xf32>
        %swap3A_444 = arith.index_cast %scan3A_380 : i32 to index
        %swap3A_445 = arith.constant 64 : index
        %swap3A_446 = tpu.vector_load %arg8[%swap3A_444, %swap3A_445] {strides = array<i32>} : memref<200x128xf32, #tpu.memory_space<vmem>>, vector<1x16xf32>,
        %swap3A_447 = vector.shape_cast %swap3A_446 : vector<1x16xf32> to vector<16xf32>
        %swap3A_448 = vector.shape_cast %add3A_443 : vector<16xf32> to vector<1x16xf32>
        tpu.vector_store %arg8[%swap3A_444, %swap3A_445], %swap3A_448 {strides = array<i32>} : memref<200x128xf32, #tpu.memory_space<vmem>>, vector<1x16xf32>,
        %get3A_449 = arith.index_cast %scan3A_380 : i32 to index
        %get3A_450 = arith.constant 80 : index
        %get3A_451 = tpu.vector_load %arg8[%get3A_449, %get3A_450] {strides = array<i32>} : memref<200x128xf32, #tpu.memory_space<vmem>>, vector<1x16xf32>,
        %get3A_452 = vector.shape_cast %get3A_451 : vector<1x16xf32> to vector<16xf32>
        %get3A_453 = arith.index_cast %scan3A_380 : i32 to index
        %get3A_454 = arith.constant 80 : index
        %get3A_455 = tpu.vector_load %arg9[%get3A_453, %get3A_454] {strides = array<i32>} : memref<200x128xf32, #tpu.memory_space<vmem>>, vector<1x16xf32>,
        %get3A_456 = vector.shape_cast %get3A_455 : vector<1x16xf32> to vector<16xf32>
        %add3A_457 = arith.addf %get3A_452, %get3A_456 : vector<16xf32>
        %swap3A_458 = arith.index_cast %scan3A_380 : i32 to index
        %swap3A_459 = arith.constant 80 : index
        %swap3A_460 = tpu.vector_load %arg8[%swap3A_458, %swap3A_459] {strides = array<i32>} : memref<200x128xf32, #tpu.memory_space<vmem>>, vector<1x16xf32>,
        %swap3A_461 = vector.shape_cast %swap3A_460 : vector<1x16xf32> to vector<16xf32>
        %swap3A_462 = vector.shape_cast %add3A_457 : vector<16xf32> to vector<1x16xf32>
        tpu.vector_store %arg8[%swap3A_458, %swap3A_459], %swap3A_462 {strides = array<i32>} : memref<200x128xf32, #tpu.memory_space<vmem>>, vector<1x16xf32>,
        %get3A_463 = arith.index_cast %scan3A_380 : i32 to index
        %get3A_464 = arith.constant 96 : index
        %get3A_465 = tpu.vector_load %arg8[%get3A_463, %get3A_464] {strides = array<i32>} : memref<200x128xf32, #tpu.memory_space<vmem>>, vector<1x16xf32>,
        %get3A_466 = vector.shape_cast %get3A_465 : vector<1x16xf32> to vector<16xf32>
        %get3A_467 = arith.index_cast %scan3A_380 : i32 to index
        %get3A_468 = arith.constant 96 : index
        %get3A_469 = tpu.vector_load %arg9[%get3A_467, %get3A_468] {strides = array<i32>} : memref<200x128xf32, #tpu.memory_space<vmem>>, vector<1x16xf32>,
        %get3A_470 = vector.shape_cast %get3A_469 : vector<1x16xf32> to vector<16xf32>
        %add3A_471 = arith.addf %get3A_466, %get3A_470 : vector<16xf32>
        %swap3A_472 = arith.index_cast %scan3A_380 : i32 to index
        %swap3A_473 = arith.constant 96 : index
        %swap3A_474 = tpu.vector_load %arg8[%swap3A_472, %swap3A_473] {strides = array<i32>} : memref<200x128xf32, #tpu.memory_space<vmem>>, vector<1x16xf32>,
        %swap3A_475 = vector.shape_cast %swap3A_474 : vector<1x16xf32> to vector<16xf32>
        %swap3A_476 = vector.shape_cast %add3A_471 : vector<16xf32> to vector<1x16xf32>
        tpu.vector_store %arg8[%swap3A_472, %swap3A_473], %swap3A_476 {strides = array<i32>} : memref<200x128xf32, #tpu.memory_space<vmem>>, vector<1x16xf32>,
        %get3A_477 = arith.index_cast %scan3A_380 : i32 to index
        %get3A_478 = arith.constant 112 : index
        %get3A_479 = tpu.vector_load %arg8[%get3A_477, %get3A_478] {strides = array<i32>} : memref<200x128xf32, #tpu.memory_space<vmem>>, vector<1x16xf32>,
        %get3A_480 = vector.shape_cast %get3A_479 : vector<1x16xf32> to vector<16xf32>
        %get3A_481 = arith.index_cast %scan3A_380 : i32 to index
        %get3A_482 = arith.constant 112 : index
        %get3A_483 = tpu.vector_load %arg9[%get3A_481, %get3A_482] {strides = array<i32>} : memref<200x128xf32, #tpu.memory_space<vmem>>, vector<1x16xf32>,
        %get3A_484 = vector.shape_cast %get3A_483 : vector<1x16xf32> to vector<16xf32>
        %add3A_485 = arith.addf %get3A_480, %get3A_484 : vector<16xf32>
        %swap3A_486 = arith.index_cast %scan3A_380 : i32 to index
        %swap3A_487 = arith.constant 112 : index
        %swap3A_488 = tpu.vector_load %arg8[%swap3A_486, %swap3A_487] {strides = array<i32>} : memref<200x128xf32, #tpu.memory_space<vmem>>, vector<1x16xf32>,
        %swap3A_489 = vector.shape_cast %swap3A_488 : vector<1x16xf32> to vector<16xf32>
        %swap3A_490 = vector.shape_cast %add3A_485 : vector<16xf32> to vector<1x16xf32>
        tpu.vector_store %arg8[%swap3A_486, %swap3A_487], %swap3A_490 {strides = array<i32>} : memref<200x128xf32, #tpu.memory_space<vmem>>, vector<1x16xf32>,
      }
      %scan3A_379 = arith.constant 200 : i32
    }
    %scan3A_111 = arith.constant 12 : i32
    %add3A_112 = arith.constant 4600 : i32
    %add3A_113 = arith.addi %mul3A_2, %add3A_112 : i32
    %dma_wait3A_114 = arith.constant 0 : i32
    %dma_wait3A_115 = tpu.memref_slice %arg5[%add3A_113, %dma_wait3A_114] : memref<160000x128xf32, #tpu.memory_space<hbm>> -> memref<200x128xf32, #tpu.memory_space<hbm>>
    %dma_wait3A_116 = arith.constant 0 : i32
    %dma_wait3A_117 = tpu.memref_slice %arg5[%add3A_113, %dma_wait3A_116] : memref<160000x128xf32, #tpu.memory_space<hbm>> -> memref<200x128xf32, #tpu.memory_space<hbm>>
    tpu.wait_dma2 semaphore(%arg15 : memref<!tpu.dma_semaphore, #tpu.memory_space<semaphore_mem>>) src(%arg10 : memref<200x128xf32, #tpu.memory_space<vmem>>) dst(%dma_wait3A_117 : memref<200x128xf32, #tpu.memory_space<hbm>>)
    %add3A_118 = arith.constant 4800 : i32
    %add3A_119 = arith.addi %mul3A_2, %add3A_118 : i32
    "tpu.region"() ({
      %run_scoped3A = tpu.sem_alloc : memref<!tpu.dma_semaphore, #tpu.memory_space<semaphore_mem>>
      %dma_start3A_120 = arith.constant 0 : i32
      %dma_start3A_121 = tpu.memref_slice %arg5[%add3A_119, %dma_start3A_120] : memref<160000x128xf32, #tpu.memory_space<hbm>> -> memref<200x128xf32, #tpu.memory_space<hbm>>
      %dma_start3A_122 = arith.constant 0 : i32
      %dma_start3A_123 = tpu.memref_slice %arg5[%add3A_119, %dma_start3A_122] : memref<160000x128xf32, #tpu.memory_space<hbm>> -> memref<200x128xf32, #tpu.memory_space<hbm>>
      tpu.enqueue_dma source(%arg8 : memref<200x128xf32, #tpu.memory_space<vmem>>) target(%dma_start3A_123 : memref<200x128xf32, #tpu.memory_space<hbm>>) target_semaphore(%run_scoped3A : memref<!tpu.dma_semaphore, #tpu.memory_space<semaphore_mem>>)
      %dma_wait3A_124 = arith.constant 0 : i32
      %dma_wait3A_125 = tpu.memref_slice %arg5[%add3A_119, %dma_wait3A_124] : memref<160000x128xf32, #tpu.memory_space<hbm>> -> memref<200x128xf32, #tpu.memory_space<hbm>>
      %dma_wait3A_126 = arith.constant 0 : i32
      %dma_wait3A_127 = tpu.memref_slice %arg5[%add3A_119, %dma_wait3A_126] : memref<160000x128xf32, #tpu.memory_space<hbm>> -> memref<200x128xf32, #tpu.memory_space<hbm>>
      tpu.wait_dma2 semaphore(%run_scoped3A : memref<!tpu.dma_semaphore, #tpu.memory_space<semaphore_mem>>) src(%arg8 : memref<200x128xf32, #tpu.memory_space<vmem>>) dst(%dma_wait3A_127 : memref<200x128xf32, #tpu.memory_space<hbm>>)
      tpu.yield
    }) : () -> ()
    return
  }
}

#map = affine_map<(d0, d1) -> (0, 0)>
#map1 = affine_map<(d0, d1) -> (0)>
#map2 = affine_map<(d0, d1) -> (0, 0, 0)>
module attributes {stable_mosaic.version = 14 : i64} {
  func.func @scatter_k(%arg0: i32, %arg1: i32, %arg2: memref<160000x128xf32, #tpu.memory_space<hbm>>, %arg3: memref<640000xi32, #tpu.memory_space<hbm>>, %arg4: memref<2x10000x128xf32, #tpu.memory_space<hbm>>, %arg5: memref<80xi32, #tpu.memory_space<vmem>>, %arg6: memref<80xi32, #tpu.memory_space<vmem>>, %arg7: memref<40xi32, #tpu.memory_space<vmem>>, %arg8: memref<80x128xf32, #tpu.memory_space<vmem>>, %arg9: memref<80x128xf32, #tpu.memory_space<vmem>>, %arg10: memref<40x128xf32, #tpu.memory_space<vmem>>, %arg11: memref<10240x128xf32, #tpu.memory_space<vmem_shared>>, %arg12: memref<!tpu.dma_semaphore, #tpu.memory_space<semaphore_mem>>, %arg13: memref<!tpu.dma_semaphore, #tpu.memory_space<semaphore_mem>>, %arg14: memref<!tpu.dma_semaphore, #tpu.memory_space<semaphore_mem>>, %arg15: memref<!tpu.dma_semaphore, #tpu.memory_space<semaphore_mem>>, %arg16: memref<!tpu.dma_semaphore, #tpu.memory_space<semaphore_mem>>, %arg17: memref<!tpu.dma_semaphore, #tpu.memory_space<semaphore_mem>>) attributes {dimension_semantics = [#tpu.dimension_semantics<core_parallel>, #tpu.dimension_semantics<subcore_parallel>], iteration_bounds = array<i64: 2, 16>, scalar_prefetch = 0 : i64, scratch_operands = 13 : i64, tpu.core_type = #tpu.core_type<sc_vector_subcore>, window_params = [{transform_indices = #map}, {transform_indices = #map1}, {transform_indices = #map2}]} {
    %mul3A = arith.constant 16 : i32
    %mul3A_0 = arith.muli %arg0, %mul3A : i32
    %add3A = arith.addi %mul3A_0, %arg1 : i32
    %mul3A_1 = arith.constant 5000 : i32
    %mul3A_2 = arith.muli %add3A, %mul3A_1 : i32
    %add3A_3 = arith.constant 0 : i32
    %add3A_4 = arith.addi %add3A_3, %mul3A_2 : i32
    %scan3A = arith.constant 0 : i32
    %scan3A_5 = arith.constant 0 : i32
    %scan3A_6 = arith.constant 80 : i32
    %scan3A_7 = arith.addi %scan3A_5, %scan3A_6 : i32
    %scan3A_8 = arith.constant 1 : i32
    scf.for %scan3A_93 = %scan3A_5 to %scan3A_7 step %scan3A_8  : i32 {
      %broadcast_in_dim3A = arith.constant 0.000000e+00 : f32
      %broadcast_in_dim3A_94 = vector.broadcast %broadcast_in_dim3A : f32 to vector<16xf32>
      %swap3A = arith.index_cast %scan3A_93 : i32 to index
      %swap3A_95 = arith.constant 0 : index
      %swap3A_96 = tpu.vector_load %arg8[%swap3A, %swap3A_95] {strides = array<i32>} : memref<80x128xf32, #tpu.memory_space<vmem>>, vector<1x16xf32>,
      %swap3A_97 = vector.shape_cast %swap3A_96 : vector<1x16xf32> to vector<16xf32>
      %swap3A_98 = vector.shape_cast %broadcast_in_dim3A_94 : vector<16xf32> to vector<1x16xf32>
      tpu.vector_store %arg8[%swap3A, %swap3A_95], %swap3A_98 {strides = array<i32>} : memref<80x128xf32, #tpu.memory_space<vmem>>, vector<1x16xf32>,
      %broadcast_in_dim3A_99 = arith.constant 0.000000e+00 : f32
      %broadcast_in_dim3A_100 = vector.broadcast %broadcast_in_dim3A_99 : f32 to vector<16xf32>
      %swap3A_101 = arith.index_cast %scan3A_93 : i32 to index
      %swap3A_102 = arith.constant 16 : index
      %swap3A_103 = tpu.vector_load %arg8[%swap3A_101, %swap3A_102] {strides = array<i32>} : memref<80x128xf32, #tpu.memory_space<vmem>>, vector<1x16xf32>,
      %swap3A_104 = vector.shape_cast %swap3A_103 : vector<1x16xf32> to vector<16xf32>
      %swap3A_105 = vector.shape_cast %broadcast_in_dim3A_100 : vector<16xf32> to vector<1x16xf32>
      tpu.vector_store %arg8[%swap3A_101, %swap3A_102], %swap3A_105 {strides = array<i32>} : memref<80x128xf32, #tpu.memory_space<vmem>>, vector<1x16xf32>,
      %broadcast_in_dim3A_106 = arith.constant 0.000000e+00 : f32
      %broadcast_in_dim3A_107 = vector.broadcast %broadcast_in_dim3A_106 : f32 to vector<16xf32>
      %swap3A_108 = arith.index_cast %scan3A_93 : i32 to index
      %swap3A_109 = arith.constant 32 : index
      %swap3A_110 = tpu.vector_load %arg8[%swap3A_108, %swap3A_109] {strides = array<i32>} : memref<80x128xf32, #tpu.memory_space<vmem>>, vector<1x16xf32>,
      %swap3A_111 = vector.shape_cast %swap3A_110 : vector<1x16xf32> to vector<16xf32>
      %swap3A_112 = vector.shape_cast %broadcast_in_dim3A_107 : vector<16xf32> to vector<1x16xf32>
      tpu.vector_store %arg8[%swap3A_108, %swap3A_109], %swap3A_112 {strides = array<i32>} : memref<80x128xf32, #tpu.memory_space<vmem>>, vector<1x16xf32>,
      %broadcast_in_dim3A_113 = arith.constant 0.000000e+00 : f32
      %broadcast_in_dim3A_114 = vector.broadcast %broadcast_in_dim3A_113 : f32 to vector<16xf32>
      %swap3A_115 = arith.index_cast %scan3A_93 : i32 to index
      %swap3A_116 = arith.constant 48 : index
      %swap3A_117 = tpu.vector_load %arg8[%swap3A_115, %swap3A_116] {strides = array<i32>} : memref<80x128xf32, #tpu.memory_space<vmem>>, vector<1x16xf32>,
      %swap3A_118 = vector.shape_cast %swap3A_117 : vector<1x16xf32> to vector<16xf32>
      %swap3A_119 = vector.shape_cast %broadcast_in_dim3A_114 : vector<16xf32> to vector<1x16xf32>
      tpu.vector_store %arg8[%swap3A_115, %swap3A_116], %swap3A_119 {strides = array<i32>} : memref<80x128xf32, #tpu.memory_space<vmem>>, vector<1x16xf32>,
      %broadcast_in_dim3A_120 = arith.constant 0.000000e+00 : f32
      %broadcast_in_dim3A_121 = vector.broadcast %broadcast_in_dim3A_120 : f32 to vector<16xf32>
      %swap3A_122 = arith.index_cast %scan3A_93 : i32 to index
      %swap3A_123 = arith.constant 64 : index
      %swap3A_124 = tpu.vector_load %arg8[%swap3A_122, %swap3A_123] {strides = array<i32>} : memref<80x128xf32, #tpu.memory_space<vmem>>, vector<1x16xf32>,
      %swap3A_125 = vector.shape_cast %swap3A_124 : vector<1x16xf32> to vector<16xf32>
      %swap3A_126 = vector.shape_cast %broadcast_in_dim3A_121 : vector<16xf32> to vector<1x16xf32>
      tpu.vector_store %arg8[%swap3A_122, %swap3A_123], %swap3A_126 {strides = array<i32>} : memref<80x128xf32, #tpu.memory_space<vmem>>, vector<1x16xf32>,
      %broadcast_in_dim3A_127 = arith.constant 0.000000e+00 : f32
      %broadcast_in_dim3A_128 = vector.broadcast %broadcast_in_dim3A_127 : f32 to vector<16xf32>
      %swap3A_129 = arith.index_cast %scan3A_93 : i32 to index
      %swap3A_130 = arith.constant 80 : index
      %swap3A_131 = tpu.vector_load %arg8[%swap3A_129, %swap3A_130] {strides = array<i32>} : memref<80x128xf32, #tpu.memory_space<vmem>>, vector<1x16xf32>,
      %swap3A_132 = vector.shape_cast %swap3A_131 : vector<1x16xf32> to vector<16xf32>
      %swap3A_133 = vector.shape_cast %broadcast_in_dim3A_128 : vector<16xf32> to vector<1x16xf32>
      tpu.vector_store %arg8[%swap3A_129, %swap3A_130], %swap3A_133 {strides = array<i32>} : memref<80x128xf32, #tpu.memory_space<vmem>>, vector<1x16xf32>,
      %broadcast_in_dim3A_134 = arith.constant 0.000000e+00 : f32
      %broadcast_in_dim3A_135 = vector.broadcast %broadcast_in_dim3A_134 : f32 to vector<16xf32>
      %swap3A_136 = arith.index_cast %scan3A_93 : i32 to index
      %swap3A_137 = arith.constant 96 : index
      %swap3A_138 = tpu.vector_load %arg8[%swap3A_136, %swap3A_137] {strides = array<i32>} : memref<80x128xf32, #tpu.memory_space<vmem>>, vector<1x16xf32>,
      %swap3A_139 = vector.shape_cast %swap3A_138 : vector<1x16xf32> to vector<16xf32>
      %swap3A_140 = vector.shape_cast %broadcast_in_dim3A_135 : vector<16xf32> to vector<1x16xf32>
      tpu.vector_store %arg8[%swap3A_136, %swap3A_137], %swap3A_140 {strides = array<i32>} : memref<80x128xf32, #tpu.memory_space<vmem>>, vector<1x16xf32>,
      %broadcast_in_dim3A_141 = arith.constant 0.000000e+00 : f32
      %broadcast_in_dim3A_142 = vector.broadcast %broadcast_in_dim3A_141 : f32 to vector<16xf32>
      %swap3A_143 = arith.index_cast %scan3A_93 : i32 to index
      %swap3A_144 = arith.constant 112 : index
      %swap3A_145 = tpu.vector_load %arg8[%swap3A_143, %swap3A_144] {strides = array<i32>} : memref<80x128xf32, #tpu.memory_space<vmem>>, vector<1x16xf32>,
      %swap3A_146 = vector.shape_cast %swap3A_145 : vector<1x16xf32> to vector<16xf32>
      %swap3A_147 = vector.shape_cast %broadcast_in_dim3A_142 : vector<16xf32> to vector<1x16xf32>
      tpu.vector_store %arg8[%swap3A_143, %swap3A_144], %swap3A_147 {strides = array<i32>} : memref<80x128xf32, #tpu.memory_space<vmem>>, vector<1x16xf32>,
    }
    %scan3A_9 = arith.constant 80 : i32
    %mul3A_10 = arith.constant 640 : i32
    %mul3A_11 = arith.muli %arg1, %mul3A_10 : i32
    %add3A_12 = arith.constant 0 : i32
    %add3A_13 = arith.addi %mul3A_11, %add3A_12 : i32
    "tpu.region"() ({
      %run_scoped3A = tpu.sem_alloc : memref<!tpu.dma_semaphore, #tpu.memory_space<semaphore_mem>>
      %dma_start3A_93 = arith.constant 0 : i32
      %dma_start3A_94 = tpu.memref_slice %arg11[%add3A_13, %dma_start3A_93] : memref<10240x128xf32, #tpu.memory_space<vmem_shared>> -> memref<80x128xf32, #tpu.memory_space<vmem_shared>>
      %dma_start3A_95 = arith.constant 0 : i32
      %dma_start3A_96 = tpu.memref_slice %arg11[%add3A_13, %dma_start3A_95] : memref<10240x128xf32, #tpu.memory_space<vmem_shared>> -> memref<80x128xf32, #tpu.memory_space<vmem_shared>>
      tpu.enqueue_dma source(%arg8 : memref<80x128xf32, #tpu.memory_space<vmem>>) target(%dma_start3A_96 : memref<80x128xf32, #tpu.memory_space<vmem_shared>>) target_semaphore(%run_scoped3A : memref<!tpu.dma_semaphore, #tpu.memory_space<semaphore_mem>>)
      %dma_wait3A_97 = arith.constant 0 : i32
      %dma_wait3A_98 = tpu.memref_slice %arg11[%add3A_13, %dma_wait3A_97] : memref<10240x128xf32, #tpu.memory_space<vmem_shared>> -> memref<80x128xf32, #tpu.memory_space<vmem_shared>>
      %dma_wait3A_99 = arith.constant 0 : i32
      %dma_wait3A_100 = tpu.memref_slice %arg11[%add3A_13, %dma_wait3A_99] : memref<10240x128xf32, #tpu.memory_space<vmem_shared>> -> memref<80x128xf32, #tpu.memory_space<vmem_shared>>
      tpu.wait_dma2 semaphore(%run_scoped3A : memref<!tpu.dma_semaphore, #tpu.memory_space<semaphore_mem>>) src(%arg8 : memref<80x128xf32, #tpu.memory_space<vmem>>) dst(%dma_wait3A_100 : memref<80x128xf32, #tpu.memory_space<vmem_shared>>)
      tpu.yield
    }) : () -> ()
    %mul3A_14 = arith.constant 640 : i32
    %mul3A_15 = arith.muli %arg1, %mul3A_14 : i32
    %add3A_16 = arith.constant 80 : i32
    %add3A_17 = arith.addi %mul3A_15, %add3A_16 : i32
    "tpu.region"() ({
      %run_scoped3A = tpu.sem_alloc : memref<!tpu.dma_semaphore, #tpu.memory_space<semaphore_mem>>
      %dma_start3A_93 = arith.constant 0 : i32
      %dma_start3A_94 = tpu.memref_slice %arg11[%add3A_17, %dma_start3A_93] : memref<10240x128xf32, #tpu.memory_space<vmem_shared>> -> memref<80x128xf32, #tpu.memory_space<vmem_shared>>
      %dma_start3A_95 = arith.constant 0 : i32
      %dma_start3A_96 = tpu.memref_slice %arg11[%add3A_17, %dma_start3A_95] : memref<10240x128xf32, #tpu.memory_space<vmem_shared>> -> memref<80x128xf32, #tpu.memory_space<vmem_shared>>
      tpu.enqueue_dma source(%arg8 : memref<80x128xf32, #tpu.memory_space<vmem>>) target(%dma_start3A_96 : memref<80x128xf32, #tpu.memory_space<vmem_shared>>) target_semaphore(%run_scoped3A : memref<!tpu.dma_semaphore, #tpu.memory_space<semaphore_mem>>)
      %dma_wait3A_97 = arith.constant 0 : i32
      %dma_wait3A_98 = tpu.memref_slice %arg11[%add3A_17, %dma_wait3A_97] : memref<10240x128xf32, #tpu.memory_space<vmem_shared>> -> memref<80x128xf32, #tpu.memory_space<vmem_shared>>
      %dma_wait3A_99 = arith.constant 0 : i32
      %dma_wait3A_100 = tpu.memref_slice %arg11[%add3A_17, %dma_wait3A_99] : memref<10240x128xf32, #tpu.memory_space<vmem_shared>> -> memref<80x128xf32, #tpu.memory_space<vmem_shared>>
      tpu.wait_dma2 semaphore(%run_scoped3A : memref<!tpu.dma_semaphore, #tpu.memory_space<semaphore_mem>>) src(%arg8 : memref<80x128xf32, #tpu.memory_space<vmem>>) dst(%dma_wait3A_100 : memref<80x128xf32, #tpu.memory_space<vmem_shared>>)
      tpu.yield
    }) : () -> ()
    %mul3A_18 = arith.constant 640 : i32
    %mul3A_19 = arith.muli %arg1, %mul3A_18 : i32
    %add3A_20 = arith.constant 160 : i32
    %add3A_21 = arith.addi %mul3A_19, %add3A_20 : i32
    "tpu.region"() ({
      %run_scoped3A = tpu.sem_alloc : memref<!tpu.dma_semaphore, #tpu.memory_space<semaphore_mem>>
      %dma_start3A_93 = arith.constant 0 : i32
      %dma_start3A_94 = tpu.memref_slice %arg11[%add3A_21, %dma_start3A_93] : memref<10240x128xf32, #tpu.memory_space<vmem_shared>> -> memref<80x128xf32, #tpu.memory_space<vmem_shared>>
      %dma_start3A_95 = arith.constant 0 : i32
      %dma_start3A_96 = tpu.memref_slice %arg11[%add3A_21, %dma_start3A_95] : memref<10240x128xf32, #tpu.memory_space<vmem_shared>> -> memref<80x128xf32, #tpu.memory_space<vmem_shared>>
      tpu.enqueue_dma source(%arg8 : memref<80x128xf32, #tpu.memory_space<vmem>>) target(%dma_start3A_96 : memref<80x128xf32, #tpu.memory_space<vmem_shared>>) target_semaphore(%run_scoped3A : memref<!tpu.dma_semaphore, #tpu.memory_space<semaphore_mem>>)
      %dma_wait3A_97 = arith.constant 0 : i32
      %dma_wait3A_98 = tpu.memref_slice %arg11[%add3A_21, %dma_wait3A_97] : memref<10240x128xf32, #tpu.memory_space<vmem_shared>> -> memref<80x128xf32, #tpu.memory_space<vmem_shared>>
      %dma_wait3A_99 = arith.constant 0 : i32
      %dma_wait3A_100 = tpu.memref_slice %arg11[%add3A_21, %dma_wait3A_99] : memref<10240x128xf32, #tpu.memory_space<vmem_shared>> -> memref<80x128xf32, #tpu.memory_space<vmem_shared>>
      tpu.wait_dma2 semaphore(%run_scoped3A : memref<!tpu.dma_semaphore, #tpu.memory_space<semaphore_mem>>) src(%arg8 : memref<80x128xf32, #tpu.memory_space<vmem>>) dst(%dma_wait3A_100 : memref<80x128xf32, #tpu.memory_space<vmem_shared>>)
      tpu.yield
    }) : () -> ()
    %mul3A_22 = arith.constant 640 : i32
    %mul3A_23 = arith.muli %arg1, %mul3A_22 : i32
    %add3A_24 = arith.constant 240 : i32
    %add3A_25 = arith.addi %mul3A_23, %add3A_24 : i32
    "tpu.region"() ({
      %run_scoped3A = tpu.sem_alloc : memref<!tpu.dma_semaphore, #tpu.memory_space<semaphore_mem>>
      %dma_start3A_93 = arith.constant 0 : i32
      %dma_start3A_94 = tpu.memref_slice %arg11[%add3A_25, %dma_start3A_93] : memref<10240x128xf32, #tpu.memory_space<vmem_shared>> -> memref<80x128xf32, #tpu.memory_space<vmem_shared>>
      %dma_start3A_95 = arith.constant 0 : i32
      %dma_start3A_96 = tpu.memref_slice %arg11[%add3A_25, %dma_start3A_95] : memref<10240x128xf32, #tpu.memory_space<vmem_shared>> -> memref<80x128xf32, #tpu.memory_space<vmem_shared>>
      tpu.enqueue_dma source(%arg8 : memref<80x128xf32, #tpu.memory_space<vmem>>) target(%dma_start3A_96 : memref<80x128xf32, #tpu.memory_space<vmem_shared>>) target_semaphore(%run_scoped3A : memref<!tpu.dma_semaphore, #tpu.memory_space<semaphore_mem>>)
      %dma_wait3A_97 = arith.constant 0 : i32
      %dma_wait3A_98 = tpu.memref_slice %arg11[%add3A_25, %dma_wait3A_97] : memref<10240x128xf32, #tpu.memory_space<vmem_shared>> -> memref<80x128xf32, #tpu.memory_space<vmem_shared>>
      %dma_wait3A_99 = arith.constant 0 : i32
      %dma_wait3A_100 = tpu.memref_slice %arg11[%add3A_25, %dma_wait3A_99] : memref<10240x128xf32, #tpu.memory_space<vmem_shared>> -> memref<80x128xf32, #tpu.memory_space<vmem_shared>>
      tpu.wait_dma2 semaphore(%run_scoped3A : memref<!tpu.dma_semaphore, #tpu.memory_space<semaphore_mem>>) src(%arg8 : memref<80x128xf32, #tpu.memory_space<vmem>>) dst(%dma_wait3A_100 : memref<80x128xf32, #tpu.memory_space<vmem_shared>>)
      tpu.yield
    }) : () -> ()
    %mul3A_26 = arith.constant 640 : i32
    %mul3A_27 = arith.muli %arg1, %mul3A_26 : i32
    %add3A_28 = arith.constant 320 : i32
    %add3A_29 = arith.addi %mul3A_27, %add3A_28 : i32
    "tpu.region"() ({
      %run_scoped3A = tpu.sem_alloc : memref<!tpu.dma_semaphore, #tpu.memory_space<semaphore_mem>>
      %dma_start3A_93 = arith.constant 0 : i32
      %dma_start3A_94 = tpu.memref_slice %arg11[%add3A_29, %dma_start3A_93] : memref<10240x128xf32, #tpu.memory_space<vmem_shared>> -> memref<80x128xf32, #tpu.memory_space<vmem_shared>>
      %dma_start3A_95 = arith.constant 0 : i32
      %dma_start3A_96 = tpu.memref_slice %arg11[%add3A_29, %dma_start3A_95] : memref<10240x128xf32, #tpu.memory_space<vmem_shared>> -> memref<80x128xf32, #tpu.memory_space<vmem_shared>>
      tpu.enqueue_dma source(%arg8 : memref<80x128xf32, #tpu.memory_space<vmem>>) target(%dma_start3A_96 : memref<80x128xf32, #tpu.memory_space<vmem_shared>>) target_semaphore(%run_scoped3A : memref<!tpu.dma_semaphore, #tpu.memory_space<semaphore_mem>>)
      %dma_wait3A_97 = arith.constant 0 : i32
      %dma_wait3A_98 = tpu.memref_slice %arg11[%add3A_29, %dma_wait3A_97] : memref<10240x128xf32, #tpu.memory_space<vmem_shared>> -> memref<80x128xf32, #tpu.memory_space<vmem_shared>>
      %dma_wait3A_99 = arith.constant 0 : i32
      %dma_wait3A_100 = tpu.memref_slice %arg11[%add3A_29, %dma_wait3A_99] : memref<10240x128xf32, #tpu.memory_space<vmem_shared>> -> memref<80x128xf32, #tpu.memory_space<vmem_shared>>
      tpu.wait_dma2 semaphore(%run_scoped3A : memref<!tpu.dma_semaphore, #tpu.memory_space<semaphore_mem>>) src(%arg8 : memref<80x128xf32, #tpu.memory_space<vmem>>) dst(%dma_wait3A_100 : memref<80x128xf32, #tpu.memory_space<vmem_shared>>)
      tpu.yield
    }) : () -> ()
    %mul3A_30 = arith.constant 640 : i32
    %mul3A_31 = arith.muli %arg1, %mul3A_30 : i32
    %add3A_32 = arith.constant 400 : i32
    %add3A_33 = arith.addi %mul3A_31, %add3A_32 : i32
    "tpu.region"() ({
      %run_scoped3A = tpu.sem_alloc : memref<!tpu.dma_semaphore, #tpu.memory_space<semaphore_mem>>
      %dma_start3A_93 = arith.constant 0 : i32
      %dma_start3A_94 = tpu.memref_slice %arg11[%add3A_33, %dma_start3A_93] : memref<10240x128xf32, #tpu.memory_space<vmem_shared>> -> memref<80x128xf32, #tpu.memory_space<vmem_shared>>
      %dma_start3A_95 = arith.constant 0 : i32
      %dma_start3A_96 = tpu.memref_slice %arg11[%add3A_33, %dma_start3A_95] : memref<10240x128xf32, #tpu.memory_space<vmem_shared>> -> memref<80x128xf32, #tpu.memory_space<vmem_shared>>
      tpu.enqueue_dma source(%arg8 : memref<80x128xf32, #tpu.memory_space<vmem>>) target(%dma_start3A_96 : memref<80x128xf32, #tpu.memory_space<vmem_shared>>) target_semaphore(%run_scoped3A : memref<!tpu.dma_semaphore, #tpu.memory_space<semaphore_mem>>)
      %dma_wait3A_97 = arith.constant 0 : i32
      %dma_wait3A_98 = tpu.memref_slice %arg11[%add3A_33, %dma_wait3A_97] : memref<10240x128xf32, #tpu.memory_space<vmem_shared>> -> memref<80x128xf32, #tpu.memory_space<vmem_shared>>
      %dma_wait3A_99 = arith.constant 0 : i32
      %dma_wait3A_100 = tpu.memref_slice %arg11[%add3A_33, %dma_wait3A_99] : memref<10240x128xf32, #tpu.memory_space<vmem_shared>> -> memref<80x128xf32, #tpu.memory_space<vmem_shared>>
      tpu.wait_dma2 semaphore(%run_scoped3A : memref<!tpu.dma_semaphore, #tpu.memory_space<semaphore_mem>>) src(%arg8 : memref<80x128xf32, #tpu.memory_space<vmem>>) dst(%dma_wait3A_100 : memref<80x128xf32, #tpu.memory_space<vmem_shared>>)
      tpu.yield
    }) : () -> ()
    %mul3A_34 = arith.constant 640 : i32
    %mul3A_35 = arith.muli %arg1, %mul3A_34 : i32
    %add3A_36 = arith.constant 480 : i32
    %add3A_37 = arith.addi %mul3A_35, %add3A_36 : i32
    "tpu.region"() ({
      %run_scoped3A = tpu.sem_alloc : memref<!tpu.dma_semaphore, #tpu.memory_space<semaphore_mem>>
      %dma_start3A_93 = arith.constant 0 : i32
      %dma_start3A_94 = tpu.memref_slice %arg11[%add3A_37, %dma_start3A_93] : memref<10240x128xf32, #tpu.memory_space<vmem_shared>> -> memref<80x128xf32, #tpu.memory_space<vmem_shared>>
      %dma_start3A_95 = arith.constant 0 : i32
      %dma_start3A_96 = tpu.memref_slice %arg11[%add3A_37, %dma_start3A_95] : memref<10240x128xf32, #tpu.memory_space<vmem_shared>> -> memref<80x128xf32, #tpu.memory_space<vmem_shared>>
      tpu.enqueue_dma source(%arg8 : memref<80x128xf32, #tpu.memory_space<vmem>>) target(%dma_start3A_96 : memref<80x128xf32, #tpu.memory_space<vmem_shared>>) target_semaphore(%run_scoped3A : memref<!tpu.dma_semaphore, #tpu.memory_space<semaphore_mem>>)
      %dma_wait3A_97 = arith.constant 0 : i32
      %dma_wait3A_98 = tpu.memref_slice %arg11[%add3A_37, %dma_wait3A_97] : memref<10240x128xf32, #tpu.memory_space<vmem_shared>> -> memref<80x128xf32, #tpu.memory_space<vmem_shared>>
      %dma_wait3A_99 = arith.constant 0 : i32
      %dma_wait3A_100 = tpu.memref_slice %arg11[%add3A_37, %dma_wait3A_99] : memref<10240x128xf32, #tpu.memory_space<vmem_shared>> -> memref<80x128xf32, #tpu.memory_space<vmem_shared>>
      tpu.wait_dma2 semaphore(%run_scoped3A : memref<!tpu.dma_semaphore, #tpu.memory_space<semaphore_mem>>) src(%arg8 : memref<80x128xf32, #tpu.memory_space<vmem>>) dst(%dma_wait3A_100 : memref<80x128xf32, #tpu.memory_space<vmem_shared>>)
      tpu.yield
    }) : () -> ()
    %mul3A_38 = arith.constant 640 : i32
    %mul3A_39 = arith.muli %arg1, %mul3A_38 : i32
    %add3A_40 = arith.constant 560 : i32
    %add3A_41 = arith.addi %mul3A_39, %add3A_40 : i32
    "tpu.region"() ({
      %run_scoped3A = tpu.sem_alloc : memref<!tpu.dma_semaphore, #tpu.memory_space<semaphore_mem>>
      %dma_start3A_93 = arith.constant 0 : i32
      %dma_start3A_94 = tpu.memref_slice %arg11[%add3A_41, %dma_start3A_93] : memref<10240x128xf32, #tpu.memory_space<vmem_shared>> -> memref<80x128xf32, #tpu.memory_space<vmem_shared>>
      %dma_start3A_95 = arith.constant 0 : i32
      %dma_start3A_96 = tpu.memref_slice %arg11[%add3A_41, %dma_start3A_95] : memref<10240x128xf32, #tpu.memory_space<vmem_shared>> -> memref<80x128xf32, #tpu.memory_space<vmem_shared>>
      tpu.enqueue_dma source(%arg8 : memref<80x128xf32, #tpu.memory_space<vmem>>) target(%dma_start3A_96 : memref<80x128xf32, #tpu.memory_space<vmem_shared>>) target_semaphore(%run_scoped3A : memref<!tpu.dma_semaphore, #tpu.memory_space<semaphore_mem>>)
      %dma_wait3A_97 = arith.constant 0 : i32
      %dma_wait3A_98 = tpu.memref_slice %arg11[%add3A_41, %dma_wait3A_97] : memref<10240x128xf32, #tpu.memory_space<vmem_shared>> -> memref<80x128xf32, #tpu.memory_space<vmem_shared>>
      %dma_wait3A_99 = arith.constant 0 : i32
      %dma_wait3A_100 = tpu.memref_slice %arg11[%add3A_41, %dma_wait3A_99] : memref<10240x128xf32, #tpu.memory_space<vmem_shared>> -> memref<80x128xf32, #tpu.memory_space<vmem_shared>>
      tpu.wait_dma2 semaphore(%run_scoped3A : memref<!tpu.dma_semaphore, #tpu.memory_space<semaphore_mem>>) src(%arg8 : memref<80x128xf32, #tpu.memory_space<vmem>>) dst(%dma_wait3A_100 : memref<80x128xf32, #tpu.memory_space<vmem_shared>>)
      tpu.yield
    }) : () -> ()
    %barrier3A = arith.constant 0 : index
    tpu.barrier barrier_id(%barrier3A)
    %add3A_42 = arith.constant 4960 : i32
    %add3A_43 = arith.addi %add3A_4, %add3A_42 : i32
    %dma_start3A = tpu.memref_slice %arg3[%add3A_43] : memref<640000xi32, #tpu.memory_space<hbm>> -> memref<40xi32, #tpu.memory_space<hbm>>
    %dma_start3A_44 = tpu.memref_slice %arg3[%add3A_43] : memref<640000xi32, #tpu.memory_space<hbm>> -> memref<40xi32, #tpu.memory_space<hbm>>
    tpu.enqueue_dma source(%dma_start3A_44 : memref<40xi32, #tpu.memory_space<hbm>>) target(%arg7 : memref<40xi32, #tpu.memory_space<vmem>>) target_semaphore(%arg16 : memref<!tpu.dma_semaphore, #tpu.memory_space<semaphore_mem>>)
    %add3A_45 = arith.constant 4960 : i32
    %add3A_46 = arith.addi %mul3A_2, %add3A_45 : i32
    %dma_start3A_47 = arith.constant 0 : i32
    %dma_start3A_48 = tpu.memref_slice %arg2[%add3A_46, %dma_start3A_47] : memref<160000x128xf32, #tpu.memory_space<hbm>> -> memref<40x128xf32, #tpu.memory_space<hbm>>
    %dma_start3A_49 = arith.constant 0 : i32
    %dma_start3A_50 = tpu.memref_slice %arg2[%add3A_46, %dma_start3A_49] : memref<160000x128xf32, #tpu.memory_space<hbm>> -> memref<40x128xf32, #tpu.memory_space<hbm>>
    tpu.enqueue_dma source(%dma_start3A_50 : memref<40x128xf32, #tpu.memory_space<hbm>>) target(%arg10 : memref<40x128xf32, #tpu.memory_space<vmem>>) target_semaphore(%arg17 : memref<!tpu.dma_semaphore, #tpu.memory_space<semaphore_mem>>)
    %add3A_51 = arith.constant 0 : i32
    %add3A_52 = arith.addi %add3A_4, %add3A_51 : i32
    %dma_start3A_53 = tpu.memref_slice %arg3[%add3A_52] : memref<640000xi32, #tpu.memory_space<hbm>> -> memref<80xi32, #tpu.memory_space<hbm>>
    %dma_start3A_54 = tpu.memref_slice %arg3[%add3A_52] : memref<640000xi32, #tpu.memory_space<hbm>> -> memref<80xi32, #tpu.memory_space<hbm>>
    tpu.enqueue_dma source(%dma_start3A_54 : memref<80xi32, #tpu.memory_space<hbm>>) target(%arg5 : memref<80xi32, #tpu.memory_space<vmem>>) target_semaphore(%arg12 : memref<!tpu.dma_semaphore, #tpu.memory_space<semaphore_mem>>)
    %add3A_55 = arith.constant 0 : i32
    %add3A_56 = arith.addi %mul3A_2, %add3A_55 : i32
    %dma_start3A_57 = arith.constant 0 : i32
    %dma_start3A_58 = tpu.memref_slice %arg2[%add3A_56, %dma_start3A_57] : memref<160000x128xf32, #tpu.memory_space<hbm>> -> memref<80x128xf32, #tpu.memory_space<hbm>>
    %dma_start3A_59 = arith.constant 0 : i32
    %dma_start3A_60 = tpu.memref_slice %arg2[%add3A_56, %dma_start3A_59] : memref<160000x128xf32, #tpu.memory_space<hbm>> -> memref<80x128xf32, #tpu.memory_space<hbm>>
    tpu.enqueue_dma source(%dma_start3A_60 : memref<80x128xf32, #tpu.memory_space<hbm>>) target(%arg8 : memref<80x128xf32, #tpu.memory_space<vmem>>) target_semaphore(%arg14 : memref<!tpu.dma_semaphore, #tpu.memory_space<semaphore_mem>>)
    %add3A_61 = arith.constant 80 : i32
    %add3A_62 = arith.addi %add3A_4, %add3A_61 : i32
    %dma_start3A_63 = tpu.memref_slice %arg3[%add3A_62] : memref<640000xi32, #tpu.memory_space<hbm>> -> memref<80xi32, #tpu.memory_space<hbm>>
    %dma_start3A_64 = tpu.memref_slice %arg3[%add3A_62] : memref<640000xi32, #tpu.memory_space<hbm>> -> memref<80xi32, #tpu.memory_space<hbm>>
    tpu.enqueue_dma source(%dma_start3A_64 : memref<80xi32, #tpu.memory_space<hbm>>) target(%arg6 : memref<80xi32, #tpu.memory_space<vmem>>) target_semaphore(%arg13 : memref<!tpu.dma_semaphore, #tpu.memory_space<semaphore_mem>>)
    %add3A_65 = arith.constant 80 : i32
    %add3A_66 = arith.addi %mul3A_2, %add3A_65 : i32
    %dma_start3A_67 = arith.constant 0 : i32
    %dma_start3A_68 = tpu.memref_slice %arg2[%add3A_66, %dma_start3A_67] : memref<160000x128xf32, #tpu.memory_space<hbm>> -> memref<80x128xf32, #tpu.memory_space<hbm>>
    %dma_start3A_69 = arith.constant 0 : i32
    %dma_start3A_70 = tpu.memref_slice %arg2[%add3A_66, %dma_start3A_69] : memref<160000x128xf32, #tpu.memory_space<hbm>> -> memref<80x128xf32, #tpu.memory_space<hbm>>
    tpu.enqueue_dma source(%dma_start3A_70 : memref<80x128xf32, #tpu.memory_space<hbm>>) target(%arg9 : memref<80x128xf32, #tpu.memory_space<vmem>>) target_semaphore(%arg15 : memref<!tpu.dma_semaphore, #tpu.memory_space<semaphore_mem>>)
    %scan3A_71 = arith.constant 0 : i32
    %scan3A_72 = arith.constant 0 : i32
    %scan3A_73 = arith.constant 31 : i32
    %scan3A_74 = arith.addi %scan3A_72, %scan3A_73 : i32
    %scan3A_75 = arith.constant 1 : i32
    scf.for %scan3A_93 = %scan3A_72 to %scan3A_74 step %scan3A_75  : i32 {
      %mul3A_94 = arith.constant 2 : i32
      %mul3A_95 = arith.muli %mul3A_94, %scan3A_93 : i32
      %mul3A_96 = arith.constant 80 : i32
      %mul3A_97 = arith.muli %mul3A_95, %mul3A_96 : i32
      %add3A_98 = arith.addi %add3A_4, %mul3A_97 : i32
      %dma_wait3A_99 = tpu.memref_slice %arg3[%add3A_98] : memref<640000xi32, #tpu.memory_space<hbm>> -> memref<80xi32, #tpu.memory_space<hbm>>
      %dma_wait3A_100 = tpu.memref_slice %arg3[%add3A_98] : memref<640000xi32, #tpu.memory_space<hbm>> -> memref<80xi32, #tpu.memory_space<hbm>>
      tpu.wait_dma2 semaphore(%arg12 : memref<!tpu.dma_semaphore, #tpu.memory_space<semaphore_mem>>) src(%dma_wait3A_100 : memref<80xi32, #tpu.memory_space<hbm>>) dst(%arg5 : memref<80xi32, #tpu.memory_space<vmem>>)
      %add3A_101 = arith.addi %mul3A_2, %mul3A_97 : i32
      %dma_wait3A_102 = arith.constant 0 : i32
      %dma_wait3A_103 = tpu.memref_slice %arg2[%add3A_101, %dma_wait3A_102] : memref<160000x128xf32, #tpu.memory_space<hbm>> -> memref<80x128xf32, #tpu.memory_space<hbm>>
      %dma_wait3A_104 = arith.constant 0 : i32
      %dma_wait3A_105 = tpu.memref_slice %arg2[%add3A_101, %dma_wait3A_104] : memref<160000x128xf32, #tpu.memory_space<hbm>> -> memref<80x128xf32, #tpu.memory_space<hbm>>
      tpu.wait_dma2 semaphore(%arg14 : memref<!tpu.dma_semaphore, #tpu.memory_space<semaphore_mem>>) src(%dma_wait3A_105 : memref<80x128xf32, #tpu.memory_space<hbm>>) dst(%arg8 : memref<80x128xf32, #tpu.memory_space<vmem>>)
      "tpu.region"() ({
        %run_scoped3A = tpu.sem_alloc : memref<!tpu.dma_semaphore, #tpu.memory_space<semaphore_mem>>
        %dma_start3A_128 = arith.constant 0 : i32
        %dma_start3A_129 = arith.constant 0 : i32
        %dma_start3A_130 = tpu.memref_slice %arg11[%dma_start3A_128, %dma_start3A_129] : memref<10240x128xf32, #tpu.memory_space<vmem_shared>> -> memref<10240x128xf32, #tpu.memory_space<vmem_shared>>
        tpu.enqueue_indirect_dma source(%arg8 : memref<80x128xf32, #tpu.memory_space<vmem>>) target(%dma_start3A_130 : memref<10240x128xf32, #tpu.memory_space<vmem_shared>>) offsets(%arg5 : memref<80xi32, #tpu.memory_space<vmem>>) semaphore(%run_scoped3A : memref<!tpu.dma_semaphore, #tpu.memory_space<semaphore_mem>>) {add = true}
        %dma_wait3A_131 = arith.constant 0 : i32
        %dma_wait3A_132 = arith.constant 0 : i32
        %dma_wait3A_133 = tpu.memref_slice %arg11[%dma_wait3A_131, %dma_wait3A_132] : memref<10240x128xf32, #tpu.memory_space<vmem_shared>> -> memref<10240x128xf32, #tpu.memory_space<vmem_shared>>
        tpu.wait_indirect_dma semaphore(%run_scoped3A : memref<!tpu.dma_semaphore, #tpu.memory_space<semaphore_mem>>) src(%arg8 : memref<80x128xf32, #tpu.memory_space<vmem>>) dst(%dma_wait3A_133 : memref<10240x128xf32, #tpu.memory_space<vmem_shared>>)
        tpu.yield
      }) : () -> ()
      %lt3A_106 = arith.constant 30 : i32
      %lt3A_107 = arith.cmpi slt, %scan3A_93, %lt3A_106 : i32
      %convert_element_type3A_108 = arith.extui %lt3A_107 : i1 to i32
      %cond3A_109 = arith.constant 0 : i32
      %cond3A_110 = arith.cmpi ne, %convert_element_type3A_108, %cond3A_109 : i32
      scf.if %cond3A_110 {
        %add3A_128 = arith.constant 2 : i32
        %add3A_129 = arith.addi %mul3A_95, %add3A_128 : i32
        %mul3A_130 = arith.constant 80 : i32
        %mul3A_131 = arith.muli %add3A_129, %mul3A_130 : i32
        %add3A_132 = arith.addi %add3A_4, %mul3A_131 : i32
        %dma_start3A_133 = tpu.memref_slice %arg3[%add3A_132] : memref<640000xi32, #tpu.memory_space<hbm>> -> memref<80xi32, #tpu.memory_space<hbm>>
        %dma_start3A_134 = tpu.memref_slice %arg3[%add3A_132] : memref<640000xi32, #tpu.memory_space<hbm>> -> memref<80xi32, #tpu.memory_space<hbm>>
        tpu.enqueue_dma source(%dma_start3A_134 : memref<80xi32, #tpu.memory_space<hbm>>) target(%arg5 : memref<80xi32, #tpu.memory_space<vmem>>) target_semaphore(%arg12 : memref<!tpu.dma_semaphore, #tpu.memory_space<semaphore_mem>>)
        %add3A_135 = arith.addi %mul3A_2, %mul3A_131 : i32
        %dma_start3A_136 = arith.constant 0 : i32
        %dma_start3A_137 = tpu.memref_slice %arg2[%add3A_135, %dma_start3A_136] : memref<160000x128xf32, #tpu.memory_space<hbm>> -> memref<80x128xf32, #tpu.memory_space<hbm>>
        %dma_start3A_138 = arith.constant 0 : i32
        %dma_start3A_139 = tpu.memref_slice %arg2[%add3A_135, %dma_start3A_138] : memref<160000x128xf32, #tpu.memory_space<hbm>> -> memref<80x128xf32, #tpu.memory_space<hbm>>
        tpu.enqueue_dma source(%dma_start3A_139 : memref<80x128xf32, #tpu.memory_space<hbm>>) target(%arg8 : memref<80x128xf32, #tpu.memory_space<vmem>>) target_semaphore(%arg14 : memref<!tpu.dma_semaphore, #tpu.memory_space<semaphore_mem>>)
      } else {
      }
      %add3A_111 = arith.constant 1 : i32
      %add3A_112 = arith.addi %mul3A_95, %add3A_111 : i32
      %mul3A_113 = arith.constant 80 : i32
      %mul3A_114 = arith.muli %add3A_112, %mul3A_113 : i32
      %add3A_115 = arith.addi %add3A_4, %mul3A_114 : i32
      %dma_wait3A_116 = tpu.memref_slice %arg3[%add3A_115] : memref<640000xi32, #tpu.memory_space<hbm>> -> memref<80xi32, #tpu.memory_space<hbm>>
      %dma_wait3A_117 = tpu.memref_slice %arg3[%add3A_115] : memref<640000xi32, #tpu.memory_space<hbm>> -> memref<80xi32, #tpu.memory_space<hbm>>
      tpu.wait_dma2 semaphore(%arg13 : memref<!tpu.dma_semaphore, #tpu.memory_space<semaphore_mem>>) src(%dma_wait3A_117 : memref<80xi32, #tpu.memory_space<hbm>>) dst(%arg6 : memref<80xi32, #tpu.memory_space<vmem>>)
      %add3A_118 = arith.addi %mul3A_2, %mul3A_114 : i32
      %dma_wait3A_119 = arith.constant 0 : i32
      %dma_wait3A_120 = tpu.memref_slice %arg2[%add3A_118, %dma_wait3A_119] : memref<160000x128xf32, #tpu.memory_space<hbm>> -> memref<80x128xf32, #tpu.memory_space<hbm>>
      %dma_wait3A_121 = arith.constant 0 : i32
      %dma_wait3A_122 = tpu.memref_slice %arg2[%add3A_118, %dma_wait3A_121] : memref<160000x128xf32, #tpu.memory_space<hbm>> -> memref<80x128xf32, #tpu.memory_space<hbm>>
      tpu.wait_dma2 semaphore(%arg15 : memref<!tpu.dma_semaphore, #tpu.memory_space<semaphore_mem>>) src(%dma_wait3A_122 : memref<80x128xf32, #tpu.memory_space<hbm>>) dst(%arg9 : memref<80x128xf32, #tpu.memory_space<vmem>>)
      "tpu.region"() ({
        %run_scoped3A = tpu.sem_alloc : memref<!tpu.dma_semaphore, #tpu.memory_space<semaphore_mem>>
        %dma_start3A_128 = arith.constant 0 : i32
        %dma_start3A_129 = arith.constant 0 : i32
        %dma_start3A_130 = tpu.memref_slice %arg11[%dma_start3A_128, %dma_start3A_129] : memref<10240x128xf32, #tpu.memory_space<vmem_shared>> -> memref<10240x128xf32, #tpu.memory_space<vmem_shared>>
        tpu.enqueue_indirect_dma source(%arg9 : memref<80x128xf32, #tpu.memory_space<vmem>>) target(%dma_start3A_130 : memref<10240x128xf32, #tpu.memory_space<vmem_shared>>) offsets(%arg6 : memref<80xi32, #tpu.memory_space<vmem>>) semaphore(%run_scoped3A : memref<!tpu.dma_semaphore, #tpu.memory_space<semaphore_mem>>) {add = true}
        %dma_wait3A_131 = arith.constant 0 : i32
        %dma_wait3A_132 = arith.constant 0 : i32
        %dma_wait3A_133 = tpu.memref_slice %arg11[%dma_wait3A_131, %dma_wait3A_132] : memref<10240x128xf32, #tpu.memory_space<vmem_shared>> -> memref<10240x128xf32, #tpu.memory_space<vmem_shared>>
        tpu.wait_indirect_dma semaphore(%run_scoped3A : memref<!tpu.dma_semaphore, #tpu.memory_space<semaphore_mem>>) src(%arg9 : memref<80x128xf32, #tpu.memory_space<vmem>>) dst(%dma_wait3A_133 : memref<10240x128xf32, #tpu.memory_space<vmem_shared>>)
        tpu.yield
      }) : () -> ()
      %lt3A_123 = arith.constant 30 : i32
      %lt3A_124 = arith.cmpi slt, %scan3A_93, %lt3A_123 : i32
      %convert_element_type3A_125 = arith.extui %lt3A_124 : i1 to i32
      %cond3A_126 = arith.constant 0 : i32
      %cond3A_127 = arith.cmpi ne, %convert_element_type3A_125, %cond3A_126 : i32
      scf.if %cond3A_127 {
        %add3A_128 = arith.constant 3 : i32
        %add3A_129 = arith.addi %mul3A_95, %add3A_128 : i32
        %mul3A_130 = arith.constant 80 : i32
        %mul3A_131 = arith.muli %add3A_129, %mul3A_130 : i32
        %add3A_132 = arith.addi %add3A_4, %mul3A_131 : i32
        %dma_start3A_133 = tpu.memref_slice %arg3[%add3A_132] : memref<640000xi32, #tpu.memory_space<hbm>> -> memref<80xi32, #tpu.memory_space<hbm>>
        %dma_start3A_134 = tpu.memref_slice %arg3[%add3A_132] : memref<640000xi32, #tpu.memory_space<hbm>> -> memref<80xi32, #tpu.memory_space<hbm>>
        tpu.enqueue_dma source(%dma_start3A_134 : memref<80xi32, #tpu.memory_space<hbm>>) target(%arg6 : memref<80xi32, #tpu.memory_space<vmem>>) target_semaphore(%arg13 : memref<!tpu.dma_semaphore, #tpu.memory_space<semaphore_mem>>)
        %add3A_135 = arith.addi %mul3A_2, %mul3A_131 : i32
        %dma_start3A_136 = arith.constant 0 : i32
        %dma_start3A_137 = tpu.memref_slice %arg2[%add3A_135, %dma_start3A_136] : memref<160000x128xf32, #tpu.memory_space<hbm>> -> memref<80x128xf32, #tpu.memory_space<hbm>>
        %dma_start3A_138 = arith.constant 0 : i32
        %dma_start3A_139 = tpu.memref_slice %arg2[%add3A_135, %dma_start3A_138] : memref<160000x128xf32, #tpu.memory_space<hbm>> -> memref<80x128xf32, #tpu.memory_space<hbm>>
        tpu.enqueue_dma source(%dma_start3A_139 : memref<80x128xf32, #tpu.memory_space<hbm>>) target(%arg9 : memref<80x128xf32, #tpu.memory_space<vmem>>) target_semaphore(%arg15 : memref<!tpu.dma_semaphore, #tpu.memory_space<semaphore_mem>>)
      } else {
      }
    }
    %scan3A_76 = arith.constant 31 : i32
    %add3A_77 = arith.constant 4960 : i32
    %add3A_78 = arith.addi %add3A_4, %add3A_77 : i32
    %dma_wait3A = tpu.memref_slice %arg3[%add3A_78] : memref<640000xi32, #tpu.memory_space<hbm>> -> memref<40xi32, #tpu.memory_space<hbm>>
    %dma_wait3A_79 = tpu.memref_slice %arg3[%add3A_78] : memref<640000xi32, #tpu.memory_space<hbm>> -> memref<40xi32, #tpu.memory_space<hbm>>
    tpu.wait_dma2 semaphore(%arg16 : memref<!tpu.dma_semaphore, #tpu.memory_space<semaphore_mem>>) src(%dma_wait3A_79 : memref<40xi32, #tpu.memory_space<hbm>>) dst(%arg7 : memref<40xi32, #tpu.memory_space<vmem>>)
    %add3A_80 = arith.constant 4960 : i32
    %add3A_81 = arith.addi %mul3A_2, %add3A_80 : i32
    %dma_wait3A_82 = arith.constant 0 : i32
    %dma_wait3A_83 = tpu.memref_slice %arg2[%add3A_81, %dma_wait3A_82] : memref<160000x128xf32, #tpu.memory_space<hbm>> -> memref<40x128xf32, #tpu.memory_space<hbm>>
    %dma_wait3A_84 = arith.constant 0 : i32
    %dma_wait3A_85 = tpu.memref_slice %arg2[%add3A_81, %dma_wait3A_84] : memref<160000x128xf32, #tpu.memory_space<hbm>> -> memref<40x128xf32, #tpu.memory_space<hbm>>
    tpu.wait_dma2 semaphore(%arg17 : memref<!tpu.dma_semaphore, #tpu.memory_space<semaphore_mem>>) src(%dma_wait3A_85 : memref<40x128xf32, #tpu.memory_space<hbm>>) dst(%arg10 : memref<40x128xf32, #tpu.memory_space<vmem>>)
    "tpu.region"() ({
      %run_scoped3A = tpu.sem_alloc : memref<!tpu.dma_semaphore, #tpu.memory_space<semaphore_mem>>
      %dma_start3A_93 = arith.constant 0 : i32
      %dma_start3A_94 = arith.constant 0 : i32
      %dma_start3A_95 = tpu.memref_slice %arg11[%dma_start3A_93, %dma_start3A_94] : memref<10240x128xf32, #tpu.memory_space<vmem_shared>> -> memref<10240x128xf32, #tpu.memory_space<vmem_shared>>
      tpu.enqueue_indirect_dma source(%arg10 : memref<40x128xf32, #tpu.memory_space<vmem>>) target(%dma_start3A_95 : memref<10240x128xf32, #tpu.memory_space<vmem_shared>>) offsets(%arg7 : memref<40xi32, #tpu.memory_space<vmem>>) semaphore(%run_scoped3A : memref<!tpu.dma_semaphore, #tpu.memory_space<semaphore_mem>>) {add = true}
      %dma_wait3A_96 = arith.constant 0 : i32
      %dma_wait3A_97 = arith.constant 0 : i32
      %dma_wait3A_98 = tpu.memref_slice %arg11[%dma_wait3A_96, %dma_wait3A_97] : memref<10240x128xf32, #tpu.memory_space<vmem_shared>> -> memref<10240x128xf32, #tpu.memory_space<vmem_shared>>
      tpu.wait_indirect_dma semaphore(%run_scoped3A : memref<!tpu.dma_semaphore, #tpu.memory_space<semaphore_mem>>) src(%arg10 : memref<40x128xf32, #tpu.memory_space<vmem>>) dst(%dma_wait3A_98 : memref<10240x128xf32, #tpu.memory_space<vmem_shared>>)
      tpu.yield
    }) : () -> ()
    %barrier3A_86 = arith.constant 0 : index
    tpu.barrier barrier_id(%barrier3A_86)
    %lt3A = arith.constant 15 : i32
    %lt3A_87 = arith.cmpi slt, %arg1, %lt3A : i32
    %convert_element_type3A = arith.extui %lt3A_87 : i1 to i32
    %cond3A = arith.constant 0 : i32
    %cond3A_88 = arith.cmpi ne, %convert_element_type3A, %cond3A : i32
    scf.if %cond3A_88 {
      %mul3A_93 = arith.constant 640 : i32
      %mul3A_94 = arith.muli %arg1, %mul3A_93 : i32
      %mul3A_95 = arith.constant 640 : i32
      %mul3A_96 = arith.muli %arg1, %mul3A_95 : i32
      "tpu.region"() ({
        %run_scoped3A = tpu.sem_alloc : memref<!tpu.dma_semaphore, #tpu.memory_space<semaphore_mem>>
        %dma_start3A_97 = arith.constant 0 : i32
        %dma_start3A_98 = tpu.memref_slice %arg4[%arg0, %mul3A_96, %dma_start3A_97] : memref<2x10000x128xf32, #tpu.memory_space<hbm>> -> memref<1x640x128xf32, #tpu.memory_space<hbm>>
        %dma_start3A_99 = tpu.memref_squeeze %dma_start3A_98 : memref<1x640x128xf32, #tpu.memory_space<hbm>> -> memref<640x128xf32, #tpu.memory_space<hbm>>
        %dma_start3A_100 = arith.constant 0 : i32
        %dma_start3A_101 = tpu.memref_slice %arg11[%mul3A_94, %dma_start3A_100] : memref<10240x128xf32, #tpu.memory_space<vmem_shared>> -> memref<640x128xf32, #tpu.memory_space<vmem_shared>>
        tpu.enqueue_dma source(%dma_start3A_101 : memref<640x128xf32, #tpu.memory_space<vmem_shared>>) target(%dma_start3A_99 : memref<640x128xf32, #tpu.memory_space<hbm>>) target_semaphore(%run_scoped3A : memref<!tpu.dma_semaphore, #tpu.memory_space<semaphore_mem>>)
        %dma_wait3A_102 = arith.constant 0 : i32
        %dma_wait3A_103 = tpu.memref_slice %arg4[%arg0, %mul3A_96, %dma_wait3A_102] : memref<2x10000x128xf32, #tpu.memory_space<hbm>> -> memref<1x640x128xf32, #tpu.memory_space<hbm>>
        %dma_wait3A_104 = tpu.memref_squeeze %dma_wait3A_103 : memref<1x640x128xf32, #tpu.memory_space<hbm>> -> memref<640x128xf32, #tpu.memory_space<hbm>>
        %dma_wait3A_105 = arith.constant 0 : i32
        %dma_wait3A_106 = tpu.memref_slice %arg11[%mul3A_94, %dma_wait3A_105] : memref<10240x128xf32, #tpu.memory_space<vmem_shared>> -> memref<640x128xf32, #tpu.memory_space<vmem_shared>>
        tpu.wait_dma2 semaphore(%run_scoped3A : memref<!tpu.dma_semaphore, #tpu.memory_space<semaphore_mem>>) src(%dma_wait3A_106 : memref<640x128xf32, #tpu.memory_space<vmem_shared>>) dst(%dma_wait3A_104 : memref<640x128xf32, #tpu.memory_space<hbm>>)
        tpu.yield
      }) : () -> ()
    } else {
    }
    %eq3A = arith.constant 15 : i32
    %eq3A_89 = arith.cmpi eq, %arg1, %eq3A : i32
    %convert_element_type3A_90 = arith.extui %eq3A_89 : i1 to i32
    %cond3A_91 = arith.constant 0 : i32
    %cond3A_92 = arith.cmpi ne, %convert_element_type3A_90, %cond3A_91 : i32
    scf.if %cond3A_92 {
      "tpu.region"() ({
        %run_scoped3A = tpu.sem_alloc : memref<!tpu.dma_semaphore, #tpu.memory_space<semaphore_mem>>
        %dma_start3A_93 = arith.constant 9600 : i32
        %dma_start3A_94 = arith.constant 0 : i32
        %dma_start3A_95 = tpu.memref_slice %arg4[%arg0, %dma_start3A_93, %dma_start3A_94] : memref<2x10000x128xf32, #tpu.memory_space<hbm>> -> memref<1x400x128xf32, #tpu.memory_space<hbm>>
        %dma_start3A_96 = tpu.memref_squeeze %dma_start3A_95 : memref<1x400x128xf32, #tpu.memory_space<hbm>> -> memref<400x128xf32, #tpu.memory_space<hbm>>
        %dma_start3A_97 = arith.constant 9600 : i32
        %dma_start3A_98 = arith.constant 0 : i32
        %dma_start3A_99 = tpu.memref_slice %arg11[%dma_start3A_97, %dma_start3A_98] : memref<10240x128xf32, #tpu.memory_space<vmem_shared>> -> memref<400x128xf32, #tpu.memory_space<vmem_shared>>
        tpu.enqueue_dma source(%dma_start3A_99 : memref<400x128xf32, #tpu.memory_space<vmem_shared>>) target(%dma_start3A_96 : memref<400x128xf32, #tpu.memory_space<hbm>>) target_semaphore(%run_scoped3A : memref<!tpu.dma_semaphore, #tpu.memory_space<semaphore_mem>>)
        %dma_wait3A_100 = arith.constant 9600 : i32
        %dma_wait3A_101 = arith.constant 0 : i32
        %dma_wait3A_102 = tpu.memref_slice %arg4[%arg0, %dma_wait3A_100, %dma_wait3A_101] : memref<2x10000x128xf32, #tpu.memory_space<hbm>> -> memref<1x400x128xf32, #tpu.memory_space<hbm>>
        %dma_wait3A_103 = tpu.memref_squeeze %dma_wait3A_102 : memref<1x400x128xf32, #tpu.memory_space<hbm>> -> memref<400x128xf32, #tpu.memory_space<hbm>>
        %dma_wait3A_104 = arith.constant 9600 : i32
        %dma_wait3A_105 = arith.constant 0 : i32
        %dma_wait3A_106 = tpu.memref_slice %arg11[%dma_wait3A_104, %dma_wait3A_105] : memref<10240x128xf32, #tpu.memory_space<vmem_shared>> -> memref<400x128xf32, #tpu.memory_space<vmem_shared>>
        tpu.wait_dma2 semaphore(%run_scoped3A : memref<!tpu.dma_semaphore, #tpu.memory_space<semaphore_mem>>) src(%dma_wait3A_106 : memref<400x128xf32, #tpu.memory_space<vmem_shared>>) dst(%dma_wait3A_103 : memref<400x128xf32, #tpu.memory_space<hbm>>)
        tpu.yield
      }) : () -> ()
    } else {
    }
    return
  }
}

module attributes {stable_mosaic.version = 14 : i64} {
  func.func @_edge_body(%arg0: i32, %arg1: memref<1280x128xf32, #tpu.memory_space<vmem>>, %arg2: memref<16x1280xf32, #tpu.memory_space<vmem>>, %arg3: memref<16x128xf32, #tpu.memory_space<vmem>>, %arg4: memref<1x128xf32, #tpu.memory_space<vmem>>, %arg5: memref<128x128xf32, #tpu.memory_space<vmem>>, %arg6: memref<1x128xf32, #tpu.memory_space<vmem>>, %arg7: memref<1280x128xf32, #tpu.memory_space<vmem>>) attributes {dimension_semantics = [#tpu.dimension_semantics<arbitrary>], iteration_bounds = array<i64: 125>, scalar_prefetch = 0 : i64, scratch_operands = 0 : i64, tpu.core_type = #tpu.core_type<tc>, window_params = [{transform_indices = @transform_0, window_bounds = array<i64: 1280, 128>}, {transform_indices = @transform_1, window_bounds = array<i64: 16, 1280>}, {pipeline_mode = #tpu.pipeline_mode<synchronous>, transform_indices = @transform_2, window_bounds = array<i64: 16, 128>}, {pipeline_mode = #tpu.pipeline_mode<synchronous>, transform_indices = @transform_3, window_bounds = array<i64: 1, 128>}, {pipeline_mode = #tpu.pipeline_mode<synchronous>, transform_indices = @transform_4, window_bounds = array<i64: 128, 128>}, {pipeline_mode = #tpu.pipeline_mode<synchronous>, transform_indices = @transform_5, window_bounds = array<i64: 1, 128>}, {transform_indices = @transform_6, window_bounds = array<i64: 1280, 128>}]} {
    %get3A = arith.constant 0 : index
    %get3A_0 = arith.constant 0 : index
    %get3A_1 = vector.load %arg2[%get3A, %get3A_0] : memref<16x1280xf32, #tpu.memory_space<vmem>>, vector<16x1280xf32>
    %get3A_2 = arith.constant 0 : index
    %get3A_3 = arith.constant 0 : index
    %get3A_4 = vector.load %arg3[%get3A_2, %get3A_3] : memref<16x128xf32, #tpu.memory_space<vmem>>, vector<16x128xf32>
    %dot_general3A = arith.constant dense<0.000000e+00> : vector<1280x128xf32>
    %dot_general3A_5 = tpu.matmul %get3A_1, %get3A_4, %dot_general3A {dimension_numbers = #tpu.dot_dimension_numbers<[0], [0], [1], [1], [0, 1, 1, 1], [], []>, transpose_lhs_hint = false} : vector<16x1280xf32>, vector<16x128xf32>, vector<1280x128xf32> -> vector<1280x128xf32>
    %get3A_6 = arith.constant 0 : index
    %get3A_7 = arith.constant 0 : index
    %get3A_8 = vector.load %arg1[%get3A_6, %get3A_7] : memref<1280x128xf32, #tpu.memory_space<vmem>>, vector<1280x128xf32>
    %add3A = arith.addf %get3A_8, %dot_general3A_5 : vector<1280x128xf32>
    %get3A_9 = arith.constant 0 : index
    %get3A_10 = arith.constant 0 : index
    %get3A_11 = vector.load %arg4[%get3A_9, %get3A_10] : memref<1x128xf32, #tpu.memory_space<vmem>>, vector<1x128xf32>
    %add3A_12 = vector.broadcast %get3A_11 : vector<1x128xf32> to vector<1280x128xf32>
    %add3A_13 = arith.addf %add3A, %add3A_12 : vector<1280x128xf32>
    %neg3A = arith.constant 0.000000e+00 : f32
    %neg3A_14 = vector.broadcast %neg3A : f32 to vector<1280x128xf32>
    %neg3A_15 = arith.subf %neg3A_14, %add3A_13 : vector<1280x128xf32>
    %exp3A = math.exp %neg3A_15 : vector<1280x128xf32>
    %add3A_16 = arith.constant 1.000000e+00 : f32
    %add3A_17 = vector.broadcast %add3A_16 : f32 to vector<1280x128xf32>
    %add3A_18 = arith.addf %add3A_17, %exp3A : vector<1280x128xf32>
    %div3A = arith.divf %add3A_13, %add3A_18 : vector<1280x128xf32>
    %get3A_19 = arith.constant 0 : index
    %get3A_20 = arith.constant 0 : index
    %get3A_21 = vector.load %arg5[%get3A_19, %get3A_20] : memref<128x128xf32, #tpu.memory_space<vmem>>, vector<128x128xf32>
    %dot_general3A_22 = arith.constant dense<0.000000e+00> : vector<1280x128xf32>
    %dot_general3A_23 = tpu.matmul %div3A, %get3A_21, %dot_general3A_22 {dimension_numbers = #tpu.dot_dimension_numbers<[1], [0], [0], [1], [0, 0, 1, 1], [], []>, transpose_lhs_hint = false} : vector<1280x128xf32>, vector<128x128xf32>, vector<1280x128xf32> -> vector<1280x128xf32>
    %get3A_24 = arith.constant 0 : index
    %get3A_25 = arith.constant 0 : index
    %get3A_26 = vector.load %arg6[%get3A_24, %get3A_25] : memref<1x128xf32, #tpu.memory_space<vmem>>, vector<1x128xf32>
    %add3A_27 = vector.broadcast %get3A_26 : vector<1x128xf32> to vector<1280x128xf32>
    %add3A_28 = arith.addf %dot_general3A_23, %add3A_27 : vector<1280x128xf32>
    %neg3A_29 = arith.constant 0.000000e+00 : f32
    %neg3A_30 = vector.broadcast %neg3A_29 : f32 to vector<1280x128xf32>
    %neg3A_31 = arith.subf %neg3A_30, %add3A_28 : vector<1280x128xf32>
    %exp3A_32 = math.exp %neg3A_31 : vector<1280x128xf32>
    %add3A_33 = arith.constant 1.000000e+00 : f32
    %add3A_34 = vector.broadcast %add3A_33 : f32 to vector<1280x128xf32>
    %add3A_35 = arith.addf %add3A_34, %exp3A_32 : vector<1280x128xf32>
    %div3A_36 = arith.divf %add3A_28, %add3A_35 : vector<1280x128xf32>
    %swap3A = arith.constant 0 : index
    %swap3A_37 = arith.constant 0 : index
    %swap3A_38 = vector.load %arg7[%swap3A, %swap3A_37] : memref<1280x128xf32, #tpu.memory_space<vmem>>, vector<1280x128xf32>
    tpu.vector_store %arg7[%swap3A, %swap3A_37], %div3A_36 {strides = array<i32>} : memref<1280x128xf32, #tpu.memory_space<vmem>>, vector<1280x128xf32>,
    return
  }
  func.func @transform_0(%arg0: i32) -> (i32, i32) {
    %c0_i32 = arith.constant 0 : i32
    %c0_i32_0 = arith.constant 0 : i32
    return %arg0, %c0_i32 : i32, i32
  }
  func.func @transform_1(%arg0: i32) -> (i32, i32) {
    %add3A = arith.constant 125 : i32
    %add3A_0 = arith.addi %arg0, %add3A : i32
    %c0_i32 = arith.constant 0 : i32
    %c0_i32_1 = arith.constant 0 : i32
    return %c0_i32, %add3A_0 : i32, i32
  }
  func.func @transform_2(%arg0: i32) -> (i32, i32) {
    %c0_i32 = arith.constant 0 : i32
    %c0_i32_0 = arith.constant 0 : i32
    %c0_i32_1 = arith.constant 0 : i32
    return %c0_i32, %c0_i32_0 : i32, i32
  }
  func.func @transform_3(%arg0: i32) -> (i32, i32) {
    %c0_i32 = arith.constant 0 : i32
    %c0_i32_0 = arith.constant 0 : i32
    %c0_i32_1 = arith.constant 0 : i32
    return %c0_i32, %c0_i32_0 : i32, i32
  }
  func.func @transform_4(%arg0: i32) -> (i32, i32) {
    %c0_i32 = arith.constant 0 : i32
    %c0_i32_0 = arith.constant 0 : i32
    %c0_i32_1 = arith.constant 0 : i32
    return %c0_i32, %c0_i32_0 : i32, i32
  }
  func.func @transform_5(%arg0: i32) -> (i32, i32) {
    %c0_i32 = arith.constant 0 : i32
    %c0_i32_0 = arith.constant 0 : i32
    %c0_i32_1 = arith.constant 0 : i32
    return %c0_i32, %c0_i32_0 : i32, i32
  }
  func.func @transform_6(%arg0: i32) -> (i32, i32) {
    %c0_i32 = arith.constant 0 : i32
    %c0_i32_0 = arith.constant 0 : i32
    return %arg0, %c0_i32 : i32, i32
  }
}

module attributes {stable_mosaic.version = 14 : i64} {
  func.func @_premix_body(%arg0: i32, %arg1: memref<2000x128xf32, #tpu.memory_space<vmem>>, %arg2: memref<128x128xf32, #tpu.memory_space<vmem>>, %arg3: memref<128x128xf32, #tpu.memory_space<vmem>>, %arg4: memref<2x2000x128xf32, #tpu.memory_space<vmem>>) attributes {dimension_semantics = [#tpu.dimension_semantics<arbitrary>], iteration_bounds = array<i64: 5>, scalar_prefetch = 0 : i64, scratch_operands = 0 : i64, tpu.core_type = #tpu.core_type<tc>, window_params = [{transform_indices = @transform_0, window_bounds = array<i64: 2000, 128>}, {pipeline_mode = #tpu.pipeline_mode<synchronous>, transform_indices = @transform_1, window_bounds = array<i64: 128, 128>}, {pipeline_mode = #tpu.pipeline_mode<synchronous>, transform_indices = @transform_2, window_bounds = array<i64: 128, 128>}, {transform_indices = @transform_3, window_bounds = array<i64: 2, 2000, 128>}]} {
    %get3A = arith.constant 0 : index
    %get3A_0 = arith.constant 0 : index
    %get3A_1 = vector.load %arg1[%get3A, %get3A_0] : memref<2000x128xf32, #tpu.memory_space<vmem>>, vector<2000x128xf32>
    %get3A_2 = arith.constant 0 : index
    %get3A_3 = arith.constant 0 : index
    %get3A_4 = vector.load %arg2[%get3A_2, %get3A_3] : memref<128x128xf32, #tpu.memory_space<vmem>>, vector<128x128xf32>
    %dot_general3A = arith.constant dense<0.000000e+00> : vector<2000x128xf32>
    %dot_general3A_5 = tpu.matmul %get3A_1, %get3A_4, %dot_general3A {dimension_numbers = #tpu.dot_dimension_numbers<[1], [0], [0], [1], [0, 0, 1, 1], [], []>, transpose_lhs_hint = false} : vector<2000x128xf32>, vector<128x128xf32>, vector<2000x128xf32> -> vector<2000x128xf32>
    %swap3A = arith.constant 0 : index
    %swap3A_6 = arith.constant 0 : index
    %swap3A_7 = arith.constant 0 : index
    %swap3A_8 = vector.load %arg4[%swap3A, %swap3A_6, %swap3A_7] : memref<2x2000x128xf32, #tpu.memory_space<vmem>>, vector<1x2000x128xf32>
    %swap3A_9 = vector.shape_cast %swap3A_8 : vector<1x2000x128xf32> to vector<2000x128xf32>
    %swap3A_10 = vector.shape_cast %dot_general3A_5 : vector<2000x128xf32> to vector<1x2000x128xf32>
    tpu.vector_store %arg4[%swap3A, %swap3A_6, %swap3A_7], %swap3A_10 {strides = array<i32>} : memref<2x2000x128xf32, #tpu.memory_space<vmem>>, vector<1x2000x128xf32>,
    %get3A_11 = arith.constant 0 : index
    %get3A_12 = arith.constant 0 : index
    %get3A_13 = vector.load %arg3[%get3A_11, %get3A_12] : memref<128x128xf32, #tpu.memory_space<vmem>>, vector<128x128xf32>
    %dot_general3A_14 = arith.constant dense<0.000000e+00> : vector<2000x128xf32>
    %dot_general3A_15 = tpu.matmul %get3A_1, %get3A_13, %dot_general3A_14 {dimension_numbers = #tpu.dot_dimension_numbers<[1], [0], [0], [1], [0, 0, 1, 1], [], []>, transpose_lhs_hint = false} : vector<2000x128xf32>, vector<128x128xf32>, vector<2000x128xf32> -> vector<2000x128xf32>
    %swap3A_16 = arith.constant 1 : index
    %swap3A_17 = arith.constant 0 : index
    %swap3A_18 = arith.constant 0 : index
    %swap3A_19 = vector.load %arg4[%swap3A_16, %swap3A_17, %swap3A_18] : memref<2x2000x128xf32, #tpu.memory_space<vmem>>, vector<1x2000x128xf32>
    %swap3A_20 = vector.shape_cast %swap3A_19 : vector<1x2000x128xf32> to vector<2000x128xf32>
    %swap3A_21 = vector.shape_cast %dot_general3A_15 : vector<2000x128xf32> to vector<1x2000x128xf32>
    tpu.vector_store %arg4[%swap3A_16, %swap3A_17, %swap3A_18], %swap3A_21 {strides = array<i32>} : memref<2x2000x128xf32, #tpu.memory_space<vmem>>, vector<1x2000x128xf32>,
    return
  }
  func.func @transform_0(%arg0: i32) -> (i32, i32) {
    %c0_i32 = arith.constant 0 : i32
    %c0_i32_0 = arith.constant 0 : i32
    return %arg0, %c0_i32 : i32, i32
  }
  func.func @transform_1(%arg0: i32) -> (i32, i32) {
    %c0_i32 = arith.constant 0 : i32
    %c0_i32_0 = arith.constant 0 : i32
    %c0_i32_1 = arith.constant 0 : i32
    return %c0_i32, %c0_i32_0 : i32, i32
  }
  func.func @transform_2(%arg0: i32) -> (i32, i32) {
    %c0_i32 = arith.constant 0 : i32
    %c0_i32_0 = arith.constant 0 : i32
    %c0_i32_1 = arith.constant 0 : i32
    return %c0_i32, %c0_i32_0 : i32, i32
  }
  func.func @transform_3(%arg0: i32) -> (i32, i32, i32) {
    %c0_i32 = arith.constant 0 : i32
    %c0_i32_0 = arith.constant 0 : i32
    %c0_i32_1 = arith.constant 0 : i32
    return %c0_i32, %arg0, %c0_i32_0 : i32, i32, i32
  }
}

module attributes {stable_mosaic.version = 14 : i64} {
  func.func @_edge_body(%arg0: i32, %arg1: memref<1280x128xf32, #tpu.memory_space<vmem>>, %arg2: memref<16x1280xf32, #tpu.memory_space<vmem>>, %arg3: memref<16x128xf32, #tpu.memory_space<vmem>>, %arg4: memref<1x128xf32, #tpu.memory_space<vmem>>, %arg5: memref<128x128xf32, #tpu.memory_space<vmem>>, %arg6: memref<1x128xf32, #tpu.memory_space<vmem>>, %arg7: memref<1280x128xf32, #tpu.memory_space<vmem>>) attributes {dimension_semantics = [#tpu.dimension_semantics<arbitrary>], iteration_bounds = array<i64: 125>, scalar_prefetch = 0 : i64, scratch_operands = 0 : i64, tpu.core_type = #tpu.core_type<tc>, window_params = [{transform_indices = @transform_0, window_bounds = array<i64: 1280, 128>}, {transform_indices = @transform_1, window_bounds = array<i64: 16, 1280>}, {pipeline_mode = #tpu.pipeline_mode<synchronous>, transform_indices = @transform_2, window_bounds = array<i64: 16, 128>}, {pipeline_mode = #tpu.pipeline_mode<synchronous>, transform_indices = @transform_3, window_bounds = array<i64: 1, 128>}, {pipeline_mode = #tpu.pipeline_mode<synchronous>, transform_indices = @transform_4, window_bounds = array<i64: 128, 128>}, {pipeline_mode = #tpu.pipeline_mode<synchronous>, transform_indices = @transform_5, window_bounds = array<i64: 1, 128>}, {transform_indices = @transform_6, window_bounds = array<i64: 1280, 128>}]} {
    %get3A = arith.constant 0 : index
    %get3A_0 = arith.constant 0 : index
    %get3A_1 = vector.load %arg2[%get3A, %get3A_0] : memref<16x1280xf32, #tpu.memory_space<vmem>>, vector<16x1280xf32>
    %get3A_2 = arith.constant 0 : index
    %get3A_3 = arith.constant 0 : index
    %get3A_4 = vector.load %arg3[%get3A_2, %get3A_3] : memref<16x128xf32, #tpu.memory_space<vmem>>, vector<16x128xf32>
    %dot_general3A = arith.constant dense<0.000000e+00> : vector<1280x128xf32>
    %dot_general3A_5 = tpu.matmul %get3A_1, %get3A_4, %dot_general3A {dimension_numbers = #tpu.dot_dimension_numbers<[0], [0], [1], [1], [0, 1, 1, 1], [], []>, transpose_lhs_hint = false} : vector<16x1280xf32>, vector<16x128xf32>, vector<1280x128xf32> -> vector<1280x128xf32>
    %get3A_6 = arith.constant 0 : index
    %get3A_7 = arith.constant 0 : index
    %get3A_8 = vector.load %arg1[%get3A_6, %get3A_7] : memref<1280x128xf32, #tpu.memory_space<vmem>>, vector<1280x128xf32>
    %add3A = arith.addf %get3A_8, %dot_general3A_5 : vector<1280x128xf32>
    %get3A_9 = arith.constant 0 : index
    %get3A_10 = arith.constant 0 : index
    %get3A_11 = vector.load %arg4[%get3A_9, %get3A_10] : memref<1x128xf32, #tpu.memory_space<vmem>>, vector<1x128xf32>
    %add3A_12 = vector.broadcast %get3A_11 : vector<1x128xf32> to vector<1280x128xf32>
    %add3A_13 = arith.addf %add3A, %add3A_12 : vector<1280x128xf32>
    %neg3A = arith.constant 0.000000e+00 : f32
    %neg3A_14 = vector.broadcast %neg3A : f32 to vector<1280x128xf32>
    %neg3A_15 = arith.subf %neg3A_14, %add3A_13 : vector<1280x128xf32>
    %exp3A = math.exp %neg3A_15 : vector<1280x128xf32>
    %add3A_16 = arith.constant 1.000000e+00 : f32
    %add3A_17 = vector.broadcast %add3A_16 : f32 to vector<1280x128xf32>
    %add3A_18 = arith.addf %add3A_17, %exp3A : vector<1280x128xf32>
    %div3A = arith.divf %add3A_13, %add3A_18 : vector<1280x128xf32>
    %get3A_19 = arith.constant 0 : index
    %get3A_20 = arith.constant 0 : index
    %get3A_21 = vector.load %arg5[%get3A_19, %get3A_20] : memref<128x128xf32, #tpu.memory_space<vmem>>, vector<128x128xf32>
    %dot_general3A_22 = arith.constant dense<0.000000e+00> : vector<1280x128xf32>
    %dot_general3A_23 = tpu.matmul %div3A, %get3A_21, %dot_general3A_22 {dimension_numbers = #tpu.dot_dimension_numbers<[1], [0], [0], [1], [0, 0, 1, 1], [], []>, transpose_lhs_hint = false} : vector<1280x128xf32>, vector<128x128xf32>, vector<1280x128xf32> -> vector<1280x128xf32>
    %get3A_24 = arith.constant 0 : index
    %get3A_25 = arith.constant 0 : index
    %get3A_26 = vector.load %arg6[%get3A_24, %get3A_25] : memref<1x128xf32, #tpu.memory_space<vmem>>, vector<1x128xf32>
    %add3A_27 = vector.broadcast %get3A_26 : vector<1x128xf32> to vector<1280x128xf32>
    %add3A_28 = arith.addf %dot_general3A_23, %add3A_27 : vector<1280x128xf32>
    %neg3A_29 = arith.constant 0.000000e+00 : f32
    %neg3A_30 = vector.broadcast %neg3A_29 : f32 to vector<1280x128xf32>
    %neg3A_31 = arith.subf %neg3A_30, %add3A_28 : vector<1280x128xf32>
    %exp3A_32 = math.exp %neg3A_31 : vector<1280x128xf32>
    %add3A_33 = arith.constant 1.000000e+00 : f32
    %add3A_34 = vector.broadcast %add3A_33 : f32 to vector<1280x128xf32>
    %add3A_35 = arith.addf %add3A_34, %exp3A_32 : vector<1280x128xf32>
    %div3A_36 = arith.divf %add3A_28, %add3A_35 : vector<1280x128xf32>
    %swap3A = arith.constant 0 : index
    %swap3A_37 = arith.constant 0 : index
    %swap3A_38 = vector.load %arg7[%swap3A, %swap3A_37] : memref<1280x128xf32, #tpu.memory_space<vmem>>, vector<1280x128xf32>
    tpu.vector_store %arg7[%swap3A, %swap3A_37], %div3A_36 {strides = array<i32>} : memref<1280x128xf32, #tpu.memory_space<vmem>>, vector<1280x128xf32>,
    return
  }
  func.func @transform_0(%arg0: i32) -> (i32, i32) {
    %c0_i32 = arith.constant 0 : i32
    %c0_i32_0 = arith.constant 0 : i32
    return %arg0, %c0_i32 : i32, i32
  }
  func.func @transform_1(%arg0: i32) -> (i32, i32) {
    %add3A = arith.constant 0 : i32
    %add3A_0 = arith.addi %arg0, %add3A : i32
    %c0_i32 = arith.constant 0 : i32
    %c0_i32_1 = arith.constant 0 : i32
    return %c0_i32, %add3A_0 : i32, i32
  }
  func.func @transform_2(%arg0: i32) -> (i32, i32) {
    %c0_i32 = arith.constant 0 : i32
    %c0_i32_0 = arith.constant 0 : i32
    %c0_i32_1 = arith.constant 0 : i32
    return %c0_i32, %c0_i32_0 : i32, i32
  }
  func.func @transform_3(%arg0: i32) -> (i32, i32) {
    %c0_i32 = arith.constant 0 : i32
    %c0_i32_0 = arith.constant 0 : i32
    %c0_i32_1 = arith.constant 0 : i32
    return %c0_i32, %c0_i32_0 : i32, i32
  }
  func.func @transform_4(%arg0: i32) -> (i32, i32) {
    %c0_i32 = arith.constant 0 : i32
    %c0_i32_0 = arith.constant 0 : i32
    %c0_i32_1 = arith.constant 0 : i32
    return %c0_i32, %c0_i32_0 : i32, i32
  }
  func.func @transform_5(%arg0: i32) -> (i32, i32) {
    %c0_i32 = arith.constant 0 : i32
    %c0_i32_0 = arith.constant 0 : i32
    %c0_i32_1 = arith.constant 0 : i32
    return %c0_i32, %c0_i32_0 : i32, i32
  }
  func.func @transform_6(%arg0: i32) -> (i32, i32) {
    %c0_i32 = arith.constant 0 : i32
    %c0_i32_0 = arith.constant 0 : i32
    return %arg0, %c0_i32 : i32, i32
  }
}

module attributes {stable_mosaic.version = 14 : i64} {
  func.func @_node_body(%arg0: i32, %arg1: memref<2000x128xf32, #tpu.memory_space<vmem>>, %arg2: memref<2x2000x128xf32, #tpu.memory_space<vmem>>, %arg3: memref<2x2000x128xf32, #tpu.memory_space<vmem>>, %arg4: memref<128x128xf32, #tpu.memory_space<vmem>>, %arg5: memref<128x128xf32, #tpu.memory_space<vmem>>, %arg6: memref<1x128xf32, #tpu.memory_space<vmem>>, %arg7: memref<128x128xf32, #tpu.memory_space<vmem>>, %arg8: memref<1x128xf32, #tpu.memory_space<vmem>>, %arg9: memref<2000x128xf32, #tpu.memory_space<vmem>>) attributes {dimension_semantics = [#tpu.dimension_semantics<arbitrary>], iteration_bounds = array<i64: 5>, scalar_prefetch = 0 : i64, scratch_operands = 0 : i64, tpu.core_type = #tpu.core_type<tc>, window_params = [{transform_indices = @transform_0, window_bounds = array<i64: 2000, 128>}, {transform_indices = @transform_1, window_bounds = array<i64: 2, 2000, 128>}, {transform_indices = @transform_2, window_bounds = array<i64: 2, 2000, 128>}, {pipeline_mode = #tpu.pipeline_mode<synchronous>, transform_indices = @transform_3, window_bounds = array<i64: 128, 128>}, {pipeline_mode = #tpu.pipeline_mode<synchronous>, transform_indices = @transform_4, window_bounds = array<i64: 128, 128>}, {pipeline_mode = #tpu.pipeline_mode<synchronous>, transform_indices = @transform_5, window_bounds = array<i64: 1, 128>}, {pipeline_mode = #tpu.pipeline_mode<synchronous>, transform_indices = @transform_6, window_bounds = array<i64: 128, 128>}, {pipeline_mode = #tpu.pipeline_mode<synchronous>, transform_indices = @transform_7, window_bounds = array<i64: 1, 128>}, {transform_indices = @transform_8, window_bounds = array<i64: 2000, 128>}]} {
    %get3A = arith.constant 0 : index
    %get3A_0 = arith.constant 0 : index
    %get3A_1 = vector.load %arg1[%get3A, %get3A_0] : memref<2000x128xf32, #tpu.memory_space<vmem>>, vector<2000x128xf32>
    %get3A_2 = arith.constant 0 : index
    %get3A_3 = arith.constant 0 : index
    %get3A_4 = arith.constant 0 : index
    %get3A_5 = vector.load %arg2[%get3A_2, %get3A_3, %get3A_4] : memref<2x2000x128xf32, #tpu.memory_space<vmem>>, vector<1x2000x128xf32>
    %get3A_6 = vector.shape_cast %get3A_5 : vector<1x2000x128xf32> to vector<2000x128xf32>
    %get3A_7 = arith.constant 1 : index
    %get3A_8 = arith.constant 0 : index
    %get3A_9 = arith.constant 0 : index
    %get3A_10 = vector.load %arg2[%get3A_7, %get3A_8, %get3A_9] : memref<2x2000x128xf32, #tpu.memory_space<vmem>>, vector<1x2000x128xf32>
    %get3A_11 = vector.shape_cast %get3A_10 : vector<1x2000x128xf32> to vector<2000x128xf32>
    %add3A = arith.addf %get3A_6, %get3A_11 : vector<2000x128xf32>
    %get3A_12 = arith.constant 0 : index
    %get3A_13 = arith.constant 0 : index
    %get3A_14 = arith.constant 0 : index
    %get3A_15 = vector.load %arg3[%get3A_12, %get3A_13, %get3A_14] : memref<2x2000x128xf32, #tpu.memory_space<vmem>>, vector<1x2000x128xf32>
    %get3A_16 = vector.shape_cast %get3A_15 : vector<1x2000x128xf32> to vector<2000x128xf32>
    %get3A_17 = arith.constant 1 : index
    %get3A_18 = arith.constant 0 : index
    %get3A_19 = arith.constant 0 : index
    %get3A_20 = vector.load %arg3[%get3A_17, %get3A_18, %get3A_19] : memref<2x2000x128xf32, #tpu.memory_space<vmem>>, vector<1x2000x128xf32>
    %get3A_21 = vector.shape_cast %get3A_20 : vector<1x2000x128xf32> to vector<2000x128xf32>
    %add3A_22 = arith.addf %get3A_16, %get3A_21 : vector<2000x128xf32>
    %add3A_23 = arith.addf %add3A, %add3A_22 : vector<2000x128xf32>
    %get3A_24 = arith.constant 0 : index
    %get3A_25 = arith.constant 0 : index
    %get3A_26 = vector.load %arg4[%get3A_24, %get3A_25] : memref<128x128xf32, #tpu.memory_space<vmem>>, vector<128x128xf32>
    %dot_general3A = arith.constant dense<0.000000e+00> : vector<2000x128xf32>
    %dot_general3A_27 = tpu.matmul %get3A_1, %get3A_26, %dot_general3A {dimension_numbers = #tpu.dot_dimension_numbers<[1], [0], [0], [1], [0, 0, 1, 1], [], []>, transpose_lhs_hint = false} : vector<2000x128xf32>, vector<128x128xf32>, vector<2000x128xf32> -> vector<2000x128xf32>
    %get3A_28 = arith.constant 0 : index
    %get3A_29 = arith.constant 0 : index
    %get3A_30 = vector.load %arg5[%get3A_28, %get3A_29] : memref<128x128xf32, #tpu.memory_space<vmem>>, vector<128x128xf32>
    %dot_general3A_31 = arith.constant dense<0.000000e+00> : vector<2000x128xf32>
    %dot_general3A_32 = tpu.matmul %add3A_23, %get3A_30, %dot_general3A_31 {dimension_numbers = #tpu.dot_dimension_numbers<[1], [0], [0], [1], [0, 0, 1, 1], [], []>, transpose_lhs_hint = false} : vector<2000x128xf32>, vector<128x128xf32>, vector<2000x128xf32> -> vector<2000x128xf32>
    %add3A_33 = arith.addf %dot_general3A_27, %dot_general3A_32 : vector<2000x128xf32>
    %get3A_34 = arith.constant 0 : index
    %get3A_35 = arith.constant 0 : index
    %get3A_36 = vector.load %arg6[%get3A_34, %get3A_35] : memref<1x128xf32, #tpu.memory_space<vmem>>, vector<1x128xf32>
    %add3A_37 = vector.broadcast %get3A_36 : vector<1x128xf32> to vector<2000x128xf32>
    %add3A_38 = arith.addf %add3A_33, %add3A_37 : vector<2000x128xf32>
    %neg3A = arith.constant 0.000000e+00 : f32
    %neg3A_39 = vector.broadcast %neg3A : f32 to vector<2000x128xf32>
    %neg3A_40 = arith.subf %neg3A_39, %add3A_38 : vector<2000x128xf32>
    %exp3A = math.exp %neg3A_40 : vector<2000x128xf32>
    %add3A_41 = arith.constant 1.000000e+00 : f32
    %add3A_42 = vector.broadcast %add3A_41 : f32 to vector<2000x128xf32>
    %add3A_43 = arith.addf %add3A_42, %exp3A : vector<2000x128xf32>
    %div3A = arith.divf %add3A_38, %add3A_43 : vector<2000x128xf32>
    %get3A_44 = arith.constant 0 : index
    %get3A_45 = arith.constant 0 : index
    %get3A_46 = vector.load %arg7[%get3A_44, %get3A_45] : memref<128x128xf32, #tpu.memory_space<vmem>>, vector<128x128xf32>
    %dot_general3A_47 = arith.constant dense<0.000000e+00> : vector<2000x128xf32>
    %dot_general3A_48 = tpu.matmul %div3A, %get3A_46, %dot_general3A_47 {dimension_numbers = #tpu.dot_dimension_numbers<[1], [0], [0], [1], [0, 0, 1, 1], [], []>, transpose_lhs_hint = false} : vector<2000x128xf32>, vector<128x128xf32>, vector<2000x128xf32> -> vector<2000x128xf32>
    %get3A_49 = arith.constant 0 : index
    %get3A_50 = arith.constant 0 : index
    %get3A_51 = vector.load %arg8[%get3A_49, %get3A_50] : memref<1x128xf32, #tpu.memory_space<vmem>>, vector<1x128xf32>
    %add3A_52 = vector.broadcast %get3A_51 : vector<1x128xf32> to vector<2000x128xf32>
    %add3A_53 = arith.addf %dot_general3A_48, %add3A_52 : vector<2000x128xf32>
    %add3A_54 = arith.addf %add3A_53, %get3A_1 : vector<2000x128xf32>
    %swap3A = arith.constant 0 : index
    %swap3A_55 = arith.constant 0 : index
    %swap3A_56 = vector.load %arg9[%swap3A, %swap3A_55] : memref<2000x128xf32, #tpu.memory_space<vmem>>, vector<2000x128xf32>
    tpu.vector_store %arg9[%swap3A, %swap3A_55], %add3A_54 {strides = array<i32>} : memref<2000x128xf32, #tpu.memory_space<vmem>>, vector<2000x128xf32>,
    return
  }
  func.func @transform_0(%arg0: i32) -> (i32, i32) {
    %c0_i32 = arith.constant 0 : i32
    %c0_i32_0 = arith.constant 0 : i32
    return %arg0, %c0_i32 : i32, i32
  }
  func.func @transform_1(%arg0: i32) -> (i32, i32, i32) {
    %c0_i32 = arith.constant 0 : i32
    %c0_i32_0 = arith.constant 0 : i32
    %c0_i32_1 = arith.constant 0 : i32
    return %c0_i32, %arg0, %c0_i32_0 : i32, i32, i32
  }
  func.func @transform_2(%arg0: i32) -> (i32, i32, i32) {
    %c0_i32 = arith.constant 0 : i32
    %c0_i32_0 = arith.constant 0 : i32
    %c0_i32_1 = arith.constant 0 : i32
    return %c0_i32, %arg0, %c0_i32_0 : i32, i32, i32
  }
  func.func @transform_3(%arg0: i32) -> (i32, i32) {
    %c0_i32 = arith.constant 0 : i32
    %c0_i32_0 = arith.constant 0 : i32
    %c0_i32_1 = arith.constant 0 : i32
    return %c0_i32, %c0_i32_0 : i32, i32
  }
  func.func @transform_4(%arg0: i32) -> (i32, i32) {
    %c0_i32 = arith.constant 0 : i32
    %c0_i32_0 = arith.constant 0 : i32
    %c0_i32_1 = arith.constant 0 : i32
    return %c0_i32, %c0_i32_0 : i32, i32
  }
  func.func @transform_5(%arg0: i32) -> (i32, i32) {
    %c0_i32 = arith.constant 0 : i32
    %c0_i32_0 = arith.constant 0 : i32
    %c0_i32_1 = arith.constant 0 : i32
    return %c0_i32, %c0_i32_0 : i32, i32
  }
  func.func @transform_6(%arg0: i32) -> (i32, i32) {
    %c0_i32 = arith.constant 0 : i32
    %c0_i32_0 = arith.constant 0 : i32
    %c0_i32_1 = arith.constant 0 : i32
    return %c0_i32, %c0_i32_0 : i32, i32
  }
  func.func @transform_7(%arg0: i32) -> (i32, i32) {
    %c0_i32 = arith.constant 0 : i32
    %c0_i32_0 = arith.constant 0 : i32
    %c0_i32_1 = arith.constant 0 : i32
    return %c0_i32, %c0_i32_0 : i32, i32
  }
  func.func @transform_8(%arg0: i32) -> (i32, i32) {
    %c0_i32 = arith.constant 0 : i32
    %c0_i32_0 = arith.constant 0 : i32
    return %arg0, %c0_i32 : i32, i32
  }
}

</mosaic_0001>

<sc_bundles>
// kernel: kernel.10.cloned.1.call-start
scs
__scs_entry_jumppad:
0x0: {  	(pc) =	sbr.rel $0x88, $3  }
0x1: {  	(tag) =	ssettag $0x0;
	lr =	simm.s32 $0x1  }
0x2: {  	[smem:$0x3F96] =	sst lr;
	_ =	strace $0xD0000000  }
0x3: {  	_ = 	snop  }
0x4: {  	_ = 	snop  }
0x5: {  	_ = 	snop  }
0x6: {  	_ = 	snop  }
0x7: {  	_ = 	snop  }
__scs_overlays_trampoline_lowered:
0x8: {  	[smem:$0x3FA5] =	sst s0  }
0x9: {  	[smem:$0x3FA6] =	sst s1  }
0xa: {  	[smem:$0x3FA7] =	sst s2  }
0xb: {  	[smem:$0x3FA8] =	sst s3  }
0xc: {  	[smem:$0x3FA9] =	sst s4  }
0xd: {  	[smem:$0x3FAA] =	sst s5  }
0xe: {  	[smem:$0x3FAB] =	sst s6  }
0xf: {  	[smem:$0x3FAC] =	sst s7  }
0x10: {  	[smem:$0x3FAD] =	sst s8  }
0x11: {  	[smem:$0x3FAE] =	sst s9;
	s0 =	simm.s32 @!p0 $0x0  }
0x12: {  	s1 =	sld [smem:$0x3F94];
	s0 =	simm.s32 @p0 $0x1  }
0x13: {  	[smem:$0x3FAF] =	sst s0;
	s0 =	simm.s32 @!p1 $0x0  }
0x14: {  	s2 =	sld [smem:$0x3F93];
	s0 =	simm.s32 @p1 $0x1  }
0x15: {  	[smem:$0x3FB0] =	sst s0;
	s0 =	simm.s32 @!p2 $0x0  }
0x16: {  	s3 =	sld [smem:$0x3FDB];
	s0 =	simm.s32 @p2 $0x1  }
0x17: {  	s4 =	simm.s32 $0x1BF5;
	[smem:$0x3FB2] =	sst s0  }
0x18: {  	s0 =	sld [smem:$0x3F95];
	_ =	swait.ge [sflag:s4], $0x0  }
0x19: {  	s7 =	sld [smem:$0x3F96]  }
0x1a: {  	s8 =	sadd.s32 $0xFFFFE003, lr  }
0x1b: {  	s9 =	sadd.s32 $0xFFFFFEF7, lr;
	s5 =	simm.s32 $0xFFFFFFFF;
	p2 =	slt.u32 s8, $0xFFFFF086  }
0x1c: {  	p1 =	slt.u32 s9, $0xF7A;
	s5 =	simm.s32 @!p2 $0x0  }
0x1d: {  	s5 =	simm.s32 @p1 $0x1;
	p0 =	seq.s32 s7, s2  }
0x1e: {  	s7 =	smul.u32 @!p0 $0xF7A, s2;
	p2 =	seq.s32 @!p0 s5, $0x0  }
0x1f: {  	s9 =	smul.u32 $0xF7A, s1;
	s8 =	simm.s32 @!p0 $0x1BF5;
	p2 =	por !p2, p0  }
0x20: {  	[sflag:s8] =	ssyncset.s32 @!p0 $0xFFFFF086;
	s6 =	sadd.s32 @!p0 s3, s7;
	s7 =	simm.s32 @!p0 $0x108  }
0x21: {  	s3 =	sadd.s32 s3, s9;
	s6 =	sadd.s32 @!p0 $0x88, s6;
	s7 =	simm.s32 @p2 $0x1082  }
0x22: {  	[simem:s7], [sflag:s8] =	dma.local @!p0 [hbm:s6], $0xF7A  }
0x23: {  	s9 =	sor.u32 $0xD0000000, s2;
	s6 =	simm.s32 $0x108;
	_ =	swait.ge @!p0 [sflag:s8], $0x0  }
0x24: {  	s3 =	sadd.s32 $0x88, s3;
	s6 =	simm.s32 @!p1 $0x1082;
	[sflag:s4] =	ssyncset.s32 $0xFFFFF086  }
0x25: {  	[simem:s6], [sflag:s4] =	dma.local [hbm:s3], $0xF7A  }
0x26: {  	[smem:$0x3F96] =	sst s1;
	(tag) =	ssettag s2;
	_ =	strace s9  }
0x27: {  	s1 =	sld [smem:$0x3FA6]  }
0x28: {  	s2 =	sld [smem:$0x3FA7]  }
0x29: {  	s4 =	sld [smem:$0x3FA9]  }
0x2a: {  	p0 =	seq.s32 s5, $0x0;
	s5 =	sld [smem:$0x3FAA]  }
0x2b: {  	s6 =	sld [smem:$0x3FAB]  }
0x2c: {  	s7 =	sld [smem:$0x3FAC]  }
0x2d: {  	s3 =	simm.s32 $0x108;
	s8 =	sld [smem:$0x3FAD]  }
0x2e: {  	s3 =	simm.s32 @!p0 $0x1082;
	s9 =	sld [smem:$0x3FAE]  }
0x2f: {  	lr =	sadd.s32 s0, s3;
	s0 =	sld [smem:$0x3FA5]  }
0x30: {  	s3 =	sld [smem:$0x3FA8]  }
0x31: {  	[smem:$0x3FB1] =	sst s10  }
0x32: {  	s10 =	sld [smem:$0x3FAF];
	_ =	sdelay $0x3  }
0x33: {  	p0 =	seq.s32 s10, $0x1;
	s10 =	sld [smem:$0x3FB1];
	_ =	sdelay $0x3  }
0x34: {  	[smem:$0x3FB1] =	sst s10  }
0x35: {  	s10 =	sld [smem:$0x3FB0];
	_ =	sdelay $0x3  }
0x36: {  	p1 =	seq.s32 s10, $0x1;
	s10 =	sld [smem:$0x3FB1];
	_ =	sdelay $0x3  }
0x37: {  	[smem:$0x3FB1] =	sst s10  }
0x38: {  	s10 =	sld [smem:$0x3FB2]  }
0x39: {  	_ = 	snop;
	(pc) =	sbr.ind lr, $3  }
0x3a: {  	_ = 	snop  }
0x3b: {  	_ = 	snop  }
0x3c: {  	p2 =	seq.s32 s10, $0x1;
	s10 =	sld [smem:$0x3FB1]  }
0x3d: {  	_ =	shalt  }
0x3e: {  	_ =	shalt  }
0x3f: {  	_ =	shalt  }
0x40: {  	_ =	shalt  }
0x41: {  	_ =	shalt  }
0x42: {  	_ =	shalt  }
0x43: {  	_ =	shalt  }
0x44: {  	_ =	shalt  }
0x45: {  	_ =	shalt  }
0x46: {  	_ =	shalt  }
0x47: {  	_ =	shalt  }
0x48: {  	_ =	shalt  }
0x49: {  	_ =	shalt  }
0x4a: {  	_ =	shalt  }
0x4b: {  	_ =	shalt  }
0x4c: {  	_ =	shalt  }
0x4d: {  	_ =	shalt  }
0x4e: {  	_ =	shalt  }
0x4f: {  	_ =	shalt  }
0x50: {  	_ =	shalt  }
0x51: {  	_ =	shalt  }
0x52: {  	_ =	shalt  }
0x53: {  	_ =	shalt  }
0x54: {  	_ =	shalt  }
0x55: {  	_ =	shalt  }
0x56: {  	_ =	shalt  }
0x57: {  	_ =	shalt  }
0x58: {  	_ =	shalt  }
0x59: {  	_ =	shalt  }
0x5a: {  	_ =	shalt  }
0x5b: {  	_ =	shalt  }
0x5c: {  	_ =	shalt  }
0x5d: {  	_ =	shalt  }
0x5e: {  	_ =	shalt  }
0x5f: {  	_ =	shalt  }
0x60: {  	_ =	shalt  }
0x61: {  	_ =	shalt  }
0x62: {  	_ =	shalt  }
0x63: {  	_ =	shalt  }
0x64: {  	_ =	shalt  }
0x65: {  	_ =	shalt  }
0x66: {  	_ =	shalt  }
0x67: {  	_ =	shalt  }
0x68: {  	_ =	shalt  }
0x69: {  	_ =	shalt  }
0x6a: {  	_ =	shalt  }
0x6b: {  	_ =	shalt  }
0x6c: {  	_ =	shalt  }
0x6d: {  	_ =	shalt  }
0x6e: {  	_ =	shalt  }
0x6f: {  	_ =	shalt  }
0x70: {  	_ =	shalt  }
0x71: {  	_ =	shalt  }
0x72: {  	_ =	shalt  }
0x73: {  	_ =	shalt  }
0x74: {  	_ =	shalt  }
0x75: {  	_ =	shalt  }
0x76: {  	_ =	shalt  }
0x77: {  	_ =	shalt  }
0x78: {  	_ =	shalt  }
0x79: {  	_ =	shalt  }
0x7a: {  	_ =	shalt  }
0x7b: {  	_ =	shalt  }
0x7c: {  	_ =	shalt  }
0x7d: {  	_ =	shalt  }
0x7e: {  	_ =	shalt  }
0x7f: {  	_ =	shalt  }
0x80: {  	_ =	shalt  }
0x81: {  	_ =	shalt  }
0x82: {  	_ =	shalt  }
0x83: {  	_ =	shalt  }
0x84: {  	_ =	shalt  }
0x85: {  	_ =	shalt  }
0x86: {  	_ =	shalt  }
0x87: {  	_ =	shalt  }
.Lfunc_end0:
.L_simem_size_0:
called_computation_lowered:
.L_overlay_start_0:
0x88: {  	s2 =	sld [smem:$0x3FD9]  }
0x89: {  	s3 =	sld [smem:$0x3FFE];
	_ =	sdelay $0x1  }
0x8a: {  	s1 =	srdreg.scid  }
0x8b: {  	s0 =	sand.u32 $0x1, s1  }
0x8c: {  	s15 =	sshll.u32 s0, $0xA;
	s2 =	sadd.s32 s3, s2  }
0x8d: {  	s2 =	sadd.s32 s2, s15  }
0x8e: {  	[smem:$0x3FBD] =	sst s2  }
0x8f: {  	_ = 	snop  }
0x90: {  	s2 =	sld [smem:$0x3FD0];
	_ =	sdelay $0x2  }
0x91: {  	s4 =	simm.s32 $0xB;
	s16 =	simm.s32 $0x10  }
0x92: {  	[smem:s16], [sflag:s4] =	dma.local [hbm:s2], $0x1  }
0x93: {  	_ =	swait.eq [sflag:s4], $0x1  }
0x94: {  	[sflag:s4] =	ssyncset.done $0x0  }
0x95: {  	s17 =	sld [smem:$0x10];
	[sflag:s4] =	ssyncadd.s32 $0xFFFFFFFF  }
0x96: {  	s18 =	sld [smem:$0x11];
	(tm) =	ssettm $0x1  }
0x97: {  	s19 =	sld [smem:$0x3FFB];
	_ =	sdelay $0x3  }
0x98: {  	_ =	strace s19  }
0x99: {  	s2 =	sld [smem:$0x3FFC];
	_ =	sdelay $0x3  }
0x9a: {  	_ =	strace s2  }
0x9b: {  	s2 =	sld [smem:$0x3FFD];
	_ =	sdelay $0x3  }
0x9c: {  	_ =	strace s2  }
0x9d: {  	_ =	strace $0x8FFFFFFF  }
0x9e: {  	s20 =	sld [smem:$0x3FDB];
	_ =	sdelay $0x1  }
0x9f: {  	s5 =	simm.s32 $_scs_section_size  }
0xa0: {  	s6 =	simm.s32 $_size__tile_overlayer_lowered;
	s7 =	simm.s32 $_tile_overlayer_lowered  }
0xa1: {  	s8 =	simm.s32 $0x1BFF;
	s21 =	sshll.u32 s7, $0x1;
	s5 =	sadd.s32 s5, s20  }
0xa2: {  	s22 =	simm.s32 $0x0;
	s6 =	sshll.u32 s6, $0x1;
	s7 =	sadd.s32 s21, s5  }
0xa3: {  	[timem:s22], [sflag:s8] =	dma.local [hbm:s7], s6  }
0xa4: {  	_ =	swait.ge [sflag:s8], s6  }
0xa5: {  	s6 =	ssub.s32 $0x0, s6;
	[sflag:s8] =	ssyncset.done $0x0  }
0xa6: {  	[sflag:s8] =	ssyncadd.s32 s6;
	_ =	sdelay $0x1  }
0xa7: {  	s23 =	simm.s32 $0x1B8B  }
0xa8: {  	_ =	swait.ge [sflag:s23], $0x1  }
0xa9: {  	[sflag:s23] =	ssyncset.done $0x0  }
0xaa: {  	[sflag:s23] =	ssyncadd.s32 $0xFFFFFFFF  }
0xab: {  	s6 =	sld [smem:$0x0]  }
0xac: {  	s7 =	sand.u32 $0xFFFFFFFE, s1  }
0xad: {  	p0 =	sne.s32 s1, s7  }
0xae: {  	s7 =	sshll.u32 @p0 s7, $0xE  }
0xaf: {  	s7 =	sadd.s32 @p0 $0x11B8D, s7;
	s8 =	sshll.u32 @p0 s6, $0x11  }
0xb0: {  	s7 =	sor.u32 @p0 s8, s7  }
0xb1: {  	[sflag:s7] =	ssyncadd.remote.s32 @p0 $0x1;
	_ =	sdelay $0x1  }
0xb2: {  	s7 =	simm.s32 @p0 $0x1B8D  }
0xb3: {  	_ =	swait.eq @p0 [sflag:s7], $0x1  }
0xb4: {  	[sflag:s7] =	ssyncadd.s32 @p0 $0xFFFFFFFF  }
0xb5: {  	s8 =	sshll.u32 @!p0 s1, $0xE  }
0xb6: {  	s8 =	sor.u32 @!p0 $0x4000, s8;
	s7 =	simm.s32 @!p0 $0x1B8D  }
0xb7: {  	s6 =	sshll.u32 @!p0 s6, $0x11;
	s8 =	sadd.s32 @!p0 $0x11B8D, s8;
	_ =	swait.eq @!p0 [sflag:s7], $0x1  }
0xb8: {  	s6 =	sor.u32 @!p0 s6, s8;
	[sflag:s7] =	ssyncadd.s32 @!p0 $0xFFFFFFFF  }
0xb9: {  	s25 =	simm.s32 $0x1B8E;
	s24 =	sld [smem:$0x3FFE];
	[sflag:s6] =	ssyncadd.remote.s32 @!p0 $0x1  }
0xba: {  	s26 =	simm.s32 $execute0_lowered;
	[smem:$0x3FD2] =	sst s25  }
0xbb: {  	s7 =	sshll.u32 s26, $0x1;
	_ =	strace $0x80000049;
	[dreg:$0x1] =	wrdreg $0xFFFFFFFF  }
0xbc: {  	s28 =	simm.s32 $_size_execute0_lowered;
	s5 =	sadd.s32 s5, s7;
	[dreg:$0x0] =	wrdreg $0x0  }
0xbd: {  	s7 =	sshll.u32 s28, $0x1;
	[dreg:$0x2] =	wrdreg s5  }
0xbe: {  	[dreg:$0x3] =	wrdreg s7  }
0xbf: {  	[dreg:$0x4] =	wrdreg $0xC0  }
0xc0: {  	_ =	task [dreg:s22], $0x5FFFF  }
0xc1: {  	[dreg:$0x1] =	wrdreg $0xFFFFFFFF  }
0xc2: {  	[dreg:$0x0] =	wrdreg $0x60  }
0xc3: {  	[dreg:$0x2] =	wrdreg s18  }
0xc4: {  	[dreg:$0x3] =	wrdreg s17  }
0xc5: {  	[dreg:$0x4] =	wrdreg s24  }
0xc6: {  	[dreg:$0x5] =	wrdreg $0x9  }
0xc7: {  	_ =	task.clear_ibuf [dreg:s22], $0x6FFFF;
	_ =	strace $0x90000049  }
0xc8: {  	s29 =	simm.s32 $0x9;
	_ =	strace $0x8000004B  }
0xc9: {  	_ =	swait.ge [sflag:s29], $0x1  }
0xca: {  	[sflag:s29] =	ssyncadd.s32 $0xFFFFFFFF  }
0xcb: {  	_ =	strace $0x9000004B  }
0xcc: {  	_ =	sfence  }
0xcd: {  	s30 =	sld [smem:$0x0];
	_ =	sdelay $0x2  }
0xce: {  	s31 =	sshll.u32 s1, $0xD;
	s1 =	sshrl.u32 s1, $0x2  }
0xcf: {  	s4 =	sand.u32 $0x4000, s31;
	s1 =	sadd.s32 s1, s30  }
0xd0: {  	s0 =	sor.u32 s4, s0;
	s1 =	sshll.u32 s1, $0x11  }
0xd1: {  	s0 =	sor.u32 s1, s0  }
0xd2: {  	s0 =	sadd.s32 $0x8F2B, s0  }
0xd3: {  	[sflag:s0] =	ssyncadd.remote.s32 $0x1  }
0xd4: {  	_ =	sfence.sel $0xFFFF  }
0xd5: {  	[dreg:$0x0] =	wrdreg $0xFFFFFFFF;
	(pc) =	sbr.abs _section_cstart, $3  }
0xd6: {  	[dreg:$0x1] =	wrdreg $0xFFFFFFFF  }
0xd7: {  	_ =	task.clear_ibuf [dreg:s22], $0x2FFFF;
	_ =	strace $0x9FFFFFFF  }
0xd8: {  	(tm) =	ssettm $0x7FFFFFFF  }
0xd9: {  	_ =	shalt  }
tec
execute0_lowered:
.L_overlay_start_1:
0x0: {  	(tag) =	ssettag $0x1  }
0x1: {  	s0 =	srdreg.scid;
	s1 =	rddreg [dreg:$0x0]  }
0x2: {  	s4 =	stileid.u32;
	s3 =	rddreg [dreg:$0x1]  }
0x3: {  	s6 =	rddreg [dreg:$0x2];
	s5 =	simm.s32 $0x0;
	s11 =	simm.s32 $0x5  }
0x4: {  	s13 =	simm.s32 $0x50;
	s14 =	simm.s32 $0x2800;
	s15 =	simm.s32 $0x5000  }
0x5: {  	s16 =	simm.s32 $0x28;
	s18 =	simm.s32 $0x7800;
	s19 =	simm.s32 $0x8C00  }
0x6: {  	s21 =	simm.s32 $0xB400;
	s23 =	simm.s32 $0xDC00;
	s24 =	simm.s32 $0x1  }
0x7: {  	s25 =	simm.s32 $0xF000;
	s28 =	simm.s32 $0x14000;
	s0 =	sand.u32 $0x1, s0  }
0x8: {  	s29 =	simm.s32 $0x15400;
	s30 =	simm.s32 $0x17C00;
	s2 =	sshll.u32 s0, $0x4  }
0x9: {  	s31 =	simm.s32 $0x1A400;
	s20 =	simm.s32 $0x0;
	s2 =	sor.u32 s4, s2  }
0xa: {  	s22 =	simm.s32 $0x0;
	s0 =	ssub.s32 $0x2, s0;
	s4 =	smul.u32 $0x1388, s2  }
0xb: {  	[smem:$0x7FF] =	sst s5;
	s8 =	sshrl.u32 s0, $0x1;
	s2 =	smul.u32 $0x9C400, s2  }
0xc: {  	_ =	strace $0x8000004A;
	s0 =	ssub.s32 s0, s8;
	s7 =	sshrl.u32 s4, $0x3  }
0xd: {  	s0 =	smax.u32 s0, $0x1;
	s2 =	sshrl.u32 s2, $0x3;
	s7 =	sadd.s32 s7, s6  }
0xe: {  	[dreg:$0x7] =	wrdreg s0;
	s6 =	sadd.s32 $0x289000, s6;
	s26 =	sadd.s32 $0x4600, s7  }
0xf: {  	s2 =	sadd.s32 s6, s2;
	s7 =	sadd.s32 $0xE240, s7;
	[dreg:$0x4] =	wrdreg s26  }
0x10: {  	s0 =	simm.s32 $0x3;
	[dreg:$0x5] =	wrdreg s7;
	s2 =	sadd.s32 $0x12C00, s2  }
0x11: {  	s26 =	simm.s32 $0x11800;
	[dreg:$0x6] =	wrdreg s2;
	s2 =	simm.s32 $0x2  }
.LBB2_1:
0x12: {  	s7 =	rddreg [dreg:$0x4]  }
0x13: {  	[tilespmem:s5], [sflag:$0x5] =	stream.linear.gather [hbm4b:s7+s5], $0x1388, $0x38;
	[tilespmem:$0x1B800] =	vst v63  }
0x14: {  	_ =	swait.ge [sflag:s11], $0x1388  }
0x15: {  	[sflag:s11] =	ssyncset.done $0x0  }
0x16: {  	s8 =	simm.s32 $0x1400;
	s9 =	rddreg [dreg:$0x5];
	[sflag:s11] =	ssyncadd.s32 $0xFFFFEC78  }
0x17: {  	[tilespmem:s8], [sflag:$0x5] =	stream.linear.gather [hbm4b:s9+s5], $0x1388, $0x38;
	[tilespmem:$0x1B800] =	vst v63  }
0x18: {  	_ =	swait.ge [sflag:s11], $0x1388  }
0x19: {  	[sflag:s11] =	ssyncset.done $0x0  }
0x1a: {  	[sflag:s11] =	ssyncadd.s32 $0xFFFFEC78  }
0x1b: {  	[tilespmem:s14], [sflag:$0x1] =	stream.indirect.gather [hbm4b:s1+s13], $0x80, s5, s13, $0xb8;
	[tilespmem:$0x1B800] =	vst v63  }
0x1c: {  	_ = 	snop  }
0x1d: {  	[tilespmem:s15], [sflag:$0x1] =	stream.indirect.gather [hbm4b:s1+s13], $0x80, s13, s13, $0xb8;
	[tilespmem:$0x1B800] =	vst v63  }
0x1e: {  	s10 =	simm.s32 $0xA0  }
0x1f: {  	[tilespmem:s18], [sflag:$0x1] =	stream.indirect.gather [hbm4b:s1+s16], $0x80, s10, s16, $0xb8;
	[tilespmem:$0x1B800] =	vst v63  }
0x20: {  	_ = 	snop  }
0x21: {  	[tilespmem:s19], [sflag:$0x1] =	stream.indirect.gather [hbm4b:s3+s13], $0x80, s8, s13, $0xb8;
	[tilespmem:$0x1B800] =	vst v63  }
0x22: {  	s12 =	simm.s32 $0x1450  }
0x23: {  	[tilespmem:s21], [sflag:$0x1] =	stream.indirect.gather [hbm4b:s3+s13], $0x80, s12, s13, $0xb8;
	[tilespmem:$0x1B800] =	vst v63  }
0x24: {  	s17 =	simm.s32 $0x14A0  }
0x25: {  	[tilespmem:s23], [sflag:$0x1] =	stream.indirect.gather [hbm4b:s3+s16], $0x80, s17, s16, $0xb8;
	[tilespmem:$0x1B800] =	vst v63  }
0x26: {  	_ =	swait.ge [sflag:s24], $0x2800  }
0x27: {  	[sflag:s24] =	ssyncset.done $0x0  }
0x28: {  	[sflag:s24] =	ssyncadd.s32 $0xFFFFD800  }
0x29: {  	_ =	swait.ge [sflag:s24], $0x2800  }
0x2a: {  	[sflag:s24] =	ssyncset.done $0x0  }
0x2b: {  	[sflag:s24] =	ssyncadd.s32 $0xFFFFD800  }
0x2c: {  	_ =	swait.ge [sflag:s24], $0x1400  }
0x2d: {  	[sflag:s24] =	ssyncset.done $0x0  }
0x2e: {  	[sflag:s24] =	ssyncadd.s32 $0xFFFFEC00  }
0x2f: {  	_ =	swait.ge [sflag:s24], $0x2800  }
0x30: {  	[sflag:s24] =	ssyncset.done $0x0  }
0x31: {  	[sflag:s24] =	ssyncadd.s32 $0xFFFFD800  }
0x32: {  	_ =	swait.ge [sflag:s24], $0x2800  }
0x33: {  	[sflag:s24] =	ssyncset.done $0x0  }
0x34: {  	[sflag:s24] =	ssyncadd.s32 $0xFFFFD800  }
0x35: {  	_ =	swait.ge [sflag:s24], $0x1400  }
0x36: {  	[sflag:s24] =	ssyncset.done $0x0  }
0x37: {  	s7 =	simm.s32 $0x0;
	[sflag:s24] =	ssyncadd.s32 $0xFFFFEC00  }
0x38: {  	v7 =	vld [tilespmem:s7+$0x8C00]  }
0x39: {  	v11 =	vld [tilespmem:s7+$0x8C10]  }
0x3a: {  	v5 =	vld [tilespmem:s7+$0x8C20]  }
0x3b: {  	v4 =	vld [tilespmem:s7+$0x8C30]  }
0x3c: {  	v3 =	vld [tilespmem:s7+$0x8C40]  }
0x3d: {  	v2 =	vld [tilespmem:s7+$0x8C50]  }
0x3e: {  	v1 =	vld [tilespmem:s7+$0x8C60]  }
0x3f: {  	v0 =	vld [tilespmem:s7+$0x8C70]  }
0x40: {  	v12 =	vld [tilespmem:s7+$0x2800]  }
0x41: {  	v13 =	vld [tilespmem:s7+$0x2810]  }
0x42: {  	v10 =	vld [tilespmem:s7+$0x2820]  }
0x43: {  	v9 =	vld [tilespmem:s7+$0x2830]  }
0x44: {  	v8 =	vld [tilespmem:s7+$0x2840]  }
0x45: {  	v6 =	vld [tilespmem:s7+$0x2850];
	v12 =	vadd.f32 v7, v12  }
0x46: {  	s8 =	simm.s32 $0x200;
	v11 =	vadd.f32 v11, v13;
	v7 =	vld [tilespmem:s7+$0x2860]  }
.LBB2_2:
0x47: {  	s9 =	sshra.s32 s8, $0x2;
	p0 =	sne.s32 s8, $0x18E00;
	[tilespmem:s7+$0x2800] =	vst v12;
	v5 =	vadd.f32 v5, v10;
	v10 =	vld [tilespmem:s7+$0x2870]  }
0x48: {  	v12 =	vld [tilespmem:s9+$0x8C00];
	[tilespmem:s7+$0x2810] =	vst v11;
	v4 =	vadd.f32 v4, v9  }
0x49: {  	v11 =	vld [tilespmem:s9+$0x8C10];
	[tilespmem:s7+$0x2820] =	vst v5;
	v3 =	vadd.f32 v3, v8  }
0x4a: {  	v5 =	vld [tilespmem:s9+$0x8C20];
	[tilespmem:s7+$0x2830] =	vst v4;
	v2 =	vadd.f32 v2, v6  }
0x4b: {  	v4 =	vld [tilespmem:s9+$0x8C30];
	[tilespmem:s7+$0x2840] =	vst v3;
	v1 =	vadd.f32 v1, v7  }
0x4c: {  	v3 =	vld [tilespmem:s9+$0x8C40];
	[tilespmem:s7+$0x2850] =	vst v2;
	v0 =	vadd.f32 v0, v10  }
0x4d: {  	v2 =	vld [tilespmem:s9+$0x8C50];
	[tilespmem:s7+$0x2860] =	vst v1  }
0x4e: {  	v1 =	vld [tilespmem:s9+$0x8C60];
	[tilespmem:s7+$0x2870] =	vst v0;
	s7 =	smov.u32 s9  }
0x4f: {  	v0 =	vld [tilespmem:s7+$0x8C70]  }
0x50: {  	v6 =	vld [tilespmem:s7+$0x2800]  }
0x51: {  	v7 =	vld [tilespmem:s7+$0x2810]  }
.Ltmp0:
0x52: {  	v10 =	vld [tilespmem:s7+$0x2820];
	(pc) =	sbr.rel @p0 .LBB2_2-.Ltmp0, $4  }
0x53: {  	v9 =	vld [tilespmem:s7+$0x2830]  }
0x54: {  	v8 =	vld [tilespmem:s7+$0x2840]  }
0x55: {  	v12 =	vadd.f32 v12, v6;
	v6 =	vld [tilespmem:s7+$0x2850]  }
0x56: {  	s8 =	sadd.s32 $0x200, s8;
	v11 =	vadd.f32 v11, v7;
	v7 =	vld [tilespmem:s7+$0x2860]  }
0x57: {  	[tilespmem:s7+$0x2800] =	vst v12;
	v5 =	vadd.f32 v5, v10;
	v63 =	vld [tilespmem:s7+$0x2870]  }
0x58: {  	[tilespmem:s7+$0x2810] =	vst v11;
	v4 =	vadd.f32 v4, v9  }
0x59: {  	[tilespmem:s7+$0x2820] =	vst v5;
	v3 =	vadd.f32 v3, v8  }
0x5a: {  	[tilespmem:s7+$0x2830] =	vst v4;
	v2 =	vadd.f32 v2, v6  }
0x5b: {  	[tilespmem:s7+$0x2840] =	vst v3;
	v1 =	vadd.f32 v1, v7  }
0x5c: {  	[tilespmem:s7+$0x2850] =	vst v2;
	v0 =	vadd.f32 v0, v63  }
0x5d: {  	[tilespmem:s7+$0x2860] =	vst v1  }
0x5e: {  	s12 =	simm.s32 $0x0;
	[tilespmem:s7+$0x2870] =	vst v0  }
.LBB2_4:
0x5f: {  	p0 =	seq.s32 s12, $0x0  }
0x60: {  	s8 =	simm.s32 @!p0 $0x4  }
0x61: {  	s7 =	smul.u32 $0x190, s12;
	_ =	swait.ge @!p0 [sflag:s8], $0x6400  }
0x62: {  	[sflag:s8] =	ssyncset.done @!p0 $0x0  }
0x63: {  	[sflag:s8] =	ssyncadd.s32 @!p0 $0xFFFF9C00;
	s8 =	sadd.s32 $0xC8, s7  }
0x64: {  	[tilespmem:s25], [sflag:$0x2] =	stream.indirect.gather [hbm4b:s1+s13], $0x80, s8, s13, $0xb8;
	[tilespmem:$0x1B800] =	vst v63  }
0x65: {  	s9 =	sadd.s32 $0x118, s7  }
0x66: {  	[tilespmem:s26], [sflag:$0x2] =	stream.indirect.gather [hbm4b:s1+s13], $0x80, s9, s13, $0xb8;
	[tilespmem:$0x1B800] =	vst v63  }
0x67: {  	s17 =	sadd.s32 $0x168, s7  }
0x68: {  	[tilespmem:s28], [sflag:$0x2] =	stream.indirect.gather [hbm4b:s1+s16], $0x80, s17, s16, $0xb8;
	[tilespmem:$0x1B800] =	vst v63  }
0x69: {  	s10 =	sadd.s32 $0x14C8, s7  }
0x6a: {  	[tilespmem:s29], [sflag:$0x2] =	stream.indirect.gather [hbm4b:s3+s13], $0x80, s10, s13, $0xb8;
	[tilespmem:$0x1B800] =	vst v63  }
0x6b: {  	s17 =	sadd.s32 $0x1518, s7  }
0x6c: {  	[tilespmem:s30], [sflag:$0x2] =	stream.indirect.gather [hbm4b:s3+s13], $0x80, s17, s13, $0xb8;
	[tilespmem:$0x1B800] =	vst v63  }
0x6d: {  	s17 =	sadd.s32 s4, s7  }
0x6e: {  	s10 =	sadd.s32 $0x1568, s7;
	s9 =	sshll.u32 s17, $0x4  }
0x6f: {  	[tilespmem:s31], [sflag:$0x2] =	stream.indirect.gather [hbm4b:s3+s16], $0x80, s10, s16, $0xb8;
	[tilespmem:$0x1B800] =	vst v63  }
0x70: {  	s9 =	sadd.s32 s6, s9  }
0x71: {  	[hbm4b:s9+s22] =	stream.linear.scatter [tilespmem:s14], [sflag:$0x3], $0x6400, $0x38;
	[tilespmem:$0x1B800] =	vst v63  }
0x72: {  	_ =	swait.ge [sflag:s2], $0x2800  }
0x73: {  	[sflag:s2] =	ssyncset.done $0x0  }
0x74: {  	[sflag:s2] =	ssyncadd.s32 $0xFFFFD800  }
0x75: {  	_ =	swait.ge [sflag:s2], $0x2800  }
0x76: {  	[sflag:s2] =	ssyncset.done $0x0  }
0x77: {  	[sflag:s2] =	ssyncadd.s32 $0xFFFFD800  }
0x78: {  	_ =	swait.ge [sflag:s2], $0x1400  }
0x79: {  	[sflag:s2] =	ssyncset.done $0x0  }
0x7a: {  	[sflag:s2] =	ssyncadd.s32 $0xFFFFEC00  }
0x7b: {  	_ =	swait.ge [sflag:s2], $0x2800  }
0x7c: {  	[sflag:s2] =	ssyncset.done $0x0  }
0x7d: {  	[sflag:s2] =	ssyncadd.s32 $0xFFFFD800  }
0x7e: {  	_ =	swait.ge [sflag:s2], $0x2800  }
0x7f: {  	[sflag:s2] =	ssyncset.done $0x0  }
0x80: {  	[sflag:s2] =	ssyncadd.s32 $0xFFFFD800  }
0x81: {  	_ =	swait.ge [sflag:s2], $0x1400  }
0x82: {  	[sflag:s2] =	ssyncset.done $0x0  }
0x83: {  	s9 =	simm.s32 $0x0;
	[sflag:s2] =	ssyncadd.s32 $0xFFFFEC00  }
0x84: {  	v7 =	vld [tilespmem:s9+$0x15400]  }
0x85: {  	v11 =	vld [tilespmem:s9+$0x15410]  }
0x86: {  	v5 =	vld [tilespmem:s9+$0x15420]  }
0x87: {  	v4 =	vld [tilespmem:s9+$0x15430]  }
0x88: {  	v3 =	vld [tilespmem:s9+$0x15440]  }
0x89: {  	v2 =	vld [tilespmem:s9+$0x15450]  }
0x8a: {  	v1 =	vld [tilespmem:s9+$0x15460]  }
0x8b: {  	v0 =	vld [tilespmem:s9+$0x15470]  }
0x8c: {  	v12 =	vld [tilespmem:s9+$0xF000]  }
0x8d: {  	v13 =	vld [tilespmem:s9+$0xF010]  }
0x8e: {  	v10 =	vld [tilespmem:s9+$0xF020]  }
0x8f: {  	v9 =	vld [tilespmem:s9+$0xF030]  }
0x90: {  	v8 =	vld [tilespmem:s9+$0xF040]  }
0x91: {  	v6 =	vld [tilespmem:s9+$0xF050];
	v12 =	vadd.f32 v7, v12  }
0x92: {  	s10 =	simm.s32 $0x200;
	v11 =	vadd.f32 v11, v13;
	v7 =	vld [tilespmem:s9+$0xF060]  }
.LBB2_5:
0x93: {  	s17 =	sshra.s32 s10, $0x2;
	p0 =	sne.s32 s10, $0x18E00;
	[tilespmem:s9+$0xF000] =	vst v12;
	v5 =	vadd.f32 v5, v10;
	v10 =	vld [tilespmem:s9+$0xF070]  }
0x94: {  	v12 =	vld [tilespmem:s17+$0x15400];
	[tilespmem:s9+$0xF010] =	vst v11;
	v4 =	vadd.f32 v4, v9  }
0x95: {  	v11 =	vld [tilespmem:s17+$0x15410];
	[tilespmem:s9+$0xF020] =	vst v5;
	v3 =	vadd.f32 v3, v8  }
0x96: {  	v5 =	vld [tilespmem:s17+$0x15420];
	[tilespmem:s9+$0xF030] =	vst v4;
	v2 =	vadd.f32 v2, v6  }
0x97: {  	v4 =	vld [tilespmem:s17+$0x15430];
	[tilespmem:s9+$0xF040] =	vst v3;
	v1 =	vadd.f32 v1, v7  }
0x98: {  	v3 =	vld [tilespmem:s17+$0x15440];
	[tilespmem:s9+$0xF050] =	vst v2;
	v0 =	vadd.f32 v0, v10  }
0x99: {  	v2 =	vld [tilespmem:s17+$0x15450];
	[tilespmem:s9+$0xF060] =	vst v1  }
0x9a: {  	v1 =	vld [tilespmem:s17+$0x15460];
	[tilespmem:s9+$0xF070] =	vst v0;
	s9 =	smov.u32 s17  }
0x9b: {  	v0 =	vld [tilespmem:s9+$0x15470]  }
0x9c: {  	v6 =	vld [tilespmem:s9+$0xF000]  }
0x9d: {  	v7 =	vld [tilespmem:s9+$0xF010]  }
.Ltmp1:
0x9e: {  	v10 =	vld [tilespmem:s9+$0xF020];
	(pc) =	sbr.rel @p0 .LBB2_5-.Ltmp1, $4  }
0x9f: {  	v9 =	vld [tilespmem:s9+$0xF030]  }
0xa0: {  	v8 =	vld [tilespmem:s9+$0xF040]  }
0xa1: {  	v12 =	vadd.f32 v12, v6;
	v6 =	vld [tilespmem:s9+$0xF050]  }
0xa2: {  	s10 =	sadd.s32 $0x200, s10;
	v11 =	vadd.f32 v11, v7;
	v7 =	vld [tilespmem:s9+$0xF060]  }
0xa3: {  	[tilespmem:s9+$0xF000] =	vst v12;
	v5 =	vadd.f32 v5, v10;
	v10 =	vld [tilespmem:s9+$0xF070]  }
0xa4: {  	[tilespmem:s9+$0xF010] =	vst v11;
	v4 =	vadd.f32 v4, v9  }
0xa5: {  	[tilespmem:s9+$0xF020] =	vst v5;
	v3 =	vadd.f32 v3, v8  }
0xa6: {  	[tilespmem:s9+$0xF030] =	vst v4;
	v2 =	vadd.f32 v2, v6  }
0xa7: {  	[tilespmem:s9+$0xF040] =	vst v3;
	v1 =	vadd.f32 v1, v7  }
0xa8: {  	[tilespmem:s9+$0xF050] =	vst v2;
	v0 =	vadd.f32 v0, v10  }
0xa9: {  	[tilespmem:s9+$0xF060] =	vst v1  }
0xaa: {  	[tilespmem:s9+$0xF070] =	vst v0  }
0xab: {  	_ =	swait.ge [sflag:s0], $0x6400  }
0xac: {  	[sflag:s0] =	ssyncset.done $0x0  }
0xad: {  	s17 =	sadd.s32 $0x190, s7;
	[sflag:s0] =	ssyncadd.s32 $0xFFFF9C00  }
0xae: {  	[tilespmem:s14], [sflag:$0x1] =	stream.indirect.gather [hbm4b:s1+s13], $0x80, s17, s13, $0xb8;
	[tilespmem:$0x1B800] =	vst v63  }
0xaf: {  	s10 =	sadd.s32 $0x1E0, s7  }
0xb0: {  	[tilespmem:s15], [sflag:$0x1] =	stream.indirect.gather [hbm4b:s1+s13], $0x80, s10, s13, $0xb8;
	[tilespmem:$0x1B800] =	vst v63  }
0xb1: {  	s17 =	sadd.s32 $0x230, s7  }
0xb2: {  	[tilespmem:s18], [sflag:$0x1] =	stream.indirect.gather [hbm4b:s1+s16], $0x80, s17, s16, $0xb8;
	[tilespmem:$0x1B800] =	vst v63  }
0xb3: {  	s10 =	sadd.s32 $0x1590, s7  }
0xb4: {  	[tilespmem:s19], [sflag:$0x1] =	stream.indirect.gather [hbm4b:s3+s13], $0x80, s10, s13, $0xb8;
	[tilespmem:$0x1B800] =	vst v63  }
0xb5: {  	s17 =	sadd.s32 $0x15E0, s7;
	s10 =	sadd.s32 s4, s8  }
0xb6: {  	[tilespmem:s21], [sflag:$0x1] =	stream.indirect.gather [hbm4b:s3+s13], $0x80, s17, s13, $0xb8;
	[tilespmem:$0x1B800] =	vst v63  }
0xb7: {  	s9 =	sadd.s32 $0x1630, s7;
	s7 =	sshll.u32 s10, $0x4  }
0xb8: {  	[tilespmem:s23], [sflag:$0x1] =	stream.indirect.gather [hbm4b:s3+s16], $0x80, s9, s16, $0xb8;
	[tilespmem:$0x1B800] =	vst v63  }
0xb9: {  	s7 =	sadd.s32 s6, s7;
	s17 =	simm.s32 $0x0  }
0xba: {  	[hbm4b:s7+s17] =	stream.linear.scatter [tilespmem:s25], [sflag:$0x4], $0x6400, $0x38;
	[tilespmem:$0x1B800] =	vst v63  }
0xbb: {  	_ =	swait.ge [sflag:s24], $0x2800  }
0xbc: {  	[sflag:s24] =	ssyncset.done $0x0  }
0xbd: {  	[sflag:s24] =	ssyncadd.s32 $0xFFFFD800  }
0xbe: {  	_ =	swait.ge [sflag:s24], $0x2800  }
0xbf: {  	[sflag:s24] =	ssyncset.done $0x0  }
0xc0: {  	[sflag:s24] =	ssyncadd.s32 $0xFFFFD800  }
0xc1: {  	_ =	swait.ge [sflag:s24], $0x1400  }
0xc2: {  	[sflag:s24] =	ssyncset.done $0x0  }
0xc3: {  	[sflag:s24] =	ssyncadd.s32 $0xFFFFEC00  }
0xc4: {  	_ =	swait.ge [sflag:s24], $0x2800  }
0xc5: {  	[sflag:s24] =	ssyncset.done $0x0  }
0xc6: {  	[sflag:s24] =	ssyncadd.s32 $0xFFFFD800  }
0xc7: {  	_ =	swait.ge [sflag:s24], $0x2800  }
0xc8: {  	[sflag:s24] =	ssyncset.done $0x0  }
0xc9: {  	[sflag:s24] =	ssyncadd.s32 $0xFFFFD800  }
0xca: {  	_ =	swait.ge [sflag:s24], $0x1400  }
0xcb: {  	[sflag:s24] =	ssyncset.done $0x0  }
0xcc: {  	s7 =	simm.s32 $0x0;
	[sflag:s24] =	ssyncadd.s32 $0xFFFFEC00  }
0xcd: {  	v7 =	vld [tilespmem:s7+$0x8C00]  }
0xce: {  	v11 =	vld [tilespmem:s7+$0x8C10]  }
0xcf: {  	v5 =	vld [tilespmem:s7+$0x8C20]  }
0xd0: {  	v4 =	vld [tilespmem:s7+$0x8C30]  }
0xd1: {  	v3 =	vld [tilespmem:s7+$0x8C40]  }
0xd2: {  	v2 =	vld [tilespmem:s7+$0x8C50]  }
0xd3: {  	v1 =	vld [tilespmem:s7+$0x8C60]  }
0xd4: {  	v0 =	vld [tilespmem:s7+$0x8C70]  }
0xd5: {  	v12 =	vld [tilespmem:s7+$0x2800]  }
0xd6: {  	v13 =	vld [tilespmem:s7+$0x2810]  }
0xd7: {  	v10 =	vld [tilespmem:s7+$0x2820]  }
0xd8: {  	v9 =	vld [tilespmem:s7+$0x2830]  }
0xd9: {  	v8 =	vld [tilespmem:s7+$0x2840]  }
0xda: {  	v6 =	vld [tilespmem:s7+$0x2850];
	v12 =	vadd.f32 v7, v12  }
0xdb: {  	s8 =	simm.s32 $0x200;
	v11 =	vadd.f32 v11, v13;
	v7 =	vld [tilespmem:s7+$0x2860]  }
.LBB2_7:
0xdc: {  	s9 =	sshra.s32 s8, $0x2;
	p0 =	sne.s32 s8, $0x18E00;
	[tilespmem:s7+$0x2800] =	vst v12;
	v5 =	vadd.f32 v5, v10;
	v10 =	vld [tilespmem:s7+$0x2870]  }
0xdd: {  	v12 =	vld [tilespmem:s9+$0x8C00];
	[tilespmem:s7+$0x2810] =	vst v11;
	v4 =	vadd.f32 v4, v9  }
0xde: {  	v11 =	vld [tilespmem:s9+$0x8C10];
	[tilespmem:s7+$0x2820] =	vst v5;
	v3 =	vadd.f32 v3, v8  }
0xdf: {  	v5 =	vld [tilespmem:s9+$0x8C20];
	[tilespmem:s7+$0x2830] =	vst v4;
	v2 =	vadd.f32 v2, v6  }
0xe0: {  	v4 =	vld [tilespmem:s9+$0x8C30];
	[tilespmem:s7+$0x2840] =	vst v3;
	v1 =	vadd.f32 v1, v7  }
0xe1: {  	v3 =	vld [tilespmem:s9+$0x8C40];
	[tilespmem:s7+$0x2850] =	vst v2;
	v0 =	vadd.f32 v0, v10  }
0xe2: {  	v2 =	vld [tilespmem:s9+$0x8C50];
	[tilespmem:s7+$0x2860] =	vst v1  }
0xe3: {  	v1 =	vld [tilespmem:s9+$0x8C60];
	[tilespmem:s7+$0x2870] =	vst v0;
	s7 =	smov.u32 s9  }
0xe4: {  	v0 =	vld [tilespmem:s7+$0x8C70]  }
0xe5: {  	v6 =	vld [tilespmem:s7+$0x2800]  }
0xe6: {  	v7 =	vld [tilespmem:s7+$0x2810]  }
.Ltmp2:
0xe7: {  	v10 =	vld [tilespmem:s7+$0x2820];
	(pc) =	sbr.rel @p0 .LBB2_7-.Ltmp2, $4  }
0xe8: {  	v9 =	vld [tilespmem:s7+$0x2830]  }
0xe9: {  	v8 =	vld [tilespmem:s7+$0x2840]  }
0xea: {  	v12 =	vadd.f32 v12, v6;
	v6 =	vld [tilespmem:s7+$0x2850]  }
0xeb: {  	s8 =	sadd.s32 $0x200, s8;
	v11 =	vadd.f32 v11, v7;
	v7 =	vld [tilespmem:s7+$0x2860]  }
0xec: {  	[tilespmem:s7+$0x2800] =	vst v12;
	v5 =	vadd.f32 v5, v10;
	v63 =	vld [tilespmem:s7+$0x2870]  }
0xed: {  	s12 =	sadd.s32 $0x1, s12;
	[tilespmem:s7+$0x2810] =	vst v11;
	v4 =	vadd.f32 v4, v9  }
0xee: {  	p0 =	sne.s32 s12, $0xC;
	[tilespmem:s7+$0x2820] =	vst v5;
	v3 =	vadd.f32 v3, v8  }
.Ltmp3:
0xef: {  	[tilespmem:s7+$0x2830] =	vst v4;
	v2 =	vadd.f32 v2, v6;
	(pc) =	sbr.rel @p0 .LBB2_4-.Ltmp3, $4  }
0xf0: {  	[tilespmem:s7+$0x2840] =	vst v3;
	v1 =	vadd.f32 v1, v7  }
0xf1: {  	[tilespmem:s7+$0x2850] =	vst v2;
	v0 =	vadd.f32 v0, v63  }
0xf2: {  	[tilespmem:s7+$0x2860] =	vst v1  }
0xf3: {  	[tilespmem:s7+$0x2870] =	vst v0  }
0xf4: {  	s7 =	simm.s32 $0x4  }
0xf5: {  	_ =	swait.ge [sflag:s7], $0x6400  }
0xf6: {  	[sflag:s7] =	ssyncset.done $0x0  }
0xf7: {  	s12 =	rddreg [dreg:$0x6];
	[sflag:s7] =	ssyncadd.s32 $0xFFFF9C00  }
0xf8: {  	[hbm4b:s12+s5] =	stream.linear.scatter [tilespmem:s14], [sflag:$0x5], $0x6400, $0x38;
	[tilespmem:$0x1B800] =	vst v63  }
0xf9: {  	_ =	swait.ge [sflag:s11], $0x6400  }
0xfa: {  	s20 =	sadd.s32 $0x1, s20;
	s17 =	rddreg [dreg:$0x7]  }
0xfb: {  	p0 =	sne.s32 s20, s17  }
.Ltmp4:
0xfc: {  	_ = 	snop;
	(pc) =	sbr.rel @p0 .LBB2_1-.Ltmp4, $3  }
0xfd: {  	_ =	sdelay $0x1  }
0xfe: {  	[sflag:s11] =	ssyncset.done $0x0  }
0xff: {  	[sflag:s11] =	ssyncadd.s32 $0xFFFF9C00  }
0x100: {  	_ =	sfence.sel $0x180000  }
0x101: {  	[bflag:$0x0] =	sbarrier.arrive $0xFFFF  }
0x102: {  	_ =	strace $0x9000004A  }
0x103: {  	s0 =	stileid.u32;
	[bflag:$0x2] =	sbarrier.arrive $0xFFFF  }
0x104: {  	p0 =	sne.s32 s0, $0x0;
	s0 =	rddreg [dreg:$0x3]  }
0x105: {  	s0 =	sadd.s32 @!p0 $0x100000, s0  }
0x106: {  	[sflag:s0] =	ssyncadd.tile.s32 @!p0 $0x1;
	_ =	shalt  }
.Lfunc_end2:
_tile_overlayer_lowered:
.L_overlay_start_2:
0x107: {  	(tag) =	ssettag $0x2  }
0x108: {  	s0 =	rddreg [dreg:$0x0];
	s2 =	stileid.u32  }
0x109: {  	s1 =	rddreg [dreg:$0x1];
	p0 =	sne.s32 s2, $0x0  }
0x10a: {  	s3 =	rddreg [dreg:$0x2];
	[bflag:$0x3] =	sbarrier.arrive $0xFFFF;
	s2 =	simm.s32 @!p0 $0x1C05  }
0x10b: {  	[timem:s3], [sflag:s2] =	dma.local @!p0 [hbm:s0], s1  }
0x10c: {  	s0 =	simm.s32 @!p0 $0x5  }
0x10d: {  	_ =	swait.ge @!p0 [sflag:s0], s1  }
0x10e: {  	s1 =	ssub.s32 @!p0 $0x0, s1;
	[sflag:s0] =	ssyncset.done @!p0 $0x0  }
0x10f: {  	[sflag:s0] =	ssyncadd.s32 @!p0 s1  }
0x110: {  	[bflag:$0x3] =	sbarrier.arrive $0xFFFF  }
0x111: {  	_ =	shalt  }

// kernel: kernel.13.cloned.1.call-start
scs
__scs_entry_jumppad:
0x0: {  	(pc) =	sbr.rel $0x88, $3  }
0x1: {  	(tag) =	ssettag $0x0;
	lr =	simm.s32 $0x1  }
0x2: {  	[smem:$0x3F96] =	sst lr;
	_ =	strace $0xD0000000  }
0x3: {  	_ = 	snop  }
0x4: {  	_ = 	snop  }
0x5: {  	_ = 	snop  }
0x6: {  	_ = 	snop  }
0x7: {  	_ = 	snop  }
__scs_overlays_trampoline_lowered:
0x8: {  	[smem:$0x3FA5] =	sst s0  }
0x9: {  	[smem:$0x3FA6] =	sst s1  }
0xa: {  	[smem:$0x3FA7] =	sst s2  }
0xb: {  	[smem:$0x3FA8] =	sst s3  }
0xc: {  	[smem:$0x3FA9] =	sst s4  }
0xd: {  	[smem:$0x3FAA] =	sst s5  }
0xe: {  	[smem:$0x3FAB] =	sst s6  }
0xf: {  	[smem:$0x3FAC] =	sst s7  }
0x10: {  	[smem:$0x3FAD] =	sst s8  }
0x11: {  	[smem:$0x3FAE] =	sst s9;
	s0 =	simm.s32 @!p0 $0x0  }
0x12: {  	s1 =	sld [smem:$0x3F94];
	s0 =	simm.s32 @p0 $0x1  }
0x13: {  	[smem:$0x3FAF] =	sst s0;
	s0 =	simm.s32 @!p1 $0x0  }
0x14: {  	s2 =	sld [smem:$0x3F93];
	s0 =	simm.s32 @p1 $0x1  }
0x15: {  	[smem:$0x3FB0] =	sst s0;
	s0 =	simm.s32 @!p2 $0x0  }
0x16: {  	s3 =	sld [smem:$0x3FDB];
	s0 =	simm.s32 @p2 $0x1  }
0x17: {  	s4 =	simm.s32 $0x1BF5;
	[smem:$0x3FB2] =	sst s0  }
0x18: {  	s0 =	sld [smem:$0x3F95];
	_ =	swait.ge [sflag:s4], $0x0  }
0x19: {  	s7 =	sld [smem:$0x3F96]  }
0x1a: {  	s8 =	sadd.s32 $0xFFFFE003, lr  }
0x1b: {  	s9 =	sadd.s32 $0xFFFFFEF7, lr;
	s5 =	simm.s32 $0xFFFFFFFF;
	p2 =	slt.u32 s8, $0xFFFFF086  }
0x1c: {  	p1 =	slt.u32 s9, $0xF7A;
	s5 =	simm.s32 @!p2 $0x0  }
0x1d: {  	s5 =	simm.s32 @p1 $0x1;
	p0 =	seq.s32 s7, s2  }
0x1e: {  	s7 =	smul.u32 @!p0 $0xF7A, s2;
	p2 =	seq.s32 @!p0 s5, $0x0  }
0x1f: {  	s9 =	smul.u32 $0xF7A, s1;
	s8 =	simm.s32 @!p0 $0x1BF5;
	p2 =	por !p2, p0  }
0x20: {  	[sflag:s8] =	ssyncset.s32 @!p0 $0xFFFFF086;
	s6 =	sadd.s32 @!p0 s3, s7;
	s7 =	simm.s32 @!p0 $0x108  }
0x21: {  	s3 =	sadd.s32 s3, s9;
	s6 =	sadd.s32 @!p0 $0x88, s6;
	s7 =	simm.s32 @p2 $0x1082  }
0x22: {  	[simem:s7], [sflag:s8] =	dma.local @!p0 [hbm:s6], $0xF7A  }
0x23: {  	s9 =	sor.u32 $0xD0000000, s2;
	s6 =	simm.s32 $0x108;
	_ =	swait.ge @!p0 [sflag:s8], $0x0  }
0x24: {  	s3 =	sadd.s32 $0x88, s3;
	s6 =	simm.s32 @!p1 $0x1082;
	[sflag:s4] =	ssyncset.s32 $0xFFFFF086  }
0x25: {  	[simem:s6], [sflag:s4] =	dma.local [hbm:s3], $0xF7A  }
0x26: {  	[smem:$0x3F96] =	sst s1;
	(tag) =	ssettag s2;
	_ =	strace s9  }
0x27: {  	s1 =	sld [smem:$0x3FA6]  }
0x28: {  	s2 =	sld [smem:$0x3FA7]  }
0x29: {  	s4 =	sld [smem:$0x3FA9]  }
0x2a: {  	p0 =	seq.s32 s5, $0x0;
	s5 =	sld [smem:$0x3FAA]  }
0x2b: {  	s6 =	sld [smem:$0x3FAB]  }
0x2c: {  	s7 =	sld [smem:$0x3FAC]  }
0x2d: {  	s3 =	simm.s32 $0x108;
	s8 =	sld [smem:$0x3FAD]  }
0x2e: {  	s3 =	simm.s32 @!p0 $0x1082;
	s9 =	sld [smem:$0x3FAE]  }
0x2f: {  	lr =	sadd.s32 s0, s3;
	s0 =	sld [smem:$0x3FA5]  }
0x30: {  	s3 =	sld [smem:$0x3FA8]  }
0x31: {  	[smem:$0x3FB1] =	sst s10  }
0x32: {  	s10 =	sld [smem:$0x3FAF];
	_ =	sdelay $0x3  }
0x33: {  	p0 =	seq.s32 s10, $0x1;
	s10 =	sld [smem:$0x3FB1];
	_ =	sdelay $0x3  }
0x34: {  	[smem:$0x3FB1] =	sst s10  }
0x35: {  	s10 =	sld [smem:$0x3FB0];
	_ =	sdelay $0x3  }
0x36: {  	p1 =	seq.s32 s10, $0x1;
	s10 =	sld [smem:$0x3FB1];
	_ =	sdelay $0x3  }
0x37: {  	[smem:$0x3FB1] =	sst s10  }
0x38: {  	s10 =	sld [smem:$0x3FB2]  }
0x39: {  	_ = 	snop;
	(pc) =	sbr.ind lr, $3  }
0x3a: {  	_ = 	snop  }
0x3b: {  	_ = 	snop  }
0x3c: {  	p2 =	seq.s32 s10, $0x1;
	s10 =	sld [smem:$0x3FB1]  }
0x3d: {  	_ =	shalt  }
0x3e: {  	_ =	shalt  }
0x3f: {  	_ =	shalt  }
0x40: {  	_ =	shalt  }
0x41: {  	_ =	shalt  }
0x42: {  	_ =	shalt  }
0x43: {  	_ =	shalt  }
0x44: {  	_ =	shalt  }
0x45: {  	_ =	shalt  }
0x46: {  	_ =	shalt  }
0x47: {  	_ =	shalt  }
0x48: {  	_ =	shalt  }
0x49: {  	_ =	shalt  }
0x4a: {  	_ =	shalt  }
0x4b: {  	_ =	shalt  }
0x4c: {  	_ =	shalt  }
0x4d: {  	_ =	shalt  }
0x4e: {  	_ =	shalt  }
0x4f: {  	_ =	shalt  }
0x50: {  	_ =	shalt  }
0x51: {  	_ =	shalt  }
0x52: {  	_ =	shalt  }
0x53: {  	_ =	shalt  }
0x54: {  	_ =	shalt  }
0x55: {  	_ =	shalt  }
0x56: {  	_ =	shalt  }
0x57: {  	_ =	shalt  }
0x58: {  	_ =	shalt  }
0x59: {  	_ =	shalt  }
0x5a: {  	_ =	shalt  }
0x5b: {  	_ =	shalt  }
0x5c: {  	_ =	shalt  }
0x5d: {  	_ =	shalt  }
0x5e: {  	_ =	shalt  }
0x5f: {  	_ =	shalt  }
0x60: {  	_ =	shalt  }
0x61: {  	_ =	shalt  }
0x62: {  	_ =	shalt  }
0x63: {  	_ =	shalt  }
0x64: {  	_ =	shalt  }
0x65: {  	_ =	shalt  }
0x66: {  	_ =	shalt  }
0x67: {  	_ =	shalt  }
0x68: {  	_ =	shalt  }
0x69: {  	_ =	shalt  }
0x6a: {  	_ =	shalt  }
0x6b: {  	_ =	shalt  }
0x6c: {  	_ =	shalt  }
0x6d: {  	_ =	shalt  }
0x6e: {  	_ =	shalt  }
0x6f: {  	_ =	shalt  }
0x70: {  	_ =	shalt  }
0x71: {  	_ =	shalt  }
0x72: {  	_ =	shalt  }
0x73: {  	_ =	shalt  }
0x74: {  	_ =	shalt  }
0x75: {  	_ =	shalt  }
0x76: {  	_ =	shalt  }
0x77: {  	_ =	shalt  }
0x78: {  	_ =	shalt  }
0x79: {  	_ =	shalt  }
0x7a: {  	_ =	shalt  }
0x7b: {  	_ =	shalt  }
0x7c: {  	_ =	shalt  }
0x7d: {  	_ =	shalt  }
0x7e: {  	_ =	shalt  }
0x7f: {  	_ =	shalt  }
0x80: {  	_ =	shalt  }
0x81: {  	_ =	shalt  }
0x82: {  	_ =	shalt  }
0x83: {  	_ =	shalt  }
0x84: {  	_ =	shalt  }
0x85: {  	_ =	shalt  }
0x86: {  	_ =	shalt  }
0x87: {  	_ =	shalt  }
.Lfunc_end0:
.L_simem_size_0:
called_computation.1_lowered:
.L_overlay_start_0:
0x88: {  	s2 =	sld [smem:$0x3FD9]  }
0x89: {  	s3 =	sld [smem:$0x3FFE];
	_ =	sdelay $0x1  }
0x8a: {  	s1 =	srdreg.scid  }
0x8b: {  	s0 =	sand.u32 $0x1, s1  }
0x8c: {  	s15 =	sshll.u32 s0, $0xA;
	s2 =	sadd.s32 s3, s2  }
0x8d: {  	s2 =	sadd.s32 s2, s15  }
0x8e: {  	[smem:$0x3FBD] =	sst s2  }
0x8f: {  	_ = 	snop  }
0x90: {  	s2 =	sld [smem:$0x3FD0];
	_ =	sdelay $0x2  }
0x91: {  	s16 =	simm.s32 $0xB;
	s4 =	simm.s32 $0x10  }
0x92: {  	[smem:s4], [sflag:s16] =	dma.local [hbm:s2], $0x1  }
0x93: {  	_ =	swait.eq [sflag:s16], $0x1  }
0x94: {  	[sflag:s16] =	ssyncset.done $0x0  }
0x95: {  	[sflag:s16] =	ssyncadd.s32 $0xFFFFFFFF  }
0x96: {  	s17 =	sld [smem:$0x11];
	(tm) =	ssettm $0x1  }
0x97: {  	s18 =	sld [smem:$0x3FFB];
	_ =	sdelay $0x3  }
0x98: {  	_ =	strace s18  }
0x99: {  	s2 =	sld [smem:$0x3FFC];
	_ =	sdelay $0x3  }
0x9a: {  	_ =	strace s2  }
0x9b: {  	s2 =	sld [smem:$0x3FFD];
	_ =	sdelay $0x3  }
0x9c: {  	_ =	strace s2  }
0x9d: {  	_ =	strace $0x8FFFFFFF  }
0x9e: {  	s19 =	sld [smem:$0x3FDB];
	_ =	sdelay $0x1  }
0x9f: {  	s20 =	simm.s32 $_scs_section_size  }
0xa0: {  	s5 =	simm.s32 $_size__tile_overlayer_lowered;
	s6 =	simm.s32 $_tile_overlayer_lowered  }
0xa1: {  	s7 =	simm.s32 $0x1BFF;
	s21 =	sshll.u32 s6, $0x1;
	s4 =	sadd.s32 s20, s19  }
0xa2: {  	s22 =	simm.s32 $0x0;
	s5 =	sshll.u32 s5, $0x1;
	s6 =	sadd.s32 s21, s4  }
0xa3: {  	[timem:s22], [sflag:s7] =	dma.local [hbm:s6], s5  }
0xa4: {  	_ =	swait.ge [sflag:s7], s5  }
0xa5: {  	s5 =	ssub.s32 $0x0, s5;
	[sflag:s7] =	ssyncset.done $0x0  }
0xa6: {  	[sflag:s7] =	ssyncadd.s32 s5;
	_ =	sdelay $0x1  }
0xa7: {  	s23 =	simm.s32 $0x1B8B  }
0xa8: {  	_ =	swait.ge [sflag:s23], $0x1  }
0xa9: {  	[sflag:s23] =	ssyncset.done $0x0  }
0xaa: {  	[sflag:s23] =	ssyncadd.s32 $0xFFFFFFFF  }
0xab: {  	s5 =	sld [smem:$0x0]  }
0xac: {  	s6 =	sand.u32 $0xFFFFFFFE, s1  }
0xad: {  	p0 =	sne.s32 s1, s6  }
0xae: {  	s6 =	sshll.u32 @p0 s6, $0xE  }
0xaf: {  	s6 =	sadd.s32 @p0 $0x11B8D, s6;
	s7 =	sshll.u32 @p0 s5, $0x11  }
0xb0: {  	s6 =	sor.u32 @p0 s7, s6  }
0xb1: {  	[sflag:s6] =	ssyncadd.remote.s32 @p0 $0x1;
	_ =	sdelay $0x1  }
0xb2: {  	s6 =	simm.s32 @p0 $0x1B8D  }
0xb3: {  	_ =	swait.eq @p0 [sflag:s6], $0x1  }
0xb4: {  	[sflag:s6] =	ssyncadd.s32 @p0 $0xFFFFFFFF  }
0xb5: {  	s7 =	sshll.u32 @!p0 s1, $0xE  }
0xb6: {  	s7 =	sor.u32 @!p0 $0x4000, s7;
	s6 =	simm.s32 @!p0 $0x1B8D  }
0xb7: {  	s5 =	sshll.u32 @!p0 s5, $0x11;
	s7 =	sadd.s32 @!p0 $0x11B8D, s7;
	_ =	swait.eq @!p0 [sflag:s6], $0x1  }
0xb8: {  	s5 =	sor.u32 @!p0 s5, s7;
	[sflag:s6] =	ssyncadd.s32 @!p0 $0xFFFFFFFF  }
0xb9: {  	s25 =	simm.s32 $0x1B8E;
	s24 =	sld [smem:$0x3FFE];
	[sflag:s5] =	ssyncadd.remote.s32 @!p0 $0x1  }
0xba: {  	s26 =	simm.s32 $execute0_lowered;
	[smem:$0x3FD2] =	sst s25  }
0xbb: {  	s6 =	sshll.u32 s26, $0x1;
	_ =	strace $0x8000004F;
	[dreg:$0x1] =	wrdreg $0xFFFFFFFF  }
0xbc: {  	s28 =	simm.s32 $_size_execute0_lowered;
	s4 =	sadd.s32 s4, s6;
	[dreg:$0x0] =	wrdreg $0x0  }
0xbd: {  	s6 =	sshll.u32 s28, $0x1;
	[dreg:$0x2] =	wrdreg s4  }
0xbe: {  	[dreg:$0x3] =	wrdreg s6  }
0xbf: {  	[dreg:$0x4] =	wrdreg $0xC0  }
0xc0: {  	_ =	task [dreg:s22], $0x5FFFF  }
0xc1: {  	[dreg:$0x1] =	wrdreg $0xFFFFFFFF  }
0xc2: {  	[dreg:$0x0] =	wrdreg $0x60  }
0xc3: {  	[dreg:$0x2] =	wrdreg s24  }
0xc4: {  	[dreg:$0x3] =	wrdreg s17  }
0xc5: {  	[dreg:$0x4] =	wrdreg $0x65800  }
0xc6: {  	[dreg:$0x5] =	wrdreg $0x9  }
0xc7: {  	_ =	task.clear_ibuf [dreg:s22], $0x6FFFF;
	_ =	strace $0x9000004F  }
0xc8: {  	s29 =	simm.s32 $0x9;
	_ =	strace $0x80000051  }
0xc9: {  	_ =	swait.ge [sflag:s29], $0x1  }
0xca: {  	[sflag:s29] =	ssyncadd.s32 $0xFFFFFFFF  }
0xcb: {  	_ =	strace $0x90000051  }
0xcc: {  	_ =	sfence  }
0xcd: {  	s30 =	sld [smem:$0x0];
	_ =	sdelay $0x2  }
0xce: {  	s31 =	sshll.u32 s1, $0xD;
	s1 =	sshrl.u32 s1, $0x2  }
0xcf: {  	s4 =	sand.u32 $0x4000, s31;
	s1 =	sadd.s32 s1, s30  }
0xd0: {  	s0 =	sor.u32 s4, s0;
	s1 =	sshll.u32 s1, $0x11  }
0xd1: {  	s0 =	sor.u32 s1, s0  }
0xd2: {  	s0 =	sadd.s32 $0x8F2B, s0  }
0xd3: {  	[sflag:s0] =	ssyncadd.remote.s32 $0x1  }
0xd4: {  	_ =	sfence.sel $0xFFFF  }
0xd5: {  	[dreg:$0x0] =	wrdreg $0xFFFFFFFF;
	(pc) =	sbr.abs _section_cstart, $3  }
0xd6: {  	[dreg:$0x1] =	wrdreg $0xFFFFFFFF  }
0xd7: {  	_ =	task.clear_ibuf [dreg:s22], $0x2FFFF;
	_ =	strace $0x9FFFFFFF  }
0xd8: {  	(tm) =	ssettm $0x7FFFFFFF  }
0xd9: {  	_ =	shalt  }
tec
execute0_lowered:
.L_overlay_start_1:
0x0: {  	(tag) =	ssettag $0x1  }
0x1: {  	s0 =	rddreg [dreg:$0x0]  }
0x2: {  	s2 =	rddreg [dreg:$0x1]  }
0x3: {  	s1 =	rddreg [dreg:$0x2];
	s3 =	simm.s32 $0x0  }
0x4: {  	s4 =	srdreg.scid;
	s13 =	stileid.u32;
	s28 =	simm.s32 $0x7  }
0x5: {  	s29 =	simm.s32 $0x100;
	s30 =	simm.s32 $0x5180;
	s31 =	simm.s32 $0x80  }
0x6: {  	[smem:$0x7FF] =	sst s3;
	s6 =	sand.u32 $0x1, s4;
	s5 =	smul.u32 $0x50000, s13  }
0x7: {  	s7 =	sadd.s32 $0x76B000, s0;
	s4 =	sadd.s32 $0x4600, s0;
	s12 =	smul.u32 $0x14000, s13  }
0x8: {  	p0 =	seq.s32 s13, $0xF;
	_ =	strace $0x80000050;
	s16 =	ssub.s32 $0x2, s6  }
0x9: {  	s9 =	sshll.u32 s6, $0x4;
	s25 =	smul.u32 $0x138800, s6;
	s5 =	sshrl.u32 s5, $0x2  }
0xa: {  	s6 =	smul.u32 $0x13880, s6;
	s8 =	sshrl.u32 s16, $0x1;
	s5 =	sadd.s32 s5, s1  }
0xb: {  	s17 =	sor.u32 s13, s9;
	s0 =	ssub.s32 s16, s8;
	s10 =	sadd.s32 $0x2800, s5  }
0xc: {  	s9 =	smul.u32 $0x1388, s17;
	s18 =	sadd.s32 $0x5000, s5;
	[dreg:$0x4] =	wrdreg s10  }
0xd: {  	s8 =	smul.u32 $0x13880, s17;
	s19 =	sadd.s32 $0x7800, s5;
	[dreg:$0x5] =	wrdreg s18  }
0xe: {  	s15 =	sadd.s32 s12, s25;
	s20 =	sadd.s32 $0xA000, s5;
	[dreg:$0x6] =	wrdreg s19  }
0xf: {  	s16 =	sshrl.u32 s25, $0x3;
	s21 =	sadd.s32 $0xC800, s5;
	[dreg:$0x7] =	wrdreg s20  }
0x10: {  	s17 =	smul.u32 $0x1388, s13;
	s22 =	sadd.s32 $0xF000, s5;
	[dreg:$0x8] =	wrdreg s21  }
0x11: {  	s12 =	simm.s32 $0x0;
	s23 =	sadd.s32 $0x11800, s5;
	[dreg:$0x9] =	wrdreg s22  }
0x12: {  	[dreg:$0xa] =	wrdreg s23;
	s24 =	sadd.s32 $0x1360, s9;
	s26 =	sshrl.u32 s9, $0x3  }
0x13: {  	s9 =	sadd.s32 $0x50, s9;
	s8 =	sadd.s32 s7, s8;
	s18 =	smul.u32 $0x13880, s13  }
0x14: {  	s22 =	sadd.s32 s17, s6;
	s6 =	sadd.s32 $0x12C000, s1;
	s21 =	smax.u32 s0, $0x1  }
0x15: {  	s0 =	simm.s32 $0x2980;
	s11 =	sshrl.u32 s24, $0x3;
	s10 =	sshll.u32 s24, $0x4  }
0x16: {  	[dreg:$0xe] =	wrdreg s8;
	s14 =	sshll.u32 s9, $0x4;
	s11 =	sadd.s32 s4, s11  }
0x17: {  	s10 =	sadd.s32 s7, s10;
	s19 =	sadd.s32 s7, s14;
	[dreg:$0xb] =	wrdreg s11  }
0x18: {  	s7 =	sadd.s32 s25, s7;
	s25 =	sadd.s32 $0xF0, s22;
	[dreg:$0xc] =	wrdreg s10  }
0x19: {  	s11 =	sadd.s32 s4, s26;
	s24 =	sadd.s32 s18, s7;
	s26 =	sshrl.u32 s25, $0x3  }
0x1a: {  	s25 =	sshrl.u32 @p0 s6, $0x3;
	s6 =	simm.s32 $0x3;
	s7 =	simm.s32 $0x50  }
0x1b: {  	s10 =	simm.s32 $0x5;
	[dreg:$0xd] =	wrdreg s11;
	s11 =	sshrl.u32 s9, $0x3  }
0x1c: {  	s9 =	sshrl.u32 s15, $0x3;
	s23 =	sadd.s32 s26, s4;
	s26 =	simm.s32 $0x180  }
0x1d: {  	s8 =	sadd.s32 s4, s11;
	s9 =	sadd.s32 s2, s9;
	s2 =	sadd.s32 s2, s16  }
0x1e: {  	s16 =	sadd.s32 $0xF00, s24;
	s24 =	sadd.s32 $0xA0, s22;
	[dreg:$0xf] =	wrdreg s8  }
0x1f: {  	s11 =	simm.s32 $0x6;
	[dreg:$0x10] =	wrdreg s9;
	s20 =	sadd.s32 $0x25800, s2  }
0x20: {  	v0 =	vimm.f32 $0.0e+00;
	s2 =	simm.s32 $0x1;
	s8 =	simm.s32 $0x2;
	s9 =	simm.s32 $0x4  }
.LBB2_1:
0x21: {  	s13 =	simm.s32 $0x0;
	s14 =	simm.s32 $0x200  }
.LBB2_2:
0x22: {  	p1 =	sne.s32 s14, $0x9E00;
	[tilespmem:s13+$0x1F0] =	vst v0  }
0x23: {  	[tilespmem:s13+$0x180] =	vst v0  }
0x24: {  	[tilespmem:s13+$0x190] =	vst v0  }
.Ltmp0:
0x25: {  	[tilespmem:s13+$0x1A0] =	vst v0;
	(pc) =	sbr.rel @p1 .LBB2_2-.Ltmp0, $4  }
0x26: {  	[tilespmem:s13+$0x1B0] =	vst v0  }
0x27: {  	[tilespmem:s13+$0x1C0] =	vst v0  }
0x28: {  	[tilespmem:s13+$0x1D0] =	vst v0  }
0x29: {  	[tilespmem:s13+$0x1E0] =	vst v0;
	s13 =	sshra.s32 s14, $0x2;
	s14 =	sadd.s32 $0x200, s14  }
0x2a: {  	[tilespmem:s13+$0x1F0] =	vst v0  }
0x2b: {  	[tilespmem:s13+$0x180] =	vst v0  }
0x2c: {  	[tilespmem:s13+$0x190] =	vst v0  }
0x2d: {  	[tilespmem:s13+$0x1A0] =	vst v0  }
0x2e: {  	[tilespmem:s13+$0x1B0] =	vst v0  }
0x2f: {  	[tilespmem:s13+$0x1C0] =	vst v0  }
0x30: {  	[tilespmem:s13+$0x1D0] =	vst v0  }
0x31: {  	[tilespmem:s13+$0x1E0] =	vst v0  }
0x32: {  	[spmem:s5] =	stream.linear.scatter [tilespmem:s26], [sflag:$0x7], $0x2800, $0x38;
	[tilespmem:$0x1A580] =	vst v63  }
0x33: {  	_ =	swait.ge [sflag:s28], $0x2800  }
0x34: {  	[sflag:s28] =	ssyncset.done $0x0  }
0x35: {  	s14 =	rddreg [dreg:$0x4];
	[sflag:s28] =	ssyncadd.s32 $0xFFFFD800  }
0x36: {  	[spmem:s14] =	stream.linear.scatter [tilespmem:s26], [sflag:$0x7], $0x2800, $0x38;
	[tilespmem:$0x1A580] =	vst v63  }
0x37: {  	_ =	swait.ge [sflag:s28], $0x2800  }
0x38: {  	[sflag:s28] =	ssyncset.done $0x0  }
0x39: {  	s15 =	rddreg [dreg:$0x5];
	[sflag:s28] =	ssyncadd.s32 $0xFFFFD800  }
0x3a: {  	[spmem:s15] =	stream.linear.scatter [tilespmem:s26], [sflag:$0x7], $0x2800, $0x38;
	[tilespmem:$0x1A580] =	vst v63  }
0x3b: {  	_ =	swait.ge [sflag:s28], $0x2800  }
0x3c: {  	[sflag:s28] =	ssyncset.done $0x0  }
0x3d: {  	s17 =	rddreg [dreg:$0x6];
	[sflag:s28] =	ssyncadd.s32 $0xFFFFD800  }
0x3e: {  	[spmem:s17] =	stream.linear.scatter [tilespmem:s26], [sflag:$0x7], $0x2800, $0x38;
	[tilespmem:$0x1A580] =	vst v63  }
0x3f: {  	_ =	swait.ge [sflag:s28], $0x2800  }
0x40: {  	[sflag:s28] =	ssyncset.done $0x0  }
0x41: {  	s18 =	rddreg [dreg:$0x7];
	[sflag:s28] =	ssyncadd.s32 $0xFFFFD800  }
0x42: {  	[spmem:s18] =	stream.linear.scatter [tilespmem:s26], [sflag:$0x7], $0x2800, $0x38;
	[tilespmem:$0x1A580] =	vst v63  }
0x43: {  	_ =	swait.ge [sflag:s28], $0x2800  }
0x44: {  	[sflag:s28] =	ssyncset.done $0x0  }
0x45: {  	s22 =	rddreg [dreg:$0x8];
	[sflag:s28] =	ssyncadd.s32 $0xFFFFD800  }
0x46: {  	[spmem:s22] =	stream.linear.scatter [tilespmem:s26], [sflag:$0x7], $0x2800, $0x38;
	[tilespmem:$0x1A580] =	vst v63  }
0x47: {  	_ =	swait.ge [sflag:s28], $0x2800  }
0x48: {  	[sflag:s28] =	ssyncset.done $0x0  }
0x49: {  	s14 =	rddreg [dreg:$0x9];
	[sflag:s28] =	ssyncadd.s32 $0xFFFFD800  }
0x4a: {  	[spmem:s14] =	stream.linear.scatter [tilespmem:s26], [sflag:$0x7], $0x2800, $0x38;
	[tilespmem:$0x1A580] =	vst v63  }
0x4b: {  	_ =	swait.ge [sflag:s28], $0x2800  }
0x4c: {  	[sflag:s28] =	ssyncset.done $0x0  }
0x4d: {  	s15 =	rddreg [dreg:$0xa];
	[sflag:s28] =	ssyncadd.s32 $0xFFFFD800  }
0x4e: {  	[spmem:s15] =	stream.linear.scatter [tilespmem:s26], [sflag:$0x7], $0x2800, $0x38;
	[tilespmem:$0x1A580] =	vst v63  }
0x4f: {  	_ =	swait.ge [sflag:s28], $0x2800  }
0x50: {  	[sflag:s28] =	ssyncset.done $0x0  }
0x51: {  	[sflag:s28] =	ssyncadd.s32 $0xFFFFD800  }
0x52: {  	[bflag:$0x0] =	sbarrier.arrive $0xFFFF  }
0x53: {  	s13 =	simm.s32 $0x0;
	s14 =	rddreg [dreg:$0xb]  }
0x54: {  	[tilespmem:s29], [sflag:$0x5] =	stream.linear.gather [hbm4b:s14+s13], $0x28, $0x38;
	[tilespmem:$0x1A580] =	vst v63  }
0x55: {  	s17 =	rddreg [dreg:$0xc]  }
0x56: {  	[tilespmem:s30], [sflag:$0x6] =	stream.linear.gather [hbm4b:s17+s13], $0x1400, $0x38;
	[tilespmem:$0x1A580] =	vst v63  }
0x57: {  	s18 =	rddreg [dreg:$0xd]  }
0x58: {  	[tilespmem:s13], [sflag:$0x1] =	stream.linear.gather [hbm4b:s18+s13], $0x50, $0x38;
	[tilespmem:$0x1A580] =	vst v63  }
0x59: {  	s22 =	rddreg [dreg:$0xe]  }
0x5a: {  	[tilespmem:s26], [sflag:$0x3] =	stream.linear.gather [hbm4b:s22+s13], $0x2800, $0x38;
	[tilespmem:$0x1A580] =	vst v63  }
0x5b: {  	s15 =	rddreg [dreg:$0xf]  }
0x5c: {  	[tilespmem:s31], [sflag:$0x2] =	stream.linear.gather [hbm4b:s15+s13], $0x50, $0x38;
	[tilespmem:$0x1A580] =	vst v63  }
0x5d: {  	_ = 	snop  }
0x5e: {  	[tilespmem:s0], [sflag:$0x4] =	stream.linear.gather [hbm4b:s19+s13], $0x2800, $0x38;
	[tilespmem:$0x1A580] =	vst v63  }
0x5f: {  	_ =	swait.ge [sflag:s2], $0x50  }
0x60: {  	[sflag:s2] =	ssyncset.done $0x0  }
0x61: {  	[sflag:s2] =	ssyncadd.s32 $0xFFFFFFB0  }
0x62: {  	_ =	swait.ge [sflag:s6], $0x2800  }
0x63: {  	[sflag:s6] =	ssyncset.done $0x0  }
0x64: {  	[sflag:s6] =	ssyncadd.s32 $0xFFFFD800  }
0x65: {  	[spmem:s1] =	stream.indirect.scatter.add.f32 [tilespmem:s26], [sflag:$0x7], $0x80, s3, s7, $0xb8;
	[tilespmem:$0x1A580] =	vst v63  }
0x66: {  	_ =	swait.ge [sflag:s28], $0x2800  }
0x67: {  	s17 =	sshrl.u32 s24, $0x3;
	[sflag:s28] =	ssyncset.done $0x0  }
0x68: {  	s13 =	sadd.s32 s4, s17;
	[sflag:s28] =	ssyncadd.s32 $0xFFFFD800  }
0x69: {  	[tilespmem:s3], [sflag:$0x1] =	stream.linear.gather [hbm4b:s13+s3], $0x50, $0x38;
	[tilespmem:$0x1A580] =	vst v63  }
0x6a: {  	s18 =	sadd.s32 $0xFFFFFB00, s16  }
0x6b: {  	[tilespmem:s26], [sflag:$0x3] =	stream.linear.gather [hbm4b:s18+s3], $0x2800, $0x38;
	[tilespmem:$0x1A580] =	vst v63  }
0x6c: {  	_ =	swait.ge [sflag:s8], $0x50  }
0x6d: {  	[sflag:s8] =	ssyncset.done $0x0  }
0x6e: {  	[sflag:s8] =	ssyncadd.s32 $0xFFFFFFB0  }
0x6f: {  	_ =	swait.ge [sflag:s9], $0x2800  }
0x70: {  	[sflag:s9] =	ssyncset.done $0x0  }
0x71: {  	[sflag:s9] =	ssyncadd.s32 $0xFFFFD800  }
0x72: {  	[spmem:s1] =	stream.indirect.scatter.add.f32 [tilespmem:s0], [sflag:$0x7], $0x80, s31, s7, $0xb8;
	[tilespmem:$0x1A580] =	vst v63  }
0x73: {  	_ =	swait.ge [sflag:s28], $0x2800  }
0x74: {  	[sflag:s28] =	ssyncset.done $0x0  }
0x75: {  	s14 =	sadd.s32 $0xA00, s16;
	s22 =	sadd.s32 $0x0, s23;
	[sflag:s28] =	ssyncadd.s32 $0xFFFFD800  }
0x76: {  	[tilespmem:s31], [sflag:$0x2] =	stream.linear.gather [hbm4b:s22+s3], $0x50, $0x38;
	[tilespmem:$0x1A580] =	vst v63  }
0x77: {  	s15 =	sadd.s32 $0xA0, s24;
	s13 =	simm.s32 $0x14;
	s22 =	smov.u32 s16  }
.LBB2_4:
0x78: {  	[tilespmem:s0], [sflag:$0x4] =	stream.linear.gather [hbm4b:s22+s3], $0x2800, $0x38;
	[tilespmem:$0x1A580] =	vst v63  }
0x79: {  	s17 =	smov.u32 s13;
	s22 =	smov.u32 s14  }
0x7a: {  	p1 =	sne.s32 s13, $0x244;
	s13 =	sadd.s32 $0x14, s13;
	_ =	swait.ge [sflag:s2], $0x50  }
0x7b: {  	[sflag:s2] =	ssyncset.done $0x0  }
0x7c: {  	[sflag:s2] =	ssyncadd.s32 $0xFFFFFFB0  }
0x7d: {  	_ =	swait.ge [sflag:s6], $0x2800  }
0x7e: {  	[sflag:s6] =	ssyncset.done $0x0  }
0x7f: {  	[sflag:s6] =	ssyncadd.s32 $0xFFFFD800  }
0x80: {  	[spmem:s1] =	stream.indirect.scatter.add.f32 [tilespmem:s26], [sflag:$0x7], $0x80, s3, s7, $0xb8;
	[tilespmem:$0x1A580] =	vst v63  }
0x81: {  	_ =	swait.ge [sflag:s28], $0x2800  }
0x82: {  	s18 =	sshrl.u32 s15, $0x3;
	[sflag:s28] =	ssyncset.done $0x0  }
0x83: {  	s18 =	sadd.s32 s4, s18;
	[sflag:s28] =	ssyncadd.s32 $0xFFFFD800  }
0x84: {  	[tilespmem:s3], [sflag:$0x1] =	stream.linear.gather [hbm4b:s18+s3], $0x50, $0x38;
	[tilespmem:$0x1A580] =	vst v63  }
0x85: {  	s18 =	sadd.s32 $0xFFFFFB00, s14  }
0x86: {  	[tilespmem:s26], [sflag:$0x3] =	stream.linear.gather [hbm4b:s18+s3], $0x2800, $0x38;
	[tilespmem:$0x1A580] =	vst v63  }
0x87: {  	_ =	swait.ge [sflag:s8], $0x50  }
0x88: {  	[sflag:s8] =	ssyncset.done $0x0  }
0x89: {  	[sflag:s8] =	ssyncadd.s32 $0xFFFFFFB0  }
0x8a: {  	_ =	swait.ge [sflag:s9], $0x2800  }
0x8b: {  	[sflag:s9] =	ssyncset.done $0x0  }
0x8c: {  	[sflag:s9] =	ssyncadd.s32 $0xFFFFD800  }
0x8d: {  	[spmem:s1] =	stream.indirect.scatter.add.f32 [tilespmem:s0], [sflag:$0x7], $0x80, s31, s7, $0xb8;
	[tilespmem:$0x1A580] =	vst v63  }
.Ltmp1:
0x8e: {  	_ =	swait.ge [sflag:s28], $0x2800;
	(pc) =	sbr.rel @p1 .LBB2_4-.Ltmp1, $4  }
0x8f: {  	[sflag:s28] =	ssyncset.done $0x0  }
0x90: {  	s17 =	sadd.s32 s17, s23;
	[sflag:s28] =	ssyncadd.s32 $0xFFFFD800  }
0x91: {  	[tilespmem:s31], [sflag:$0x2] =	stream.linear.gather [hbm4b:s17+s3], $0x50, $0x38;
	[tilespmem:$0x1A580] =	vst v63  }
0x92: {  	s15 =	sadd.s32 $0xA0, s15;
	s14 =	sadd.s32 $0xA00, s14  }
0x93: {  	[tilespmem:s0], [sflag:$0x4] =	stream.linear.gather [hbm4b:s22+s3], $0x2800, $0x38;
	[tilespmem:$0x1A580] =	vst v63  }
0x94: {  	_ =	swait.ge [sflag:s2], $0x50  }
0x95: {  	[sflag:s2] =	ssyncset.done $0x0  }
0x96: {  	[sflag:s2] =	ssyncadd.s32 $0xFFFFFFB0  }
0x97: {  	_ =	swait.ge [sflag:s6], $0x2800  }
0x98: {  	[sflag:s6] =	ssyncset.done $0x0  }
0x99: {  	[sflag:s6] =	ssyncadd.s32 $0xFFFFD800  }
0x9a: {  	[spmem:s1] =	stream.indirect.scatter.add.f32 [tilespmem:s26], [sflag:$0x7], $0x80, s3, s7, $0xb8;
	[tilespmem:$0x1A580] =	vst v63  }
0x9b: {  	_ =	swait.ge [sflag:s28], $0x2800  }
0x9c: {  	[sflag:s28] =	ssyncset.done $0x0  }
0x9d: {  	[sflag:s28] =	ssyncadd.s32 $0xFFFFD800  }
0x9e: {  	_ =	swait.ge [sflag:s8], $0x50  }
0x9f: {  	[sflag:s8] =	ssyncset.done $0x0  }
0xa0: {  	[sflag:s8] =	ssyncadd.s32 $0xFFFFFFB0  }
0xa1: {  	_ =	swait.ge [sflag:s9], $0x2800  }
0xa2: {  	[sflag:s9] =	ssyncset.done $0x0  }
0xa3: {  	[sflag:s9] =	ssyncadd.s32 $0xFFFFD800  }
0xa4: {  	[spmem:s1] =	stream.indirect.scatter.add.f32 [tilespmem:s0], [sflag:$0x7], $0x80, s31, s7, $0xb8;
	[tilespmem:$0x1A580] =	vst v63  }
0xa5: {  	_ =	swait.ge [sflag:s28], $0x2800  }
0xa6: {  	[sflag:s28] =	ssyncset.done $0x0  }
0xa7: {  	[sflag:s28] =	ssyncadd.s32 $0xFFFFD800  }
0xa8: {  	_ =	swait.ge [sflag:s10], $0x28  }
0xa9: {  	[sflag:s10] =	ssyncset.done $0x0  }
0xaa: {  	[sflag:s10] =	ssyncadd.s32 $0xFFFFFFD8  }
0xab: {  	_ =	swait.ge [sflag:s11], $0x1400  }
0xac: {  	[sflag:s11] =	ssyncset.done $0x0  }
0xad: {  	s13 =	simm.s32 $0x28;
	[sflag:s11] =	ssyncadd.s32 $0xFFFFEC00  }
0xae: {  	[spmem:s1] =	stream.indirect.scatter.add.f32 [tilespmem:s30], [sflag:$0x7], $0x80, s29, s13, $0xb8;
	[tilespmem:$0x1A580] =	vst v63  }
0xaf: {  	_ =	swait.ge [sflag:s28], $0x1400  }
0xb0: {  	[sflag:s28] =	ssyncset.done $0x0  }
0xb1: {  	[sflag:s28] =	ssyncadd.s32 $0xFFFFEC00  }
0xb2: {  	s13 =	simm.s32 @p0 $0x1FC7;
	[bflag:$0x0] =	sbarrier.arrive $0xFFFF  }
0xb3: {  	[hbm:s20], [sflag:s13] =	dma.local @p0 [spmem:s25], $0x1900  }
0xb4: {  	s14 =	stileid.u32;
	s13 =	simm.s32 @p0 $0x7  }
0xb5: {  	s12 =	sadd.s32 $0x1, s12;
	s14 =	sshll.u32 @!p0 s14, $0x6;
	_ =	swait.ge @p0 [sflag:s13], $0x1900  }
0xb6: {  	p1 =	sne.s32 s12, s21;
	[sflag:s13] =	ssyncset.done @p0 $0x0;
	s15 =	rddreg [dreg:$0x10]  }
0xb7: {  	[sflag:s13] =	ssyncadd.s32 @p0 $0xFFFFE700;
	s13 =	sor.u32 @!p0 $0x1C07, s14;
	s14 =	sshrl.u32 @!p0 s5, $0x3  }
0xb8: {  	[hbm:s15], [sflag:s13] =	dma.local @!p0 [spmem:s14], $0x2800  }
.Ltmp2:
0xb9: {  	_ = 	snop;
	(pc) =	sbr.rel @p1 .LBB2_1-.Ltmp2, $4  }
0xba: {  	s13 =	simm.s32 @!p0 $0x7  }
0xbb: {  	_ =	swait.ge @!p0 [sflag:s13], $0x2800  }
0xbc: {  	[sflag:s13] =	ssyncset.done @!p0 $0x0  }
0xbd: {  	[sflag:s13] =	ssyncadd.s32 @!p0 $0xFFFFD800  }
0xbe: {  	_ =	sfence.sel $0x180000  }
0xbf: {  	[bflag:$0x0] =	sbarrier.arrive $0xFFFF  }
0xc0: {  	_ =	strace $0x90000050  }
0xc1: {  	s0 =	stileid.u32;
	[bflag:$0x2] =	sbarrier.arrive $0xFFFF  }
0xc2: {  	p0 =	sne.s32 s0, $0x0;
	s0 =	rddreg [dreg:$0x3]  }
0xc3: {  	s0 =	sadd.s32 @!p0 $0x100000, s0  }
0xc4: {  	[sflag:s0] =	ssyncadd.tile.s32 @!p0 $0x1;
	_ =	shalt  }
.Lfunc_end2:
_tile_overlayer_lowered:
.L_overlay_start_2:
0xc5: {  	(tag) =	ssettag $0x2  }
0xc6: {  	s0 =	rddreg [dreg:$0x0];
	s2 =	stileid.u32  }
0xc7: {  	s1 =	rddreg [dreg:$0x1];
	p0 =	sne.s32 s2, $0x0  }
0xc8: {  	s3 =	rddreg [dreg:$0x2];
	[bflag:$0x3] =	sbarrier.arrive $0xFFFF;
	s2 =	simm.s32 @!p0 $0x1C07  }
0xc9: {  	[timem:s3], [sflag:s2] =	dma.local @!p0 [hbm:s0], s1  }
0xca: {  	s0 =	simm.s32 @!p0 $0x7  }
0xcb: {  	_ =	swait.ge @!p0 [sflag:s0], s1  }
0xcc: {  	s1 =	ssub.s32 @!p0 $0x0, s1;
	[sflag:s0] =	ssyncset.done @!p0 $0x0  }
0xcd: {  	[sflag:s0] =	ssyncadd.s32 @!p0 s1  }
0xce: {  	[bflag:$0x3] =	sbarrier.arrive $0xFFFF  }
0xcf: {  	_ =	shalt  }

// kernel: kernel.16.cloned.1.call-start
scs
__scs_entry_jumppad:
0x0: {  	(pc) =	sbr.rel $0x88, $3  }
0x1: {  	(tag) =	ssettag $0x0;
	lr =	simm.s32 $0x1  }
0x2: {  	[smem:$0x3F96] =	sst lr;
	_ =	strace $0xD0000000  }
0x3: {  	_ = 	snop  }
0x4: {  	_ = 	snop  }
0x5: {  	_ = 	snop  }
0x6: {  	_ = 	snop  }
0x7: {  	_ = 	snop  }
__scs_overlays_trampoline_lowered:
0x8: {  	[smem:$0x3FA5] =	sst s0  }
0x9: {  	[smem:$0x3FA6] =	sst s1  }
0xa: {  	[smem:$0x3FA7] =	sst s2  }
0xb: {  	[smem:$0x3FA8] =	sst s3  }
0xc: {  	[smem:$0x3FA9] =	sst s4  }
0xd: {  	[smem:$0x3FAA] =	sst s5  }
0xe: {  	[smem:$0x3FAB] =	sst s6  }
0xf: {  	[smem:$0x3FAC] =	sst s7  }
0x10: {  	[smem:$0x3FAD] =	sst s8  }
0x11: {  	[smem:$0x3FAE] =	sst s9;
	s0 =	simm.s32 @!p0 $0x0  }
0x12: {  	s1 =	sld [smem:$0x3F94];
	s0 =	simm.s32 @p0 $0x1  }
0x13: {  	[smem:$0x3FAF] =	sst s0;
	s0 =	simm.s32 @!p1 $0x0  }
0x14: {  	s2 =	sld [smem:$0x3F93];
	s0 =	simm.s32 @p1 $0x1  }
0x15: {  	[smem:$0x3FB0] =	sst s0;
	s0 =	simm.s32 @!p2 $0x0  }
0x16: {  	s3 =	sld [smem:$0x3FDB];
	s0 =	simm.s32 @p2 $0x1  }
0x17: {  	s4 =	simm.s32 $0x1BF5;
	[smem:$0x3FB2] =	sst s0  }
0x18: {  	s0 =	sld [smem:$0x3F95];
	_ =	swait.ge [sflag:s4], $0x0  }
0x19: {  	s7 =	sld [smem:$0x3F96]  }
0x1a: {  	s8 =	sadd.s32 $0xFFFFE003, lr  }
0x1b: {  	s9 =	sadd.s32 $0xFFFFFEF7, lr;
	s5 =	simm.s32 $0xFFFFFFFF;
	p2 =	slt.u32 s8, $0xFFFFF086  }
0x1c: {  	p1 =	slt.u32 s9, $0xF7A;
	s5 =	simm.s32 @!p2 $0x0  }
0x1d: {  	s5 =	simm.s32 @p1 $0x1;
	p0 =	seq.s32 s7, s2  }
0x1e: {  	s7 =	smul.u32 @!p0 $0xF7A, s2;
	p2 =	seq.s32 @!p0 s5, $0x0  }
0x1f: {  	s9 =	smul.u32 $0xF7A, s1;
	s8 =	simm.s32 @!p0 $0x1BF5;
	p2 =	por !p2, p0  }
0x20: {  	[sflag:s8] =	ssyncset.s32 @!p0 $0xFFFFF086;
	s6 =	sadd.s32 @!p0 s3, s7;
	s7 =	simm.s32 @!p0 $0x108  }
0x21: {  	s3 =	sadd.s32 s3, s9;
	s6 =	sadd.s32 @!p0 $0x88, s6;
	s7 =	simm.s32 @p2 $0x1082  }
0x22: {  	[simem:s7], [sflag:s8] =	dma.local @!p0 [hbm:s6], $0xF7A  }
0x23: {  	s9 =	sor.u32 $0xD0000000, s2;
	s6 =	simm.s32 $0x108;
	_ =	swait.ge @!p0 [sflag:s8], $0x0  }
0x24: {  	s3 =	sadd.s32 $0x88, s3;
	s6 =	simm.s32 @!p1 $0x1082;
	[sflag:s4] =	ssyncset.s32 $0xFFFFF086  }
0x25: {  	[simem:s6], [sflag:s4] =	dma.local [hbm:s3], $0xF7A  }
0x26: {  	[smem:$0x3F96] =	sst s1;
	(tag) =	ssettag s2;
	_ =	strace s9  }
0x27: {  	s1 =	sld [smem:$0x3FA6]  }
0x28: {  	s2 =	sld [smem:$0x3FA7]  }
0x29: {  	s4 =	sld [smem:$0x3FA9]  }
0x2a: {  	p0 =	seq.s32 s5, $0x0;
	s5 =	sld [smem:$0x3FAA]  }
0x2b: {  	s6 =	sld [smem:$0x3FAB]  }
0x2c: {  	s7 =	sld [smem:$0x3FAC]  }
0x2d: {  	s3 =	simm.s32 $0x108;
	s8 =	sld [smem:$0x3FAD]  }
0x2e: {  	s3 =	simm.s32 @!p0 $0x1082;
	s9 =	sld [smem:$0x3FAE]  }
0x2f: {  	lr =	sadd.s32 s0, s3;
	s0 =	sld [smem:$0x3FA5]  }
0x30: {  	s3 =	sld [smem:$0x3FA8]  }
0x31: {  	[smem:$0x3FB1] =	sst s10  }
0x32: {  	s10 =	sld [smem:$0x3FAF];
	_ =	sdelay $0x3  }
0x33: {  	p0 =	seq.s32 s10, $0x1;
	s10 =	sld [smem:$0x3FB1];
	_ =	sdelay $0x3  }
0x34: {  	[smem:$0x3FB1] =	sst s10  }
0x35: {  	s10 =	sld [smem:$0x3FB0];
	_ =	sdelay $0x3  }
0x36: {  	p1 =	seq.s32 s10, $0x1;
	s10 =	sld [smem:$0x3FB1];
	_ =	sdelay $0x3  }
0x37: {  	[smem:$0x3FB1] =	sst s10  }
0x38: {  	s10 =	sld [smem:$0x3FB2]  }
0x39: {  	_ = 	snop;
	(pc) =	sbr.ind lr, $3  }
0x3a: {  	_ = 	snop  }
0x3b: {  	_ = 	snop  }
0x3c: {  	p2 =	seq.s32 s10, $0x1;
	s10 =	sld [smem:$0x3FB1]  }
0x3d: {  	_ =	shalt  }
0x3e: {  	_ =	shalt  }
0x3f: {  	_ =	shalt  }
0x40: {  	_ =	shalt  }
0x41: {  	_ =	shalt  }
0x42: {  	_ =	shalt  }
0x43: {  	_ =	shalt  }
0x44: {  	_ =	shalt  }
0x45: {  	_ =	shalt  }
0x46: {  	_ =	shalt  }
0x47: {  	_ =	shalt  }
0x48: {  	_ =	shalt  }
0x49: {  	_ =	shalt  }
0x4a: {  	_ =	shalt  }
0x4b: {  	_ =	shalt  }
0x4c: {  	_ =	shalt  }
0x4d: {  	_ =	shalt  }
0x4e: {  	_ =	shalt  }
0x4f: {  	_ =	shalt  }
0x50: {  	_ =	shalt  }
0x51: {  	_ =	shalt  }
0x52: {  	_ =	shalt  }
0x53: {  	_ =	shalt  }
0x54: {  	_ =	shalt  }
0x55: {  	_ =	shalt  }
0x56: {  	_ =	shalt  }
0x57: {  	_ =	shalt  }
0x58: {  	_ =	shalt  }
0x59: {  	_ =	shalt  }
0x5a: {  	_ =	shalt  }
0x5b: {  	_ =	shalt  }
0x5c: {  	_ =	shalt  }
0x5d: {  	_ =	shalt  }
0x5e: {  	_ =	shalt  }
0x5f: {  	_ =	shalt  }
0x60: {  	_ =	shalt  }
0x61: {  	_ =	shalt  }
0x62: {  	_ =	shalt  }
0x63: {  	_ =	shalt  }
0x64: {  	_ =	shalt  }
0x65: {  	_ =	shalt  }
0x66: {  	_ =	shalt  }
0x67: {  	_ =	shalt  }
0x68: {  	_ =	shalt  }
0x69: {  	_ =	shalt  }
0x6a: {  	_ =	shalt  }
0x6b: {  	_ =	shalt  }
0x6c: {  	_ =	shalt  }
0x6d: {  	_ =	shalt  }
0x6e: {  	_ =	shalt  }
0x6f: {  	_ =	shalt  }
0x70: {  	_ =	shalt  }
0x71: {  	_ =	shalt  }
0x72: {  	_ =	shalt  }
0x73: {  	_ =	shalt  }
0x74: {  	_ =	shalt  }
0x75: {  	_ =	shalt  }
0x76: {  	_ =	shalt  }
0x77: {  	_ =	shalt  }
0x78: {  	_ =	shalt  }
0x79: {  	_ =	shalt  }
0x7a: {  	_ =	shalt  }
0x7b: {  	_ =	shalt  }
0x7c: {  	_ =	shalt  }
0x7d: {  	_ =	shalt  }
0x7e: {  	_ =	shalt  }
0x7f: {  	_ =	shalt  }
0x80: {  	_ =	shalt  }
0x81: {  	_ =	shalt  }
0x82: {  	_ =	shalt  }
0x83: {  	_ =	shalt  }
0x84: {  	_ =	shalt  }
0x85: {  	_ =	shalt  }
0x86: {  	_ =	shalt  }
0x87: {  	_ =	shalt  }
.Lfunc_end0:
.L_simem_size_0:
called_computation.2_lowered:
.L_overlay_start_0:
0x88: {  	s2 =	sld [smem:$0x3FD9]  }
0x89: {  	s3 =	sld [smem:$0x3FFE];
	_ =	sdelay $0x1  }
0x8a: {  	s1 =	srdreg.scid  }
0x8b: {  	s0 =	sand.u32 $0x1, s1  }
0x8c: {  	s14 =	sshll.u32 s0, $0xA;
	s2 =	sadd.s32 s3, s2  }
0x8d: {  	s2 =	sadd.s32 s2, s14  }
0x8e: {  	[smem:$0x3FBD] =	sst s2  }
0x8f: {  	_ = 	snop  }
0x90: {  	s2 =	sld [smem:$0x3FD0];
	_ =	sdelay $0x2  }
0x91: {  	s15 =	simm.s32 $0xB;
	s4 =	simm.s32 $0x10  }
0x92: {  	[smem:s4], [sflag:s15] =	dma.local [hbm:s2], $0x1  }
0x93: {  	_ =	swait.eq [sflag:s15], $0x1  }
0x94: {  	[sflag:s15] =	ssyncset.done $0x0  }
0x95: {  	s16 =	sld [smem:$0x10];
	[sflag:s15] =	ssyncadd.s32 $0xFFFFFFFF  }
0x96: {  	s17 =	sld [smem:$0x11];
	(tm) =	ssettm $0x1  }
0x97: {  	s18 =	sld [smem:$0x3FFB];
	_ =	sdelay $0x3  }
0x98: {  	_ =	strace s18  }
0x99: {  	s4 =	sld [smem:$0x3FFC];
	_ =	sdelay $0x3  }
0x9a: {  	_ =	strace s4  }
0x9b: {  	s4 =	sld [smem:$0x3FFD];
	_ =	sdelay $0x3  }
0x9c: {  	_ =	strace s4  }
0x9d: {  	_ =	strace $0x8FFFFFFF  }
0x9e: {  	s19 =	sld [smem:$0x3FDB];
	_ =	sdelay $0x1  }
0x9f: {  	s5 =	simm.s32 $_scs_section_size  }
0xa0: {  	s6 =	simm.s32 $_size__tile_overlayer_lowered;
	s7 =	simm.s32 $_tile_overlayer_lowered  }
0xa1: {  	s22 =	simm.s32 $0x1BFF;
	s21 =	sshll.u32 s7, $0x1;
	s4 =	sadd.s32 s5, s19  }
0xa2: {  	s8 =	simm.s32 $0x0;
	s20 =	sshll.u32 s6, $0x1;
	s6 =	sadd.s32 s21, s4  }
0xa3: {  	[timem:s8], [sflag:s22] =	dma.local [hbm:s6], s20  }
0xa4: {  	_ =	swait.ge [sflag:s22], s20  }
0xa5: {  	s5 =	ssub.s32 $0x0, s20;
	[sflag:s22] =	ssyncset.done $0x0  }
0xa6: {  	[sflag:s22] =	ssyncadd.s32 s5;
	_ =	sdelay $0x1  }
0xa7: {  	s23 =	simm.s32 $0x1B8B  }
0xa8: {  	_ =	swait.ge [sflag:s23], $0x1  }
0xa9: {  	[sflag:s23] =	ssyncset.done $0x0  }
0xaa: {  	s25 =	simm.s32 $0x1B8E;
	s24 =	sld [smem:$0x3FFE];
	[sflag:s23] =	ssyncadd.s32 $0xFFFFFFFF  }
0xab: {  	s26 =	simm.s32 $execute0_lowered;
	[smem:$0x3FD2] =	sst s25  }
0xac: {  	s6 =	sshll.u32 s26, $0x1;
	_ =	strace $0x80000046;
	[dreg:$0x1] =	wrdreg $0xFFFFFFFF  }
0xad: {  	s28 =	simm.s32 $_size_execute0_lowered;
	s4 =	sadd.s32 s4, s6;
	[dreg:$0x0] =	wrdreg $0x0  }
0xae: {  	s6 =	sshll.u32 s28, $0x1;
	[dreg:$0x2] =	wrdreg s4  }
0xaf: {  	[dreg:$0x3] =	wrdreg s6  }
0xb0: {  	[dreg:$0x4] =	wrdreg $0xC0  }
0xb1: {  	_ =	task [dreg:s8], $0x5FFFF  }
0xb2: {  	[dreg:$0x1] =	wrdreg $0xFFFFFFFF  }
0xb3: {  	[dreg:$0x0] =	wrdreg $0x60  }
0xb4: {  	[dreg:$0x2] =	wrdreg s17  }
0xb5: {  	[dreg:$0x3] =	wrdreg s16  }
0xb6: {  	[dreg:$0x4] =	wrdreg s24  }
0xb7: {  	[dreg:$0x5] =	wrdreg $0xA  }
0xb8: {  	_ =	task.clear_ibuf [dreg:s8], $0x6FFFF;
	_ =	strace $0x90000046  }
0xb9: {  	s29 =	simm.s32 $0xA;
	_ =	strace $0x80000048  }
0xba: {  	_ =	swait.ge [sflag:s29], $0x1  }
0xbb: {  	[sflag:s29] =	ssyncadd.s32 $0xFFFFFFFF  }
0xbc: {  	_ =	strace $0x90000048  }
0xbd: {  	_ =	sfence  }
0xbe: {  	s30 =	sld [smem:$0x0];
	_ =	sdelay $0x2  }
0xbf: {  	s31 =	sshll.u32 s1, $0xD;
	s1 =	sshrl.u32 s1, $0x2  }
0xc0: {  	s3 =	sand.u32 $0x4000, s31;
	s1 =	sadd.s32 s1, s30  }
0xc1: {  	s0 =	sor.u32 s3, s0;
	s1 =	sshll.u32 s1, $0x11  }
0xc2: {  	s0 =	sor.u32 s1, s0  }
0xc3: {  	s0 =	sadd.s32 $0x8F2B, s0  }
0xc4: {  	[sflag:s0] =	ssyncadd.remote.s32 $0x1  }
0xc5: {  	_ =	sfence.sel $0xFFFF  }
0xc6: {  	[dreg:$0x0] =	wrdreg $0xFFFFFFFF;
	(pc) =	sbr.abs _section_cstart, $3  }
0xc7: {  	[dreg:$0x1] =	wrdreg $0xFFFFFFFF  }
0xc8: {  	_ =	task.clear_ibuf [dreg:s8], $0x2FFFF;
	_ =	strace $0x9FFFFFFF  }
0xc9: {  	(tm) =	ssettm $0x7FFFFFFF  }
tec
execute0_lowered:
.L_overlay_start_1:
0x0: {  	(tag) =	ssettag $0x1  }
0x1: {  	s0 =	srdreg.scid;
	s1 =	rddreg [dreg:$0x0]  }
0x2: {  	s4 =	stileid.u32;
	s3 =	rddreg [dreg:$0x1]  }
0x3: {  	s6 =	rddreg [dreg:$0x2];
	s5 =	simm.s32 $0x0;
	s11 =	simm.s32 $0x5  }
0x4: {  	s13 =	simm.s32 $0x50;
	s14 =	simm.s32 $0x2800;
	s15 =	simm.s32 $0x5000  }
0x5: {  	s16 =	simm.s32 $0x28;
	s18 =	simm.s32 $0x7800;
	s19 =	simm.s32 $0x8C00  }
0x6: {  	s21 =	simm.s32 $0xB400;
	s23 =	simm.s32 $0xDC00;
	s24 =	simm.s32 $0x1  }
0x7: {  	s25 =	simm.s32 $0xF000;
	s28 =	simm.s32 $0x14000;
	s0 =	sand.u32 $0x1, s0  }
0x8: {  	s29 =	simm.s32 $0x15400;
	s30 =	simm.s32 $0x17C00;
	s2 =	sshll.u32 s0, $0x4  }
0x9: {  	s31 =	simm.s32 $0x1A400;
	s20 =	simm.s32 $0x0;
	s2 =	sor.u32 s4, s2  }
0xa: {  	s22 =	simm.s32 $0x0;
	s0 =	ssub.s32 $0x2, s0;
	s4 =	smul.u32 $0x1388, s2  }
0xb: {  	[smem:$0x7FF] =	sst s5;
	s8 =	sshrl.u32 s0, $0x1;
	s2 =	smul.u32 $0x9C400, s2  }
0xc: {  	_ =	strace $0x80000047;
	s0 =	ssub.s32 s0, s8;
	s7 =	sshrl.u32 s4, $0x3  }
0xd: {  	s0 =	smax.u32 s0, $0x1;
	s2 =	sshrl.u32 s2, $0x3;
	s7 =	sadd.s32 s7, s6  }
0xe: {  	[dreg:$0x7] =	wrdreg s0;
	s6 =	sadd.s32 $0x18000, s6;
	s26 =	sadd.s32 $0x9420, s7  }
0xf: {  	s2 =	sadd.s32 s6, s2;
	s7 =	sadd.s32 $0x13060, s7;
	[dreg:$0x4] =	wrdreg s26  }
0x10: {  	s0 =	simm.s32 $0x3;
	[dreg:$0x5] =	wrdreg s7;
	s2 =	sadd.s32 $0x12C00, s2  }
0x11: {  	s26 =	simm.s32 $0x11800;
	[dreg:$0x6] =	wrdreg s2;
	s2 =	simm.s32 $0x2  }
.LBB2_1:
0x12: {  	s7 =	rddreg [dreg:$0x4]  }
0x13: {  	[tilespmem:s5], [sflag:$0x5] =	stream.linear.gather [hbm4b:s7+s5], $0x1388, $0x38;
	[tilespmem:$0x1B800] =	vst v63  }
0x14: {  	_ =	swait.ge [sflag:s11], $0x1388  }
0x15: {  	[sflag:s11] =	ssyncset.done $0x0  }
0x16: {  	s8 =	simm.s32 $0x1400;
	s9 =	rddreg [dreg:$0x5];
	[sflag:s11] =	ssyncadd.s32 $0xFFFFEC78  }
0x17: {  	[tilespmem:s8], [sflag:$0x5] =	stream.linear.gather [hbm4b:s9+s5], $0x1388, $0x38;
	[tilespmem:$0x1B800] =	vst v63  }
0x18: {  	_ =	swait.ge [sflag:s11], $0x1388  }
0x19: {  	[sflag:s11] =	ssyncset.done $0x0  }
0x1a: {  	[sflag:s11] =	ssyncadd.s32 $0xFFFFEC78  }
0x1b: {  	[tilespmem:s14], [sflag:$0x1] =	stream.indirect.gather [hbm4b:s1+s13], $0x80, s5, s13, $0xb8;
	[tilespmem:$0x1B800] =	vst v63  }
0x1c: {  	_ = 	snop  }
0x1d: {  	[tilespmem:s15], [sflag:$0x1] =	stream.indirect.gather [hbm4b:s1+s13], $0x80, s13, s13, $0xb8;
	[tilespmem:$0x1B800] =	vst v63  }
0x1e: {  	s10 =	simm.s32 $0xA0  }
0x1f: {  	[tilespmem:s18], [sflag:$0x1] =	stream.indirect.gather [hbm4b:s1+s16], $0x80, s10, s16, $0xb8;
	[tilespmem:$0x1B800] =	vst v63  }
0x20: {  	_ = 	snop  }
0x21: {  	[tilespmem:s19], [sflag:$0x1] =	stream.indirect.gather [hbm4b:s3+s13], $0x80, s8, s13, $0xb8;
	[tilespmem:$0x1B800] =	vst v63  }
0x22: {  	s12 =	simm.s32 $0x1450  }
0x23: {  	[tilespmem:s21], [sflag:$0x1] =	stream.indirect.gather [hbm4b:s3+s13], $0x80, s12, s13, $0xb8;
	[tilespmem:$0x1B800] =	vst v63  }
0x24: {  	s17 =	simm.s32 $0x14A0  }
0x25: {  	[tilespmem:s23], [sflag:$0x1] =	stream.indirect.gather [hbm4b:s3+s16], $0x80, s17, s16, $0xb8;
	[tilespmem:$0x1B800] =	vst v63  }
0x26: {  	_ =	swait.ge [sflag:s24], $0x2800  }
0x27: {  	[sflag:s24] =	ssyncset.done $0x0  }
0x28: {  	[sflag:s24] =	ssyncadd.s32 $0xFFFFD800  }
0x29: {  	_ =	swait.ge [sflag:s24], $0x2800  }
0x2a: {  	[sflag:s24] =	ssyncset.done $0x0  }
0x2b: {  	[sflag:s24] =	ssyncadd.s32 $0xFFFFD800  }
0x2c: {  	_ =	swait.ge [sflag:s24], $0x1400  }
0x2d: {  	[sflag:s24] =	ssyncset.done $0x0  }
0x2e: {  	[sflag:s24] =	ssyncadd.s32 $0xFFFFEC00  }
0x2f: {  	_ =	swait.ge [sflag:s24], $0x2800  }
0x30: {  	[sflag:s24] =	ssyncset.done $0x0  }
0x31: {  	[sflag:s24] =	ssyncadd.s32 $0xFFFFD800  }
0x32: {  	_ =	swait.ge [sflag:s24], $0x2800  }
0x33: {  	[sflag:s24] =	ssyncset.done $0x0  }
0x34: {  	[sflag:s24] =	ssyncadd.s32 $0xFFFFD800  }
0x35: {  	_ =	swait.ge [sflag:s24], $0x1400  }
0x36: {  	[sflag:s24] =	ssyncset.done $0x0  }
0x37: {  	s7 =	simm.s32 $0x0;
	[sflag:s24] =	ssyncadd.s32 $0xFFFFEC00  }
0x38: {  	v7 =	vld [tilespmem:s7+$0x8C00]  }
0x39: {  	v11 =	vld [tilespmem:s7+$0x8C10]  }
0x3a: {  	v5 =	vld [tilespmem:s7+$0x8C20]  }
0x3b: {  	v4 =	vld [tilespmem:s7+$0x8C30]  }
0x3c: {  	v3 =	vld [tilespmem:s7+$0x8C40]  }
0x3d: {  	v2 =	vld [tilespmem:s7+$0x8C50]  }
0x3e: {  	v1 =	vld [tilespmem:s7+$0x8C60]  }
0x3f: {  	v0 =	vld [tilespmem:s7+$0x8C70]  }
0x40: {  	v12 =	vld [tilespmem:s7+$0x2800]  }
0x41: {  	v13 =	vld [tilespmem:s7+$0x2810]  }
0x42: {  	v10 =	vld [tilespmem:s7+$0x2820]  }
0x43: {  	v9 =	vld [tilespmem:s7+$0x2830]  }
0x44: {  	v8 =	vld [tilespmem:s7+$0x2840]  }
0x45: {  	v6 =	vld [tilespmem:s7+$0x2850];
	v12 =	vadd.f32 v7, v12  }
0x46: {  	s8 =	simm.s32 $0x200;
	v11 =	vadd.f32 v11, v13;
	v7 =	vld [tilespmem:s7+$0x2860]  }
.LBB2_2:
0x47: {  	s9 =	sshra.s32 s8, $0x2;
	p0 =	sne.s32 s8, $0x18E00;
	[tilespmem:s7+$0x2800] =	vst v12;
	v5 =	vadd.f32 v5, v10;
	v10 =	vld [tilespmem:s7+$0x2870]  }
0x48: {  	v12 =	vld [tilespmem:s9+$0x8C00];
	[tilespmem:s7+$0x2810] =	vst v11;
	v4 =	vadd.f32 v4, v9  }
0x49: {  	v11 =	vld [tilespmem:s9+$0x8C10];
	[tilespmem:s7+$0x2820] =	vst v5;
	v3 =	vadd.f32 v3, v8  }
0x4a: {  	v5 =	vld [tilespmem:s9+$0x8C20];
	[tilespmem:s7+$0x2830] =	vst v4;
	v2 =	vadd.f32 v2, v6  }
0x4b: {  	v4 =	vld [tilespmem:s9+$0x8C30];
	[tilespmem:s7+$0x2840] =	vst v3;
	v1 =	vadd.f32 v1, v7  }
0x4c: {  	v3 =	vld [tilespmem:s9+$0x8C40];
	[tilespmem:s7+$0x2850] =	vst v2;
	v0 =	vadd.f32 v0, v10  }
0x4d: {  	v2 =	vld [tilespmem:s9+$0x8C50];
	[tilespmem:s7+$0x2860] =	vst v1  }
0x4e: {  	v1 =	vld [tilespmem:s9+$0x8C60];
	[tilespmem:s7+$0x2870] =	vst v0;
	s7 =	smov.u32 s9  }
0x4f: {  	v0 =	vld [tilespmem:s7+$0x8C70]  }
0x50: {  	v6 =	vld [tilespmem:s7+$0x2800]  }
0x51: {  	v7 =	vld [tilespmem:s7+$0x2810]  }
.Ltmp0:
0x52: {  	v10 =	vld [tilespmem:s7+$0x2820];
	(pc) =	sbr.rel @p0 .LBB2_2-.Ltmp0, $4  }
0x53: {  	v9 =	vld [tilespmem:s7+$0x2830]  }
0x54: {  	v8 =	vld [tilespmem:s7+$0x2840]  }
0x55: {  	v12 =	vadd.f32 v12, v6;
	v6 =	vld [tilespmem:s7+$0x2850]  }
0x56: {  	s8 =	sadd.s32 $0x200, s8;
	v11 =	vadd.f32 v11, v7;
	v7 =	vld [tilespmem:s7+$0x2860]  }
0x57: {  	[tilespmem:s7+$0x2800] =	vst v12;
	v5 =	vadd.f32 v5, v10;
	v63 =	vld [tilespmem:s7+$0x2870]  }
0x58: {  	[tilespmem:s7+$0x2810] =	vst v11;
	v4 =	vadd.f32 v4, v9  }
0x59: {  	[tilespmem:s7+$0x2820] =	vst v5;
	v3 =	vadd.f32 v3, v8  }
0x5a: {  	[tilespmem:s7+$0x2830] =	vst v4;
	v2 =	vadd.f32 v2, v6  }
0x5b: {  	[tilespmem:s7+$0x2840] =	vst v3;
	v1 =	vadd.f32 v1, v7  }
0x5c: {  	[tilespmem:s7+$0x2850] =	vst v2;
	v0 =	vadd.f32 v0, v63  }
0x5d: {  	[tilespmem:s7+$0x2860] =	vst v1  }
0x5e: {  	s12 =	simm.s32 $0x0;
	[tilespmem:s7+$0x2870] =	vst v0  }
.LBB2_4:
0x5f: {  	p0 =	seq.s32 s12, $0x0  }
0x60: {  	s8 =	simm.s32 @!p0 $0x4  }
0x61: {  	s7 =	smul.u32 $0x190, s12;
	_ =	swait.ge @!p0 [sflag:s8], $0x6400  }
0x62: {  	[sflag:s8] =	ssyncset.done @!p0 $0x0  }
0x63: {  	[sflag:s8] =	ssyncadd.s32 @!p0 $0xFFFF9C00;
	s8 =	sadd.s32 $0xC8, s7  }
0x64: {  	[tilespmem:s25], [sflag:$0x2] =	stream.indirect.gather [hbm4b:s1+s13], $0x80, s8, s13, $0xb8;
	[tilespmem:$0x1B800] =	vst v63  }
0x65: {  	s9 =	sadd.s32 $0x118, s7  }
0x66: {  	[tilespmem:s26], [sflag:$0x2] =	stream.indirect.gather [hbm4b:s1+s13], $0x80, s9, s13, $0xb8;
	[tilespmem:$0x1B800] =	vst v63  }
0x67: {  	s17 =	sadd.s32 $0x168, s7  }
0x68: {  	[tilespmem:s28], [sflag:$0x2] =	stream.indirect.gather [hbm4b:s1+s16], $0x80, s17, s16, $0xb8;
	[tilespmem:$0x1B800] =	vst v63  }
0x69: {  	s10 =	sadd.s32 $0x14C8, s7  }
0x6a: {  	[tilespmem:s29], [sflag:$0x2] =	stream.indirect.gather [hbm4b:s3+s13], $0x80, s10, s13, $0xb8;
	[tilespmem:$0x1B800] =	vst v63  }
0x6b: {  	s17 =	sadd.s32 $0x1518, s7  }
0x6c: {  	[tilespmem:s30], [sflag:$0x2] =	stream.indirect.gather [hbm4b:s3+s13], $0x80, s17, s13, $0xb8;
	[tilespmem:$0x1B800] =	vst v63  }
0x6d: {  	s17 =	sadd.s32 s4, s7  }
0x6e: {  	s10 =	sadd.s32 $0x1568, s7;
	s9 =	sshll.u32 s17, $0x4  }
0x6f: {  	[tilespmem:s31], [sflag:$0x2] =	stream.indirect.gather [hbm4b:s3+s16], $0x80, s10, s16, $0xb8;
	[tilespmem:$0x1B800] =	vst v63  }
0x70: {  	s9 =	sadd.s32 s6, s9  }
0x71: {  	[hbm4b:s9+s22] =	stream.linear.scatter [tilespmem:s14], [sflag:$0x3], $0x6400, $0x38;
	[tilespmem:$0x1B800] =	vst v63  }
0x72: {  	_ =	swait.ge [sflag:s2], $0x2800  }
0x73: {  	[sflag:s2] =	ssyncset.done $0x0  }
0x74: {  	[sflag:s2] =	ssyncadd.s32 $0xFFFFD800  }
0x75: {  	_ =	swait.ge [sflag:s2], $0x2800  }
0x76: {  	[sflag:s2] =	ssyncset.done $0x0  }
0x77: {  	[sflag:s2] =	ssyncadd.s32 $0xFFFFD800  }
0x78: {  	_ =	swait.ge [sflag:s2], $0x1400  }
0x79: {  	[sflag:s2] =	ssyncset.done $0x0  }
0x7a: {  	[sflag:s2] =	ssyncadd.s32 $0xFFFFEC00  }
0x7b: {  	_ =	swait.ge [sflag:s2], $0x2800  }
0x7c: {  	[sflag:s2] =	ssyncset.done $0x0  }
0x7d: {  	[sflag:s2] =	ssyncadd.s32 $0xFFFFD800  }
0x7e: {  	_ =	swait.ge [sflag:s2], $0x2800  }
0x7f: {  	[sflag:s2] =	ssyncset.done $0x0  }
0x80: {  	[sflag:s2] =	ssyncadd.s32 $0xFFFFD800  }
0x81: {  	_ =	swait.ge [sflag:s2], $0x1400  }
0x82: {  	[sflag:s2] =	ssyncset.done $0x0  }
0x83: {  	s9 =	simm.s32 $0x0;
	[sflag:s2] =	ssyncadd.s32 $0xFFFFEC00  }
0x84: {  	v7 =	vld [tilespmem:s9+$0x15400]  }
0x85: {  	v11 =	vld [tilespmem:s9+$0x15410]  }
0x86: {  	v5 =	vld [tilespmem:s9+$0x15420]  }
0x87: {  	v4 =	vld [tilespmem:s9+$0x15430]  }
0x88: {  	v3 =	vld [tilespmem:s9+$0x15440]  }
0x89: {  	v2 =	vld [tilespmem:s9+$0x15450]  }
0x8a: {  	v1 =	vld [tilespmem:s9+$0x15460]  }
0x8b: {  	v0 =	vld [tilespmem:s9+$0x15470]  }
0x8c: {  	v12 =	vld [tilespmem:s9+$0xF000]  }
0x8d: {  	v13 =	vld [tilespmem:s9+$0xF010]  }
0x8e: {  	v10 =	vld [tilespmem:s9+$0xF020]  }
0x8f: {  	v9 =	vld [tilespmem:s9+$0xF030]  }
0x90: {  	v8 =	vld [tilespmem:s9+$0xF040]  }
0x91: {  	v6 =	vld [tilespmem:s9+$0xF050];
	v12 =	vadd.f32 v7, v12  }
0x92: {  	s10 =	simm.s32 $0x200;
	v11 =	vadd.f32 v11, v13;
	v7 =	vld [tilespmem:s9+$0xF060]  }
.LBB2_5:
0x93: {  	s17 =	sshra.s32 s10, $0x2;
	p0 =	sne.s32 s10, $0x18E00;
	[tilespmem:s9+$0xF000] =	vst v12;
	v5 =	vadd.f32 v5, v10;
	v10 =	vld [tilespmem:s9+$0xF070]  }
0x94: {  	v12 =	vld [tilespmem:s17+$0x15400];
	[tilespmem:s9+$0xF010] =	vst v11;
	v4 =	vadd.f32 v4, v9  }
0x95: {  	v11 =	vld [tilespmem:s17+$0x15410];
	[tilespmem:s9+$0xF020] =	vst v5;
	v3 =	vadd.f32 v3, v8  }
0x96: {  	v5 =	vld [tilespmem:s17+$0x15420];
	[tilespmem:s9+$0xF030] =	vst v4;
	v2 =	vadd.f32 v2, v6  }
0x97: {  	v4 =	vld [tilespmem:s17+$0x15430];
	[tilespmem:s9+$0xF040] =	vst v3;
	v1 =	vadd.f32 v1, v7  }
0x98: {  	v3 =	vld [tilespmem:s17+$0x15440];
	[tilespmem:s9+$0xF050] =	vst v2;
	v0 =	vadd.f32 v0, v10  }
0x99: {  	v2 =	vld [tilespmem:s17+$0x15450];
	[tilespmem:s9+$0xF060] =	vst v1  }
0x9a: {  	v1 =	vld [tilespmem:s17+$0x15460];
	[tilespmem:s9+$0xF070] =	vst v0;
	s9 =	smov.u32 s17  }
0x9b: {  	v0 =	vld [tilespmem:s9+$0x15470]  }
0x9c: {  	v6 =	vld [tilespmem:s9+$0xF000]  }
0x9d: {  	v7 =	vld [tilespmem:s9+$0xF010]  }
.Ltmp1:
0x9e: {  	v10 =	vld [tilespmem:s9+$0xF020];
	(pc) =	sbr.rel @p0 .LBB2_5-.Ltmp1, $4  }
0x9f: {  	v9 =	vld [tilespmem:s9+$0xF030]  }
0xa0: {  	v8 =	vld [tilespmem:s9+$0xF040]  }
0xa1: {  	v12 =	vadd.f32 v12, v6;
	v6 =	vld [tilespmem:s9+$0xF050]  }
0xa2: {  	s10 =	sadd.s32 $0x200, s10;
	v11 =	vadd.f32 v11, v7;
	v7 =	vld [tilespmem:s9+$0xF060]  }
0xa3: {  	[tilespmem:s9+$0xF000] =	vst v12;
	v5 =	vadd.f32 v5, v10;
	v10 =	vld [tilespmem:s9+$0xF070]  }
0xa4: {  	[tilespmem:s9+$0xF010] =	vst v11;
	v4 =	vadd.f32 v4, v9  }
0xa5: {  	[tilespmem:s9+$0xF020] =	vst v5;
	v3 =	vadd.f32 v3, v8  }
0xa6: {  	[tilespmem:s9+$0xF030] =	vst v4;
	v2 =	vadd.f32 v2, v6  }
0xa7: {  	[tilespmem:s9+$0xF040] =	vst v3;
	v1 =	vadd.f32 v1, v7  }
0xa8: {  	[tilespmem:s9+$0xF050] =	vst v2;
	v0 =	vadd.f32 v0, v10  }
0xa9: {  	[tilespmem:s9+$0xF060] =	vst v1  }
0xaa: {  	[tilespmem:s9+$0xF070] =	vst v0  }
0xab: {  	_ =	swait.ge [sflag:s0], $0x6400  }
0xac: {  	[sflag:s0] =	ssyncset.done $0x0  }
0xad: {  	s17 =	sadd.s32 $0x190, s7;
	[sflag:s0] =	ssyncadd.s32 $0xFFFF9C00  }
0xae: {  	[tilespmem:s14], [sflag:$0x1] =	stream.indirect.gather [hbm4b:s1+s13], $0x80, s17, s13, $0xb8;
	[tilespmem:$0x1B800] =	vst v63  }
0xaf: {  	s10 =	sadd.s32 $0x1E0, s7  }
0xb0: {  	[tilespmem:s15], [sflag:$0x1] =	stream.indirect.gather [hbm4b:s1+s13], $0x80, s10, s13, $0xb8;
	[tilespmem:$0x1B800] =	vst v63  }
0xb1: {  	s17 =	sadd.s32 $0x230, s7  }
0xb2: {  	[tilespmem:s18], [sflag:$0x1] =	stream.indirect.gather [hbm4b:s1+s16], $0x80, s17, s16, $0xb8;
	[tilespmem:$0x1B800] =	vst v63  }
0xb3: {  	s10 =	sadd.s32 $0x1590, s7  }
0xb4: {  	[tilespmem:s19], [sflag:$0x1] =	stream.indirect.gather [hbm4b:s3+s13], $0x80, s10, s13, $0xb8;
	[tilespmem:$0x1B800] =	vst v63  }
0xb5: {  	s17 =	sadd.s32 $0x15E0, s7;
	s10 =	sadd.s32 s4, s8  }
0xb6: {  	[tilespmem:s21], [sflag:$0x1] =	stream.indirect.gather [hbm4b:s3+s13], $0x80, s17, s13, $0xb8;
	[tilespmem:$0x1B800] =	vst v63  }
0xb7: {  	s9 =	sadd.s32 $0x1630, s7;
	s7 =	sshll.u32 s10, $0x4  }
0xb8: {  	[tilespmem:s23], [sflag:$0x1] =	stream.indirect.gather [hbm4b:s3+s16], $0x80, s9, s16, $0xb8;
	[tilespmem:$0x1B800] =	vst v63  }
0xb9: {  	s7 =	sadd.s32 s6, s7;
	s17 =	simm.s32 $0x0  }
0xba: {  	[hbm4b:s7+s17] =	stream.linear.scatter [tilespmem:s25], [sflag:$0x4], $0x6400, $0x38;
	[tilespmem:$0x1B800] =	vst v63  }
0xbb: {  	_ =	swait.ge [sflag:s24], $0x2800  }
0xbc: {  	[sflag:s24] =	ssyncset.done $0x0  }
0xbd: {  	[sflag:s24] =	ssyncadd.s32 $0xFFFFD800  }
0xbe: {  	_ =	swait.ge [sflag:s24], $0x2800  }
0xbf: {  	[sflag:s24] =	ssyncset.done $0x0  }
0xc0: {  	[sflag:s24] =	ssyncadd.s32 $0xFFFFD800  }
0xc1: {  	_ =	swait.ge [sflag:s24], $0x1400  }
0xc2: {  	[sflag:s24] =	ssyncset.done $0x0  }
0xc3: {  	[sflag:s24] =	ssyncadd.s32 $0xFFFFEC00  }
0xc4: {  	_ =	swait.ge [sflag:s24], $0x2800  }
0xc5: {  	[sflag:s24] =	ssyncset.done $0x0  }
0xc6: {  	[sflag:s24] =	ssyncadd.s32 $0xFFFFD800  }
0xc7: {  	_ =	swait.ge [sflag:s24], $0x2800  }
0xc8: {  	[sflag:s24] =	ssyncset.done $0x0  }
0xc9: {  	[sflag:s24] =	ssyncadd.s32 $0xFFFFD800  }
0xca: {  	_ =	swait.ge [sflag:s24], $0x1400  }
0xcb: {  	[sflag:s24] =	ssyncset.done $0x0  }
0xcc: {  	s7 =	simm.s32 $0x0;
	[sflag:s24] =	ssyncadd.s32 $0xFFFFEC00  }
0xcd: {  	v7 =	vld [tilespmem:s7+$0x8C00]  }
0xce: {  	v11 =	vld [tilespmem:s7+$0x8C10]  }
0xcf: {  	v5 =	vld [tilespmem:s7+$0x8C20]  }
0xd0: {  	v4 =	vld [tilespmem:s7+$0x8C30]  }
0xd1: {  	v3 =	vld [tilespmem:s7+$0x8C40]  }
0xd2: {  	v2 =	vld [tilespmem:s7+$0x8C50]  }
0xd3: {  	v1 =	vld [tilespmem:s7+$0x8C60]  }
0xd4: {  	v0 =	vld [tilespmem:s7+$0x8C70]  }
0xd5: {  	v12 =	vld [tilespmem:s7+$0x2800]  }
0xd6: {  	v13 =	vld [tilespmem:s7+$0x2810]  }
0xd7: {  	v10 =	vld [tilespmem:s7+$0x2820]  }
0xd8: {  	v9 =	vld [tilespmem:s7+$0x2830]  }
0xd9: {  	v8 =	vld [tilespmem:s7+$0x2840]  }
0xda: {  	v6 =	vld [tilespmem:s7+$0x2850];
	v12 =	vadd.f32 v7, v12  }
0xdb: {  	s8 =	simm.s32 $0x200;
	v11 =	vadd.f32 v11, v13;
	v7 =	vld [tilespmem:s7+$0x2860]  }
.LBB2_7:
0xdc: {  	s9 =	sshra.s32 s8, $0x2;
	p0 =	sne.s32 s8, $0x18E00;
	[tilespmem:s7+$0x2800] =	vst v12;
	v5 =	vadd.f32 v5, v10;
	v10 =	vld [tilespmem:s7+$0x2870]  }
0xdd: {  	v12 =	vld [tilespmem:s9+$0x8C00];
	[tilespmem:s7+$0x2810] =	vst v11;
	v4 =	vadd.f32 v4, v9  }
0xde: {  	v11 =	vld [tilespmem:s9+$0x8C10];
	[tilespmem:s7+$0x2820] =	vst v5;
	v3 =	vadd.f32 v3, v8  }
0xdf: {  	v5 =	vld [tilespmem:s9+$0x8C20];
	[tilespmem:s7+$0x2830] =	vst v4;
	v2 =	vadd.f32 v2, v6  }
0xe0: {  	v4 =	vld [tilespmem:s9+$0x8C30];
	[tilespmem:s7+$0x2840] =	vst v3;
	v1 =	vadd.f32 v1, v7  }
0xe1: {  	v3 =	vld [tilespmem:s9+$0x8C40];
	[tilespmem:s7+$0x2850] =	vst v2;
	v0 =	vadd.f32 v0, v10  }
0xe2: {  	v2 =	vld [tilespmem:s9+$0x8C50];
	[tilespmem:s7+$0x2860] =	vst v1  }
0xe3: {  	v1 =	vld [tilespmem:s9+$0x8C60];
	[tilespmem:s7+$0x2870] =	vst v0;
	s7 =	smov.u32 s9  }
0xe4: {  	v0 =	vld [tilespmem:s7+$0x8C70]  }
0xe5: {  	v6 =	vld [tilespmem:s7+$0x2800]  }
0xe6: {  	v7 =	vld [tilespmem:s7+$0x2810]  }
.Ltmp2:
0xe7: {  	v10 =	vld [tilespmem:s7+$0x2820];
	(pc) =	sbr.rel @p0 .LBB2_7-.Ltmp2, $4  }
0xe8: {  	v9 =	vld [tilespmem:s7+$0x2830]  }
0xe9: {  	v8 =	vld [tilespmem:s7+$0x2840]  }
0xea: {  	v12 =	vadd.f32 v12, v6;
	v6 =	vld [tilespmem:s7+$0x2850]  }
0xeb: {  	s8 =	sadd.s32 $0x200, s8;
	v11 =	vadd.f32 v11, v7;
	v7 =	vld [tilespmem:s7+$0x2860]  }
0xec: {  	[tilespmem:s7+$0x2800] =	vst v12;
	v5 =	vadd.f32 v5, v10;
	v63 =	vld [tilespmem:s7+$0x2870]  }
0xed: {  	s12 =	sadd.s32 $0x1, s12;
	[tilespmem:s7+$0x2810] =	vst v11;
	v4 =	vadd.f32 v4, v9  }
0xee: {  	p0 =	sne.s32 s12, $0xC;
	[tilespmem:s7+$0x2820] =	vst v5;
	v3 =	vadd.f32 v3, v8  }
.Ltmp3:
0xef: {  	[tilespmem:s7+$0x2830] =	vst v4;
	v2 =	vadd.f32 v2, v6;
	(pc) =	sbr.rel @p0 .LBB2_4-.Ltmp3, $4  }
0xf0: {  	[tilespmem:s7+$0x2840] =	vst v3;
	v1 =	vadd.f32 v1, v7  }
0xf1: {  	[tilespmem:s7+$0x2850] =	vst v2;
	v0 =	vadd.f32 v0, v63  }
0xf2: {  	[tilespmem:s7+$0x2860] =	vst v1  }
0xf3: {  	[tilespmem:s7+$0x2870] =	vst v0  }
0xf4: {  	s7 =	simm.s32 $0x4  }
0xf5: {  	_ =	swait.ge [sflag:s7], $0x6400  }
0xf6: {  	[sflag:s7] =	ssyncset.done $0x0  }
0xf7: {  	s12 =	rddreg [dreg:$0x6];
	[sflag:s7] =	ssyncadd.s32 $0xFFFF9C00  }
0xf8: {  	[hbm4b:s12+s5] =	stream.linear.scatter [tilespmem:s14], [sflag:$0x5], $0x6400, $0x38;
	[tilespmem:$0x1B800] =	vst v63  }
0xf9: {  	_ =	swait.ge [sflag:s11], $0x6400  }
0xfa: {  	s20 =	sadd.s32 $0x1, s20;
	s17 =	rddreg [dreg:$0x7]  }
0xfb: {  	p0 =	sne.s32 s20, s17  }
.Ltmp4:
0xfc: {  	_ = 	snop;
	(pc) =	sbr.rel @p0 .LBB2_1-.Ltmp4, $3  }
0xfd: {  	_ =	sdelay $0x1  }
0xfe: {  	[sflag:s11] =	ssyncset.done $0x0  }
0xff: {  	[sflag:s11] =	ssyncadd.s32 $0xFFFF9C00  }
0x100: {  	_ =	sfence.sel $0x180000  }
0x101: {  	[bflag:$0x0] =	sbarrier.arrive $0xFFFF  }
0x102: {  	_ =	strace $0x90000047  }
0x103: {  	s0 =	stileid.u32;
	[bflag:$0x2] =	sbarrier.arrive $0xFFFF  }
0x104: {  	p0 =	sne.s32 s0, $0x0;
	s0 =	rddreg [dreg:$0x3]  }
0x105: {  	s0 =	sadd.s32 @!p0 $0x100000, s0  }
0x106: {  	[sflag:s0] =	ssyncadd.tile.s32 @!p0 $0x1;
	_ =	shalt  }
.Lfunc_end2:
_tile_overlayer_lowered:
.L_overlay_start_2:
0x107: {  	(tag) =	ssettag $0x2  }
0x108: {  	s0 =	rddreg [dreg:$0x0];
	s2 =	stileid.u32  }
0x109: {  	s1 =	rddreg [dreg:$0x1];
	p0 =	sne.s32 s2, $0x0  }
0x10a: {  	s3 =	rddreg [dreg:$0x2];
	[bflag:$0x3] =	sbarrier.arrive $0xFFFF;
	s2 =	simm.s32 @!p0 $0x1C05  }
0x10b: {  	[timem:s3], [sflag:s2] =	dma.local @!p0 [hbm:s0], s1  }
0x10c: {  	s0 =	simm.s32 @!p0 $0x5  }
0x10d: {  	_ =	swait.ge @!p0 [sflag:s0], s1  }
0x10e: {  	s1 =	ssub.s32 @!p0 $0x0, s1;
	[sflag:s0] =	ssyncset.done @!p0 $0x0  }
0x10f: {  	[sflag:s0] =	ssyncadd.s32 @!p0 s1  }
0x110: {  	[bflag:$0x3] =	sbarrier.arrive $0xFFFF  }
0x111: {  	_ =	shalt  }

// kernel: kernel.19.cloned.1.call-start
scs
__scs_entry_jumppad:
0x0: {  	(pc) =	sbr.rel $0x88, $3  }
0x1: {  	(tag) =	ssettag $0x0;
	lr =	simm.s32 $0x1  }
0x2: {  	[smem:$0x3F96] =	sst lr;
	_ =	strace $0xD0000000  }
0x3: {  	_ = 	snop  }
0x4: {  	_ = 	snop  }
0x5: {  	_ = 	snop  }
0x6: {  	_ = 	snop  }
0x7: {  	_ = 	snop  }
__scs_overlays_trampoline_lowered:
0x8: {  	[smem:$0x3FA5] =	sst s0  }
0x9: {  	[smem:$0x3FA6] =	sst s1  }
0xa: {  	[smem:$0x3FA7] =	sst s2  }
0xb: {  	[smem:$0x3FA8] =	sst s3  }
0xc: {  	[smem:$0x3FA9] =	sst s4  }
0xd: {  	[smem:$0x3FAA] =	sst s5  }
0xe: {  	[smem:$0x3FAB] =	sst s6  }
0xf: {  	[smem:$0x3FAC] =	sst s7  }
0x10: {  	[smem:$0x3FAD] =	sst s8  }
0x11: {  	[smem:$0x3FAE] =	sst s9;
	s0 =	simm.s32 @!p0 $0x0  }
0x12: {  	s1 =	sld [smem:$0x3F94];
	s0 =	simm.s32 @p0 $0x1  }
0x13: {  	[smem:$0x3FAF] =	sst s0;
	s0 =	simm.s32 @!p1 $0x0  }
0x14: {  	s2 =	sld [smem:$0x3F93];
	s0 =	simm.s32 @p1 $0x1  }
0x15: {  	[smem:$0x3FB0] =	sst s0;
	s0 =	simm.s32 @!p2 $0x0  }
0x16: {  	s3 =	sld [smem:$0x3FDB];
	s0 =	simm.s32 @p2 $0x1  }
0x17: {  	s4 =	simm.s32 $0x1BF5;
	[smem:$0x3FB2] =	sst s0  }
0x18: {  	s0 =	sld [smem:$0x3F95];
	_ =	swait.ge [sflag:s4], $0x0  }
0x19: {  	s7 =	sld [smem:$0x3F96]  }
0x1a: {  	s8 =	sadd.s32 $0xFFFFE003, lr  }
0x1b: {  	s9 =	sadd.s32 $0xFFFFFEF7, lr;
	s5 =	simm.s32 $0xFFFFFFFF;
	p2 =	slt.u32 s8, $0xFFFFF086  }
0x1c: {  	p1 =	slt.u32 s9, $0xF7A;
	s5 =	simm.s32 @!p2 $0x0  }
0x1d: {  	s5 =	simm.s32 @p1 $0x1;
	p0 =	seq.s32 s7, s2  }
0x1e: {  	s7 =	smul.u32 @!p0 $0xF7A, s2;
	p2 =	seq.s32 @!p0 s5, $0x0  }
0x1f: {  	s9 =	smul.u32 $0xF7A, s1;
	s8 =	simm.s32 @!p0 $0x1BF5;
	p2 =	por !p2, p0  }
0x20: {  	[sflag:s8] =	ssyncset.s32 @!p0 $0xFFFFF086;
	s6 =	sadd.s32 @!p0 s3, s7;
	s7 =	simm.s32 @!p0 $0x108  }
0x21: {  	s3 =	sadd.s32 s3, s9;
	s6 =	sadd.s32 @!p0 $0x88, s6;
	s7 =	simm.s32 @p2 $0x1082  }
0x22: {  	[simem:s7], [sflag:s8] =	dma.local @!p0 [hbm:s6], $0xF7A  }
0x23: {  	s9 =	sor.u32 $0xD0000000, s2;
	s6 =	simm.s32 $0x108;
	_ =	swait.ge @!p0 [sflag:s8], $0x0  }
0x24: {  	s3 =	sadd.s32 $0x88, s3;
	s6 =	simm.s32 @!p1 $0x1082;
	[sflag:s4] =	ssyncset.s32 $0xFFFFF086  }
0x25: {  	[simem:s6], [sflag:s4] =	dma.local [hbm:s3], $0xF7A  }
0x26: {  	[smem:$0x3F96] =	sst s1;
	(tag) =	ssettag s2;
	_ =	strace s9  }
0x27: {  	s1 =	sld [smem:$0x3FA6]  }
0x28: {  	s2 =	sld [smem:$0x3FA7]  }
0x29: {  	s4 =	sld [smem:$0x3FA9]  }
0x2a: {  	p0 =	seq.s32 s5, $0x0;
	s5 =	sld [smem:$0x3FAA]  }
0x2b: {  	s6 =	sld [smem:$0x3FAB]  }
0x2c: {  	s7 =	sld [smem:$0x3FAC]  }
0x2d: {  	s3 =	simm.s32 $0x108;
	s8 =	sld [smem:$0x3FAD]  }
0x2e: {  	s3 =	simm.s32 @!p0 $0x1082;
	s9 =	sld [smem:$0x3FAE]  }
0x2f: {  	lr =	sadd.s32 s0, s3;
	s0 =	sld [smem:$0x3FA5]  }
0x30: {  	s3 =	sld [smem:$0x3FA8]  }
0x31: {  	[smem:$0x3FB1] =	sst s10  }
0x32: {  	s10 =	sld [smem:$0x3FAF];
	_ =	sdelay $0x3  }
0x33: {  	p0 =	seq.s32 s10, $0x1;
	s10 =	sld [smem:$0x3FB1];
	_ =	sdelay $0x3  }
0x34: {  	[smem:$0x3FB1] =	sst s10  }
0x35: {  	s10 =	sld [smem:$0x3FB0];
	_ =	sdelay $0x3  }
0x36: {  	p1 =	seq.s32 s10, $0x1;
	s10 =	sld [smem:$0x3FB1];
	_ =	sdelay $0x3  }
0x37: {  	[smem:$0x3FB1] =	sst s10  }
0x38: {  	s10 =	sld [smem:$0x3FB2]  }
0x39: {  	_ = 	snop;
	(pc) =	sbr.ind lr, $3  }
0x3a: {  	_ = 	snop  }
0x3b: {  	_ = 	snop  }
0x3c: {  	p2 =	seq.s32 s10, $0x1;
	s10 =	sld [smem:$0x3FB1]  }
0x3d: {  	_ =	shalt  }
0x3e: {  	_ =	shalt  }
0x3f: {  	_ =	shalt  }
0x40: {  	_ =	shalt  }
0x41: {  	_ =	shalt  }
0x42: {  	_ =	shalt  }
0x43: {  	_ =	shalt  }
0x44: {  	_ =	shalt  }
0x45: {  	_ =	shalt  }
0x46: {  	_ =	shalt  }
0x47: {  	_ =	shalt  }
0x48: {  	_ =	shalt  }
0x49: {  	_ =	shalt  }
0x4a: {  	_ =	shalt  }
0x4b: {  	_ =	shalt  }
0x4c: {  	_ =	shalt  }
0x4d: {  	_ =	shalt  }
0x4e: {  	_ =	shalt  }
0x4f: {  	_ =	shalt  }
0x50: {  	_ =	shalt  }
0x51: {  	_ =	shalt  }
0x52: {  	_ =	shalt  }
0x53: {  	_ =	shalt  }
0x54: {  	_ =	shalt  }
0x55: {  	_ =	shalt  }
0x56: {  	_ =	shalt  }
0x57: {  	_ =	shalt  }
0x58: {  	_ =	shalt  }
0x59: {  	_ =	shalt  }
0x5a: {  	_ =	shalt  }
0x5b: {  	_ =	shalt  }
0x5c: {  	_ =	shalt  }
0x5d: {  	_ =	shalt  }
0x5e: {  	_ =	shalt  }
0x5f: {  	_ =	shalt  }
0x60: {  	_ =	shalt  }
0x61: {  	_ =	shalt  }
0x62: {  	_ =	shalt  }
0x63: {  	_ =	shalt  }
0x64: {  	_ =	shalt  }
0x65: {  	_ =	shalt  }
0x66: {  	_ =	shalt  }
0x67: {  	_ =	shalt  }
0x68: {  	_ =	shalt  }
0x69: {  	_ =	shalt  }
0x6a: {  	_ =	shalt  }
0x6b: {  	_ =	shalt  }
0x6c: {  	_ =	shalt  }
0x6d: {  	_ =	shalt  }
0x6e: {  	_ =	shalt  }
0x6f: {  	_ =	shalt  }
0x70: {  	_ =	shalt  }
0x71: {  	_ =	shalt  }
0x72: {  	_ =	shalt  }
0x73: {  	_ =	shalt  }
0x74: {  	_ =	shalt  }
0x75: {  	_ =	shalt  }
0x76: {  	_ =	shalt  }
0x77: {  	_ =	shalt  }
0x78: {  	_ =	shalt  }
0x79: {  	_ =	shalt  }
0x7a: {  	_ =	shalt  }
0x7b: {  	_ =	shalt  }
0x7c: {  	_ =	shalt  }
0x7d: {  	_ =	shalt  }
0x7e: {  	_ =	shalt  }
0x7f: {  	_ =	shalt  }
0x80: {  	_ =	shalt  }
0x81: {  	_ =	shalt  }
0x82: {  	_ =	shalt  }
0x83: {  	_ =	shalt  }
0x84: {  	_ =	shalt  }
0x85: {  	_ =	shalt  }
0x86: {  	_ =	shalt  }
0x87: {  	_ =	shalt  }
.Lfunc_end0:
.L_simem_size_0:
called_computation.3_lowered:
.L_overlay_start_0:
0x88: {  	s2 =	sld [smem:$0x3FD9]  }
0x89: {  	s3 =	sld [smem:$0x3FFE];
	_ =	sdelay $0x1  }
0x8a: {  	s1 =	srdreg.scid  }
0x8b: {  	s0 =	sand.u32 $0x1, s1  }
0x8c: {  	s17 =	sshll.u32 s0, $0xA;
	s2 =	sadd.s32 s3, s2  }
0x8d: {  	s2 =	sadd.s32 s2, s17  }
0x8e: {  	[smem:$0x3FBD] =	sst s2  }
0x8f: {  	_ = 	snop  }
0x90: {  	(tm) =	ssettm $0x1  }
0x91: {  	s18 =	sld [smem:$0x3FFB];
	_ =	sdelay $0x3  }
0x92: {  	_ =	strace s18  }
0x93: {  	s2 =	sld [smem:$0x3FFC];
	_ =	sdelay $0x3  }
0x94: {  	_ =	strace s2  }
0x95: {  	s2 =	sld [smem:$0x3FFD];
	_ =	sdelay $0x3  }
0x96: {  	_ =	strace s2  }
0x97: {  	_ =	strace $0x8FFFFFFF  }
0x98: {  	s19 =	sld [smem:$0x3FDB];
	_ =	sdelay $0x1  }
0x99: {  	s20 =	simm.s32 $_scs_section_size  }
0x9a: {  	s4 =	simm.s32 $_size__tile_overlayer_lowered;
	s5 =	simm.s32 $_tile_overlayer_lowered  }
0x9b: {  	s6 =	simm.s32 $0x1BFF;
	s21 =	sshll.u32 s5, $0x1;
	s3 =	sadd.s32 s20, s19  }
0x9c: {  	s22 =	simm.s32 $0x0;
	s4 =	sshll.u32 s4, $0x1;
	s5 =	sadd.s32 s21, s3  }
0x9d: {  	[timem:s22], [sflag:s6] =	dma.local [hbm:s5], s4  }
0x9e: {  	_ =	swait.ge [sflag:s6], s4  }
0x9f: {  	s4 =	ssub.s32 $0x0, s4;
	[sflag:s6] =	ssyncset.done $0x0  }
0xa0: {  	[sflag:s6] =	ssyncadd.s32 s4;
	_ =	sdelay $0x1  }
0xa1: {  	s23 =	simm.s32 $0x1B8B  }
0xa2: {  	_ =	swait.ge [sflag:s23], $0x1  }
0xa3: {  	[sflag:s23] =	ssyncset.done $0x0  }
0xa4: {  	[sflag:s23] =	ssyncadd.s32 $0xFFFFFFFF  }
0xa5: {  	s4 =	sld [smem:$0x0]  }
0xa6: {  	s5 =	sand.u32 $0xFFFFFFFE, s1  }
0xa7: {  	p0 =	sne.s32 s1, s5  }
0xa8: {  	s5 =	sshll.u32 @p0 s5, $0xE  }
0xa9: {  	s5 =	sadd.s32 @p0 $0x11B8D, s5;
	s6 =	sshll.u32 @p0 s4, $0x11  }
0xaa: {  	s5 =	sor.u32 @p0 s6, s5  }
0xab: {  	[sflag:s5] =	ssyncadd.remote.s32 @p0 $0x1;
	_ =	sdelay $0x1  }
0xac: {  	s5 =	simm.s32 @p0 $0x1B8D  }
0xad: {  	_ =	swait.eq @p0 [sflag:s5], $0x1  }
0xae: {  	[sflag:s5] =	ssyncadd.s32 @p0 $0xFFFFFFFF  }
0xaf: {  	s6 =	sshll.u32 @!p0 s1, $0xE  }
0xb0: {  	s6 =	sor.u32 @!p0 $0x4000, s6;
	s5 =	simm.s32 @!p0 $0x1B8D  }
0xb1: {  	s4 =	sshll.u32 @!p0 s4, $0x11;
	s6 =	sadd.s32 @!p0 $0x11B8D, s6;
	_ =	swait.eq @!p0 [sflag:s5], $0x1  }
0xb2: {  	s4 =	sor.u32 @!p0 s4, s6;
	[sflag:s5] =	ssyncadd.s32 @!p0 $0xFFFFFFFF  }
0xb3: {  	s25 =	simm.s32 $0x1B8E;
	s24 =	sld [smem:$0x3FFE];
	[sflag:s4] =	ssyncadd.remote.s32 @!p0 $0x1  }
0xb4: {  	s26 =	simm.s32 $execute0_lowered;
	[smem:$0x3FD2] =	sst s25  }
0xb5: {  	s5 =	sshll.u32 s26, $0x1;
	_ =	strace $0x8000004C;
	[dreg:$0x1] =	wrdreg $0xFFFFFFFF  }
0xb6: {  	s28 =	simm.s32 $_size_execute0_lowered;
	s3 =	sadd.s32 s3, s5;
	[dreg:$0x0] =	wrdreg $0x0  }
0xb7: {  	s5 =	sshll.u32 s28, $0x1;
	[dreg:$0x2] =	wrdreg s3  }
0xb8: {  	[dreg:$0x3] =	wrdreg s5  }
0xb9: {  	[dreg:$0x4] =	wrdreg $0xC0  }
0xba: {  	_ =	task [dreg:s22], $0x5FFFF  }
0xbb: {  	[dreg:$0x1] =	wrdreg $0xFFFFFFFF  }
0xbc: {  	[dreg:$0x0] =	wrdreg $0x60  }
0xbd: {  	[dreg:$0x2] =	wrdreg s24  }
0xbe: {  	[dreg:$0x3] =	wrdreg $0x65800  }
0xbf: {  	[dreg:$0x4] =	wrdreg $0xA  }
0xc0: {  	_ =	task.clear_ibuf [dreg:s22], $0x5FFFF;
	_ =	strace $0x9000004C  }
0xc1: {  	s29 =	simm.s32 $0xA;
	_ =	strace $0x8000004E  }
0xc2: {  	_ =	swait.ge [sflag:s29], $0x1  }
0xc3: {  	[sflag:s29] =	ssyncadd.s32 $0xFFFFFFFF  }
0xc4: {  	_ =	strace $0x9000004E  }
0xc5: {  	_ =	sfence  }
0xc6: {  	s30 =	sld [smem:$0x0];
	_ =	sdelay $0x2  }
0xc7: {  	s31 =	sshll.u32 s1, $0xD;
	s1 =	sshrl.u32 s1, $0x2  }
0xc8: {  	s4 =	sand.u32 $0x4000, s31;
	s1 =	sadd.s32 s1, s30  }
0xc9: {  	s0 =	sor.u32 s4, s0;
	s1 =	sshll.u32 s1, $0x11  }
0xca: {  	s0 =	sor.u32 s1, s0  }
0xcb: {  	s0 =	sadd.s32 $0x8F2B, s0  }
0xcc: {  	[sflag:s0] =	ssyncadd.remote.s32 $0x1  }
0xcd: {  	_ =	sfence.sel $0xFFFF  }
0xce: {  	[dreg:$0x0] =	wrdreg $0xFFFFFFFF;
	(pc) =	sbr.abs _section_cstart, $3  }
0xcf: {  	[dreg:$0x1] =	wrdreg $0xFFFFFFFF  }
0xd0: {  	_ =	task.clear_ibuf [dreg:s22], $0x2FFFF;
	_ =	strace $0x9FFFFFFF  }
0xd1: {  	(tm) =	ssettm $0x7FFFFFFF  }
tec
execute0_lowered:
.L_overlay_start_1:
0x0: {  	(tag) =	ssettag $0x1  }
0x1: {  	s0 =	rddreg [dreg:$0x0]  }
0x2: {  	s1 =	rddreg [dreg:$0x1]  }
0x3: {  	s3 =	simm.s32 $0x0;
	s2 =	srdreg.scid;
	s14 =	stileid.u32  }
0x4: {  	s28 =	simm.s32 $0x100;
	s29 =	simm.s32 $0x5180;
	s30 =	simm.s32 $0x80  }
0x5: {  	s31 =	simm.s32 $0x2980;
	[smem:$0x7FF] =	sst s3;
	s4 =	smul.u32 $0x50000, s14  }
0x6: {  	s5 =	sadd.s32 $0x4FA000, s0;
	s2 =	sand.u32 $0x1, s2;
	s16 =	smul.u32 $0x14000, s14  }
0x7: {  	s6 =	sadd.s32 $0x4600, s0;
	s0 =	sadd.s32 $0x18000, s0;
	s20 =	smul.u32 $0x1388, s14  }
0x8: {  	p0 =	seq.s32 s14, $0xF;
	s9 =	sshll.u32 s2, $0x4;
	s15 =	smul.u32 $0x138800, s2  }
0x9: {  	s7 =	ssub.s32 $0x2, s2;
	s2 =	smul.u32 $0x13880, s2;
	s22 =	sor.u32 s14, s9  }
0xa: {  	_ =	strace $0x8000004D;
	s4 =	sshrl.u32 s4, $0x2;
	s9 =	smul.u32 $0x1388, s22  }
0xb: {  	s8 =	sshrl.u32 s7, $0x1;
	s4 =	sadd.s32 s4, s1;
	s26 =	smul.u32 $0x9C400, s22  }
0xc: {  	s7 =	ssub.s32 s7, s8;
	s8 =	smul.u32 $0x13880, s22;
	s10 =	sadd.s32 $0x2800, s4  }
0xd: {  	s19 =	sshrl.u32 s15, $0x3;
	s23 =	sadd.s32 $0x5000, s4;
	[dreg:$0x3] =	wrdreg s10  }
0xe: {  	s2 =	sadd.s32 s20, s2;
	s24 =	sadd.s32 $0x7800, s4;
	[dreg:$0x4] =	wrdreg s23  }
0xf: {  	s22 =	smul.u32 $0x13880, s14;
	s25 =	sadd.s32 $0xA000, s4;
	[dreg:$0x5] =	wrdreg s24  }
0x10: {  	s11 =	sadd.s32 $0xC800, s4;
	s12 =	sadd.s32 $0xF000, s4;
	[dreg:$0x6] =	wrdreg s25  }
0x11: {  	s13 =	sadd.s32 $0x11800, s4;
	s20 =	smax.u32 s7, $0x1;
	[dreg:$0x7] =	wrdreg s11  }
0x12: {  	s7 =	simm.s32 $0x4;
	s9 =	sshrl.u32 s9, $0x3;
	[dreg:$0x8] =	wrdreg s12  }
0x13: {  	[dreg:$0x9] =	wrdreg s13;
	s10 =	sshrl.u32 s26, $0x3;
	s12 =	sadd.s32 s16, s15  }
0x14: {  	s16 =	sadd.s32 s5, s8;
	s23 =	sadd.s32 s15, s5;
	s24 =	sadd.s32 $0x271F0, s2  }
0x15: {  	s2 =	sadd.s32 $0x271A0, s2;
	s8 =	simm.s32 $0x5;
	s9 =	sadd.s32 s6, s9  }
0x16: {  	s10 =	sadd.s32 s5, s10;
	s12 =	sshrl.u32 s12, $0x3;
	s5 =	sadd.s32 $0x12C000, s1  }
0x17: {  	s25 =	sshrl.u32 s24, $0x3;
	s26 =	sshrl.u32 s2, $0x3;
	s17 =	sadd.s32 $0x508C, s9  }
0x18: {  	s24 =	simm.s32 $0x180;
	s18 =	sadd.s32 $0x13600, s10;
	[dreg:$0xa] =	wrdreg s17  }
0x19: {  	s2 =	simm.s32 $0x3;
	s12 =	sadd.s32 s0, s12;
	[dreg:$0xb] =	wrdreg s18  }
0x1a: {  	s0 =	sadd.s32 s0, s19;
	s21 =	sadd.s32 $0x4E20, s9;
	[dreg:$0xc] =	wrdreg s12  }
0x1b: {  	[dreg:$0xd] =	wrdreg s21;
	s17 =	sadd.s32 $0x4E2A, s9;
	s18 =	sadd.s32 $0x500, s10  }
0x1c: {  	s19 =	sadd.s32 $0x25800, s0;
	s0 =	sadd.s32 s22, s23;
	s21 =	sadd.s32 s25, s6  }
0x1d: {  	s23 =	sadd.s32 s26, s6;
	s25 =	sshrl.u32 @p0 s5, $0x3;
	s26 =	simm.s32 $0x7  }
0x1e: {  	s5 =	simm.s32 $0x50;
	s6 =	simm.s32 $0x2;
	s9 =	simm.s32 $0x6  }
0x1f: {  	v0 =	vimm.f32 $0.0e+00;
	s10 =	simm.s32 $0x0;
	s13 =	sadd.s32 $0xF00, s0;
	s0 =	simm.s32 $0x1  }
.LBB2_1:
0x20: {  	s11 =	simm.s32 $0x0;
	s12 =	simm.s32 $0x200  }
.LBB2_2:
0x21: {  	p1 =	sne.s32 s12, $0x9E00;
	[tilespmem:s11+$0x1F0] =	vst v0  }
0x22: {  	[tilespmem:s11+$0x180] =	vst v0  }
0x23: {  	[tilespmem:s11+$0x190] =	vst v0  }
.Ltmp0:
0x24: {  	[tilespmem:s11+$0x1A0] =	vst v0;
	(pc) =	sbr.rel @p1 .LBB2_2-.Ltmp0, $4  }
0x25: {  	[tilespmem:s11+$0x1B0] =	vst v0  }
0x26: {  	[tilespmem:s11+$0x1C0] =	vst v0  }
0x27: {  	[tilespmem:s11+$0x1D0] =	vst v0  }
0x28: {  	[tilespmem:s11+$0x1E0] =	vst v0;
	s11 =	sshra.s32 s12, $0x2;
	s12 =	sadd.s32 $0x200, s12  }
0x29: {  	[tilespmem:s11+$0x1F0] =	vst v0  }
0x2a: {  	[tilespmem:s11+$0x180] =	vst v0  }
0x2b: {  	[tilespmem:s11+$0x190] =	vst v0  }
0x2c: {  	[tilespmem:s11+$0x1A0] =	vst v0  }
0x2d: {  	[tilespmem:s11+$0x1B0] =	vst v0  }
0x2e: {  	[tilespmem:s11+$0x1C0] =	vst v0  }
0x2f: {  	[tilespmem:s11+$0x1D0] =	vst v0  }
0x30: {  	[tilespmem:s11+$0x1E0] =	vst v0  }
0x31: {  	[spmem:s4] =	stream.linear.scatter [tilespmem:s24], [sflag:$0x7], $0x2800, $0x38;
	[tilespmem:$0x1A580] =	vst v63  }
0x32: {  	_ =	swait.ge [sflag:s26], $0x2800  }
0x33: {  	[sflag:s26] =	ssyncset.done $0x0  }
0x34: {  	s15 =	rddreg [dreg:$0x3];
	[sflag:s26] =	ssyncadd.s32 $0xFFFFD800  }
0x35: {  	[spmem:s15] =	stream.linear.scatter [tilespmem:s24], [sflag:$0x7], $0x2800, $0x38;
	[tilespmem:$0x1A580] =	vst v63  }
0x36: {  	_ =	swait.ge [sflag:s26], $0x2800  }
0x37: {  	[sflag:s26] =	ssyncset.done $0x0  }
0x38: {  	s22 =	rddreg [dreg:$0x4];
	[sflag:s26] =	ssyncadd.s32 $0xFFFFD800  }
0x39: {  	[spmem:s22] =	stream.linear.scatter [tilespmem:s24], [sflag:$0x7], $0x2800, $0x38;
	[tilespmem:$0x1A580] =	vst v63  }
0x3a: {  	_ =	swait.ge [sflag:s26], $0x2800  }
0x3b: {  	[sflag:s26] =	ssyncset.done $0x0  }
0x3c: {  	s12 =	rddreg [dreg:$0x5];
	[sflag:s26] =	ssyncadd.s32 $0xFFFFD800  }
0x3d: {  	[spmem:s12] =	stream.linear.scatter [tilespmem:s24], [sflag:$0x7], $0x2800, $0x38;
	[tilespmem:$0x1A580] =	vst v63  }
0x3e: {  	_ =	swait.ge [sflag:s26], $0x2800  }
0x3f: {  	[sflag:s26] =	ssyncset.done $0x0  }
0x40: {  	s14 =	rddreg [dreg:$0x6];
	[sflag:s26] =	ssyncadd.s32 $0xFFFFD800  }
0x41: {  	[spmem:s14] =	stream.linear.scatter [tilespmem:s24], [sflag:$0x7], $0x2800, $0x38;
	[tilespmem:$0x1A580] =	vst v63  }
0x42: {  	_ =	swait.ge [sflag:s26], $0x2800  }
0x43: {  	[sflag:s26] =	ssyncset.done $0x0  }
0x44: {  	s15 =	rddreg [dreg:$0x7];
	[sflag:s26] =	ssyncadd.s32 $0xFFFFD800  }
0x45: {  	[spmem:s15] =	stream.linear.scatter [tilespmem:s24], [sflag:$0x7], $0x2800, $0x38;
	[tilespmem:$0x1A580] =	vst v63  }
0x46: {  	_ =	swait.ge [sflag:s26], $0x2800  }
0x47: {  	[sflag:s26] =	ssyncset.done $0x0  }
0x48: {  	s22 =	rddreg [dreg:$0x8];
	[sflag:s26] =	ssyncadd.s32 $0xFFFFD800  }
0x49: {  	[spmem:s22] =	stream.linear.scatter [tilespmem:s24], [sflag:$0x7], $0x2800, $0x38;
	[tilespmem:$0x1A580] =	vst v63  }
0x4a: {  	_ =	swait.ge [sflag:s26], $0x2800  }
0x4b: {  	[sflag:s26] =	ssyncset.done $0x0  }
0x4c: {  	s12 =	rddreg [dreg:$0x9];
	[sflag:s26] =	ssyncadd.s32 $0xFFFFD800  }
0x4d: {  	[spmem:s12] =	stream.linear.scatter [tilespmem:s24], [sflag:$0x7], $0x2800, $0x38;
	[tilespmem:$0x1A580] =	vst v63  }
0x4e: {  	_ =	swait.ge [sflag:s26], $0x2800  }
0x4f: {  	[sflag:s26] =	ssyncset.done $0x0  }
0x50: {  	[sflag:s26] =	ssyncadd.s32 $0xFFFFD800  }
0x51: {  	[bflag:$0x0] =	sbarrier.arrive $0xFFFF  }
0x52: {  	s14 =	simm.s32 $0x0;
	s12 =	rddreg [dreg:$0xa]  }
0x53: {  	[tilespmem:s28], [sflag:$0x5] =	stream.linear.gather [hbm4b:s12+s14], $0x28, $0x38;
	[tilespmem:$0x1A580] =	vst v63  }
0x54: {  	s15 =	rddreg [dreg:$0xb]  }
0x55: {  	[tilespmem:s29], [sflag:$0x6] =	stream.linear.gather [hbm4b:s15+s14], $0x1400, $0x38;
	[tilespmem:$0x1A580] =	vst v63  }
0x56: {  	s22 =	rddreg [dreg:$0xd]  }
0x57: {  	[tilespmem:s14], [sflag:$0x1] =	stream.linear.gather [hbm4b:s22+s14], $0x50, $0x38;
	[tilespmem:$0x1A580] =	vst v63  }
0x58: {  	_ = 	snop  }
0x59: {  	[tilespmem:s24], [sflag:$0x3] =	stream.linear.gather [hbm4b:s16+s14], $0x2800, $0x38;
	[tilespmem:$0x1A580] =	vst v63  }
0x5a: {  	_ = 	snop  }
0x5b: {  	[tilespmem:s30], [sflag:$0x2] =	stream.linear.gather [hbm4b:s17+s14], $0x50, $0x38;
	[tilespmem:$0x1A580] =	vst v63  }
0x5c: {  	_ = 	snop  }
0x5d: {  	[tilespmem:s31], [sflag:$0x4] =	stream.linear.gather [hbm4b:s18+s14], $0x2800, $0x38;
	[tilespmem:$0x1A580] =	vst v63  }
0x5e: {  	_ =	swait.ge [sflag:s0], $0x50  }
0x5f: {  	[sflag:s0] =	ssyncset.done $0x0  }
0x60: {  	[sflag:s0] =	ssyncadd.s32 $0xFFFFFFB0  }
0x61: {  	_ =	swait.ge [sflag:s2], $0x2800  }
0x62: {  	[sflag:s2] =	ssyncset.done $0x0  }
0x63: {  	[sflag:s2] =	ssyncadd.s32 $0xFFFFD800  }
0x64: {  	[spmem:s1] =	stream.indirect.scatter.add.f32 [tilespmem:s24], [sflag:$0x7], $0x80, s3, s5, $0xb8;
	[tilespmem:$0x1A580] =	vst v63  }
0x65: {  	_ =	swait.ge [sflag:s26], $0x2800  }
0x66: {  	[sflag:s26] =	ssyncset.done $0x0  }
0x67: {  	s14 =	sadd.s32 $0x0, s23;
	[sflag:s26] =	ssyncadd.s32 $0xFFFFD800  }
0x68: {  	[tilespmem:s3], [sflag:$0x1] =	stream.linear.gather [hbm4b:s14+s3], $0x50, $0x38;
	[tilespmem:$0x1A580] =	vst v63  }
0x69: {  	s15 =	sadd.s32 $0xFFFFFB00, s13  }
0x6a: {  	[tilespmem:s24], [sflag:$0x3] =	stream.linear.gather [hbm4b:s15+s3], $0x2800, $0x38;
	[tilespmem:$0x1A580] =	vst v63  }
0x6b: {  	_ =	swait.ge [sflag:s6], $0x50  }
0x6c: {  	[sflag:s6] =	ssyncset.done $0x0  }
0x6d: {  	[sflag:s6] =	ssyncadd.s32 $0xFFFFFFB0  }
0x6e: {  	_ =	swait.ge [sflag:s7], $0x2800  }
0x6f: {  	[sflag:s7] =	ssyncset.done $0x0  }
0x70: {  	[sflag:s7] =	ssyncadd.s32 $0xFFFFD800  }
0x71: {  	[spmem:s1] =	stream.indirect.scatter.add.f32 [tilespmem:s31], [sflag:$0x7], $0x80, s30, s5, $0xb8;
	[tilespmem:$0x1A580] =	vst v63  }
0x72: {  	_ =	swait.ge [sflag:s26], $0x2800  }
0x73: {  	[sflag:s26] =	ssyncset.done $0x0  }
0x74: {  	s22 =	sadd.s32 $0x0, s21;
	[sflag:s26] =	ssyncadd.s32 $0xFFFFD800  }
0x75: {  	[tilespmem:s30], [sflag:$0x2] =	stream.linear.gather [hbm4b:s22+s3], $0x50, $0x38;
	[tilespmem:$0x1A580] =	vst v63  }
0x76: {  	s11 =	simm.s32 $0x14;
	s12 =	sadd.s32 $0xA00, s13;
	s22 =	smov.u32 s13  }
.LBB2_4:
0x77: {  	[tilespmem:s31], [sflag:$0x4] =	stream.linear.gather [hbm4b:s22+s3], $0x2800, $0x38;
	[tilespmem:$0x1A580] =	vst v63  }
0x78: {  	s14 =	smov.u32 s11;
	s22 =	smov.u32 s12  }
0x79: {  	p1 =	sne.s32 s11, $0x244;
	s11 =	sadd.s32 $0x14, s11;
	_ =	swait.ge [sflag:s0], $0x50  }
0x7a: {  	[sflag:s0] =	ssyncset.done $0x0  }
0x7b: {  	[sflag:s0] =	ssyncadd.s32 $0xFFFFFFB0  }
0x7c: {  	_ =	swait.ge [sflag:s2], $0x2800  }
0x7d: {  	[sflag:s2] =	ssyncset.done $0x0  }
0x7e: {  	[sflag:s2] =	ssyncadd.s32 $0xFFFFD800  }
0x7f: {  	[spmem:s1] =	stream.indirect.scatter.add.f32 [tilespmem:s24], [sflag:$0x7], $0x80, s3, s5, $0xb8;
	[tilespmem:$0x1A580] =	vst v63  }
0x80: {  	_ =	swait.ge [sflag:s26], $0x2800  }
0x81: {  	[sflag:s26] =	ssyncset.done $0x0  }
0x82: {  	s15 =	sadd.s32 s14, s23;
	[sflag:s26] =	ssyncadd.s32 $0xFFFFD800  }
0x83: {  	[tilespmem:s3], [sflag:$0x1] =	stream.linear.gather [hbm4b:s15+s3], $0x50, $0x38;
	[tilespmem:$0x1A580] =	vst v63  }
0x84: {  	s15 =	sadd.s32 $0xFFFFFB00, s12  }
0x85: {  	[tilespmem:s24], [sflag:$0x3] =	stream.linear.gather [hbm4b:s15+s3], $0x2800, $0x38;
	[tilespmem:$0x1A580] =	vst v63  }
0x86: {  	_ =	swait.ge [sflag:s6], $0x50  }
0x87: {  	[sflag:s6] =	ssyncset.done $0x0  }
0x88: {  	[sflag:s6] =	ssyncadd.s32 $0xFFFFFFB0  }
0x89: {  	_ =	swait.ge [sflag:s7], $0x2800  }
0x8a: {  	[sflag:s7] =	ssyncset.done $0x0  }
0x8b: {  	[sflag:s7] =	ssyncadd.s32 $0xFFFFD800  }
0x8c: {  	[spmem:s1] =	stream.indirect.scatter.add.f32 [tilespmem:s31], [sflag:$0x7], $0x80, s30, s5, $0xb8;
	[tilespmem:$0x1A580] =	vst v63  }
.Ltmp1:
0x8d: {  	_ =	swait.ge [sflag:s26], $0x2800;
	(pc) =	sbr.rel @p1 .LBB2_4-.Ltmp1, $4  }
0x8e: {  	[sflag:s26] =	ssyncset.done $0x0  }
0x8f: {  	s14 =	sadd.s32 s14, s21;
	[sflag:s26] =	ssyncadd.s32 $0xFFFFD800  }
0x90: {  	[tilespmem:s30], [sflag:$0x2] =	stream.linear.gather [hbm4b:s14+s3], $0x50, $0x38;
	[tilespmem:$0x1A580] =	vst v63  }
0x91: {  	s12 =	sadd.s32 $0xA00, s12  }
0x92: {  	[tilespmem:s31], [sflag:$0x4] =	stream.linear.gather [hbm4b:s22+s3], $0x2800, $0x38;
	[tilespmem:$0x1A580] =	vst v63  }
0x93: {  	_ =	swait.ge [sflag:s0], $0x50  }
0x94: {  	[sflag:s0] =	ssyncset.done $0x0  }
0x95: {  	[sflag:s0] =	ssyncadd.s32 $0xFFFFFFB0  }
0x96: {  	_ =	swait.ge [sflag:s2], $0x2800  }
0x97: {  	[sflag:s2] =	ssyncset.done $0x0  }
0x98: {  	[sflag:s2] =	ssyncadd.s32 $0xFFFFD800  }
0x99: {  	[spmem:s1] =	stream.indirect.scatter.add.f32 [tilespmem:s24], [sflag:$0x7], $0x80, s3, s5, $0xb8;
	[tilespmem:$0x1A580] =	vst v63  }
0x9a: {  	_ =	swait.ge [sflag:s26], $0x2800  }
0x9b: {  	[sflag:s26] =	ssyncset.done $0x0  }
0x9c: {  	[sflag:s26] =	ssyncadd.s32 $0xFFFFD800  }
0x9d: {  	_ =	swait.ge [sflag:s6], $0x50  }
0x9e: {  	[sflag:s6] =	ssyncset.done $0x0  }
0x9f: {  	[sflag:s6] =	ssyncadd.s32 $0xFFFFFFB0  }
0xa0: {  	_ =	swait.ge [sflag:s7], $0x2800  }
0xa1: {  	[sflag:s7] =	ssyncset.done $0x0  }
0xa2: {  	[sflag:s7] =	ssyncadd.s32 $0xFFFFD800  }
0xa3: {  	[spmem:s1] =	stream.indirect.scatter.add.f32 [tilespmem:s31], [sflag:$0x7], $0x80, s30, s5, $0xb8;
	[tilespmem:$0x1A580] =	vst v63  }
0xa4: {  	_ =	swait.ge [sflag:s26], $0x2800  }
0xa5: {  	[sflag:s26] =	ssyncset.done $0x0  }
0xa6: {  	[sflag:s26] =	ssyncadd.s32 $0xFFFFD800  }
0xa7: {  	_ =	swait.ge [sflag:s8], $0x28  }
0xa8: {  	[sflag:s8] =	ssyncset.done $0x0  }
0xa9: {  	[sflag:s8] =	ssyncadd.s32 $0xFFFFFFD8  }
0xaa: {  	_ =	swait.ge [sflag:s9], $0x1400  }
0xab: {  	[sflag:s9] =	ssyncset.done $0x0  }
0xac: {  	s11 =	simm.s32 $0x28;
	[sflag:s9] =	ssyncadd.s32 $0xFFFFEC00  }
0xad: {  	[spmem:s1] =	stream.indirect.scatter.add.f32 [tilespmem:s29], [sflag:$0x7], $0x80, s28, s11, $0xb8;
	[tilespmem:$0x1A580] =	vst v63  }
0xae: {  	_ =	swait.ge [sflag:s26], $0x1400  }
0xaf: {  	[sflag:s26] =	ssyncset.done $0x0  }
0xb0: {  	[sflag:s26] =	ssyncadd.s32 $0xFFFFEC00  }
0xb1: {  	s11 =	simm.s32 @p0 $0x1FC7;
	[bflag:$0x0] =	sbarrier.arrive $0xFFFF  }
0xb2: {  	[hbm:s19], [sflag:s11] =	dma.local @p0 [spmem:s25], $0x1900  }
0xb3: {  	s12 =	stileid.u32;
	s11 =	simm.s32 @p0 $0x7  }
0xb4: {  	s10 =	sadd.s32 $0x1, s10;
	s12 =	sshll.u32 @!p0 s12, $0x6;
	_ =	swait.ge @p0 [sflag:s11], $0x1900  }
0xb5: {  	p1 =	sne.s32 s10, s20;
	[sflag:s11] =	ssyncset.done @p0 $0x0;
	s14 =	rddreg [dreg:$0xc]  }
0xb6: {  	[sflag:s11] =	ssyncadd.s32 @p0 $0xFFFFE700;
	s11 =	sor.u32 @!p0 $0x1C07, s12;
	s12 =	sshrl.u32 @!p0 s4, $0x3  }
0xb7: {  	[hbm:s14], [sflag:s11] =	dma.local @!p0 [spmem:s12], $0x2800  }
.Ltmp2:
0xb8: {  	_ = 	snop;
	(pc) =	sbr.rel @p1 .LBB2_1-.Ltmp2, $4  }
0xb9: {  	s11 =	simm.s32 @!p0 $0x7  }
0xba: {  	_ =	swait.ge @!p0 [sflag:s11], $0x2800  }
0xbb: {  	[sflag:s11] =	ssyncset.done @!p0 $0x0  }
0xbc: {  	[sflag:s11] =	ssyncadd.s32 @!p0 $0xFFFFD800  }
0xbd: {  	_ =	sfence.sel $0x180000  }
0xbe: {  	[bflag:$0x0] =	sbarrier.arrive $0xFFFF  }
0xbf: {  	_ =	strace $0x9000004D  }
0xc0: {  	s0 =	stileid.u32;
	[bflag:$0x2] =	sbarrier.arrive $0xFFFF  }
0xc1: {  	p0 =	sne.s32 s0, $0x0;
	s0 =	rddreg [dreg:$0x2]  }
0xc2: {  	s0 =	sadd.s32 @!p0 $0x100000, s0  }
0xc3: {  	[sflag:s0] =	ssyncadd.tile.s32 @!p0 $0x1;
	_ =	shalt  }
.Lfunc_end2:
_tile_overlayer_lowered:
.L_overlay_start_2:
0xc4: {  	(tag) =	ssettag $0x2  }
0xc5: {  	s0 =	rddreg [dreg:$0x0];
	s2 =	stileid.u32  }
0xc6: {  	s1 =	rddreg [dreg:$0x1];
	p0 =	sne.s32 s2, $0x0  }
0xc7: {  	s3 =	rddreg [dreg:$0x2];
	[bflag:$0x3] =	sbarrier.arrive $0xFFFF;
	s2 =	simm.s32 @!p0 $0x1C07  }
0xc8: {  	[timem:s3], [sflag:s2] =	dma.local @!p0 [hbm:s0], s1  }
0xc9: {  	s0 =	simm.s32 @!p0 $0x7  }
0xca: {  	_ =	swait.ge @!p0 [sflag:s0], s1  }
0xcb: {  	s1 =	ssub.s32 @!p0 $0x0, s1;
	[sflag:s0] =	ssyncset.done @!p0 $0x0  }
0xcc: {  	[sflag:s0] =	ssyncadd.s32 @!p0 s1  }
0xcd: {  	[bflag:$0x3] =	sbarrier.arrive $0xFFFF  }
0xce: {  	_ =	shalt  }

</sc_bundles>
